<compile_context>
chip_gen: v7x
topology: tpu7x:2x2x1
jax: 0.10.2.dev20260603
libtpu: 0.0.44.dev20260713+nightly
codegen_flags: <defaults>
</compile_context>

<pallas_src>
import functools

import jax
import jax.numpy as jnp
from jax import lax
from jax.experimental import pallas as pl
from jax.experimental.pallas import tpu as pltpu, tpu_sc as plsc

N = 10000
D = 128
N_PAD = 10240
NC, NS = 2, 16
NW = NC * NS
CH = 128
ROWS_PER_SUB = N_PAD // NS
DW = 16
BR = 512
GRID = N_PAD // BR
E_PAD = 323584
NCHUNK = E_PAD // NW // CH
NBUF = 2
HALF = 40

_mesh = plsc.VectorSubcoreMesh(core_axis_name="c", subcore_axis_name="s")


def _deg_body(dst_hbm, zeros_hbm, ones_hbm, out_hbm, dst_v, ones_v, deg_sh, sem):
    c = lax.axis_index("c")
    s = lax.axis_index("s")
    n_chunks = dst_hbm.shape[0] // NW // CH
    base = (s * NC + c) * n_chunks * CH
    pltpu.sync_copy(zeros_hbm.at[pl.ds(s * ROWS_PER_SUB, ROWS_PER_SUB)],
                    deg_sh.at[pl.ds(s * ROWS_PER_SUB, ROWS_PER_SUB)])
    pltpu.sync_copy(ones_hbm, ones_v)
    plsc.subcore_barrier()

    def body(j, carry):
        pltpu.sync_copy(dst_hbm.at[pl.ds(base + j * CH, CH)], dst_v)
        pltpu.sync_copy(ones_v, deg_sh.at[dst_v], add=True)
        return carry

    lax.fori_loop(0, n_chunks, body, 0)
    plsc.subcore_barrier()
    pltpu.sync_copy(deg_sh.at[pl.ds(s * ROWS_PER_SUB, ROWS_PER_SUB)],
                    out_hbm.at[c, pl.ds(s * ROWS_PER_SUB, ROWS_PER_SUB)])


def _sc_degree(dst_pad, zeros_nd, ones_cd):
    k = pl.kernel(
        _deg_body,
        out_type=jax.ShapeDtypeStruct((NC, N_PAD, D), jnp.float32),
        mesh=_mesh,
        scratch_types=[
            pltpu.VMEM((CH,), jnp.int32),
            pltpu.VMEM((CH, D), jnp.float32),
            pltpu.VMEM_SHARED((N_PAD, D), jnp.float32),
            pltpu.SemaphoreType.DMA,
        ],
    )
    return k(dst_pad, zeros_nd, ones_cd)


def _scatter_body(g_hbm, src_hbm, dst_hbm, zeros_hbm, out_hbm,
                  src_v, dst_v, rows_v, acc_sh, sem):
    c = lax.axis_index("c")
    s = lax.axis_index("s")
    n_chunks = src_hbm.shape[0] // NW // CH
    base = (s * NC + c) * n_chunks * CH
    rsl = pl.ds(s * ROWS_PER_SUB, ROWS_PER_SUB)

    @pl.when(c == 0)
    def _():
        pltpu.sync_copy(g_hbm.at[rsl], acc_sh.at[rsl])

    @pl.when(c != 0)
    def _():
        pltpu.sync_copy(zeros_hbm.at[rsl], acc_sh.at[rsl])

    plsc.subcore_barrier()

    def body(j, carry):
        off = base + j * CH
        pltpu.sync_copy(src_hbm.at[pl.ds(off, CH)], src_v)
        pltpu.sync_copy(dst_hbm.at[pl.ds(off, CH)], dst_v)
        pltpu.async_copy(g_hbm.at[src_v], rows_v, sem).wait()
        pltpu.sync_copy(rows_v, acc_sh.at[dst_v], add=True)
        return carry

    lax.fori_loop(0, n_chunks, body, 0)
    plsc.subcore_barrier()
    pltpu.sync_copy(acc_sh.at[rsl], out_hbm.at[c, rsl])


def _sc_scatter(g, src_pad, dst_pad, zeros_nd):
    k = pl.kernel(
        _scatter_body,
        out_type=jax.ShapeDtypeStruct((NC, N_PAD, D), jnp.float32),
        mesh=_mesh,
        scratch_types=[
            pltpu.VMEM((CH,), jnp.int32),
            pltpu.VMEM((CH,), jnp.int32),
            pltpu.VMEM((CH, D), jnp.float32),
            pltpu.VMEM_SHARED((N_PAD, D), jnp.float32),
            pltpu.SemaphoreType.DMA,
        ],
    )
    return k(g, src_pad, dst_pad, zeros_nd)


def _gather_body(s_hbm, idx_hbm, out_hbm, idx_v, vals_v, sem):
    c = lax.axis_index("c")
    s = lax.axis_index("s")
    b = idx_hbm.shape[0] // NW
    base = (s * NC + c) * b
    pltpu.sync_copy(idx_hbm.at[pl.ds(base, b)], idx_v)
    pltpu.async_copy(s_hbm.at[idx_v], vals_v, sem).wait()
    pltpu.sync_copy(vals_v, out_hbm.at[pl.ds(base, b)])


def _sc_subset_gather(s_flat, subset_indices):
    sub = subset_indices.shape[0]
    b = sub // NW
    k = pl.kernel(
        _gather_body,
        out_type=jax.ShapeDtypeStruct((sub,), jnp.float32),
        mesh=_mesh,
        scratch_types=[
            pltpu.VMEM((b,), jnp.int32),
            pltpu.VMEM((b,), jnp.float32),
            pltpu.SemaphoreType.DMA,
        ],
    )
    return k(s_flat, subset_indices)


def _dis_col(deg_ref):
    d = deg_ref[0][:, 0:1] + deg_ref[1][:, 0:1] + 1.0
    return lax.rsqrt(d)


def _first_layer_body(x_ref, deg_ref, w_ref, o_ref):
    dis = _dis_col(deg_ref)
    hw = jnp.dot(x_ref[...], w_ref[...], preferred_element_type=jnp.float32)
    o_ref[...] = hw * dis


def _tc_first_layer(x_pad, deg, w0):
    return pl.pallas_call(
        _first_layer_body,
        grid=(GRID,),
        in_specs=[
            pl.BlockSpec((BR, D), lambda i: (i, 0)),
            pl.BlockSpec((NC, BR, D), lambda i: (0, i, 0)),
            pl.BlockSpec((D, D), lambda i: (0, 0)),
        ],
        out_specs=pl.BlockSpec((BR, D), lambda i: (i, 0)),
        out_shape=jax.ShapeDtypeStruct((N_PAD, D), jnp.float32),
    )(x_pad, deg, w0)


def _mid_layer_body(acc_ref, deg_ref, w_ref, b_ref, o_ref):
    dis = _dis_col(deg_ref)
    h = jnp.maximum((acc_ref[0] + acc_ref[1]) * dis + b_ref[...], 0.0)
    hw = jnp.dot(h, w_ref[...], preferred_element_type=jnp.float32)
    o_ref[...] = hw * dis


def _tc_mid_layer(acc, deg, w, b_row):
    return pl.pallas_call(
        _mid_layer_body,
        grid=(GRID,),
        in_specs=[
            pl.BlockSpec((NC, BR, D), lambda i: (0, i, 0)),
            pl.BlockSpec((NC, BR, D), lambda i: (0, i, 0)),
            pl.BlockSpec((D, D), lambda i: (0, 0)),
            pl.BlockSpec((1, D), lambda i: (0, 0)),
        ],
        out_specs=pl.BlockSpec((BR, D), lambda i: (i, 0)),
        out_shape=jax.ShapeDtypeStruct((N_PAD, D), jnp.float32),
    )(acc, deg, w, b_row)


def _rowsum_body(acc_ref, deg_ref, b_ref, o_ref):
    dis = _dis_col(deg_ref)
    h = (acc_ref[0] + acc_ref[1]) * dis + b_ref[...]
    o_ref[...] = jnp.sum(h, axis=1, keepdims=True)


def _tc_rowsum(acc, deg, b_row):
    return pl.pallas_call(
        _rowsum_body,
        grid=(GRID,),
        in_specs=[
            pl.BlockSpec((NC, BR, D), lambda i: (0, i, 0)),
            pl.BlockSpec((NC, BR, D), lambda i: (0, i, 0)),
            pl.BlockSpec((1, D), lambda i: (0, 0)),
        ],
        out_specs=pl.BlockSpec((BR, 1), lambda i: (i, 0)),
        out_shape=jax.ShapeDtypeStruct((N_PAD, 1), jnp.float32),
    )(acc, deg, b_row)


def _argmax_body(s_ref, max_ref, arg_ref):
    v = s_ref[...]
    m = jnp.max(v)
    r, cdim = v.shape
    flat = (lax.broadcasted_iota(jnp.int32, (r, cdim), 0) * cdim
            + lax.broadcasted_iota(jnp.int32, (r, cdim), 1))
    arg = jnp.min(jnp.where(v == m, flat, jnp.int32(2**30)))
    max_ref[0, 0] = m
    arg_ref[0, 0] = arg


def _tc_max_argmax(s_sub2d):
    return pl.pallas_call(
        _argmax_body,
        out_specs=(pl.BlockSpec(memory_space=pltpu.SMEM),
                   pl.BlockSpec(memory_space=pltpu.SMEM)),
        out_shape=(jax.ShapeDtypeStruct((1, 1), jnp.float32),
                   jax.ShapeDtypeStruct((1, 1), jnp.int32)),
    )(s_sub2d)


def kernel(x, edge_index, subset_indices, Ws, bs):
    num_layers = Ws.shape[0]
    e = edge_index.shape[1]

    x_pad = jnp.zeros((N_PAD, D), jnp.float32).at[:N].set(x)
    src_pad = jnp.zeros((E_PAD,), jnp.int32).at[:e].set(edge_index[0])
    dst_pad = jnp.full((E_PAD,), N, jnp.int32).at[:e].set(edge_index[1])
    zeros_nd = jnp.zeros((N_PAD, D), jnp.float32)
    ones_cd = jnp.ones((CH, D), jnp.float32)

    deg = _sc_degree(dst_pad, zeros_nd, ones_cd)

    g = _tc_first_layer(x_pad, deg, Ws[0])
    for i in range(num_layers - 1):
        acc = _sc_scatter(g, src_pad, dst_pad, zeros_nd)
        g = _tc_mid_layer(acc, deg, Ws[i + 1], bs[i].reshape(1, D))
    acc = _sc_scatter(g, src_pad, dst_pad, zeros_nd)
    s_all = _tc_rowsum(acc, deg, bs[num_layers - 1].reshape(1, D))

    s_sub = _sc_subset_gather(s_all.reshape(N_PAD), subset_indices)
    smax, sarg = _tc_max_argmax(s_sub.reshape(2, -1))
    return (smax[0, 0], sarg[0, 0])

# --- scband reference (transcript-rebuilt; emitter-appended) ---
"""Pipeline reference for scband-actor-gnn-27728308863605 (READ-ONLY COPY).

The authoritative reference and input builder live on the scoring server;
editing this copy changes nothing except your own understanding.
"""

import jax, jax.numpy as jnp
import numpy as np

N = 10000
E = 320000
D = 128
L = 8  # num_layers -> L GCNConv layers (1 in->hid, L-2 hid->hid, 1 hid->in; all 128x128 here)
SUB = 256


def setup_inputs(seed: int = 0) -> dict:
    key = jax.random.key(seed)
    k1, k2, k3, k4 = jax.random.split(key, 4)
    x = jax.random.normal(k1, (N, D), dtype=jnp.float32)
    edge_index = jax.random.randint(k2, (2, E), 0, N, dtype=jnp.int32)
    subset_indices = jax.random.randint(k3, (SUB,), 0, N, dtype=jnp.int32)
    # learned params: one weight+bias per GCNConv layer (glorot-ish init)
    Ws = jax.random.normal(k4, (L, D, D), dtype=jnp.float32) * (1.0 / np.sqrt(D))
    bs = jnp.zeros((L, D), dtype=jnp.float32)
    return {"x": x, "edge_index": edge_index, "subset_indices": subset_indices, "Ws": Ws, "bs": bs}


def reference(x, edge_index, subset_indices, Ws, bs):
    # PyG-style GCNConv with added self-loops and symmetric normalization.
    # Dropout layers are identity at inference.
    Nn = x.shape[0]
    loop = jnp.arange(Nn, dtype=edge_index.dtype)
    src = jnp.concatenate([edge_index[0], loop])
    dst = jnp.concatenate([edge_index[1], loop])
    deg = jnp.zeros((Nn,), dtype=x.dtype).at[dst].add(1.0)
    dis = jax.lax.rsqrt(deg)  # deg >= 1 thanks to self-loops
    norm = (dis[src] * dis[dst])[:, None]
    h = x
    num_layers = Ws.shape[0]
    for i in range(num_layers):
        hw = h @ Ws[i]
        msg = hw[src] * norm
        h2 = jax.ops.segment_sum(msg, dst, num_segments=Nn) + bs[i]
        if i < num_layers - 1:
            h = jax.nn.relu(h2)
        else:
            h = h2
    subset = h[subset_indices]
    s = subset.sum(axis=1)
    subset_max = s.max()
    subset_argmax = jnp.argmax(s)
    return (subset_max, subset_argmax)

if __name__ == "__main__":
    import jax
    _d = setup_inputs()
    print(jax.jit(kernel)(*tuple(_d.values())))

</pallas_src>

<mosaic_0001>
#map = affine_map<(d0, d1) -> (0)>
#map1 = affine_map<(d0, d1) -> (0, 0)>
#map2 = affine_map<(d0, d1) -> (0, 0, 0)>
module attributes {stable_mosaic.version = 14 : i64} {
  func.func @_deg_body(%arg0: i32, %arg1: i32, %arg2: memref<323584xi32, #tpu.memory_space<hbm>>, %arg3: memref<10240x128xf32, #tpu.memory_space<hbm>>, %arg4: memref<128x128xf32, #tpu.memory_space<hbm>>, %arg5: memref<2x10240x128xf32, #tpu.memory_space<hbm>>, %arg6: memref<128xi32, #tpu.memory_space<vmem>>, %arg7: memref<128x128xf32, #tpu.memory_space<vmem>>, %arg8: memref<10240x128xf32, #tpu.memory_space<vmem_shared>>, %arg9: memref<!tpu.dma_semaphore, #tpu.memory_space<semaphore_mem>>) attributes {dimension_semantics = [#tpu.dimension_semantics<core_parallel>, #tpu.dimension_semantics<subcore_parallel>], iteration_bounds = array<i64: 2, 16>, scalar_prefetch = 0 : i64, scratch_operands = 4 : i64, tpu.core_type = #tpu.core_type<sc_vector_subcore>, window_params = [{transform_indices = #map}, {transform_indices = #map1}, {transform_indices = #map1}, {transform_indices = #map2}]} {
    %mul3A = arith.constant 2 : i32
    %mul3A_0 = arith.muli %arg1, %mul3A : i32
    %add3A = arith.addi %mul3A_0, %arg0 : i32
    %mul3A_1 = arith.constant 79 : i32
    %mul3A_2 = arith.muli %add3A, %mul3A_1 : i32
    %mul3A_3 = arith.constant 128 : i32
    %mul3A_4 = arith.muli %mul3A_2, %mul3A_3 : i32
    %mul3A_5 = arith.constant 640 : i32
    %mul3A_6 = arith.muli %arg1, %mul3A_5 : i32
    %mul3A_7 = arith.constant 640 : i32
    %mul3A_8 = arith.muli %arg1, %mul3A_7 : i32
    "tpu.region"() ({
      %run_scoped3A = tpu.sem_alloc : memref<!tpu.dma_semaphore, #tpu.memory_space<semaphore_mem>>
      %dma_start3A = arith.constant 0 : i32
      %dma_start3A_19 = tpu.memref_slice %arg8[%mul3A_8, %dma_start3A] : memref<10240x128xf32, #tpu.memory_space<vmem_shared>> -> memref<640x128xf32, #tpu.memory_space<vmem_shared>>
      %dma_start3A_20 = arith.constant 0 : i32
      %dma_start3A_21 = tpu.memref_slice %arg3[%mul3A_6, %dma_start3A_20] : memref<10240x128xf32, #tpu.memory_space<hbm>> -> memref<640x128xf32, #tpu.memory_space<hbm>>
      tpu.enqueue_dma source(%dma_start3A_21 : memref<640x128xf32, #tpu.memory_space<hbm>>) target(%dma_start3A_19 : memref<640x128xf32, #tpu.memory_space<vmem_shared>>) target_semaphore(%run_scoped3A : memref<!tpu.dma_semaphore, #tpu.memory_space<semaphore_mem>>)
      %dma_wait3A = arith.constant 0 : i32
      %dma_wait3A_22 = tpu.memref_slice %arg8[%mul3A_8, %dma_wait3A] : memref<10240x128xf32, #tpu.memory_space<vmem_shared>> -> memref<640x128xf32, #tpu.memory_space<vmem_shared>>
      %dma_wait3A_23 = arith.constant 0 : i32
      %dma_wait3A_24 = tpu.memref_slice %arg3[%mul3A_6, %dma_wait3A_23] : memref<10240x128xf32, #tpu.memory_space<hbm>> -> memref<640x128xf32, #tpu.memory_space<hbm>>
      tpu.wait_dma2 semaphore(%run_scoped3A : memref<!tpu.dma_semaphore, #tpu.memory_space<semaphore_mem>>) src(%dma_wait3A_24 : memref<640x128xf32, #tpu.memory_space<hbm>>) dst(%dma_wait3A_22 : memref<640x128xf32, #tpu.memory_space<vmem_shared>>)
      tpu.yield
    }) : () -> ()
    "tpu.region"() ({
      %run_scoped3A = tpu.sem_alloc : memref<!tpu.dma_semaphore, #tpu.memory_space<semaphore_mem>>
      tpu.enqueue_dma source(%arg4 : memref<128x128xf32, #tpu.memory_space<hbm>>) target(%arg7 : memref<128x128xf32, #tpu.memory_space<vmem>>) target_semaphore(%run_scoped3A : memref<!tpu.dma_semaphore, #tpu.memory_space<semaphore_mem>>)
      tpu.wait_dma2 semaphore(%run_scoped3A : memref<!tpu.dma_semaphore, #tpu.memory_space<semaphore_mem>>) src(%arg4 : memref<128x128xf32, #tpu.memory_space<hbm>>) dst(%arg7 : memref<128x128xf32, #tpu.memory_space<vmem>>)
      tpu.yield
    }) : () -> ()
    %barrier3A = arith.constant 0 : index
    tpu.barrier barrier_id(%barrier3A)
    %scan3A = arith.constant 0 : i32
    %scan3A_9 = arith.constant 0 : i32
    %scan3A_10 = arith.constant 79 : i32
    %scan3A_11 = arith.addi %scan3A_9, %scan3A_10 : i32
    %scan3A_12 = arith.constant 1 : i32
    scf.for %scan3A_19 = %scan3A_9 to %scan3A_11 step %scan3A_12  : i32 {
      %mul3A_20 = arith.constant 128 : i32
      %mul3A_21 = arith.muli %scan3A_19, %mul3A_20 : i32
      %add3A_22 = arith.addi %mul3A_4, %mul3A_21 : i32
      "tpu.region"() ({
        %run_scoped3A = tpu.sem_alloc : memref<!tpu.dma_semaphore, #tpu.memory_space<semaphore_mem>>
        %dma_start3A = tpu.memref_slice %arg2[%add3A_22] : memref<323584xi32, #tpu.memory_space<hbm>> -> memref<128xi32, #tpu.memory_space<hbm>>
        %dma_start3A_23 = tpu.memref_slice %arg2[%add3A_22] : memref<323584xi32, #tpu.memory_space<hbm>> -> memref<128xi32, #tpu.memory_space<hbm>>
        tpu.enqueue_dma source(%dma_start3A_23 : memref<128xi32, #tpu.memory_space<hbm>>) target(%arg6 : memref<128xi32, #tpu.memory_space<vmem>>) target_semaphore(%run_scoped3A : memref<!tpu.dma_semaphore, #tpu.memory_space<semaphore_mem>>)
        %dma_wait3A = tpu.memref_slice %arg2[%add3A_22] : memref<323584xi32, #tpu.memory_space<hbm>> -> memref<128xi32, #tpu.memory_space<hbm>>
        %dma_wait3A_24 = tpu.memref_slice %arg2[%add3A_22] : memref<323584xi32, #tpu.memory_space<hbm>> -> memref<128xi32, #tpu.memory_space<hbm>>
        tpu.wait_dma2 semaphore(%run_scoped3A : memref<!tpu.dma_semaphore, #tpu.memory_space<semaphore_mem>>) src(%dma_wait3A_24 : memref<128xi32, #tpu.memory_space<hbm>>) dst(%arg6 : memref<128xi32, #tpu.memory_space<vmem>>)
        tpu.yield
      }) : () -> ()
      "tpu.region"() ({
        %run_scoped3A = tpu.sem_alloc : memref<!tpu.dma_semaphore, #tpu.memory_space<semaphore_mem>>
        %dma_start3A = arith.constant 0 : i32
        %dma_start3A_23 = arith.constant 0 : i32
        %dma_start3A_24 = tpu.memref_slice %arg8[%dma_start3A, %dma_start3A_23] : memref<10240x128xf32, #tpu.memory_space<vmem_shared>> -> memref<10240x128xf32, #tpu.memory_space<vmem_shared>>
        tpu.enqueue_indirect_dma source(%arg7 : memref<128x128xf32, #tpu.memory_space<vmem>>) target(%dma_start3A_24 : memref<10240x128xf32, #tpu.memory_space<vmem_shared>>) offsets(%arg6 : memref<128xi32, #tpu.memory_space<vmem>>) semaphore(%run_scoped3A : memref<!tpu.dma_semaphore, #tpu.memory_space<semaphore_mem>>) {add = true}
        %dma_wait3A = arith.constant 0 : i32
        %dma_wait3A_25 = arith.constant 0 : i32
        %dma_wait3A_26 = tpu.memref_slice %arg8[%dma_wait3A, %dma_wait3A_25] : memref<10240x128xf32, #tpu.memory_space<vmem_shared>> -> memref<10240x128xf32, #tpu.memory_space<vmem_shared>>
        tpu.wait_indirect_dma semaphore(%run_scoped3A : memref<!tpu.dma_semaphore, #tpu.memory_space<semaphore_mem>>) src(%arg7 : memref<128x128xf32, #tpu.memory_space<vmem>>) dst(%dma_wait3A_26 : memref<10240x128xf32, #tpu.memory_space<vmem_shared>>)
        tpu.yield
      }) : () -> ()
    }
    %scan3A_13 = arith.constant 79 : i32
    %barrier3A_14 = arith.constant 0 : index
    tpu.barrier barrier_id(%barrier3A_14)
    %mul3A_15 = arith.constant 640 : i32
    %mul3A_16 = arith.muli %arg1, %mul3A_15 : i32
    %mul3A_17 = arith.constant 640 : i32
    %mul3A_18 = arith.muli %arg1, %mul3A_17 : i32
    "tpu.region"() ({
      %run_scoped3A = tpu.sem_alloc : memref<!tpu.dma_semaphore, #tpu.memory_space<semaphore_mem>>
      %dma_start3A = arith.constant 0 : i32
      %dma_start3A_19 = tpu.memref_slice %arg5[%arg0, %mul3A_18, %dma_start3A] : memref<2x10240x128xf32, #tpu.memory_space<hbm>> -> memref<1x640x128xf32, #tpu.memory_space<hbm>>
      %dma_start3A_20 = tpu.memref_squeeze %dma_start3A_19 : memref<1x640x128xf32, #tpu.memory_space<hbm>> -> memref<640x128xf32, #tpu.memory_space<hbm>>
      %dma_start3A_21 = arith.constant 0 : i32
      %dma_start3A_22 = tpu.memref_slice %arg8[%mul3A_16, %dma_start3A_21] : memref<10240x128xf32, #tpu.memory_space<vmem_shared>> -> memref<640x128xf32, #tpu.memory_space<vmem_shared>>
      tpu.enqueue_dma source(%dma_start3A_22 : memref<640x128xf32, #tpu.memory_space<vmem_shared>>) target(%dma_start3A_20 : memref<640x128xf32, #tpu.memory_space<hbm>>) target_semaphore(%run_scoped3A : memref<!tpu.dma_semaphore, #tpu.memory_space<semaphore_mem>>)
      %dma_wait3A = arith.constant 0 : i32
      %dma_wait3A_23 = tpu.memref_slice %arg5[%arg0, %mul3A_18, %dma_wait3A] : memref<2x10240x128xf32, #tpu.memory_space<hbm>> -> memref<1x640x128xf32, #tpu.memory_space<hbm>>
      %dma_wait3A_24 = tpu.memref_squeeze %dma_wait3A_23 : memref<1x640x128xf32, #tpu.memory_space<hbm>> -> memref<640x128xf32, #tpu.memory_space<hbm>>
      %dma_wait3A_25 = arith.constant 0 : i32
      %dma_wait3A_26 = tpu.memref_slice %arg8[%mul3A_16, %dma_wait3A_25] : memref<10240x128xf32, #tpu.memory_space<vmem_shared>> -> memref<640x128xf32, #tpu.memory_space<vmem_shared>>
      tpu.wait_dma2 semaphore(%run_scoped3A : memref<!tpu.dma_semaphore, #tpu.memory_space<semaphore_mem>>) src(%dma_wait3A_26 : memref<640x128xf32, #tpu.memory_space<vmem_shared>>) dst(%dma_wait3A_24 : memref<640x128xf32, #tpu.memory_space<hbm>>)
      tpu.yield
    }) : () -> ()
    return
  }
}

#map = affine_map<(d0, d1) -> (0, 0)>
#map1 = affine_map<(d0, d1) -> (0)>
#map2 = affine_map<(d0, d1) -> (0, 0, 0)>
module attributes {stable_mosaic.version = 14 : i64} {
  func.func @_scatter_body(%arg0: i32, %arg1: i32, %arg2: memref<10240x128xf32, #tpu.memory_space<hbm>>, %arg3: memref<323584xi32, #tpu.memory_space<hbm>>, %arg4: memref<323584xi32, #tpu.memory_space<hbm>>, %arg5: memref<10240x128xf32, #tpu.memory_space<hbm>>, %arg6: memref<2x10240x128xf32, #tpu.memory_space<hbm>>, %arg7: memref<128xi32, #tpu.memory_space<vmem>>, %arg8: memref<128xi32, #tpu.memory_space<vmem>>, %arg9: memref<128x128xf32, #tpu.memory_space<vmem>>, %arg10: memref<10240x128xf32, #tpu.memory_space<vmem_shared>>, %arg11: memref<!tpu.dma_semaphore, #tpu.memory_space<semaphore_mem>>) attributes {dimension_semantics = [#tpu.dimension_semantics<core_parallel>, #tpu.dimension_semantics<subcore_parallel>], iteration_bounds = array<i64: 2, 16>, scalar_prefetch = 0 : i64, scratch_operands = 5 : i64, tpu.core_type = #tpu.core_type<sc_vector_subcore>, window_params = [{transform_indices = #map}, {transform_indices = #map1}, {transform_indices = #map1}, {transform_indices = #map}, {transform_indices = #map2}]} {
    %mul3A = arith.constant 2 : i32
    %mul3A_0 = arith.muli %arg1, %mul3A : i32
    %add3A = arith.addi %mul3A_0, %arg0 : i32
    %mul3A_1 = arith.constant 79 : i32
    %mul3A_2 = arith.muli %add3A, %mul3A_1 : i32
    %mul3A_3 = arith.constant 128 : i32
    %mul3A_4 = arith.muli %mul3A_2, %mul3A_3 : i32
    %mul3A_5 = arith.constant 640 : i32
    %mul3A_6 = arith.muli %arg1, %mul3A_5 : i32
    %eq3A = arith.constant 0 : i32
    %eq3A_7 = arith.cmpi eq, %arg0, %eq3A : i32
    %convert_element_type3A = arith.extui %eq3A_7 : i1 to i32
    %cond3A = arith.constant 0 : i32
    %cond3A_8 = arith.cmpi ne, %convert_element_type3A, %cond3A : i32
    scf.if %cond3A_8 {
      "tpu.region"() ({
        %run_scoped3A = tpu.sem_alloc : memref<!tpu.dma_semaphore, #tpu.memory_space<semaphore_mem>>
        %dma_start3A = arith.constant 0 : i32
        %dma_start3A_19 = tpu.memref_slice %arg10[%mul3A_6, %dma_start3A] : memref<10240x128xf32, #tpu.memory_space<vmem_shared>> -> memref<640x128xf32, #tpu.memory_space<vmem_shared>>
        %dma_start3A_20 = arith.constant 0 : i32
        %dma_start3A_21 = tpu.memref_slice %arg2[%mul3A_6, %dma_start3A_20] : memref<10240x128xf32, #tpu.memory_space<hbm>> -> memref<640x128xf32, #tpu.memory_space<hbm>>
        tpu.enqueue_dma source(%dma_start3A_21 : memref<640x128xf32, #tpu.memory_space<hbm>>) target(%dma_start3A_19 : memref<640x128xf32, #tpu.memory_space<vmem_shared>>) target_semaphore(%run_scoped3A : memref<!tpu.dma_semaphore, #tpu.memory_space<semaphore_mem>>)
        %dma_wait3A = arith.constant 0 : i32
        %dma_wait3A_22 = tpu.memref_slice %arg10[%mul3A_6, %dma_wait3A] : memref<10240x128xf32, #tpu.memory_space<vmem_shared>> -> memref<640x128xf32, #tpu.memory_space<vmem_shared>>
        %dma_wait3A_23 = arith.constant 0 : i32
        %dma_wait3A_24 = tpu.memref_slice %arg2[%mul3A_6, %dma_wait3A_23] : memref<10240x128xf32, #tpu.memory_space<hbm>> -> memref<640x128xf32, #tpu.memory_space<hbm>>
        tpu.wait_dma2 semaphore(%run_scoped3A : memref<!tpu.dma_semaphore, #tpu.memory_space<semaphore_mem>>) src(%dma_wait3A_24 : memref<640x128xf32, #tpu.memory_space<hbm>>) dst(%dma_wait3A_22 : memref<640x128xf32, #tpu.memory_space<vmem_shared>>)
        tpu.yield
      }) : () -> ()
    } else {
    }
    %ne3A = arith.constant 0 : i32
    %ne3A_9 = arith.cmpi ne, %arg0, %ne3A : i32
    %convert_element_type3A_10 = arith.extui %ne3A_9 : i1 to i32
    %cond3A_11 = arith.constant 0 : i32
    %cond3A_12 = arith.cmpi ne, %convert_element_type3A_10, %cond3A_11 : i32
    scf.if %cond3A_12 {
      "tpu.region"() ({
        %run_scoped3A = tpu.sem_alloc : memref<!tpu.dma_semaphore, #tpu.memory_space<semaphore_mem>>
        %dma_start3A = arith.constant 0 : i32
        %dma_start3A_19 = tpu.memref_slice %arg10[%mul3A_6, %dma_start3A] : memref<10240x128xf32, #tpu.memory_space<vmem_shared>> -> memref<640x128xf32, #tpu.memory_space<vmem_shared>>
        %dma_start3A_20 = arith.constant 0 : i32
        %dma_start3A_21 = tpu.memref_slice %arg5[%mul3A_6, %dma_start3A_20] : memref<10240x128xf32, #tpu.memory_space<hbm>> -> memref<640x128xf32, #tpu.memory_space<hbm>>
        tpu.enqueue_dma source(%dma_start3A_21 : memref<640x128xf32, #tpu.memory_space<hbm>>) target(%dma_start3A_19 : memref<640x128xf32, #tpu.memory_space<vmem_shared>>) target_semaphore(%run_scoped3A : memref<!tpu.dma_semaphore, #tpu.memory_space<semaphore_mem>>)
        %dma_wait3A = arith.constant 0 : i32
        %dma_wait3A_22 = tpu.memref_slice %arg10[%mul3A_6, %dma_wait3A] : memref<10240x128xf32, #tpu.memory_space<vmem_shared>> -> memref<640x128xf32, #tpu.memory_space<vmem_shared>>
        %dma_wait3A_23 = arith.constant 0 : i32
        %dma_wait3A_24 = tpu.memref_slice %arg5[%mul3A_6, %dma_wait3A_23] : memref<10240x128xf32, #tpu.memory_space<hbm>> -> memref<640x128xf32, #tpu.memory_space<hbm>>
        tpu.wait_dma2 semaphore(%run_scoped3A : memref<!tpu.dma_semaphore, #tpu.memory_space<semaphore_mem>>) src(%dma_wait3A_24 : memref<640x128xf32, #tpu.memory_space<hbm>>) dst(%dma_wait3A_22 : memref<640x128xf32, #tpu.memory_space<vmem_shared>>)
        tpu.yield
      }) : () -> ()
    } else {
    }
    %barrier3A = arith.constant 0 : index
    tpu.barrier barrier_id(%barrier3A)
    %scan3A = arith.constant 0 : i32
    %scan3A_13 = arith.constant 0 : i32
    %scan3A_14 = arith.constant 79 : i32
    %scan3A_15 = arith.addi %scan3A_13, %scan3A_14 : i32
    %scan3A_16 = arith.constant 1 : i32
    scf.for %scan3A_19 = %scan3A_13 to %scan3A_15 step %scan3A_16  : i32 {
      %mul3A_20 = arith.constant 128 : i32
      %mul3A_21 = arith.muli %scan3A_19, %mul3A_20 : i32
      %add3A_22 = arith.addi %mul3A_4, %mul3A_21 : i32
      "tpu.region"() ({
        %run_scoped3A = tpu.sem_alloc : memref<!tpu.dma_semaphore, #tpu.memory_space<semaphore_mem>>
        %dma_start3A_27 = tpu.memref_slice %arg3[%add3A_22] : memref<323584xi32, #tpu.memory_space<hbm>> -> memref<128xi32, #tpu.memory_space<hbm>>
        %dma_start3A_28 = tpu.memref_slice %arg3[%add3A_22] : memref<323584xi32, #tpu.memory_space<hbm>> -> memref<128xi32, #tpu.memory_space<hbm>>
        tpu.enqueue_dma source(%dma_start3A_28 : memref<128xi32, #tpu.memory_space<hbm>>) target(%arg7 : memref<128xi32, #tpu.memory_space<vmem>>) target_semaphore(%run_scoped3A : memref<!tpu.dma_semaphore, #tpu.memory_space<semaphore_mem>>)
        %dma_wait3A_29 = tpu.memref_slice %arg3[%add3A_22] : memref<323584xi32, #tpu.memory_space<hbm>> -> memref<128xi32, #tpu.memory_space<hbm>>
        %dma_wait3A_30 = tpu.memref_slice %arg3[%add3A_22] : memref<323584xi32, #tpu.memory_space<hbm>> -> memref<128xi32, #tpu.memory_space<hbm>>
        tpu.wait_dma2 semaphore(%run_scoped3A : memref<!tpu.dma_semaphore, #tpu.memory_space<semaphore_mem>>) src(%dma_wait3A_30 : memref<128xi32, #tpu.memory_space<hbm>>) dst(%arg7 : memref<128xi32, #tpu.memory_space<vmem>>)
        tpu.yield
      }) : () -> ()
      "tpu.region"() ({
        %run_scoped3A = tpu.sem_alloc : memref<!tpu.dma_semaphore, #tpu.memory_space<semaphore_mem>>
        %dma_start3A_27 = tpu.memref_slice %arg4[%add3A_22] : memref<323584xi32, #tpu.memory_space<hbm>> -> memref<128xi32, #tpu.memory_space<hbm>>
        %dma_start3A_28 = tpu.memref_slice %arg4[%add3A_22] : memref<323584xi32, #tpu.memory_space<hbm>> -> memref<128xi32, #tpu.memory_space<hbm>>
        tpu.enqueue_dma source(%dma_start3A_28 : memref<128xi32, #tpu.memory_space<hbm>>) target(%arg8 : memref<128xi32, #tpu.memory_space<vmem>>) target_semaphore(%run_scoped3A : memref<!tpu.dma_semaphore, #tpu.memory_space<semaphore_mem>>)
        %dma_wait3A_29 = tpu.memref_slice %arg4[%add3A_22] : memref<323584xi32, #tpu.memory_space<hbm>> -> memref<128xi32, #tpu.memory_space<hbm>>
        %dma_wait3A_30 = tpu.memref_slice %arg4[%add3A_22] : memref<323584xi32, #tpu.memory_space<hbm>> -> memref<128xi32, #tpu.memory_space<hbm>>
        tpu.wait_dma2 semaphore(%run_scoped3A : memref<!tpu.dma_semaphore, #tpu.memory_space<semaphore_mem>>) src(%dma_wait3A_30 : memref<128xi32, #tpu.memory_space<hbm>>) dst(%arg8 : memref<128xi32, #tpu.memory_space<vmem>>)
        tpu.yield
      }) : () -> ()
      %dma_start3A = arith.constant 0 : i32
      %dma_start3A_23 = arith.constant 0 : i32
      %dma_start3A_24 = tpu.memref_slice %arg2[%dma_start3A, %dma_start3A_23] : memref<10240x128xf32, #tpu.memory_space<hbm>> -> memref<10240x128xf32, #tpu.memory_space<hbm>>
      tpu.enqueue_indirect_dma source(%dma_start3A_24 : memref<10240x128xf32, #tpu.memory_space<hbm>>) target(%arg9 : memref<128x128xf32, #tpu.memory_space<vmem>>) offsets(%arg7 : memref<128xi32, #tpu.memory_space<vmem>>) semaphore(%arg11 : memref<!tpu.dma_semaphore, #tpu.memory_space<semaphore_mem>>)
      %dma_wait3A = arith.constant 0 : i32
      %dma_wait3A_25 = arith.constant 0 : i32
      %dma_wait3A_26 = tpu.memref_slice %arg2[%dma_wait3A, %dma_wait3A_25] : memref<10240x128xf32, #tpu.memory_space<hbm>> -> memref<10240x128xf32, #tpu.memory_space<hbm>>
      tpu.wait_indirect_dma semaphore(%arg11 : memref<!tpu.dma_semaphore, #tpu.memory_space<semaphore_mem>>) src(%dma_wait3A_26 : memref<10240x128xf32, #tpu.memory_space<hbm>>) dst(%arg9 : memref<128x128xf32, #tpu.memory_space<vmem>>)
      "tpu.region"() ({
        %run_scoped3A = tpu.sem_alloc : memref<!tpu.dma_semaphore, #tpu.memory_space<semaphore_mem>>
        %dma_start3A_27 = arith.constant 0 : i32
        %dma_start3A_28 = arith.constant 0 : i32
        %dma_start3A_29 = tpu.memref_slice %arg10[%dma_start3A_27, %dma_start3A_28] : memref<10240x128xf32, #tpu.memory_space<vmem_shared>> -> memref<10240x128xf32, #tpu.memory_space<vmem_shared>>
        tpu.enqueue_indirect_dma source(%arg9 : memref<128x128xf32, #tpu.memory_space<vmem>>) target(%dma_start3A_29 : memref<10240x128xf32, #tpu.memory_space<vmem_shared>>) offsets(%arg8 : memref<128xi32, #tpu.memory_space<vmem>>) semaphore(%run_scoped3A : memref<!tpu.dma_semaphore, #tpu.memory_space<semaphore_mem>>) {add = true}
        %dma_wait3A_30 = arith.constant 0 : i32
        %dma_wait3A_31 = arith.constant 0 : i32
        %dma_wait3A_32 = tpu.memref_slice %arg10[%dma_wait3A_30, %dma_wait3A_31] : memref<10240x128xf32, #tpu.memory_space<vmem_shared>> -> memref<10240x128xf32, #tpu.memory_space<vmem_shared>>
        tpu.wait_indirect_dma semaphore(%run_scoped3A : memref<!tpu.dma_semaphore, #tpu.memory_space<semaphore_mem>>) src(%arg9 : memref<128x128xf32, #tpu.memory_space<vmem>>) dst(%dma_wait3A_32 : memref<10240x128xf32, #tpu.memory_space<vmem_shared>>)
        tpu.yield
      }) : () -> ()
    }
    %scan3A_17 = arith.constant 79 : i32
    %barrier3A_18 = arith.constant 0 : index
    tpu.barrier barrier_id(%barrier3A_18)
    "tpu.region"() ({
      %run_scoped3A = tpu.sem_alloc : memref<!tpu.dma_semaphore, #tpu.memory_space<semaphore_mem>>
      %dma_start3A = arith.constant 0 : i32
      %dma_start3A_19 = tpu.memref_slice %arg6[%arg0, %mul3A_6, %dma_start3A] : memref<2x10240x128xf32, #tpu.memory_space<hbm>> -> memref<1x640x128xf32, #tpu.memory_space<hbm>>
      %dma_start3A_20 = tpu.memref_squeeze %dma_start3A_19 : memref<1x640x128xf32, #tpu.memory_space<hbm>> -> memref<640x128xf32, #tpu.memory_space<hbm>>
      %dma_start3A_21 = arith.constant 0 : i32
      %dma_start3A_22 = tpu.memref_slice %arg10[%mul3A_6, %dma_start3A_21] : memref<10240x128xf32, #tpu.memory_space<vmem_shared>> -> memref<640x128xf32, #tpu.memory_space<vmem_shared>>
      tpu.enqueue_dma source(%dma_start3A_22 : memref<640x128xf32, #tpu.memory_space<vmem_shared>>) target(%dma_start3A_20 : memref<640x128xf32, #tpu.memory_space<hbm>>) target_semaphore(%run_scoped3A : memref<!tpu.dma_semaphore, #tpu.memory_space<semaphore_mem>>)
      %dma_wait3A = arith.constant 0 : i32
      %dma_wait3A_23 = tpu.memref_slice %arg6[%arg0, %mul3A_6, %dma_wait3A] : memref<2x10240x128xf32, #tpu.memory_space<hbm>> -> memref<1x640x128xf32, #tpu.memory_space<hbm>>
      %dma_wait3A_24 = tpu.memref_squeeze %dma_wait3A_23 : memref<1x640x128xf32, #tpu.memory_space<hbm>> -> memref<640x128xf32, #tpu.memory_space<hbm>>
      %dma_wait3A_25 = arith.constant 0 : i32
      %dma_wait3A_26 = tpu.memref_slice %arg10[%mul3A_6, %dma_wait3A_25] : memref<10240x128xf32, #tpu.memory_space<vmem_shared>> -> memref<640x128xf32, #tpu.memory_space<vmem_shared>>
      tpu.wait_dma2 semaphore(%run_scoped3A : memref<!tpu.dma_semaphore, #tpu.memory_space<semaphore_mem>>) src(%dma_wait3A_26 : memref<640x128xf32, #tpu.memory_space<vmem_shared>>) dst(%dma_wait3A_24 : memref<640x128xf32, #tpu.memory_space<hbm>>)
      tpu.yield
    }) : () -> ()
    return
  }
}

#map = affine_map<(d0, d1) -> (0, 0)>
#map1 = affine_map<(d0, d1) -> (0)>
#map2 = affine_map<(d0, d1) -> (0, 0, 0)>
module attributes {stable_mosaic.version = 14 : i64} {
  func.func @_scatter_body(%arg0: i32, %arg1: i32, %arg2: memref<10240x128xf32, #tpu.memory_space<hbm>>, %arg3: memref<323584xi32, #tpu.memory_space<hbm>>, %arg4: memref<323584xi32, #tpu.memory_space<hbm>>, %arg5: memref<10240x128xf32, #tpu.memory_space<hbm>>, %arg6: memref<2x10240x128xf32, #tpu.memory_space<hbm>>, %arg7: memref<128xi32, #tpu.memory_space<vmem>>, %arg8: memref<128xi32, #tpu.memory_space<vmem>>, %arg9: memref<128x128xf32, #tpu.memory_space<vmem>>, %arg10: memref<10240x128xf32, #tpu.memory_space<vmem_shared>>, %arg11: memref<!tpu.dma_semaphore, #tpu.memory_space<semaphore_mem>>) attributes {dimension_semantics = [#tpu.dimension_semantics<core_parallel>, #tpu.dimension_semantics<subcore_parallel>], iteration_bounds = array<i64: 2, 16>, scalar_prefetch = 0 : i64, scratch_operands = 5 : i64, tpu.core_type = #tpu.core_type<sc_vector_subcore>, window_params = [{transform_indices = #map}, {transform_indices = #map1}, {transform_indices = #map1}, {transform_indices = #map}, {transform_indices = #map2}]} {
    %mul3A = arith.constant 2 : i32
    %mul3A_0 = arith.muli %arg1, %mul3A : i32
    %add3A = arith.addi %mul3A_0, %arg0 : i32
    %mul3A_1 = arith.constant 79 : i32
    %mul3A_2 = arith.muli %add3A, %mul3A_1 : i32
    %mul3A_3 = arith.constant 128 : i32
    %mul3A_4 = arith.muli %mul3A_2, %mul3A_3 : i32
    %mul3A_5 = arith.constant 640 : i32
    %mul3A_6 = arith.muli %arg1, %mul3A_5 : i32
    %eq3A = arith.constant 0 : i32
    %eq3A_7 = arith.cmpi eq, %arg0, %eq3A : i32
    %convert_element_type3A = arith.extui %eq3A_7 : i1 to i32
    %cond3A = arith.constant 0 : i32
    %cond3A_8 = arith.cmpi ne, %convert_element_type3A, %cond3A : i32
    scf.if %cond3A_8 {
      "tpu.region"() ({
        %run_scoped3A = tpu.sem_alloc : memref<!tpu.dma_semaphore, #tpu.memory_space<semaphore_mem>>
        %dma_start3A = arith.constant 0 : i32
        %dma_start3A_19 = tpu.memref_slice %arg10[%mul3A_6, %dma_start3A] : memref<10240x128xf32, #tpu.memory_space<vmem_shared>> -> memref<640x128xf32, #tpu.memory_space<vmem_shared>>
        %dma_start3A_20 = arith.constant 0 : i32
        %dma_start3A_21 = tpu.memref_slice %arg2[%mul3A_6, %dma_start3A_20] : memref<10240x128xf32, #tpu.memory_space<hbm>> -> memref<640x128xf32, #tpu.memory_space<hbm>>
        tpu.enqueue_dma source(%dma_start3A_21 : memref<640x128xf32, #tpu.memory_space<hbm>>) target(%dma_start3A_19 : memref<640x128xf32, #tpu.memory_space<vmem_shared>>) target_semaphore(%run_scoped3A : memref<!tpu.dma_semaphore, #tpu.memory_space<semaphore_mem>>)
        %dma_wait3A = arith.constant 0 : i32
        %dma_wait3A_22 = tpu.memref_slice %arg10[%mul3A_6, %dma_wait3A] : memref<10240x128xf32, #tpu.memory_space<vmem_shared>> -> memref<640x128xf32, #tpu.memory_space<vmem_shared>>
        %dma_wait3A_23 = arith.constant 0 : i32
        %dma_wait3A_24 = tpu.memref_slice %arg2[%mul3A_6, %dma_wait3A_23] : memref<10240x128xf32, #tpu.memory_space<hbm>> -> memref<640x128xf32, #tpu.memory_space<hbm>>
        tpu.wait_dma2 semaphore(%run_scoped3A : memref<!tpu.dma_semaphore, #tpu.memory_space<semaphore_mem>>) src(%dma_wait3A_24 : memref<640x128xf32, #tpu.memory_space<hbm>>) dst(%dma_wait3A_22 : memref<640x128xf32, #tpu.memory_space<vmem_shared>>)
        tpu.yield
      }) : () -> ()
    } else {
    }
    %ne3A = arith.constant 0 : i32
    %ne3A_9 = arith.cmpi ne, %arg0, %ne3A : i32
    %convert_element_type3A_10 = arith.extui %ne3A_9 : i1 to i32
    %cond3A_11 = arith.constant 0 : i32
    %cond3A_12 = arith.cmpi ne, %convert_element_type3A_10, %cond3A_11 : i32
    scf.if %cond3A_12 {
      "tpu.region"() ({
        %run_scoped3A = tpu.sem_alloc : memref<!tpu.dma_semaphore, #tpu.memory_space<semaphore_mem>>
        %dma_start3A = arith.constant 0 : i32
        %dma_start3A_19 = tpu.memref_slice %arg10[%mul3A_6, %dma_start3A] : memref<10240x128xf32, #tpu.memory_space<vmem_shared>> -> memref<640x128xf32, #tpu.memory_space<vmem_shared>>
        %dma_start3A_20 = arith.constant 0 : i32
        %dma_start3A_21 = tpu.memref_slice %arg5[%mul3A_6, %dma_start3A_20] : memref<10240x128xf32, #tpu.memory_space<hbm>> -> memref<640x128xf32, #tpu.memory_space<hbm>>
        tpu.enqueue_dma source(%dma_start3A_21 : memref<640x128xf32, #tpu.memory_space<hbm>>) target(%dma_start3A_19 : memref<640x128xf32, #tpu.memory_space<vmem_shared>>) target_semaphore(%run_scoped3A : memref<!tpu.dma_semaphore, #tpu.memory_space<semaphore_mem>>)
        %dma_wait3A = arith.constant 0 : i32
        %dma_wait3A_22 = tpu.memref_slice %arg10[%mul3A_6, %dma_wait3A] : memref<10240x128xf32, #tpu.memory_space<vmem_shared>> -> memref<640x128xf32, #tpu.memory_space<vmem_shared>>
        %dma_wait3A_23 = arith.constant 0 : i32
        %dma_wait3A_24 = tpu.memref_slice %arg5[%mul3A_6, %dma_wait3A_23] : memref<10240x128xf32, #tpu.memory_space<hbm>> -> memref<640x128xf32, #tpu.memory_space<hbm>>
        tpu.wait_dma2 semaphore(%run_scoped3A : memref<!tpu.dma_semaphore, #tpu.memory_space<semaphore_mem>>) src(%dma_wait3A_24 : memref<640x128xf32, #tpu.memory_space<hbm>>) dst(%dma_wait3A_22 : memref<640x128xf32, #tpu.memory_space<vmem_shared>>)
        tpu.yield
      }) : () -> ()
    } else {
    }
    %barrier3A = arith.constant 0 : index
    tpu.barrier barrier_id(%barrier3A)
    %scan3A = arith.constant 0 : i32
    %scan3A_13 = arith.constant 0 : i32
    %scan3A_14 = arith.constant 79 : i32
    %scan3A_15 = arith.addi %scan3A_13, %scan3A_14 : i32
    %scan3A_16 = arith.constant 1 : i32
    scf.for %scan3A_19 = %scan3A_13 to %scan3A_15 step %scan3A_16  : i32 {
      %mul3A_20 = arith.constant 128 : i32
      %mul3A_21 = arith.muli %scan3A_19, %mul3A_20 : i32
      %add3A_22 = arith.addi %mul3A_4, %mul3A_21 : i32
      "tpu.region"() ({
        %run_scoped3A = tpu.sem_alloc : memref<!tpu.dma_semaphore, #tpu.memory_space<semaphore_mem>>
        %dma_start3A_27 = tpu.memref_slice %arg3[%add3A_22] : memref<323584xi32, #tpu.memory_space<hbm>> -> memref<128xi32, #tpu.memory_space<hbm>>
        %dma_start3A_28 = tpu.memref_slice %arg3[%add3A_22] : memref<323584xi32, #tpu.memory_space<hbm>> -> memref<128xi32, #tpu.memory_space<hbm>>
        tpu.enqueue_dma source(%dma_start3A_28 : memref<128xi32, #tpu.memory_space<hbm>>) target(%arg7 : memref<128xi32, #tpu.memory_space<vmem>>) target_semaphore(%run_scoped3A : memref<!tpu.dma_semaphore, #tpu.memory_space<semaphore_mem>>)
        %dma_wait3A_29 = tpu.memref_slice %arg3[%add3A_22] : memref<323584xi32, #tpu.memory_space<hbm>> -> memref<128xi32, #tpu.memory_space<hbm>>
        %dma_wait3A_30 = tpu.memref_slice %arg3[%add3A_22] : memref<323584xi32, #tpu.memory_space<hbm>> -> memref<128xi32, #tpu.memory_space<hbm>>
        tpu.wait_dma2 semaphore(%run_scoped3A : memref<!tpu.dma_semaphore, #tpu.memory_space<semaphore_mem>>) src(%dma_wait3A_30 : memref<128xi32, #tpu.memory_space<hbm>>) dst(%arg7 : memref<128xi32, #tpu.memory_space<vmem>>)
        tpu.yield
      }) : () -> ()
      "tpu.region"() ({
        %run_scoped3A = tpu.sem_alloc : memref<!tpu.dma_semaphore, #tpu.memory_space<semaphore_mem>>
        %dma_start3A_27 = tpu.memref_slice %arg4[%add3A_22] : memref<323584xi32, #tpu.memory_space<hbm>> -> memref<128xi32, #tpu.memory_space<hbm>>
        %dma_start3A_28 = tpu.memref_slice %arg4[%add3A_22] : memref<323584xi32, #tpu.memory_space<hbm>> -> memref<128xi32, #tpu.memory_space<hbm>>
        tpu.enqueue_dma source(%dma_start3A_28 : memref<128xi32, #tpu.memory_space<hbm>>) target(%arg8 : memref<128xi32, #tpu.memory_space<vmem>>) target_semaphore(%run_scoped3A : memref<!tpu.dma_semaphore, #tpu.memory_space<semaphore_mem>>)
        %dma_wait3A_29 = tpu.memref_slice %arg4[%add3A_22] : memref<323584xi32, #tpu.memory_space<hbm>> -> memref<128xi32, #tpu.memory_space<hbm>>
        %dma_wait3A_30 = tpu.memref_slice %arg4[%add3A_22] : memref<323584xi32, #tpu.memory_space<hbm>> -> memref<128xi32, #tpu.memory_space<hbm>>
        tpu.wait_dma2 semaphore(%run_scoped3A : memref<!tpu.dma_semaphore, #tpu.memory_space<semaphore_mem>>) src(%dma_wait3A_30 : memref<128xi32, #tpu.memory_space<hbm>>) dst(%arg8 : memref<128xi32, #tpu.memory_space<vmem>>)
        tpu.yield
      }) : () -> ()
      %dma_start3A = arith.constant 0 : i32
      %dma_start3A_23 = arith.constant 0 : i32
      %dma_start3A_24 = tpu.memref_slice %arg2[%dma_start3A, %dma_start3A_23] : memref<10240x128xf32, #tpu.memory_space<hbm>> -> memref<10240x128xf32, #tpu.memory_space<hbm>>
      tpu.enqueue_indirect_dma source(%dma_start3A_24 : memref<10240x128xf32, #tpu.memory_space<hbm>>) target(%arg9 : memref<128x128xf32, #tpu.memory_space<vmem>>) offsets(%arg7 : memref<128xi32, #tpu.memory_space<vmem>>) semaphore(%arg11 : memref<!tpu.dma_semaphore, #tpu.memory_space<semaphore_mem>>)
      %dma_wait3A = arith.constant 0 : i32
      %dma_wait3A_25 = arith.constant 0 : i32
      %dma_wait3A_26 = tpu.memref_slice %arg2[%dma_wait3A, %dma_wait3A_25] : memref<10240x128xf32, #tpu.memory_space<hbm>> -> memref<10240x128xf32, #tpu.memory_space<hbm>>
      tpu.wait_indirect_dma semaphore(%arg11 : memref<!tpu.dma_semaphore, #tpu.memory_space<semaphore_mem>>) src(%dma_wait3A_26 : memref<10240x128xf32, #tpu.memory_space<hbm>>) dst(%arg9 : memref<128x128xf32, #tpu.memory_space<vmem>>)
      "tpu.region"() ({
        %run_scoped3A = tpu.sem_alloc : memref<!tpu.dma_semaphore, #tpu.memory_space<semaphore_mem>>
        %dma_start3A_27 = arith.constant 0 : i32
        %dma_start3A_28 = arith.constant 0 : i32
        %dma_start3A_29 = tpu.memref_slice %arg10[%dma_start3A_27, %dma_start3A_28] : memref<10240x128xf32, #tpu.memory_space<vmem_shared>> -> memref<10240x128xf32, #tpu.memory_space<vmem_shared>>
        tpu.enqueue_indirect_dma source(%arg9 : memref<128x128xf32, #tpu.memory_space<vmem>>) target(%dma_start3A_29 : memref<10240x128xf32, #tpu.memory_space<vmem_shared>>) offsets(%arg8 : memref<128xi32, #tpu.memory_space<vmem>>) semaphore(%run_scoped3A : memref<!tpu.dma_semaphore, #tpu.memory_space<semaphore_mem>>) {add = true}
        %dma_wait3A_30 = arith.constant 0 : i32
        %dma_wait3A_31 = arith.constant 0 : i32
        %dma_wait3A_32 = tpu.memref_slice %arg10[%dma_wait3A_30, %dma_wait3A_31] : memref<10240x128xf32, #tpu.memory_space<vmem_shared>> -> memref<10240x128xf32, #tpu.memory_space<vmem_shared>>
        tpu.wait_indirect_dma semaphore(%run_scoped3A : memref<!tpu.dma_semaphore, #tpu.memory_space<semaphore_mem>>) src(%arg9 : memref<128x128xf32, #tpu.memory_space<vmem>>) dst(%dma_wait3A_32 : memref<10240x128xf32, #tpu.memory_space<vmem_shared>>)
        tpu.yield
      }) : () -> ()
    }
    %scan3A_17 = arith.constant 79 : i32
    %barrier3A_18 = arith.constant 0 : index
    tpu.barrier barrier_id(%barrier3A_18)
    "tpu.region"() ({
      %run_scoped3A = tpu.sem_alloc : memref<!tpu.dma_semaphore, #tpu.memory_space<semaphore_mem>>
      %dma_start3A = arith.constant 0 : i32
      %dma_start3A_19 = tpu.memref_slice %arg6[%arg0, %mul3A_6, %dma_start3A] : memref<2x10240x128xf32, #tpu.memory_space<hbm>> -> memref<1x640x128xf32, #tpu.memory_space<hbm>>
      %dma_start3A_20 = tpu.memref_squeeze %dma_start3A_19 : memref<1x640x128xf32, #tpu.memory_space<hbm>> -> memref<640x128xf32, #tpu.memory_space<hbm>>
      %dma_start3A_21 = arith.constant 0 : i32
      %dma_start3A_22 = tpu.memref_slice %arg10[%mul3A_6, %dma_start3A_21] : memref<10240x128xf32, #tpu.memory_space<vmem_shared>> -> memref<640x128xf32, #tpu.memory_space<vmem_shared>>
      tpu.enqueue_dma source(%dma_start3A_22 : memref<640x128xf32, #tpu.memory_space<vmem_shared>>) target(%dma_start3A_20 : memref<640x128xf32, #tpu.memory_space<hbm>>) target_semaphore(%run_scoped3A : memref<!tpu.dma_semaphore, #tpu.memory_space<semaphore_mem>>)
      %dma_wait3A = arith.constant 0 : i32
      %dma_wait3A_23 = tpu.memref_slice %arg6[%arg0, %mul3A_6, %dma_wait3A] : memref<2x10240x128xf32, #tpu.memory_space<hbm>> -> memref<1x640x128xf32, #tpu.memory_space<hbm>>
      %dma_wait3A_24 = tpu.memref_squeeze %dma_wait3A_23 : memref<1x640x128xf32, #tpu.memory_space<hbm>> -> memref<640x128xf32, #tpu.memory_space<hbm>>
      %dma_wait3A_25 = arith.constant 0 : i32
      %dma_wait3A_26 = tpu.memref_slice %arg10[%mul3A_6, %dma_wait3A_25] : memref<10240x128xf32, #tpu.memory_space<vmem_shared>> -> memref<640x128xf32, #tpu.memory_space<vmem_shared>>
      tpu.wait_dma2 semaphore(%run_scoped3A : memref<!tpu.dma_semaphore, #tpu.memory_space<semaphore_mem>>) src(%dma_wait3A_26 : memref<640x128xf32, #tpu.memory_space<vmem_shared>>) dst(%dma_wait3A_24 : memref<640x128xf32, #tpu.memory_space<hbm>>)
      tpu.yield
    }) : () -> ()
    return
  }
}

#map = affine_map<(d0, d1) -> (0, 0)>
#map1 = affine_map<(d0, d1) -> (0)>
#map2 = affine_map<(d0, d1) -> (0, 0, 0)>
module attributes {stable_mosaic.version = 14 : i64} {
  func.func @_scatter_body(%arg0: i32, %arg1: i32, %arg2: memref<10240x128xf32, #tpu.memory_space<hbm>>, %arg3: memref<323584xi32, #tpu.memory_space<hbm>>, %arg4: memref<323584xi32, #tpu.memory_space<hbm>>, %arg5: memref<10240x128xf32, #tpu.memory_space<hbm>>, %arg6: memref<2x10240x128xf32, #tpu.memory_space<hbm>>, %arg7: memref<128xi32, #tpu.memory_space<vmem>>, %arg8: memref<128xi32, #tpu.memory_space<vmem>>, %arg9: memref<128x128xf32, #tpu.memory_space<vmem>>, %arg10: memref<10240x128xf32, #tpu.memory_space<vmem_shared>>, %arg11: memref<!tpu.dma_semaphore, #tpu.memory_space<semaphore_mem>>) attributes {dimension_semantics = [#tpu.dimension_semantics<core_parallel>, #tpu.dimension_semantics<subcore_parallel>], iteration_bounds = array<i64: 2, 16>, scalar_prefetch = 0 : i64, scratch_operands = 5 : i64, tpu.core_type = #tpu.core_type<sc_vector_subcore>, window_params = [{transform_indices = #map}, {transform_indices = #map1}, {transform_indices = #map1}, {transform_indices = #map}, {transform_indices = #map2}]} {
    %mul3A = arith.constant 2 : i32
    %mul3A_0 = arith.muli %arg1, %mul3A : i32
    %add3A = arith.addi %mul3A_0, %arg0 : i32
    %mul3A_1 = arith.constant 79 : i32
    %mul3A_2 = arith.muli %add3A, %mul3A_1 : i32
    %mul3A_3 = arith.constant 128 : i32
    %mul3A_4 = arith.muli %mul3A_2, %mul3A_3 : i32
    %mul3A_5 = arith.constant 640 : i32
    %mul3A_6 = arith.muli %arg1, %mul3A_5 : i32
    %eq3A = arith.constant 0 : i32
    %eq3A_7 = arith.cmpi eq, %arg0, %eq3A : i32
    %convert_element_type3A = arith.extui %eq3A_7 : i1 to i32
    %cond3A = arith.constant 0 : i32
    %cond3A_8 = arith.cmpi ne, %convert_element_type3A, %cond3A : i32
    scf.if %cond3A_8 {
      "tpu.region"() ({
        %run_scoped3A = tpu.sem_alloc : memref<!tpu.dma_semaphore, #tpu.memory_space<semaphore_mem>>
        %dma_start3A = arith.constant 0 : i32
        %dma_start3A_19 = tpu.memref_slice %arg10[%mul3A_6, %dma_start3A] : memref<10240x128xf32, #tpu.memory_space<vmem_shared>> -> memref<640x128xf32, #tpu.memory_space<vmem_shared>>
        %dma_start3A_20 = arith.constant 0 : i32
        %dma_start3A_21 = tpu.memref_slice %arg2[%mul3A_6, %dma_start3A_20] : memref<10240x128xf32, #tpu.memory_space<hbm>> -> memref<640x128xf32, #tpu.memory_space<hbm>>
        tpu.enqueue_dma source(%dma_start3A_21 : memref<640x128xf32, #tpu.memory_space<hbm>>) target(%dma_start3A_19 : memref<640x128xf32, #tpu.memory_space<vmem_shared>>) target_semaphore(%run_scoped3A : memref<!tpu.dma_semaphore, #tpu.memory_space<semaphore_mem>>)
        %dma_wait3A = arith.constant 0 : i32
        %dma_wait3A_22 = tpu.memref_slice %arg10[%mul3A_6, %dma_wait3A] : memref<10240x128xf32, #tpu.memory_space<vmem_shared>> -> memref<640x128xf32, #tpu.memory_space<vmem_shared>>
        %dma_wait3A_23 = arith.constant 0 : i32
        %dma_wait3A_24 = tpu.memref_slice %arg2[%mul3A_6, %dma_wait3A_23] : memref<10240x128xf32, #tpu.memory_space<hbm>> -> memref<640x128xf32, #tpu.memory_space<hbm>>
        tpu.wait_dma2 semaphore(%run_scoped3A : memref<!tpu.dma_semaphore, #tpu.memory_space<semaphore_mem>>) src(%dma_wait3A_24 : memref<640x128xf32, #tpu.memory_space<hbm>>) dst(%dma_wait3A_22 : memref<640x128xf32, #tpu.memory_space<vmem_shared>>)
        tpu.yield
      }) : () -> ()
    } else {
    }
    %ne3A = arith.constant 0 : i32
    %ne3A_9 = arith.cmpi ne, %arg0, %ne3A : i32
    %convert_element_type3A_10 = arith.extui %ne3A_9 : i1 to i32
    %cond3A_11 = arith.constant 0 : i32
    %cond3A_12 = arith.cmpi ne, %convert_element_type3A_10, %cond3A_11 : i32
    scf.if %cond3A_12 {
      "tpu.region"() ({
        %run_scoped3A = tpu.sem_alloc : memref<!tpu.dma_semaphore, #tpu.memory_space<semaphore_mem>>
        %dma_start3A = arith.constant 0 : i32
        %dma_start3A_19 = tpu.memref_slice %arg10[%mul3A_6, %dma_start3A] : memref<10240x128xf32, #tpu.memory_space<vmem_shared>> -> memref<640x128xf32, #tpu.memory_space<vmem_shared>>
        %dma_start3A_20 = arith.constant 0 : i32
        %dma_start3A_21 = tpu.memref_slice %arg5[%mul3A_6, %dma_start3A_20] : memref<10240x128xf32, #tpu.memory_space<hbm>> -> memref<640x128xf32, #tpu.memory_space<hbm>>
        tpu.enqueue_dma source(%dma_start3A_21 : memref<640x128xf32, #tpu.memory_space<hbm>>) target(%dma_start3A_19 : memref<640x128xf32, #tpu.memory_space<vmem_shared>>) target_semaphore(%run_scoped3A : memref<!tpu.dma_semaphore, #tpu.memory_space<semaphore_mem>>)
        %dma_wait3A = arith.constant 0 : i32
        %dma_wait3A_22 = tpu.memref_slice %arg10[%mul3A_6, %dma_wait3A] : memref<10240x128xf32, #tpu.memory_space<vmem_shared>> -> memref<640x128xf32, #tpu.memory_space<vmem_shared>>
        %dma_wait3A_23 = arith.constant 0 : i32
        %dma_wait3A_24 = tpu.memref_slice %arg5[%mul3A_6, %dma_wait3A_23] : memref<10240x128xf32, #tpu.memory_space<hbm>> -> memref<640x128xf32, #tpu.memory_space<hbm>>
        tpu.wait_dma2 semaphore(%run_scoped3A : memref<!tpu.dma_semaphore, #tpu.memory_space<semaphore_mem>>) src(%dma_wait3A_24 : memref<640x128xf32, #tpu.memory_space<hbm>>) dst(%dma_wait3A_22 : memref<640x128xf32, #tpu.memory_space<vmem_shared>>)
        tpu.yield
      }) : () -> ()
    } else {
    }
    %barrier3A = arith.constant 0 : index
    tpu.barrier barrier_id(%barrier3A)
    %scan3A = arith.constant 0 : i32
    %scan3A_13 = arith.constant 0 : i32
    %scan3A_14 = arith.constant 79 : i32
    %scan3A_15 = arith.addi %scan3A_13, %scan3A_14 : i32
    %scan3A_16 = arith.constant 1 : i32
    scf.for %scan3A_19 = %scan3A_13 to %scan3A_15 step %scan3A_16  : i32 {
      %mul3A_20 = arith.constant 128 : i32
      %mul3A_21 = arith.muli %scan3A_19, %mul3A_20 : i32
      %add3A_22 = arith.addi %mul3A_4, %mul3A_21 : i32
      "tpu.region"() ({
        %run_scoped3A = tpu.sem_alloc : memref<!tpu.dma_semaphore, #tpu.memory_space<semaphore_mem>>
        %dma_start3A_27 = tpu.memref_slice %arg3[%add3A_22] : memref<323584xi32, #tpu.memory_space<hbm>> -> memref<128xi32, #tpu.memory_space<hbm>>
        %dma_start3A_28 = tpu.memref_slice %arg3[%add3A_22] : memref<323584xi32, #tpu.memory_space<hbm>> -> memref<128xi32, #tpu.memory_space<hbm>>
        tpu.enqueue_dma source(%dma_start3A_28 : memref<128xi32, #tpu.memory_space<hbm>>) target(%arg7 : memref<128xi32, #tpu.memory_space<vmem>>) target_semaphore(%run_scoped3A : memref<!tpu.dma_semaphore, #tpu.memory_space<semaphore_mem>>)
        %dma_wait3A_29 = tpu.memref_slice %arg3[%add3A_22] : memref<323584xi32, #tpu.memory_space<hbm>> -> memref<128xi32, #tpu.memory_space<hbm>>
        %dma_wait3A_30 = tpu.memref_slice %arg3[%add3A_22] : memref<323584xi32, #tpu.memory_space<hbm>> -> memref<128xi32, #tpu.memory_space<hbm>>
        tpu.wait_dma2 semaphore(%run_scoped3A : memref<!tpu.dma_semaphore, #tpu.memory_space<semaphore_mem>>) src(%dma_wait3A_30 : memref<128xi32, #tpu.memory_space<hbm>>) dst(%arg7 : memref<128xi32, #tpu.memory_space<vmem>>)
        tpu.yield
      }) : () -> ()
      "tpu.region"() ({
        %run_scoped3A = tpu.sem_alloc : memref<!tpu.dma_semaphore, #tpu.memory_space<semaphore_mem>>
        %dma_start3A_27 = tpu.memref_slice %arg4[%add3A_22] : memref<323584xi32, #tpu.memory_space<hbm>> -> memref<128xi32, #tpu.memory_space<hbm>>
        %dma_start3A_28 = tpu.memref_slice %arg4[%add3A_22] : memref<323584xi32, #tpu.memory_space<hbm>> -> memref<128xi32, #tpu.memory_space<hbm>>
        tpu.enqueue_dma source(%dma_start3A_28 : memref<128xi32, #tpu.memory_space<hbm>>) target(%arg8 : memref<128xi32, #tpu.memory_space<vmem>>) target_semaphore(%run_scoped3A : memref<!tpu.dma_semaphore, #tpu.memory_space<semaphore_mem>>)
        %dma_wait3A_29 = tpu.memref_slice %arg4[%add3A_22] : memref<323584xi32, #tpu.memory_space<hbm>> -> memref<128xi32, #tpu.memory_space<hbm>>
        %dma_wait3A_30 = tpu.memref_slice %arg4[%add3A_22] : memref<323584xi32, #tpu.memory_space<hbm>> -> memref<128xi32, #tpu.memory_space<hbm>>
        tpu.wait_dma2 semaphore(%run_scoped3A : memref<!tpu.dma_semaphore, #tpu.memory_space<semaphore_mem>>) src(%dma_wait3A_30 : memref<128xi32, #tpu.memory_space<hbm>>) dst(%arg8 : memref<128xi32, #tpu.memory_space<vmem>>)
        tpu.yield
      }) : () -> ()
      %dma_start3A = arith.constant 0 : i32
      %dma_start3A_23 = arith.constant 0 : i32
      %dma_start3A_24 = tpu.memref_slice %arg2[%dma_start3A, %dma_start3A_23] : memref<10240x128xf32, #tpu.memory_space<hbm>> -> memref<10240x128xf32, #tpu.memory_space<hbm>>
      tpu.enqueue_indirect_dma source(%dma_start3A_24 : memref<10240x128xf32, #tpu.memory_space<hbm>>) target(%arg9 : memref<128x128xf32, #tpu.memory_space<vmem>>) offsets(%arg7 : memref<128xi32, #tpu.memory_space<vmem>>) semaphore(%arg11 : memref<!tpu.dma_semaphore, #tpu.memory_space<semaphore_mem>>)
      %dma_wait3A = arith.constant 0 : i32
      %dma_wait3A_25 = arith.constant 0 : i32
      %dma_wait3A_26 = tpu.memref_slice %arg2[%dma_wait3A, %dma_wait3A_25] : memref<10240x128xf32, #tpu.memory_space<hbm>> -> memref<10240x128xf32, #tpu.memory_space<hbm>>
      tpu.wait_indirect_dma semaphore(%arg11 : memref<!tpu.dma_semaphore, #tpu.memory_space<semaphore_mem>>) src(%dma_wait3A_26 : memref<10240x128xf32, #tpu.memory_space<hbm>>) dst(%arg9 : memref<128x128xf32, #tpu.memory_space<vmem>>)
      "tpu.region"() ({
        %run_scoped3A = tpu.sem_alloc : memref<!tpu.dma_semaphore, #tpu.memory_space<semaphore_mem>>
        %dma_start3A_27 = arith.constant 0 : i32
        %dma_start3A_28 = arith.constant 0 : i32
        %dma_start3A_29 = tpu.memref_slice %arg10[%dma_start3A_27, %dma_start3A_28] : memref<10240x128xf32, #tpu.memory_space<vmem_shared>> -> memref<10240x128xf32, #tpu.memory_space<vmem_shared>>
        tpu.enqueue_indirect_dma source(%arg9 : memref<128x128xf32, #tpu.memory_space<vmem>>) target(%dma_start3A_29 : memref<10240x128xf32, #tpu.memory_space<vmem_shared>>) offsets(%arg8 : memref<128xi32, #tpu.memory_space<vmem>>) semaphore(%run_scoped3A : memref<!tpu.dma_semaphore, #tpu.memory_space<semaphore_mem>>) {add = true}
        %dma_wait3A_30 = arith.constant 0 : i32
        %dma_wait3A_31 = arith.constant 0 : i32
        %dma_wait3A_32 = tpu.memref_slice %arg10[%dma_wait3A_30, %dma_wait3A_31] : memref<10240x128xf32, #tpu.memory_space<vmem_shared>> -> memref<10240x128xf32, #tpu.memory_space<vmem_shared>>
        tpu.wait_indirect_dma semaphore(%run_scoped3A : memref<!tpu.dma_semaphore, #tpu.memory_space<semaphore_mem>>) src(%arg9 : memref<128x128xf32, #tpu.memory_space<vmem>>) dst(%dma_wait3A_32 : memref<10240x128xf32, #tpu.memory_space<vmem_shared>>)
        tpu.yield
      }) : () -> ()
    }
    %scan3A_17 = arith.constant 79 : i32
    %barrier3A_18 = arith.constant 0 : index
    tpu.barrier barrier_id(%barrier3A_18)
    "tpu.region"() ({
      %run_scoped3A = tpu.sem_alloc : memref<!tpu.dma_semaphore, #tpu.memory_space<semaphore_mem>>
      %dma_start3A = arith.constant 0 : i32
      %dma_start3A_19 = tpu.memref_slice %arg6[%arg0, %mul3A_6, %dma_start3A] : memref<2x10240x128xf32, #tpu.memory_space<hbm>> -> memref<1x640x128xf32, #tpu.memory_space<hbm>>
      %dma_start3A_20 = tpu.memref_squeeze %dma_start3A_19 : memref<1x640x128xf32, #tpu.memory_space<hbm>> -> memref<640x128xf32, #tpu.memory_space<hbm>>
      %dma_start3A_21 = arith.constant 0 : i32
      %dma_start3A_22 = tpu.memref_slice %arg10[%mul3A_6, %dma_start3A_21] : memref<10240x128xf32, #tpu.memory_space<vmem_shared>> -> memref<640x128xf32, #tpu.memory_space<vmem_shared>>
      tpu.enqueue_dma source(%dma_start3A_22 : memref<640x128xf32, #tpu.memory_space<vmem_shared>>) target(%dma_start3A_20 : memref<640x128xf32, #tpu.memory_space<hbm>>) target_semaphore(%run_scoped3A : memref<!tpu.dma_semaphore, #tpu.memory_space<semaphore_mem>>)
      %dma_wait3A = arith.constant 0 : i32
      %dma_wait3A_23 = tpu.memref_slice %arg6[%arg0, %mul3A_6, %dma_wait3A] : memref<2x10240x128xf32, #tpu.memory_space<hbm>> -> memref<1x640x128xf32, #tpu.memory_space<hbm>>
      %dma_wait3A_24 = tpu.memref_squeeze %dma_wait3A_23 : memref<1x640x128xf32, #tpu.memory_space<hbm>> -> memref<640x128xf32, #tpu.memory_space<hbm>>
      %dma_wait3A_25 = arith.constant 0 : i32
      %dma_wait3A_26 = tpu.memref_slice %arg10[%mul3A_6, %dma_wait3A_25] : memref<10240x128xf32, #tpu.memory_space<vmem_shared>> -> memref<640x128xf32, #tpu.memory_space<vmem_shared>>
      tpu.wait_dma2 semaphore(%run_scoped3A : memref<!tpu.dma_semaphore, #tpu.memory_space<semaphore_mem>>) src(%dma_wait3A_26 : memref<640x128xf32, #tpu.memory_space<vmem_shared>>) dst(%dma_wait3A_24 : memref<640x128xf32, #tpu.memory_space<hbm>>)
      tpu.yield
    }) : () -> ()
    return
  }
}

#map = affine_map<(d0, d1) -> (0, 0)>
#map1 = affine_map<(d0, d1) -> (0)>
#map2 = affine_map<(d0, d1) -> (0, 0, 0)>
module attributes {stable_mosaic.version = 14 : i64} {
  func.func @_scatter_body(%arg0: i32, %arg1: i32, %arg2: memref<10240x128xf32, #tpu.memory_space<hbm>>, %arg3: memref<323584xi32, #tpu.memory_space<hbm>>, %arg4: memref<323584xi32, #tpu.memory_space<hbm>>, %arg5: memref<10240x128xf32, #tpu.memory_space<hbm>>, %arg6: memref<2x10240x128xf32, #tpu.memory_space<hbm>>, %arg7: memref<128xi32, #tpu.memory_space<vmem>>, %arg8: memref<128xi32, #tpu.memory_space<vmem>>, %arg9: memref<128x128xf32, #tpu.memory_space<vmem>>, %arg10: memref<10240x128xf32, #tpu.memory_space<vmem_shared>>, %arg11: memref<!tpu.dma_semaphore, #tpu.memory_space<semaphore_mem>>) attributes {dimension_semantics = [#tpu.dimension_semantics<core_parallel>, #tpu.dimension_semantics<subcore_parallel>], iteration_bounds = array<i64: 2, 16>, scalar_prefetch = 0 : i64, scratch_operands = 5 : i64, tpu.core_type = #tpu.core_type<sc_vector_subcore>, window_params = [{transform_indices = #map}, {transform_indices = #map1}, {transform_indices = #map1}, {transform_indices = #map}, {transform_indices = #map2}]} {
    %mul3A = arith.constant 2 : i32
    %mul3A_0 = arith.muli %arg1, %mul3A : i32
    %add3A = arith.addi %mul3A_0, %arg0 : i32
    %mul3A_1 = arith.constant 79 : i32
    %mul3A_2 = arith.muli %add3A, %mul3A_1 : i32
    %mul3A_3 = arith.constant 128 : i32
    %mul3A_4 = arith.muli %mul3A_2, %mul3A_3 : i32
    %mul3A_5 = arith.constant 640 : i32
    %mul3A_6 = arith.muli %arg1, %mul3A_5 : i32
    %eq3A = arith.constant 0 : i32
    %eq3A_7 = arith.cmpi eq, %arg0, %eq3A : i32
    %convert_element_type3A = arith.extui %eq3A_7 : i1 to i32
    %cond3A = arith.constant 0 : i32
    %cond3A_8 = arith.cmpi ne, %convert_element_type3A, %cond3A : i32
    scf.if %cond3A_8 {
      "tpu.region"() ({
        %run_scoped3A = tpu.sem_alloc : memref<!tpu.dma_semaphore, #tpu.memory_space<semaphore_mem>>
        %dma_start3A = arith.constant 0 : i32
        %dma_start3A_19 = tpu.memref_slice %arg10[%mul3A_6, %dma_start3A] : memref<10240x128xf32, #tpu.memory_space<vmem_shared>> -> memref<640x128xf32, #tpu.memory_space<vmem_shared>>
        %dma_start3A_20 = arith.constant 0 : i32
        %dma_start3A_21 = tpu.memref_slice %arg2[%mul3A_6, %dma_start3A_20] : memref<10240x128xf32, #tpu.memory_space<hbm>> -> memref<640x128xf32, #tpu.memory_space<hbm>>
        tpu.enqueue_dma source(%dma_start3A_21 : memref<640x128xf32, #tpu.memory_space<hbm>>) target(%dma_start3A_19 : memref<640x128xf32, #tpu.memory_space<vmem_shared>>) target_semaphore(%run_scoped3A : memref<!tpu.dma_semaphore, #tpu.memory_space<semaphore_mem>>)
        %dma_wait3A = arith.constant 0 : i32
        %dma_wait3A_22 = tpu.memref_slice %arg10[%mul3A_6, %dma_wait3A] : memref<10240x128xf32, #tpu.memory_space<vmem_shared>> -> memref<640x128xf32, #tpu.memory_space<vmem_shared>>
        %dma_wait3A_23 = arith.constant 0 : i32
        %dma_wait3A_24 = tpu.memref_slice %arg2[%mul3A_6, %dma_wait3A_23] : memref<10240x128xf32, #tpu.memory_space<hbm>> -> memref<640x128xf32, #tpu.memory_space<hbm>>
        tpu.wait_dma2 semaphore(%run_scoped3A : memref<!tpu.dma_semaphore, #tpu.memory_space<semaphore_mem>>) src(%dma_wait3A_24 : memref<640x128xf32, #tpu.memory_space<hbm>>) dst(%dma_wait3A_22 : memref<640x128xf32, #tpu.memory_space<vmem_shared>>)
        tpu.yield
      }) : () -> ()
    } else {
    }
    %ne3A = arith.constant 0 : i32
    %ne3A_9 = arith.cmpi ne, %arg0, %ne3A : i32
    %convert_element_type3A_10 = arith.extui %ne3A_9 : i1 to i32
    %cond3A_11 = arith.constant 0 : i32
    %cond3A_12 = arith.cmpi ne, %convert_element_type3A_10, %cond3A_11 : i32
    scf.if %cond3A_12 {
      "tpu.region"() ({
        %run_scoped3A = tpu.sem_alloc : memref<!tpu.dma_semaphore, #tpu.memory_space<semaphore_mem>>
        %dma_start3A = arith.constant 0 : i32
        %dma_start3A_19 = tpu.memref_slice %arg10[%mul3A_6, %dma_start3A] : memref<10240x128xf32, #tpu.memory_space<vmem_shared>> -> memref<640x128xf32, #tpu.memory_space<vmem_shared>>
        %dma_start3A_20 = arith.constant 0 : i32
        %dma_start3A_21 = tpu.memref_slice %arg5[%mul3A_6, %dma_start3A_20] : memref<10240x128xf32, #tpu.memory_space<hbm>> -> memref<640x128xf32, #tpu.memory_space<hbm>>
        tpu.enqueue_dma source(%dma_start3A_21 : memref<640x128xf32, #tpu.memory_space<hbm>>) target(%dma_start3A_19 : memref<640x128xf32, #tpu.memory_space<vmem_shared>>) target_semaphore(%run_scoped3A : memref<!tpu.dma_semaphore, #tpu.memory_space<semaphore_mem>>)
        %dma_wait3A = arith.constant 0 : i32
        %dma_wait3A_22 = tpu.memref_slice %arg10[%mul3A_6, %dma_wait3A] : memref<10240x128xf32, #tpu.memory_space<vmem_shared>> -> memref<640x128xf32, #tpu.memory_space<vmem_shared>>
        %dma_wait3A_23 = arith.constant 0 : i32
        %dma_wait3A_24 = tpu.memref_slice %arg5[%mul3A_6, %dma_wait3A_23] : memref<10240x128xf32, #tpu.memory_space<hbm>> -> memref<640x128xf32, #tpu.memory_space<hbm>>
        tpu.wait_dma2 semaphore(%run_scoped3A : memref<!tpu.dma_semaphore, #tpu.memory_space<semaphore_mem>>) src(%dma_wait3A_24 : memref<640x128xf32, #tpu.memory_space<hbm>>) dst(%dma_wait3A_22 : memref<640x128xf32, #tpu.memory_space<vmem_shared>>)
        tpu.yield
      }) : () -> ()
    } else {
    }
    %barrier3A = arith.constant 0 : index
    tpu.barrier barrier_id(%barrier3A)
    %scan3A = arith.constant 0 : i32
    %scan3A_13 = arith.constant 0 : i32
    %scan3A_14 = arith.constant 79 : i32
    %scan3A_15 = arith.addi %scan3A_13, %scan3A_14 : i32
    %scan3A_16 = arith.constant 1 : i32
    scf.for %scan3A_19 = %scan3A_13 to %scan3A_15 step %scan3A_16  : i32 {
      %mul3A_20 = arith.constant 128 : i32
      %mul3A_21 = arith.muli %scan3A_19, %mul3A_20 : i32
      %add3A_22 = arith.addi %mul3A_4, %mul3A_21 : i32
      "tpu.region"() ({
        %run_scoped3A = tpu.sem_alloc : memref<!tpu.dma_semaphore, #tpu.memory_space<semaphore_mem>>
        %dma_start3A_27 = tpu.memref_slice %arg3[%add3A_22] : memref<323584xi32, #tpu.memory_space<hbm>> -> memref<128xi32, #tpu.memory_space<hbm>>
        %dma_start3A_28 = tpu.memref_slice %arg3[%add3A_22] : memref<323584xi32, #tpu.memory_space<hbm>> -> memref<128xi32, #tpu.memory_space<hbm>>
        tpu.enqueue_dma source(%dma_start3A_28 : memref<128xi32, #tpu.memory_space<hbm>>) target(%arg7 : memref<128xi32, #tpu.memory_space<vmem>>) target_semaphore(%run_scoped3A : memref<!tpu.dma_semaphore, #tpu.memory_space<semaphore_mem>>)
        %dma_wait3A_29 = tpu.memref_slice %arg3[%add3A_22] : memref<323584xi32, #tpu.memory_space<hbm>> -> memref<128xi32, #tpu.memory_space<hbm>>
        %dma_wait3A_30 = tpu.memref_slice %arg3[%add3A_22] : memref<323584xi32, #tpu.memory_space<hbm>> -> memref<128xi32, #tpu.memory_space<hbm>>
        tpu.wait_dma2 semaphore(%run_scoped3A : memref<!tpu.dma_semaphore, #tpu.memory_space<semaphore_mem>>) src(%dma_wait3A_30 : memref<128xi32, #tpu.memory_space<hbm>>) dst(%arg7 : memref<128xi32, #tpu.memory_space<vmem>>)
        tpu.yield
      }) : () -> ()
      "tpu.region"() ({
        %run_scoped3A = tpu.sem_alloc : memref<!tpu.dma_semaphore, #tpu.memory_space<semaphore_mem>>
        %dma_start3A_27 = tpu.memref_slice %arg4[%add3A_22] : memref<323584xi32, #tpu.memory_space<hbm>> -> memref<128xi32, #tpu.memory_space<hbm>>
        %dma_start3A_28 = tpu.memref_slice %arg4[%add3A_22] : memref<323584xi32, #tpu.memory_space<hbm>> -> memref<128xi32, #tpu.memory_space<hbm>>
        tpu.enqueue_dma source(%dma_start3A_28 : memref<128xi32, #tpu.memory_space<hbm>>) target(%arg8 : memref<128xi32, #tpu.memory_space<vmem>>) target_semaphore(%run_scoped3A : memref<!tpu.dma_semaphore, #tpu.memory_space<semaphore_mem>>)
        %dma_wait3A_29 = tpu.memref_slice %arg4[%add3A_22] : memref<323584xi32, #tpu.memory_space<hbm>> -> memref<128xi32, #tpu.memory_space<hbm>>
        %dma_wait3A_30 = tpu.memref_slice %arg4[%add3A_22] : memref<323584xi32, #tpu.memory_space<hbm>> -> memref<128xi32, #tpu.memory_space<hbm>>
        tpu.wait_dma2 semaphore(%run_scoped3A : memref<!tpu.dma_semaphore, #tpu.memory_space<semaphore_mem>>) src(%dma_wait3A_30 : memref<128xi32, #tpu.memory_space<hbm>>) dst(%arg8 : memref<128xi32, #tpu.memory_space<vmem>>)
        tpu.yield
      }) : () -> ()
      %dma_start3A = arith.constant 0 : i32
      %dma_start3A_23 = arith.constant 0 : i32
      %dma_start3A_24 = tpu.memref_slice %arg2[%dma_start3A, %dma_start3A_23] : memref<10240x128xf32, #tpu.memory_space<hbm>> -> memref<10240x128xf32, #tpu.memory_space<hbm>>
      tpu.enqueue_indirect_dma source(%dma_start3A_24 : memref<10240x128xf32, #tpu.memory_space<hbm>>) target(%arg9 : memref<128x128xf32, #tpu.memory_space<vmem>>) offsets(%arg7 : memref<128xi32, #tpu.memory_space<vmem>>) semaphore(%arg11 : memref<!tpu.dma_semaphore, #tpu.memory_space<semaphore_mem>>)
      %dma_wait3A = arith.constant 0 : i32
      %dma_wait3A_25 = arith.constant 0 : i32
      %dma_wait3A_26 = tpu.memref_slice %arg2[%dma_wait3A, %dma_wait3A_25] : memref<10240x128xf32, #tpu.memory_space<hbm>> -> memref<10240x128xf32, #tpu.memory_space<hbm>>
      tpu.wait_indirect_dma semaphore(%arg11 : memref<!tpu.dma_semaphore, #tpu.memory_space<semaphore_mem>>) src(%dma_wait3A_26 : memref<10240x128xf32, #tpu.memory_space<hbm>>) dst(%arg9 : memref<128x128xf32, #tpu.memory_space<vmem>>)
      "tpu.region"() ({
        %run_scoped3A = tpu.sem_alloc : memref<!tpu.dma_semaphore, #tpu.memory_space<semaphore_mem>>
        %dma_start3A_27 = arith.constant 0 : i32
        %dma_start3A_28 = arith.constant 0 : i32
        %dma_start3A_29 = tpu.memref_slice %arg10[%dma_start3A_27, %dma_start3A_28] : memref<10240x128xf32, #tpu.memory_space<vmem_shared>> -> memref<10240x128xf32, #tpu.memory_space<vmem_shared>>
        tpu.enqueue_indirect_dma source(%arg9 : memref<128x128xf32, #tpu.memory_space<vmem>>) target(%dma_start3A_29 : memref<10240x128xf32, #tpu.memory_space<vmem_shared>>) offsets(%arg8 : memref<128xi32, #tpu.memory_space<vmem>>) semaphore(%run_scoped3A : memref<!tpu.dma_semaphore, #tpu.memory_space<semaphore_mem>>) {add = true}
        %dma_wait3A_30 = arith.constant 0 : i32
        %dma_wait3A_31 = arith.constant 0 : i32
        %dma_wait3A_32 = tpu.memref_slice %arg10[%dma_wait3A_30, %dma_wait3A_31] : memref<10240x128xf32, #tpu.memory_space<vmem_shared>> -> memref<10240x128xf32, #tpu.memory_space<vmem_shared>>
        tpu.wait_indirect_dma semaphore(%run_scoped3A : memref<!tpu.dma_semaphore, #tpu.memory_space<semaphore_mem>>) src(%arg9 : memref<128x128xf32, #tpu.memory_space<vmem>>) dst(%dma_wait3A_32 : memref<10240x128xf32, #tpu.memory_space<vmem_shared>>)
        tpu.yield
      }) : () -> ()
    }
    %scan3A_17 = arith.constant 79 : i32
    %barrier3A_18 = arith.constant 0 : index
    tpu.barrier barrier_id(%barrier3A_18)
    "tpu.region"() ({
      %run_scoped3A = tpu.sem_alloc : memref<!tpu.dma_semaphore, #tpu.memory_space<semaphore_mem>>
      %dma_start3A = arith.constant 0 : i32
      %dma_start3A_19 = tpu.memref_slice %arg6[%arg0, %mul3A_6, %dma_start3A] : memref<2x10240x128xf32, #tpu.memory_space<hbm>> -> memref<1x640x128xf32, #tpu.memory_space<hbm>>
      %dma_start3A_20 = tpu.memref_squeeze %dma_start3A_19 : memref<1x640x128xf32, #tpu.memory_space<hbm>> -> memref<640x128xf32, #tpu.memory_space<hbm>>
      %dma_start3A_21 = arith.constant 0 : i32
      %dma_start3A_22 = tpu.memref_slice %arg10[%mul3A_6, %dma_start3A_21] : memref<10240x128xf32, #tpu.memory_space<vmem_shared>> -> memref<640x128xf32, #tpu.memory_space<vmem_shared>>
      tpu.enqueue_dma source(%dma_start3A_22 : memref<640x128xf32, #tpu.memory_space<vmem_shared>>) target(%dma_start3A_20 : memref<640x128xf32, #tpu.memory_space<hbm>>) target_semaphore(%run_scoped3A : memref<!tpu.dma_semaphore, #tpu.memory_space<semaphore_mem>>)
      %dma_wait3A = arith.constant 0 : i32
      %dma_wait3A_23 = tpu.memref_slice %arg6[%arg0, %mul3A_6, %dma_wait3A] : memref<2x10240x128xf32, #tpu.memory_space<hbm>> -> memref<1x640x128xf32, #tpu.memory_space<hbm>>
      %dma_wait3A_24 = tpu.memref_squeeze %dma_wait3A_23 : memref<1x640x128xf32, #tpu.memory_space<hbm>> -> memref<640x128xf32, #tpu.memory_space<hbm>>
      %dma_wait3A_25 = arith.constant 0 : i32
      %dma_wait3A_26 = tpu.memref_slice %arg10[%mul3A_6, %dma_wait3A_25] : memref<10240x128xf32, #tpu.memory_space<vmem_shared>> -> memref<640x128xf32, #tpu.memory_space<vmem_shared>>
      tpu.wait_dma2 semaphore(%run_scoped3A : memref<!tpu.dma_semaphore, #tpu.memory_space<semaphore_mem>>) src(%dma_wait3A_26 : memref<640x128xf32, #tpu.memory_space<vmem_shared>>) dst(%dma_wait3A_24 : memref<640x128xf32, #tpu.memory_space<hbm>>)
      tpu.yield
    }) : () -> ()
    return
  }
}

#map = affine_map<(d0, d1) -> (0, 0)>
#map1 = affine_map<(d0, d1) -> (0)>
#map2 = affine_map<(d0, d1) -> (0, 0, 0)>
module attributes {stable_mosaic.version = 14 : i64} {
  func.func @_scatter_body(%arg0: i32, %arg1: i32, %arg2: memref<10240x128xf32, #tpu.memory_space<hbm>>, %arg3: memref<323584xi32, #tpu.memory_space<hbm>>, %arg4: memref<323584xi32, #tpu.memory_space<hbm>>, %arg5: memref<10240x128xf32, #tpu.memory_space<hbm>>, %arg6: memref<2x10240x128xf32, #tpu.memory_space<hbm>>, %arg7: memref<128xi32, #tpu.memory_space<vmem>>, %arg8: memref<128xi32, #tpu.memory_space<vmem>>, %arg9: memref<128x128xf32, #tpu.memory_space<vmem>>, %arg10: memref<10240x128xf32, #tpu.memory_space<vmem_shared>>, %arg11: memref<!tpu.dma_semaphore, #tpu.memory_space<semaphore_mem>>) attributes {dimension_semantics = [#tpu.dimension_semantics<core_parallel>, #tpu.dimension_semantics<subcore_parallel>], iteration_bounds = array<i64: 2, 16>, scalar_prefetch = 0 : i64, scratch_operands = 5 : i64, tpu.core_type = #tpu.core_type<sc_vector_subcore>, window_params = [{transform_indices = #map}, {transform_indices = #map1}, {transform_indices = #map1}, {transform_indices = #map}, {transform_indices = #map2}]} {
    %mul3A = arith.constant 2 : i32
    %mul3A_0 = arith.muli %arg1, %mul3A : i32
    %add3A = arith.addi %mul3A_0, %arg0 : i32
    %mul3A_1 = arith.constant 79 : i32
    %mul3A_2 = arith.muli %add3A, %mul3A_1 : i32
    %mul3A_3 = arith.constant 128 : i32
    %mul3A_4 = arith.muli %mul3A_2, %mul3A_3 : i32
    %mul3A_5 = arith.constant 640 : i32
    %mul3A_6 = arith.muli %arg1, %mul3A_5 : i32
    %eq3A = arith.constant 0 : i32
    %eq3A_7 = arith.cmpi eq, %arg0, %eq3A : i32
    %convert_element_type3A = arith.extui %eq3A_7 : i1 to i32
    %cond3A = arith.constant 0 : i32
    %cond3A_8 = arith.cmpi ne, %convert_element_type3A, %cond3A : i32
    scf.if %cond3A_8 {
      "tpu.region"() ({
        %run_scoped3A = tpu.sem_alloc : memref<!tpu.dma_semaphore, #tpu.memory_space<semaphore_mem>>
        %dma_start3A = arith.constant 0 : i32
        %dma_start3A_19 = tpu.memref_slice %arg10[%mul3A_6, %dma_start3A] : memref<10240x128xf32, #tpu.memory_space<vmem_shared>> -> memref<640x128xf32, #tpu.memory_space<vmem_shared>>
        %dma_start3A_20 = arith.constant 0 : i32
        %dma_start3A_21 = tpu.memref_slice %arg2[%mul3A_6, %dma_start3A_20] : memref<10240x128xf32, #tpu.memory_space<hbm>> -> memref<640x128xf32, #tpu.memory_space<hbm>>
        tpu.enqueue_dma source(%dma_start3A_21 : memref<640x128xf32, #tpu.memory_space<hbm>>) target(%dma_start3A_19 : memref<640x128xf32, #tpu.memory_space<vmem_shared>>) target_semaphore(%run_scoped3A : memref<!tpu.dma_semaphore, #tpu.memory_space<semaphore_mem>>)
        %dma_wait3A = arith.constant 0 : i32
        %dma_wait3A_22 = tpu.memref_slice %arg10[%mul3A_6, %dma_wait3A] : memref<10240x128xf32, #tpu.memory_space<vmem_shared>> -> memref<640x128xf32, #tpu.memory_space<vmem_shared>>
        %dma_wait3A_23 = arith.constant 0 : i32
        %dma_wait3A_24 = tpu.memref_slice %arg2[%mul3A_6, %dma_wait3A_23] : memref<10240x128xf32, #tpu.memory_space<hbm>> -> memref<640x128xf32, #tpu.memory_space<hbm>>
        tpu.wait_dma2 semaphore(%run_scoped3A : memref<!tpu.dma_semaphore, #tpu.memory_space<semaphore_mem>>) src(%dma_wait3A_24 : memref<640x128xf32, #tpu.memory_space<hbm>>) dst(%dma_wait3A_22 : memref<640x128xf32, #tpu.memory_space<vmem_shared>>)
        tpu.yield
      }) : () -> ()
    } else {
    }
    %ne3A = arith.constant 0 : i32
    %ne3A_9 = arith.cmpi ne, %arg0, %ne3A : i32
    %convert_element_type3A_10 = arith.extui %ne3A_9 : i1 to i32
    %cond3A_11 = arith.constant 0 : i32
    %cond3A_12 = arith.cmpi ne, %convert_element_type3A_10, %cond3A_11 : i32
    scf.if %cond3A_12 {
      "tpu.region"() ({
        %run_scoped3A = tpu.sem_alloc : memref<!tpu.dma_semaphore, #tpu.memory_space<semaphore_mem>>
        %dma_start3A = arith.constant 0 : i32
        %dma_start3A_19 = tpu.memref_slice %arg10[%mul3A_6, %dma_start3A] : memref<10240x128xf32, #tpu.memory_space<vmem_shared>> -> memref<640x128xf32, #tpu.memory_space<vmem_shared>>
        %dma_start3A_20 = arith.constant 0 : i32
        %dma_start3A_21 = tpu.memref_slice %arg5[%mul3A_6, %dma_start3A_20] : memref<10240x128xf32, #tpu.memory_space<hbm>> -> memref<640x128xf32, #tpu.memory_space<hbm>>
        tpu.enqueue_dma source(%dma_start3A_21 : memref<640x128xf32, #tpu.memory_space<hbm>>) target(%dma_start3A_19 : memref<640x128xf32, #tpu.memory_space<vmem_shared>>) target_semaphore(%run_scoped3A : memref<!tpu.dma_semaphore, #tpu.memory_space<semaphore_mem>>)
        %dma_wait3A = arith.constant 0 : i32
        %dma_wait3A_22 = tpu.memref_slice %arg10[%mul3A_6, %dma_wait3A] : memref<10240x128xf32, #tpu.memory_space<vmem_shared>> -> memref<640x128xf32, #tpu.memory_space<vmem_shared>>
        %dma_wait3A_23 = arith.constant 0 : i32
        %dma_wait3A_24 = tpu.memref_slice %arg5[%mul3A_6, %dma_wait3A_23] : memref<10240x128xf32, #tpu.memory_space<hbm>> -> memref<640x128xf32, #tpu.memory_space<hbm>>
        tpu.wait_dma2 semaphore(%run_scoped3A : memref<!tpu.dma_semaphore, #tpu.memory_space<semaphore_mem>>) src(%dma_wait3A_24 : memref<640x128xf32, #tpu.memory_space<hbm>>) dst(%dma_wait3A_22 : memref<640x128xf32, #tpu.memory_space<vmem_shared>>)
        tpu.yield
      }) : () -> ()
    } else {
    }
    %barrier3A = arith.constant 0 : index
    tpu.barrier barrier_id(%barrier3A)
    %scan3A = arith.constant 0 : i32
    %scan3A_13 = arith.constant 0 : i32
    %scan3A_14 = arith.constant 79 : i32
    %scan3A_15 = arith.addi %scan3A_13, %scan3A_14 : i32
    %scan3A_16 = arith.constant 1 : i32
    scf.for %scan3A_19 = %scan3A_13 to %scan3A_15 step %scan3A_16  : i32 {
      %mul3A_20 = arith.constant 128 : i32
      %mul3A_21 = arith.muli %scan3A_19, %mul3A_20 : i32
      %add3A_22 = arith.addi %mul3A_4, %mul3A_21 : i32
      "tpu.region"() ({
        %run_scoped3A = tpu.sem_alloc : memref<!tpu.dma_semaphore, #tpu.memory_space<semaphore_mem>>
        %dma_start3A_27 = tpu.memref_slice %arg3[%add3A_22] : memref<323584xi32, #tpu.memory_space<hbm>> -> memref<128xi32, #tpu.memory_space<hbm>>
        %dma_start3A_28 = tpu.memref_slice %arg3[%add3A_22] : memref<323584xi32, #tpu.memory_space<hbm>> -> memref<128xi32, #tpu.memory_space<hbm>>
        tpu.enqueue_dma source(%dma_start3A_28 : memref<128xi32, #tpu.memory_space<hbm>>) target(%arg7 : memref<128xi32, #tpu.memory_space<vmem>>) target_semaphore(%run_scoped3A : memref<!tpu.dma_semaphore, #tpu.memory_space<semaphore_mem>>)
        %dma_wait3A_29 = tpu.memref_slice %arg3[%add3A_22] : memref<323584xi32, #tpu.memory_space<hbm>> -> memref<128xi32, #tpu.memory_space<hbm>>
        %dma_wait3A_30 = tpu.memref_slice %arg3[%add3A_22] : memref<323584xi32, #tpu.memory_space<hbm>> -> memref<128xi32, #tpu.memory_space<hbm>>
        tpu.wait_dma2 semaphore(%run_scoped3A : memref<!tpu.dma_semaphore, #tpu.memory_space<semaphore_mem>>) src(%dma_wait3A_30 : memref<128xi32, #tpu.memory_space<hbm>>) dst(%arg7 : memref<128xi32, #tpu.memory_space<vmem>>)
        tpu.yield
      }) : () -> ()
      "tpu.region"() ({
        %run_scoped3A = tpu.sem_alloc : memref<!tpu.dma_semaphore, #tpu.memory_space<semaphore_mem>>
        %dma_start3A_27 = tpu.memref_slice %arg4[%add3A_22] : memref<323584xi32, #tpu.memory_space<hbm>> -> memref<128xi32, #tpu.memory_space<hbm>>
        %dma_start3A_28 = tpu.memref_slice %arg4[%add3A_22] : memref<323584xi32, #tpu.memory_space<hbm>> -> memref<128xi32, #tpu.memory_space<hbm>>
        tpu.enqueue_dma source(%dma_start3A_28 : memref<128xi32, #tpu.memory_space<hbm>>) target(%arg8 : memref<128xi32, #tpu.memory_space<vmem>>) target_semaphore(%run_scoped3A : memref<!tpu.dma_semaphore, #tpu.memory_space<semaphore_mem>>)
        %dma_wait3A_29 = tpu.memref_slice %arg4[%add3A_22] : memref<323584xi32, #tpu.memory_space<hbm>> -> memref<128xi32, #tpu.memory_space<hbm>>
        %dma_wait3A_30 = tpu.memref_slice %arg4[%add3A_22] : memref<323584xi32, #tpu.memory_space<hbm>> -> memref<128xi32, #tpu.memory_space<hbm>>
        tpu.wait_dma2 semaphore(%run_scoped3A : memref<!tpu.dma_semaphore, #tpu.memory_space<semaphore_mem>>) src(%dma_wait3A_30 : memref<128xi32, #tpu.memory_space<hbm>>) dst(%arg8 : memref<128xi32, #tpu.memory_space<vmem>>)
        tpu.yield
      }) : () -> ()
      %dma_start3A = arith.constant 0 : i32
      %dma_start3A_23 = arith.constant 0 : i32
      %dma_start3A_24 = tpu.memref_slice %arg2[%dma_start3A, %dma_start3A_23] : memref<10240x128xf32, #tpu.memory_space<hbm>> -> memref<10240x128xf32, #tpu.memory_space<hbm>>
      tpu.enqueue_indirect_dma source(%dma_start3A_24 : memref<10240x128xf32, #tpu.memory_space<hbm>>) target(%arg9 : memref<128x128xf32, #tpu.memory_space<vmem>>) offsets(%arg7 : memref<128xi32, #tpu.memory_space<vmem>>) semaphore(%arg11 : memref<!tpu.dma_semaphore, #tpu.memory_space<semaphore_mem>>)
      %dma_wait3A = arith.constant 0 : i32
      %dma_wait3A_25 = arith.constant 0 : i32
      %dma_wait3A_26 = tpu.memref_slice %arg2[%dma_wait3A, %dma_wait3A_25] : memref<10240x128xf32, #tpu.memory_space<hbm>> -> memref<10240x128xf32, #tpu.memory_space<hbm>>
      tpu.wait_indirect_dma semaphore(%arg11 : memref<!tpu.dma_semaphore, #tpu.memory_space<semaphore_mem>>) src(%dma_wait3A_26 : memref<10240x128xf32, #tpu.memory_space<hbm>>) dst(%arg9 : memref<128x128xf32, #tpu.memory_space<vmem>>)
      "tpu.region"() ({
        %run_scoped3A = tpu.sem_alloc : memref<!tpu.dma_semaphore, #tpu.memory_space<semaphore_mem>>
        %dma_start3A_27 = arith.constant 0 : i32
        %dma_start3A_28 = arith.constant 0 : i32
        %dma_start3A_29 = tpu.memref_slice %arg10[%dma_start3A_27, %dma_start3A_28] : memref<10240x128xf32, #tpu.memory_space<vmem_shared>> -> memref<10240x128xf32, #tpu.memory_space<vmem_shared>>
        tpu.enqueue_indirect_dma source(%arg9 : memref<128x128xf32, #tpu.memory_space<vmem>>) target(%dma_start3A_29 : memref<10240x128xf32, #tpu.memory_space<vmem_shared>>) offsets(%arg8 : memref<128xi32, #tpu.memory_space<vmem>>) semaphore(%run_scoped3A : memref<!tpu.dma_semaphore, #tpu.memory_space<semaphore_mem>>) {add = true}
        %dma_wait3A_30 = arith.constant 0 : i32
        %dma_wait3A_31 = arith.constant 0 : i32
        %dma_wait3A_32 = tpu.memref_slice %arg10[%dma_wait3A_30, %dma_wait3A_31] : memref<10240x128xf32, #tpu.memory_space<vmem_shared>> -> memref<10240x128xf32, #tpu.memory_space<vmem_shared>>
        tpu.wait_indirect_dma semaphore(%run_scoped3A : memref<!tpu.dma_semaphore, #tpu.memory_space<semaphore_mem>>) src(%arg9 : memref<128x128xf32, #tpu.memory_space<vmem>>) dst(%dma_wait3A_32 : memref<10240x128xf32, #tpu.memory_space<vmem_shared>>)
        tpu.yield
      }) : () -> ()
    }
    %scan3A_17 = arith.constant 79 : i32
    %barrier3A_18 = arith.constant 0 : index
    tpu.barrier barrier_id(%barrier3A_18)
    "tpu.region"() ({
      %run_scoped3A = tpu.sem_alloc : memref<!tpu.dma_semaphore, #tpu.memory_space<semaphore_mem>>
      %dma_start3A = arith.constant 0 : i32
      %dma_start3A_19 = tpu.memref_slice %arg6[%arg0, %mul3A_6, %dma_start3A] : memref<2x10240x128xf32, #tpu.memory_space<hbm>> -> memref<1x640x128xf32, #tpu.memory_space<hbm>>
      %dma_start3A_20 = tpu.memref_squeeze %dma_start3A_19 : memref<1x640x128xf32, #tpu.memory_space<hbm>> -> memref<640x128xf32, #tpu.memory_space<hbm>>
      %dma_start3A_21 = arith.constant 0 : i32
      %dma_start3A_22 = tpu.memref_slice %arg10[%mul3A_6, %dma_start3A_21] : memref<10240x128xf32, #tpu.memory_space<vmem_shared>> -> memref<640x128xf32, #tpu.memory_space<vmem_shared>>
      tpu.enqueue_dma source(%dma_start3A_22 : memref<640x128xf32, #tpu.memory_space<vmem_shared>>) target(%dma_start3A_20 : memref<640x128xf32, #tpu.memory_space<hbm>>) target_semaphore(%run_scoped3A : memref<!tpu.dma_semaphore, #tpu.memory_space<semaphore_mem>>)
      %dma_wait3A = arith.constant 0 : i32
      %dma_wait3A_23 = tpu.memref_slice %arg6[%arg0, %mul3A_6, %dma_wait3A] : memref<2x10240x128xf32, #tpu.memory_space<hbm>> -> memref<1x640x128xf32, #tpu.memory_space<hbm>>
      %dma_wait3A_24 = tpu.memref_squeeze %dma_wait3A_23 : memref<1x640x128xf32, #tpu.memory_space<hbm>> -> memref<640x128xf32, #tpu.memory_space<hbm>>
      %dma_wait3A_25 = arith.constant 0 : i32
      %dma_wait3A_26 = tpu.memref_slice %arg10[%mul3A_6, %dma_wait3A_25] : memref<10240x128xf32, #tpu.memory_space<vmem_shared>> -> memref<640x128xf32, #tpu.memory_space<vmem_shared>>
      tpu.wait_dma2 semaphore(%run_scoped3A : memref<!tpu.dma_semaphore, #tpu.memory_space<semaphore_mem>>) src(%dma_wait3A_26 : memref<640x128xf32, #tpu.memory_space<vmem_shared>>) dst(%dma_wait3A_24 : memref<640x128xf32, #tpu.memory_space<hbm>>)
      tpu.yield
    }) : () -> ()
    return
  }
}

#map = affine_map<(d0, d1) -> (0, 0)>
#map1 = affine_map<(d0, d1) -> (0)>
#map2 = affine_map<(d0, d1) -> (0, 0, 0)>
module attributes {stable_mosaic.version = 14 : i64} {
  func.func @_scatter_body(%arg0: i32, %arg1: i32, %arg2: memref<10240x128xf32, #tpu.memory_space<hbm>>, %arg3: memref<323584xi32, #tpu.memory_space<hbm>>, %arg4: memref<323584xi32, #tpu.memory_space<hbm>>, %arg5: memref<10240x128xf32, #tpu.memory_space<hbm>>, %arg6: memref<2x10240x128xf32, #tpu.memory_space<hbm>>, %arg7: memref<128xi32, #tpu.memory_space<vmem>>, %arg8: memref<128xi32, #tpu.memory_space<vmem>>, %arg9: memref<128x128xf32, #tpu.memory_space<vmem>>, %arg10: memref<10240x128xf32, #tpu.memory_space<vmem_shared>>, %arg11: memref<!tpu.dma_semaphore, #tpu.memory_space<semaphore_mem>>) attributes {dimension_semantics = [#tpu.dimension_semantics<core_parallel>, #tpu.dimension_semantics<subcore_parallel>], iteration_bounds = array<i64: 2, 16>, scalar_prefetch = 0 : i64, scratch_operands = 5 : i64, tpu.core_type = #tpu.core_type<sc_vector_subcore>, window_params = [{transform_indices = #map}, {transform_indices = #map1}, {transform_indices = #map1}, {transform_indices = #map}, {transform_indices = #map2}]} {
    %mul3A = arith.constant 2 : i32
    %mul3A_0 = arith.muli %arg1, %mul3A : i32
    %add3A = arith.addi %mul3A_0, %arg0 : i32
    %mul3A_1 = arith.constant 79 : i32
    %mul3A_2 = arith.muli %add3A, %mul3A_1 : i32
    %mul3A_3 = arith.constant 128 : i32
    %mul3A_4 = arith.muli %mul3A_2, %mul3A_3 : i32
    %mul3A_5 = arith.constant 640 : i32
    %mul3A_6 = arith.muli %arg1, %mul3A_5 : i32
    %eq3A = arith.constant 0 : i32
    %eq3A_7 = arith.cmpi eq, %arg0, %eq3A : i32
    %convert_element_type3A = arith.extui %eq3A_7 : i1 to i32
    %cond3A = arith.constant 0 : i32
    %cond3A_8 = arith.cmpi ne, %convert_element_type3A, %cond3A : i32
    scf.if %cond3A_8 {
      "tpu.region"() ({
        %run_scoped3A = tpu.sem_alloc : memref<!tpu.dma_semaphore, #tpu.memory_space<semaphore_mem>>
        %dma_start3A = arith.constant 0 : i32
        %dma_start3A_19 = tpu.memref_slice %arg10[%mul3A_6, %dma_start3A] : memref<10240x128xf32, #tpu.memory_space<vmem_shared>> -> memref<640x128xf32, #tpu.memory_space<vmem_shared>>
        %dma_start3A_20 = arith.constant 0 : i32
        %dma_start3A_21 = tpu.memref_slice %arg2[%mul3A_6, %dma_start3A_20] : memref<10240x128xf32, #tpu.memory_space<hbm>> -> memref<640x128xf32, #tpu.memory_space<hbm>>
        tpu.enqueue_dma source(%dma_start3A_21 : memref<640x128xf32, #tpu.memory_space<hbm>>) target(%dma_start3A_19 : memref<640x128xf32, #tpu.memory_space<vmem_shared>>) target_semaphore(%run_scoped3A : memref<!tpu.dma_semaphore, #tpu.memory_space<semaphore_mem>>)
        %dma_wait3A = arith.constant 0 : i32
        %dma_wait3A_22 = tpu.memref_slice %arg10[%mul3A_6, %dma_wait3A] : memref<10240x128xf32, #tpu.memory_space<vmem_shared>> -> memref<640x128xf32, #tpu.memory_space<vmem_shared>>
        %dma_wait3A_23 = arith.constant 0 : i32
        %dma_wait3A_24 = tpu.memref_slice %arg2[%mul3A_6, %dma_wait3A_23] : memref<10240x128xf32, #tpu.memory_space<hbm>> -> memref<640x128xf32, #tpu.memory_space<hbm>>
        tpu.wait_dma2 semaphore(%run_scoped3A : memref<!tpu.dma_semaphore, #tpu.memory_space<semaphore_mem>>) src(%dma_wait3A_24 : memref<640x128xf32, #tpu.memory_space<hbm>>) dst(%dma_wait3A_22 : memref<640x128xf32, #tpu.memory_space<vmem_shared>>)
        tpu.yield
      }) : () -> ()
    } else {
    }
    %ne3A = arith.constant 0 : i32
    %ne3A_9 = arith.cmpi ne, %arg0, %ne3A : i32
    %convert_element_type3A_10 = arith.extui %ne3A_9 : i1 to i32
    %cond3A_11 = arith.constant 0 : i32
    %cond3A_12 = arith.cmpi ne, %convert_element_type3A_10, %cond3A_11 : i32
    scf.if %cond3A_12 {
      "tpu.region"() ({
        %run_scoped3A = tpu.sem_alloc : memref<!tpu.dma_semaphore, #tpu.memory_space<semaphore_mem>>
        %dma_start3A = arith.constant 0 : i32
        %dma_start3A_19 = tpu.memref_slice %arg10[%mul3A_6, %dma_start3A] : memref<10240x128xf32, #tpu.memory_space<vmem_shared>> -> memref<640x128xf32, #tpu.memory_space<vmem_shared>>
        %dma_start3A_20 = arith.constant 0 : i32
        %dma_start3A_21 = tpu.memref_slice %arg5[%mul3A_6, %dma_start3A_20] : memref<10240x128xf32, #tpu.memory_space<hbm>> -> memref<640x128xf32, #tpu.memory_space<hbm>>
        tpu.enqueue_dma source(%dma_start3A_21 : memref<640x128xf32, #tpu.memory_space<hbm>>) target(%dma_start3A_19 : memref<640x128xf32, #tpu.memory_space<vmem_shared>>) target_semaphore(%run_scoped3A : memref<!tpu.dma_semaphore, #tpu.memory_space<semaphore_mem>>)
        %dma_wait3A = arith.constant 0 : i32
        %dma_wait3A_22 = tpu.memref_slice %arg10[%mul3A_6, %dma_wait3A] : memref<10240x128xf32, #tpu.memory_space<vmem_shared>> -> memref<640x128xf32, #tpu.memory_space<vmem_shared>>
        %dma_wait3A_23 = arith.constant 0 : i32
        %dma_wait3A_24 = tpu.memref_slice %arg5[%mul3A_6, %dma_wait3A_23] : memref<10240x128xf32, #tpu.memory_space<hbm>> -> memref<640x128xf32, #tpu.memory_space<hbm>>
        tpu.wait_dma2 semaphore(%run_scoped3A : memref<!tpu.dma_semaphore, #tpu.memory_space<semaphore_mem>>) src(%dma_wait3A_24 : memref<640x128xf32, #tpu.memory_space<hbm>>) dst(%dma_wait3A_22 : memref<640x128xf32, #tpu.memory_space<vmem_shared>>)
        tpu.yield
      }) : () -> ()
    } else {
    }
    %barrier3A = arith.constant 0 : index
    tpu.barrier barrier_id(%barrier3A)
    %scan3A = arith.constant 0 : i32
    %scan3A_13 = arith.constant 0 : i32
    %scan3A_14 = arith.constant 79 : i32
    %scan3A_15 = arith.addi %scan3A_13, %scan3A_14 : i32
    %scan3A_16 = arith.constant 1 : i32
    scf.for %scan3A_19 = %scan3A_13 to %scan3A_15 step %scan3A_16  : i32 {
      %mul3A_20 = arith.constant 128 : i32
      %mul3A_21 = arith.muli %scan3A_19, %mul3A_20 : i32
      %add3A_22 = arith.addi %mul3A_4, %mul3A_21 : i32
      "tpu.region"() ({
        %run_scoped3A = tpu.sem_alloc : memref<!tpu.dma_semaphore, #tpu.memory_space<semaphore_mem>>
        %dma_start3A_27 = tpu.memref_slice %arg3[%add3A_22] : memref<323584xi32, #tpu.memory_space<hbm>> -> memref<128xi32, #tpu.memory_space<hbm>>
        %dma_start3A_28 = tpu.memref_slice %arg3[%add3A_22] : memref<323584xi32, #tpu.memory_space<hbm>> -> memref<128xi32, #tpu.memory_space<hbm>>
        tpu.enqueue_dma source(%dma_start3A_28 : memref<128xi32, #tpu.memory_space<hbm>>) target(%arg7 : memref<128xi32, #tpu.memory_space<vmem>>) target_semaphore(%run_scoped3A : memref<!tpu.dma_semaphore, #tpu.memory_space<semaphore_mem>>)
        %dma_wait3A_29 = tpu.memref_slice %arg3[%add3A_22] : memref<323584xi32, #tpu.memory_space<hbm>> -> memref<128xi32, #tpu.memory_space<hbm>>
        %dma_wait3A_30 = tpu.memref_slice %arg3[%add3A_22] : memref<323584xi32, #tpu.memory_space<hbm>> -> memref<128xi32, #tpu.memory_space<hbm>>
        tpu.wait_dma2 semaphore(%run_scoped3A : memref<!tpu.dma_semaphore, #tpu.memory_space<semaphore_mem>>) src(%dma_wait3A_30 : memref<128xi32, #tpu.memory_space<hbm>>) dst(%arg7 : memref<128xi32, #tpu.memory_space<vmem>>)
        tpu.yield
      }) : () -> ()
      "tpu.region"() ({
        %run_scoped3A = tpu.sem_alloc : memref<!tpu.dma_semaphore, #tpu.memory_space<semaphore_mem>>
        %dma_start3A_27 = tpu.memref_slice %arg4[%add3A_22] : memref<323584xi32, #tpu.memory_space<hbm>> -> memref<128xi32, #tpu.memory_space<hbm>>
        %dma_start3A_28 = tpu.memref_slice %arg4[%add3A_22] : memref<323584xi32, #tpu.memory_space<hbm>> -> memref<128xi32, #tpu.memory_space<hbm>>
        tpu.enqueue_dma source(%dma_start3A_28 : memref<128xi32, #tpu.memory_space<hbm>>) target(%arg8 : memref<128xi32, #tpu.memory_space<vmem>>) target_semaphore(%run_scoped3A : memref<!tpu.dma_semaphore, #tpu.memory_space<semaphore_mem>>)
        %dma_wait3A_29 = tpu.memref_slice %arg4[%add3A_22] : memref<323584xi32, #tpu.memory_space<hbm>> -> memref<128xi32, #tpu.memory_space<hbm>>
        %dma_wait3A_30 = tpu.memref_slice %arg4[%add3A_22] : memref<323584xi32, #tpu.memory_space<hbm>> -> memref<128xi32, #tpu.memory_space<hbm>>
        tpu.wait_dma2 semaphore(%run_scoped3A : memref<!tpu.dma_semaphore, #tpu.memory_space<semaphore_mem>>) src(%dma_wait3A_30 : memref<128xi32, #tpu.memory_space<hbm>>) dst(%arg8 : memref<128xi32, #tpu.memory_space<vmem>>)
        tpu.yield
      }) : () -> ()
      %dma_start3A = arith.constant 0 : i32
      %dma_start3A_23 = arith.constant 0 : i32
      %dma_start3A_24 = tpu.memref_slice %arg2[%dma_start3A, %dma_start3A_23] : memref<10240x128xf32, #tpu.memory_space<hbm>> -> memref<10240x128xf32, #tpu.memory_space<hbm>>
      tpu.enqueue_indirect_dma source(%dma_start3A_24 : memref<10240x128xf32, #tpu.memory_space<hbm>>) target(%arg9 : memref<128x128xf32, #tpu.memory_space<vmem>>) offsets(%arg7 : memref<128xi32, #tpu.memory_space<vmem>>) semaphore(%arg11 : memref<!tpu.dma_semaphore, #tpu.memory_space<semaphore_mem>>)
      %dma_wait3A = arith.constant 0 : i32
      %dma_wait3A_25 = arith.constant 0 : i32
      %dma_wait3A_26 = tpu.memref_slice %arg2[%dma_wait3A, %dma_wait3A_25] : memref<10240x128xf32, #tpu.memory_space<hbm>> -> memref<10240x128xf32, #tpu.memory_space<hbm>>
      tpu.wait_indirect_dma semaphore(%arg11 : memref<!tpu.dma_semaphore, #tpu.memory_space<semaphore_mem>>) src(%dma_wait3A_26 : memref<10240x128xf32, #tpu.memory_space<hbm>>) dst(%arg9 : memref<128x128xf32, #tpu.memory_space<vmem>>)
      "tpu.region"() ({
        %run_scoped3A = tpu.sem_alloc : memref<!tpu.dma_semaphore, #tpu.memory_space<semaphore_mem>>
        %dma_start3A_27 = arith.constant 0 : i32
        %dma_start3A_28 = arith.constant 0 : i32
        %dma_start3A_29 = tpu.memref_slice %arg10[%dma_start3A_27, %dma_start3A_28] : memref<10240x128xf32, #tpu.memory_space<vmem_shared>> -> memref<10240x128xf32, #tpu.memory_space<vmem_shared>>
        tpu.enqueue_indirect_dma source(%arg9 : memref<128x128xf32, #tpu.memory_space<vmem>>) target(%dma_start3A_29 : memref<10240x128xf32, #tpu.memory_space<vmem_shared>>) offsets(%arg8 : memref<128xi32, #tpu.memory_space<vmem>>) semaphore(%run_scoped3A : memref<!tpu.dma_semaphore, #tpu.memory_space<semaphore_mem>>) {add = true}
        %dma_wait3A_30 = arith.constant 0 : i32
        %dma_wait3A_31 = arith.constant 0 : i32
        %dma_wait3A_32 = tpu.memref_slice %arg10[%dma_wait3A_30, %dma_wait3A_31] : memref<10240x128xf32, #tpu.memory_space<vmem_shared>> -> memref<10240x128xf32, #tpu.memory_space<vmem_shared>>
        tpu.wait_indirect_dma semaphore(%run_scoped3A : memref<!tpu.dma_semaphore, #tpu.memory_space<semaphore_mem>>) src(%arg9 : memref<128x128xf32, #tpu.memory_space<vmem>>) dst(%dma_wait3A_32 : memref<10240x128xf32, #tpu.memory_space<vmem_shared>>)
        tpu.yield
      }) : () -> ()
    }
    %scan3A_17 = arith.constant 79 : i32
    %barrier3A_18 = arith.constant 0 : index
    tpu.barrier barrier_id(%barrier3A_18)
    "tpu.region"() ({
      %run_scoped3A = tpu.sem_alloc : memref<!tpu.dma_semaphore, #tpu.memory_space<semaphore_mem>>
      %dma_start3A = arith.constant 0 : i32
      %dma_start3A_19 = tpu.memref_slice %arg6[%arg0, %mul3A_6, %dma_start3A] : memref<2x10240x128xf32, #tpu.memory_space<hbm>> -> memref<1x640x128xf32, #tpu.memory_space<hbm>>
      %dma_start3A_20 = tpu.memref_squeeze %dma_start3A_19 : memref<1x640x128xf32, #tpu.memory_space<hbm>> -> memref<640x128xf32, #tpu.memory_space<hbm>>
      %dma_start3A_21 = arith.constant 0 : i32
      %dma_start3A_22 = tpu.memref_slice %arg10[%mul3A_6, %dma_start3A_21] : memref<10240x128xf32, #tpu.memory_space<vmem_shared>> -> memref<640x128xf32, #tpu.memory_space<vmem_shared>>
      tpu.enqueue_dma source(%dma_start3A_22 : memref<640x128xf32, #tpu.memory_space<vmem_shared>>) target(%dma_start3A_20 : memref<640x128xf32, #tpu.memory_space<hbm>>) target_semaphore(%run_scoped3A : memref<!tpu.dma_semaphore, #tpu.memory_space<semaphore_mem>>)
      %dma_wait3A = arith.constant 0 : i32
      %dma_wait3A_23 = tpu.memref_slice %arg6[%arg0, %mul3A_6, %dma_wait3A] : memref<2x10240x128xf32, #tpu.memory_space<hbm>> -> memref<1x640x128xf32, #tpu.memory_space<hbm>>
      %dma_wait3A_24 = tpu.memref_squeeze %dma_wait3A_23 : memref<1x640x128xf32, #tpu.memory_space<hbm>> -> memref<640x128xf32, #tpu.memory_space<hbm>>
      %dma_wait3A_25 = arith.constant 0 : i32
      %dma_wait3A_26 = tpu.memref_slice %arg10[%mul3A_6, %dma_wait3A_25] : memref<10240x128xf32, #tpu.memory_space<vmem_shared>> -> memref<640x128xf32, #tpu.memory_space<vmem_shared>>
      tpu.wait_dma2 semaphore(%run_scoped3A : memref<!tpu.dma_semaphore, #tpu.memory_space<semaphore_mem>>) src(%dma_wait3A_26 : memref<640x128xf32, #tpu.memory_space<vmem_shared>>) dst(%dma_wait3A_24 : memref<640x128xf32, #tpu.memory_space<hbm>>)
      tpu.yield
    }) : () -> ()
    return
  }
}

#map = affine_map<(d0, d1) -> (0, 0)>
#map1 = affine_map<(d0, d1) -> (0)>
#map2 = affine_map<(d0, d1) -> (0, 0, 0)>
module attributes {stable_mosaic.version = 14 : i64} {
  func.func @_scatter_body(%arg0: i32, %arg1: i32, %arg2: memref<10240x128xf32, #tpu.memory_space<hbm>>, %arg3: memref<323584xi32, #tpu.memory_space<hbm>>, %arg4: memref<323584xi32, #tpu.memory_space<hbm>>, %arg5: memref<10240x128xf32, #tpu.memory_space<hbm>>, %arg6: memref<2x10240x128xf32, #tpu.memory_space<hbm>>, %arg7: memref<128xi32, #tpu.memory_space<vmem>>, %arg8: memref<128xi32, #tpu.memory_space<vmem>>, %arg9: memref<128x128xf32, #tpu.memory_space<vmem>>, %arg10: memref<10240x128xf32, #tpu.memory_space<vmem_shared>>, %arg11: memref<!tpu.dma_semaphore, #tpu.memory_space<semaphore_mem>>) attributes {dimension_semantics = [#tpu.dimension_semantics<core_parallel>, #tpu.dimension_semantics<subcore_parallel>], iteration_bounds = array<i64: 2, 16>, scalar_prefetch = 0 : i64, scratch_operands = 5 : i64, tpu.core_type = #tpu.core_type<sc_vector_subcore>, window_params = [{transform_indices = #map}, {transform_indices = #map1}, {transform_indices = #map1}, {transform_indices = #map}, {transform_indices = #map2}]} {
    %mul3A = arith.constant 2 : i32
    %mul3A_0 = arith.muli %arg1, %mul3A : i32
    %add3A = arith.addi %mul3A_0, %arg0 : i32
    %mul3A_1 = arith.constant 79 : i32
    %mul3A_2 = arith.muli %add3A, %mul3A_1 : i32
    %mul3A_3 = arith.constant 128 : i32
    %mul3A_4 = arith.muli %mul3A_2, %mul3A_3 : i32
    %mul3A_5 = arith.constant 640 : i32
    %mul3A_6 = arith.muli %arg1, %mul3A_5 : i32
    %eq3A = arith.constant 0 : i32
    %eq3A_7 = arith.cmpi eq, %arg0, %eq3A : i32
    %convert_element_type3A = arith.extui %eq3A_7 : i1 to i32
    %cond3A = arith.constant 0 : i32
    %cond3A_8 = arith.cmpi ne, %convert_element_type3A, %cond3A : i32
    scf.if %cond3A_8 {
      "tpu.region"() ({
        %run_scoped3A = tpu.sem_alloc : memref<!tpu.dma_semaphore, #tpu.memory_space<semaphore_mem>>
        %dma_start3A = arith.constant 0 : i32
        %dma_start3A_19 = tpu.memref_slice %arg10[%mul3A_6, %dma_start3A] : memref<10240x128xf32, #tpu.memory_space<vmem_shared>> -> memref<640x128xf32, #tpu.memory_space<vmem_shared>>
        %dma_start3A_20 = arith.constant 0 : i32
        %dma_start3A_21 = tpu.memref_slice %arg2[%mul3A_6, %dma_start3A_20] : memref<10240x128xf32, #tpu.memory_space<hbm>> -> memref<640x128xf32, #tpu.memory_space<hbm>>
        tpu.enqueue_dma source(%dma_start3A_21 : memref<640x128xf32, #tpu.memory_space<hbm>>) target(%dma_start3A_19 : memref<640x128xf32, #tpu.memory_space<vmem_shared>>) target_semaphore(%run_scoped3A : memref<!tpu.dma_semaphore, #tpu.memory_space<semaphore_mem>>)
        %dma_wait3A = arith.constant 0 : i32
        %dma_wait3A_22 = tpu.memref_slice %arg10[%mul3A_6, %dma_wait3A] : memref<10240x128xf32, #tpu.memory_space<vmem_shared>> -> memref<640x128xf32, #tpu.memory_space<vmem_shared>>
        %dma_wait3A_23 = arith.constant 0 : i32
        %dma_wait3A_24 = tpu.memref_slice %arg2[%mul3A_6, %dma_wait3A_23] : memref<10240x128xf32, #tpu.memory_space<hbm>> -> memref<640x128xf32, #tpu.memory_space<hbm>>
        tpu.wait_dma2 semaphore(%run_scoped3A : memref<!tpu.dma_semaphore, #tpu.memory_space<semaphore_mem>>) src(%dma_wait3A_24 : memref<640x128xf32, #tpu.memory_space<hbm>>) dst(%dma_wait3A_22 : memref<640x128xf32, #tpu.memory_space<vmem_shared>>)
        tpu.yield
      }) : () -> ()
    } else {
    }
    %ne3A = arith.constant 0 : i32
    %ne3A_9 = arith.cmpi ne, %arg0, %ne3A : i32
    %convert_element_type3A_10 = arith.extui %ne3A_9 : i1 to i32
    %cond3A_11 = arith.constant 0 : i32
    %cond3A_12 = arith.cmpi ne, %convert_element_type3A_10, %cond3A_11 : i32
    scf.if %cond3A_12 {
      "tpu.region"() ({
        %run_scoped3A = tpu.sem_alloc : memref<!tpu.dma_semaphore, #tpu.memory_space<semaphore_mem>>
        %dma_start3A = arith.constant 0 : i32
        %dma_start3A_19 = tpu.memref_slice %arg10[%mul3A_6, %dma_start3A] : memref<10240x128xf32, #tpu.memory_space<vmem_shared>> -> memref<640x128xf32, #tpu.memory_space<vmem_shared>>
        %dma_start3A_20 = arith.constant 0 : i32
        %dma_start3A_21 = tpu.memref_slice %arg5[%mul3A_6, %dma_start3A_20] : memref<10240x128xf32, #tpu.memory_space<hbm>> -> memref<640x128xf32, #tpu.memory_space<hbm>>
        tpu.enqueue_dma source(%dma_start3A_21 : memref<640x128xf32, #tpu.memory_space<hbm>>) target(%dma_start3A_19 : memref<640x128xf32, #tpu.memory_space<vmem_shared>>) target_semaphore(%run_scoped3A : memref<!tpu.dma_semaphore, #tpu.memory_space<semaphore_mem>>)
        %dma_wait3A = arith.constant 0 : i32
        %dma_wait3A_22 = tpu.memref_slice %arg10[%mul3A_6, %dma_wait3A] : memref<10240x128xf32, #tpu.memory_space<vmem_shared>> -> memref<640x128xf32, #tpu.memory_space<vmem_shared>>
        %dma_wait3A_23 = arith.constant 0 : i32
        %dma_wait3A_24 = tpu.memref_slice %arg5[%mul3A_6, %dma_wait3A_23] : memref<10240x128xf32, #tpu.memory_space<hbm>> -> memref<640x128xf32, #tpu.memory_space<hbm>>
        tpu.wait_dma2 semaphore(%run_scoped3A : memref<!tpu.dma_semaphore, #tpu.memory_space<semaphore_mem>>) src(%dma_wait3A_24 : memref<640x128xf32, #tpu.memory_space<hbm>>) dst(%dma_wait3A_22 : memref<640x128xf32, #tpu.memory_space<vmem_shared>>)
        tpu.yield
      }) : () -> ()
    } else {
    }
    %barrier3A = arith.constant 0 : index
    tpu.barrier barrier_id(%barrier3A)
    %scan3A = arith.constant 0 : i32
    %scan3A_13 = arith.constant 0 : i32
    %scan3A_14 = arith.constant 79 : i32
    %scan3A_15 = arith.addi %scan3A_13, %scan3A_14 : i32
    %scan3A_16 = arith.constant 1 : i32
    scf.for %scan3A_19 = %scan3A_13 to %scan3A_15 step %scan3A_16  : i32 {
      %mul3A_20 = arith.constant 128 : i32
      %mul3A_21 = arith.muli %scan3A_19, %mul3A_20 : i32
      %add3A_22 = arith.addi %mul3A_4, %mul3A_21 : i32
      "tpu.region"() ({
        %run_scoped3A = tpu.sem_alloc : memref<!tpu.dma_semaphore, #tpu.memory_space<semaphore_mem>>
        %dma_start3A_27 = tpu.memref_slice %arg3[%add3A_22] : memref<323584xi32, #tpu.memory_space<hbm>> -> memref<128xi32, #tpu.memory_space<hbm>>
        %dma_start3A_28 = tpu.memref_slice %arg3[%add3A_22] : memref<323584xi32, #tpu.memory_space<hbm>> -> memref<128xi32, #tpu.memory_space<hbm>>
        tpu.enqueue_dma source(%dma_start3A_28 : memref<128xi32, #tpu.memory_space<hbm>>) target(%arg7 : memref<128xi32, #tpu.memory_space<vmem>>) target_semaphore(%run_scoped3A : memref<!tpu.dma_semaphore, #tpu.memory_space<semaphore_mem>>)
        %dma_wait3A_29 = tpu.memref_slice %arg3[%add3A_22] : memref<323584xi32, #tpu.memory_space<hbm>> -> memref<128xi32, #tpu.memory_space<hbm>>
        %dma_wait3A_30 = tpu.memref_slice %arg3[%add3A_22] : memref<323584xi32, #tpu.memory_space<hbm>> -> memref<128xi32, #tpu.memory_space<hbm>>
        tpu.wait_dma2 semaphore(%run_scoped3A : memref<!tpu.dma_semaphore, #tpu.memory_space<semaphore_mem>>) src(%dma_wait3A_30 : memref<128xi32, #tpu.memory_space<hbm>>) dst(%arg7 : memref<128xi32, #tpu.memory_space<vmem>>)
        tpu.yield
      }) : () -> ()
      "tpu.region"() ({
        %run_scoped3A = tpu.sem_alloc : memref<!tpu.dma_semaphore, #tpu.memory_space<semaphore_mem>>
        %dma_start3A_27 = tpu.memref_slice %arg4[%add3A_22] : memref<323584xi32, #tpu.memory_space<hbm>> -> memref<128xi32, #tpu.memory_space<hbm>>
        %dma_start3A_28 = tpu.memref_slice %arg4[%add3A_22] : memref<323584xi32, #tpu.memory_space<hbm>> -> memref<128xi32, #tpu.memory_space<hbm>>
        tpu.enqueue_dma source(%dma_start3A_28 : memref<128xi32, #tpu.memory_space<hbm>>) target(%arg8 : memref<128xi32, #tpu.memory_space<vmem>>) target_semaphore(%run_scoped3A : memref<!tpu.dma_semaphore, #tpu.memory_space<semaphore_mem>>)
        %dma_wait3A_29 = tpu.memref_slice %arg4[%add3A_22] : memref<323584xi32, #tpu.memory_space<hbm>> -> memref<128xi32, #tpu.memory_space<hbm>>
        %dma_wait3A_30 = tpu.memref_slice %arg4[%add3A_22] : memref<323584xi32, #tpu.memory_space<hbm>> -> memref<128xi32, #tpu.memory_space<hbm>>
        tpu.wait_dma2 semaphore(%run_scoped3A : memref<!tpu.dma_semaphore, #tpu.memory_space<semaphore_mem>>) src(%dma_wait3A_30 : memref<128xi32, #tpu.memory_space<hbm>>) dst(%arg8 : memref<128xi32, #tpu.memory_space<vmem>>)
        tpu.yield
      }) : () -> ()
      %dma_start3A = arith.constant 0 : i32
      %dma_start3A_23 = arith.constant 0 : i32
      %dma_start3A_24 = tpu.memref_slice %arg2[%dma_start3A, %dma_start3A_23] : memref<10240x128xf32, #tpu.memory_space<hbm>> -> memref<10240x128xf32, #tpu.memory_space<hbm>>
      tpu.enqueue_indirect_dma source(%dma_start3A_24 : memref<10240x128xf32, #tpu.memory_space<hbm>>) target(%arg9 : memref<128x128xf32, #tpu.memory_space<vmem>>) offsets(%arg7 : memref<128xi32, #tpu.memory_space<vmem>>) semaphore(%arg11 : memref<!tpu.dma_semaphore, #tpu.memory_space<semaphore_mem>>)
      %dma_wait3A = arith.constant 0 : i32
      %dma_wait3A_25 = arith.constant 0 : i32
      %dma_wait3A_26 = tpu.memref_slice %arg2[%dma_wait3A, %dma_wait3A_25] : memref<10240x128xf32, #tpu.memory_space<hbm>> -> memref<10240x128xf32, #tpu.memory_space<hbm>>
      tpu.wait_indirect_dma semaphore(%arg11 : memref<!tpu.dma_semaphore, #tpu.memory_space<semaphore_mem>>) src(%dma_wait3A_26 : memref<10240x128xf32, #tpu.memory_space<hbm>>) dst(%arg9 : memref<128x128xf32, #tpu.memory_space<vmem>>)
      "tpu.region"() ({
        %run_scoped3A = tpu.sem_alloc : memref<!tpu.dma_semaphore, #tpu.memory_space<semaphore_mem>>
        %dma_start3A_27 = arith.constant 0 : i32
        %dma_start3A_28 = arith.constant 0 : i32
        %dma_start3A_29 = tpu.memref_slice %arg10[%dma_start3A_27, %dma_start3A_28] : memref<10240x128xf32, #tpu.memory_space<vmem_shared>> -> memref<10240x128xf32, #tpu.memory_space<vmem_shared>>
        tpu.enqueue_indirect_dma source(%arg9 : memref<128x128xf32, #tpu.memory_space<vmem>>) target(%dma_start3A_29 : memref<10240x128xf32, #tpu.memory_space<vmem_shared>>) offsets(%arg8 : memref<128xi32, #tpu.memory_space<vmem>>) semaphore(%run_scoped3A : memref<!tpu.dma_semaphore, #tpu.memory_space<semaphore_mem>>) {add = true}
        %dma_wait3A_30 = arith.constant 0 : i32
        %dma_wait3A_31 = arith.constant 0 : i32
        %dma_wait3A_32 = tpu.memref_slice %arg10[%dma_wait3A_30, %dma_wait3A_31] : memref<10240x128xf32, #tpu.memory_space<vmem_shared>> -> memref<10240x128xf32, #tpu.memory_space<vmem_shared>>
        tpu.wait_indirect_dma semaphore(%run_scoped3A : memref<!tpu.dma_semaphore, #tpu.memory_space<semaphore_mem>>) src(%arg9 : memref<128x128xf32, #tpu.memory_space<vmem>>) dst(%dma_wait3A_32 : memref<10240x128xf32, #tpu.memory_space<vmem_shared>>)
        tpu.yield
      }) : () -> ()
    }
    %scan3A_17 = arith.constant 79 : i32
    %barrier3A_18 = arith.constant 0 : index
    tpu.barrier barrier_id(%barrier3A_18)
    "tpu.region"() ({
      %run_scoped3A = tpu.sem_alloc : memref<!tpu.dma_semaphore, #tpu.memory_space<semaphore_mem>>
      %dma_start3A = arith.constant 0 : i32
      %dma_start3A_19 = tpu.memref_slice %arg6[%arg0, %mul3A_6, %dma_start3A] : memref<2x10240x128xf32, #tpu.memory_space<hbm>> -> memref<1x640x128xf32, #tpu.memory_space<hbm>>
      %dma_start3A_20 = tpu.memref_squeeze %dma_start3A_19 : memref<1x640x128xf32, #tpu.memory_space<hbm>> -> memref<640x128xf32, #tpu.memory_space<hbm>>
      %dma_start3A_21 = arith.constant 0 : i32
      %dma_start3A_22 = tpu.memref_slice %arg10[%mul3A_6, %dma_start3A_21] : memref<10240x128xf32, #tpu.memory_space<vmem_shared>> -> memref<640x128xf32, #tpu.memory_space<vmem_shared>>
      tpu.enqueue_dma source(%dma_start3A_22 : memref<640x128xf32, #tpu.memory_space<vmem_shared>>) target(%dma_start3A_20 : memref<640x128xf32, #tpu.memory_space<hbm>>) target_semaphore(%run_scoped3A : memref<!tpu.dma_semaphore, #tpu.memory_space<semaphore_mem>>)
      %dma_wait3A = arith.constant 0 : i32
      %dma_wait3A_23 = tpu.memref_slice %arg6[%arg0, %mul3A_6, %dma_wait3A] : memref<2x10240x128xf32, #tpu.memory_space<hbm>> -> memref<1x640x128xf32, #tpu.memory_space<hbm>>
      %dma_wait3A_24 = tpu.memref_squeeze %dma_wait3A_23 : memref<1x640x128xf32, #tpu.memory_space<hbm>> -> memref<640x128xf32, #tpu.memory_space<hbm>>
      %dma_wait3A_25 = arith.constant 0 : i32
      %dma_wait3A_26 = tpu.memref_slice %arg10[%mul3A_6, %dma_wait3A_25] : memref<10240x128xf32, #tpu.memory_space<vmem_shared>> -> memref<640x128xf32, #tpu.memory_space<vmem_shared>>
      tpu.wait_dma2 semaphore(%run_scoped3A : memref<!tpu.dma_semaphore, #tpu.memory_space<semaphore_mem>>) src(%dma_wait3A_26 : memref<640x128xf32, #tpu.memory_space<vmem_shared>>) dst(%dma_wait3A_24 : memref<640x128xf32, #tpu.memory_space<hbm>>)
      tpu.yield
    }) : () -> ()
    return
  }
}

#map = affine_map<(d0, d1) -> (0, 0)>
#map1 = affine_map<(d0, d1) -> (0)>
#map2 = affine_map<(d0, d1) -> (0, 0, 0)>
module attributes {stable_mosaic.version = 14 : i64} {
  func.func @_scatter_body(%arg0: i32, %arg1: i32, %arg2: memref<10240x128xf32, #tpu.memory_space<hbm>>, %arg3: memref<323584xi32, #tpu.memory_space<hbm>>, %arg4: memref<323584xi32, #tpu.memory_space<hbm>>, %arg5: memref<10240x128xf32, #tpu.memory_space<hbm>>, %arg6: memref<2x10240x128xf32, #tpu.memory_space<hbm>>, %arg7: memref<128xi32, #tpu.memory_space<vmem>>, %arg8: memref<128xi32, #tpu.memory_space<vmem>>, %arg9: memref<128x128xf32, #tpu.memory_space<vmem>>, %arg10: memref<10240x128xf32, #tpu.memory_space<vmem_shared>>, %arg11: memref<!tpu.dma_semaphore, #tpu.memory_space<semaphore_mem>>) attributes {dimension_semantics = [#tpu.dimension_semantics<core_parallel>, #tpu.dimension_semantics<subcore_parallel>], iteration_bounds = array<i64: 2, 16>, scalar_prefetch = 0 : i64, scratch_operands = 5 : i64, tpu.core_type = #tpu.core_type<sc_vector_subcore>, window_params = [{transform_indices = #map}, {transform_indices = #map1}, {transform_indices = #map1}, {transform_indices = #map}, {transform_indices = #map2}]} {
    %mul3A = arith.constant 2 : i32
    %mul3A_0 = arith.muli %arg1, %mul3A : i32
    %add3A = arith.addi %mul3A_0, %arg0 : i32
    %mul3A_1 = arith.constant 79 : i32
    %mul3A_2 = arith.muli %add3A, %mul3A_1 : i32
    %mul3A_3 = arith.constant 128 : i32
    %mul3A_4 = arith.muli %mul3A_2, %mul3A_3 : i32
    %mul3A_5 = arith.constant 640 : i32
    %mul3A_6 = arith.muli %arg1, %mul3A_5 : i32
    %eq3A = arith.constant 0 : i32
    %eq3A_7 = arith.cmpi eq, %arg0, %eq3A : i32
    %convert_element_type3A = arith.extui %eq3A_7 : i1 to i32
    %cond3A = arith.constant 0 : i32
    %cond3A_8 = arith.cmpi ne, %convert_element_type3A, %cond3A : i32
    scf.if %cond3A_8 {
      "tpu.region"() ({
        %run_scoped3A = tpu.sem_alloc : memref<!tpu.dma_semaphore, #tpu.memory_space<semaphore_mem>>
        %dma_start3A = arith.constant 0 : i32
        %dma_start3A_19 = tpu.memref_slice %arg10[%mul3A_6, %dma_start3A] : memref<10240x128xf32, #tpu.memory_space<vmem_shared>> -> memref<640x128xf32, #tpu.memory_space<vmem_shared>>
        %dma_start3A_20 = arith.constant 0 : i32
        %dma_start3A_21 = tpu.memref_slice %arg2[%mul3A_6, %dma_start3A_20] : memref<10240x128xf32, #tpu.memory_space<hbm>> -> memref<640x128xf32, #tpu.memory_space<hbm>>
        tpu.enqueue_dma source(%dma_start3A_21 : memref<640x128xf32, #tpu.memory_space<hbm>>) target(%dma_start3A_19 : memref<640x128xf32, #tpu.memory_space<vmem_shared>>) target_semaphore(%run_scoped3A : memref<!tpu.dma_semaphore, #tpu.memory_space<semaphore_mem>>)
        %dma_wait3A = arith.constant 0 : i32
        %dma_wait3A_22 = tpu.memref_slice %arg10[%mul3A_6, %dma_wait3A] : memref<10240x128xf32, #tpu.memory_space<vmem_shared>> -> memref<640x128xf32, #tpu.memory_space<vmem_shared>>
        %dma_wait3A_23 = arith.constant 0 : i32
        %dma_wait3A_24 = tpu.memref_slice %arg2[%mul3A_6, %dma_wait3A_23] : memref<10240x128xf32, #tpu.memory_space<hbm>> -> memref<640x128xf32, #tpu.memory_space<hbm>>
        tpu.wait_dma2 semaphore(%run_scoped3A : memref<!tpu.dma_semaphore, #tpu.memory_space<semaphore_mem>>) src(%dma_wait3A_24 : memref<640x128xf32, #tpu.memory_space<hbm>>) dst(%dma_wait3A_22 : memref<640x128xf32, #tpu.memory_space<vmem_shared>>)
        tpu.yield
      }) : () -> ()
    } else {
    }
    %ne3A = arith.constant 0 : i32
    %ne3A_9 = arith.cmpi ne, %arg0, %ne3A : i32
    %convert_element_type3A_10 = arith.extui %ne3A_9 : i1 to i32
    %cond3A_11 = arith.constant 0 : i32
    %cond3A_12 = arith.cmpi ne, %convert_element_type3A_10, %cond3A_11 : i32
    scf.if %cond3A_12 {
      "tpu.region"() ({
        %run_scoped3A = tpu.sem_alloc : memref<!tpu.dma_semaphore, #tpu.memory_space<semaphore_mem>>
        %dma_start3A = arith.constant 0 : i32
        %dma_start3A_19 = tpu.memref_slice %arg10[%mul3A_6, %dma_start3A] : memref<10240x128xf32, #tpu.memory_space<vmem_shared>> -> memref<640x128xf32, #tpu.memory_space<vmem_shared>>
        %dma_start3A_20 = arith.constant 0 : i32
        %dma_start3A_21 = tpu.memref_slice %arg5[%mul3A_6, %dma_start3A_20] : memref<10240x128xf32, #tpu.memory_space<hbm>> -> memref<640x128xf32, #tpu.memory_space<hbm>>
        tpu.enqueue_dma source(%dma_start3A_21 : memref<640x128xf32, #tpu.memory_space<hbm>>) target(%dma_start3A_19 : memref<640x128xf32, #tpu.memory_space<vmem_shared>>) target_semaphore(%run_scoped3A : memref<!tpu.dma_semaphore, #tpu.memory_space<semaphore_mem>>)
        %dma_wait3A = arith.constant 0 : i32
        %dma_wait3A_22 = tpu.memref_slice %arg10[%mul3A_6, %dma_wait3A] : memref<10240x128xf32, #tpu.memory_space<vmem_shared>> -> memref<640x128xf32, #tpu.memory_space<vmem_shared>>
        %dma_wait3A_23 = arith.constant 0 : i32
        %dma_wait3A_24 = tpu.memref_slice %arg5[%mul3A_6, %dma_wait3A_23] : memref<10240x128xf32, #tpu.memory_space<hbm>> -> memref<640x128xf32, #tpu.memory_space<hbm>>
        tpu.wait_dma2 semaphore(%run_scoped3A : memref<!tpu.dma_semaphore, #tpu.memory_space<semaphore_mem>>) src(%dma_wait3A_24 : memref<640x128xf32, #tpu.memory_space<hbm>>) dst(%dma_wait3A_22 : memref<640x128xf32, #tpu.memory_space<vmem_shared>>)
        tpu.yield
      }) : () -> ()
    } else {
    }
    %barrier3A = arith.constant 0 : index
    tpu.barrier barrier_id(%barrier3A)
    %scan3A = arith.constant 0 : i32
    %scan3A_13 = arith.constant 0 : i32
    %scan3A_14 = arith.constant 79 : i32
    %scan3A_15 = arith.addi %scan3A_13, %scan3A_14 : i32
    %scan3A_16 = arith.constant 1 : i32
    scf.for %scan3A_19 = %scan3A_13 to %scan3A_15 step %scan3A_16  : i32 {
      %mul3A_20 = arith.constant 128 : i32
      %mul3A_21 = arith.muli %scan3A_19, %mul3A_20 : i32
      %add3A_22 = arith.addi %mul3A_4, %mul3A_21 : i32
      "tpu.region"() ({
        %run_scoped3A = tpu.sem_alloc : memref<!tpu.dma_semaphore, #tpu.memory_space<semaphore_mem>>
        %dma_start3A_27 = tpu.memref_slice %arg3[%add3A_22] : memref<323584xi32, #tpu.memory_space<hbm>> -> memref<128xi32, #tpu.memory_space<hbm>>
        %dma_start3A_28 = tpu.memref_slice %arg3[%add3A_22] : memref<323584xi32, #tpu.memory_space<hbm>> -> memref<128xi32, #tpu.memory_space<hbm>>
        tpu.enqueue_dma source(%dma_start3A_28 : memref<128xi32, #tpu.memory_space<hbm>>) target(%arg7 : memref<128xi32, #tpu.memory_space<vmem>>) target_semaphore(%run_scoped3A : memref<!tpu.dma_semaphore, #tpu.memory_space<semaphore_mem>>)
        %dma_wait3A_29 = tpu.memref_slice %arg3[%add3A_22] : memref<323584xi32, #tpu.memory_space<hbm>> -> memref<128xi32, #tpu.memory_space<hbm>>
        %dma_wait3A_30 = tpu.memref_slice %arg3[%add3A_22] : memref<323584xi32, #tpu.memory_space<hbm>> -> memref<128xi32, #tpu.memory_space<hbm>>
        tpu.wait_dma2 semaphore(%run_scoped3A : memref<!tpu.dma_semaphore, #tpu.memory_space<semaphore_mem>>) src(%dma_wait3A_30 : memref<128xi32, #tpu.memory_space<hbm>>) dst(%arg7 : memref<128xi32, #tpu.memory_space<vmem>>)
        tpu.yield
      }) : () -> ()
      "tpu.region"() ({
        %run_scoped3A = tpu.sem_alloc : memref<!tpu.dma_semaphore, #tpu.memory_space<semaphore_mem>>
        %dma_start3A_27 = tpu.memref_slice %arg4[%add3A_22] : memref<323584xi32, #tpu.memory_space<hbm>> -> memref<128xi32, #tpu.memory_space<hbm>>
        %dma_start3A_28 = tpu.memref_slice %arg4[%add3A_22] : memref<323584xi32, #tpu.memory_space<hbm>> -> memref<128xi32, #tpu.memory_space<hbm>>
        tpu.enqueue_dma source(%dma_start3A_28 : memref<128xi32, #tpu.memory_space<hbm>>) target(%arg8 : memref<128xi32, #tpu.memory_space<vmem>>) target_semaphore(%run_scoped3A : memref<!tpu.dma_semaphore, #tpu.memory_space<semaphore_mem>>)
        %dma_wait3A_29 = tpu.memref_slice %arg4[%add3A_22] : memref<323584xi32, #tpu.memory_space<hbm>> -> memref<128xi32, #tpu.memory_space<hbm>>
        %dma_wait3A_30 = tpu.memref_slice %arg4[%add3A_22] : memref<323584xi32, #tpu.memory_space<hbm>> -> memref<128xi32, #tpu.memory_space<hbm>>
        tpu.wait_dma2 semaphore(%run_scoped3A : memref<!tpu.dma_semaphore, #tpu.memory_space<semaphore_mem>>) src(%dma_wait3A_30 : memref<128xi32, #tpu.memory_space<hbm>>) dst(%arg8 : memref<128xi32, #tpu.memory_space<vmem>>)
        tpu.yield
      }) : () -> ()
      %dma_start3A = arith.constant 0 : i32
      %dma_start3A_23 = arith.constant 0 : i32
      %dma_start3A_24 = tpu.memref_slice %arg2[%dma_start3A, %dma_start3A_23] : memref<10240x128xf32, #tpu.memory_space<hbm>> -> memref<10240x128xf32, #tpu.memory_space<hbm>>
      tpu.enqueue_indirect_dma source(%dma_start3A_24 : memref<10240x128xf32, #tpu.memory_space<hbm>>) target(%arg9 : memref<128x128xf32, #tpu.memory_space<vmem>>) offsets(%arg7 : memref<128xi32, #tpu.memory_space<vmem>>) semaphore(%arg11 : memref<!tpu.dma_semaphore, #tpu.memory_space<semaphore_mem>>)
      %dma_wait3A = arith.constant 0 : i32
      %dma_wait3A_25 = arith.constant 0 : i32
      %dma_wait3A_26 = tpu.memref_slice %arg2[%dma_wait3A, %dma_wait3A_25] : memref<10240x128xf32, #tpu.memory_space<hbm>> -> memref<10240x128xf32, #tpu.memory_space<hbm>>
      tpu.wait_indirect_dma semaphore(%arg11 : memref<!tpu.dma_semaphore, #tpu.memory_space<semaphore_mem>>) src(%dma_wait3A_26 : memref<10240x128xf32, #tpu.memory_space<hbm>>) dst(%arg9 : memref<128x128xf32, #tpu.memory_space<vmem>>)
      "tpu.region"() ({
        %run_scoped3A = tpu.sem_alloc : memref<!tpu.dma_semaphore, #tpu.memory_space<semaphore_mem>>
        %dma_start3A_27 = arith.constant 0 : i32
        %dma_start3A_28 = arith.constant 0 : i32
        %dma_start3A_29 = tpu.memref_slice %arg10[%dma_start3A_27, %dma_start3A_28] : memref<10240x128xf32, #tpu.memory_space<vmem_shared>> -> memref<10240x128xf32, #tpu.memory_space<vmem_shared>>
        tpu.enqueue_indirect_dma source(%arg9 : memref<128x128xf32, #tpu.memory_space<vmem>>) target(%dma_start3A_29 : memref<10240x128xf32, #tpu.memory_space<vmem_shared>>) offsets(%arg8 : memref<128xi32, #tpu.memory_space<vmem>>) semaphore(%run_scoped3A : memref<!tpu.dma_semaphore, #tpu.memory_space<semaphore_mem>>) {add = true}
        %dma_wait3A_30 = arith.constant 0 : i32
        %dma_wait3A_31 = arith.constant 0 : i32
        %dma_wait3A_32 = tpu.memref_slice %arg10[%dma_wait3A_30, %dma_wait3A_31] : memref<10240x128xf32, #tpu.memory_space<vmem_shared>> -> memref<10240x128xf32, #tpu.memory_space<vmem_shared>>
        tpu.wait_indirect_dma semaphore(%run_scoped3A : memref<!tpu.dma_semaphore, #tpu.memory_space<semaphore_mem>>) src(%arg9 : memref<128x128xf32, #tpu.memory_space<vmem>>) dst(%dma_wait3A_32 : memref<10240x128xf32, #tpu.memory_space<vmem_shared>>)
        tpu.yield
      }) : () -> ()
    }
    %scan3A_17 = arith.constant 79 : i32
    %barrier3A_18 = arith.constant 0 : index
    tpu.barrier barrier_id(%barrier3A_18)
    "tpu.region"() ({
      %run_scoped3A = tpu.sem_alloc : memref<!tpu.dma_semaphore, #tpu.memory_space<semaphore_mem>>
      %dma_start3A = arith.constant 0 : i32
      %dma_start3A_19 = tpu.memref_slice %arg6[%arg0, %mul3A_6, %dma_start3A] : memref<2x10240x128xf32, #tpu.memory_space<hbm>> -> memref<1x640x128xf32, #tpu.memory_space<hbm>>
      %dma_start3A_20 = tpu.memref_squeeze %dma_start3A_19 : memref<1x640x128xf32, #tpu.memory_space<hbm>> -> memref<640x128xf32, #tpu.memory_space<hbm>>
      %dma_start3A_21 = arith.constant 0 : i32
      %dma_start3A_22 = tpu.memref_slice %arg10[%mul3A_6, %dma_start3A_21] : memref<10240x128xf32, #tpu.memory_space<vmem_shared>> -> memref<640x128xf32, #tpu.memory_space<vmem_shared>>
      tpu.enqueue_dma source(%dma_start3A_22 : memref<640x128xf32, #tpu.memory_space<vmem_shared>>) target(%dma_start3A_20 : memref<640x128xf32, #tpu.memory_space<hbm>>) target_semaphore(%run_scoped3A : memref<!tpu.dma_semaphore, #tpu.memory_space<semaphore_mem>>)
      %dma_wait3A = arith.constant 0 : i32
      %dma_wait3A_23 = tpu.memref_slice %arg6[%arg0, %mul3A_6, %dma_wait3A] : memref<2x10240x128xf32, #tpu.memory_space<hbm>> -> memref<1x640x128xf32, #tpu.memory_space<hbm>>
      %dma_wait3A_24 = tpu.memref_squeeze %dma_wait3A_23 : memref<1x640x128xf32, #tpu.memory_space<hbm>> -> memref<640x128xf32, #tpu.memory_space<hbm>>
      %dma_wait3A_25 = arith.constant 0 : i32
      %dma_wait3A_26 = tpu.memref_slice %arg10[%mul3A_6, %dma_wait3A_25] : memref<10240x128xf32, #tpu.memory_space<vmem_shared>> -> memref<640x128xf32, #tpu.memory_space<vmem_shared>>
      tpu.wait_dma2 semaphore(%run_scoped3A : memref<!tpu.dma_semaphore, #tpu.memory_space<semaphore_mem>>) src(%dma_wait3A_26 : memref<640x128xf32, #tpu.memory_space<vmem_shared>>) dst(%dma_wait3A_24 : memref<640x128xf32, #tpu.memory_space<hbm>>)
      tpu.yield
    }) : () -> ()
    return
  }
}

#map = affine_map<(d0, d1) -> (0)>
module attributes {stable_mosaic.version = 14 : i64} {
  func.func @_gather_body(%arg0: i32, %arg1: i32, %arg2: memref<10240xf32, #tpu.memory_space<hbm>>, %arg3: memref<256xi32, #tpu.memory_space<hbm>>, %arg4: memref<256xf32, #tpu.memory_space<hbm>>, %arg5: memref<8xi32, #tpu.memory_space<vmem>>, %arg6: memref<8xf32, #tpu.memory_space<vmem>>, %arg7: memref<!tpu.dma_semaphore, #tpu.memory_space<semaphore_mem>>) attributes {dimension_semantics = [#tpu.dimension_semantics<core_parallel>, #tpu.dimension_semantics<subcore_parallel>], iteration_bounds = array<i64: 2, 16>, scalar_prefetch = 0 : i64, scratch_operands = 3 : i64, tpu.core_type = #tpu.core_type<sc_vector_subcore>, window_params = [{transform_indices = #map}, {transform_indices = #map}, {transform_indices = #map}]} {
    %mul3A = arith.constant 2 : i32
    %mul3A_0 = arith.muli %arg1, %mul3A : i32
    %add3A = arith.addi %mul3A_0, %arg0 : i32
    %mul3A_1 = arith.constant 8 : i32
    %mul3A_2 = arith.muli %add3A, %mul3A_1 : i32
    "tpu.region"() ({
      %run_scoped3A = tpu.sem_alloc : memref<!tpu.dma_semaphore, #tpu.memory_space<semaphore_mem>>
      %dma_start3A_5 = tpu.memref_slice %arg3[%mul3A_2] : memref<256xi32, #tpu.memory_space<hbm>> -> memref<8xi32, #tpu.memory_space<hbm>>
      %dma_start3A_6 = tpu.memref_slice %arg3[%mul3A_2] : memref<256xi32, #tpu.memory_space<hbm>> -> memref<8xi32, #tpu.memory_space<hbm>>
      tpu.enqueue_dma source(%dma_start3A_6 : memref<8xi32, #tpu.memory_space<hbm>>) target(%arg5 : memref<8xi32, #tpu.memory_space<vmem>>) target_semaphore(%run_scoped3A : memref<!tpu.dma_semaphore, #tpu.memory_space<semaphore_mem>>)
      %dma_wait3A_7 = tpu.memref_slice %arg3[%mul3A_2] : memref<256xi32, #tpu.memory_space<hbm>> -> memref<8xi32, #tpu.memory_space<hbm>>
      %dma_wait3A_8 = tpu.memref_slice %arg3[%mul3A_2] : memref<256xi32, #tpu.memory_space<hbm>> -> memref<8xi32, #tpu.memory_space<hbm>>
      tpu.wait_dma2 semaphore(%run_scoped3A : memref<!tpu.dma_semaphore, #tpu.memory_space<semaphore_mem>>) src(%dma_wait3A_8 : memref<8xi32, #tpu.memory_space<hbm>>) dst(%arg5 : memref<8xi32, #tpu.memory_space<vmem>>)
      tpu.yield
    }) : () -> ()
    %dma_start3A = arith.constant 0 : i32
    %dma_start3A_3 = tpu.memref_slice %arg2[%dma_start3A] : memref<10240xf32, #tpu.memory_space<hbm>> -> memref<10240xf32, #tpu.memory_space<hbm>>
    tpu.enqueue_indirect_dma source(%dma_start3A_3 : memref<10240xf32, #tpu.memory_space<hbm>>) target(%arg6 : memref<8xf32, #tpu.memory_space<vmem>>) offsets(%arg5 : memref<8xi32, #tpu.memory_space<vmem>>) semaphore(%arg7 : memref<!tpu.dma_semaphore, #tpu.memory_space<semaphore_mem>>)
    %dma_wait3A = arith.constant 0 : i32
    %dma_wait3A_4 = tpu.memref_slice %arg2[%dma_wait3A] : memref<10240xf32, #tpu.memory_space<hbm>> -> memref<10240xf32, #tpu.memory_space<hbm>>
    tpu.wait_indirect_dma semaphore(%arg7 : memref<!tpu.dma_semaphore, #tpu.memory_space<semaphore_mem>>) src(%dma_wait3A_4 : memref<10240xf32, #tpu.memory_space<hbm>>) dst(%arg6 : memref<8xf32, #tpu.memory_space<vmem>>)
    "tpu.region"() ({
      %run_scoped3A = tpu.sem_alloc : memref<!tpu.dma_semaphore, #tpu.memory_space<semaphore_mem>>
      %dma_start3A_5 = tpu.memref_slice %arg4[%mul3A_2] : memref<256xf32, #tpu.memory_space<hbm>> -> memref<8xf32, #tpu.memory_space<hbm>>
      %dma_start3A_6 = tpu.memref_slice %arg4[%mul3A_2] : memref<256xf32, #tpu.memory_space<hbm>> -> memref<8xf32, #tpu.memory_space<hbm>>
      tpu.enqueue_dma source(%arg6 : memref<8xf32, #tpu.memory_space<vmem>>) target(%dma_start3A_6 : memref<8xf32, #tpu.memory_space<hbm>>) target_semaphore(%run_scoped3A : memref<!tpu.dma_semaphore, #tpu.memory_space<semaphore_mem>>)
      %dma_wait3A_7 = tpu.memref_slice %arg4[%mul3A_2] : memref<256xf32, #tpu.memory_space<hbm>> -> memref<8xf32, #tpu.memory_space<hbm>>
      %dma_wait3A_8 = tpu.memref_slice %arg4[%mul3A_2] : memref<256xf32, #tpu.memory_space<hbm>> -> memref<8xf32, #tpu.memory_space<hbm>>
      tpu.wait_dma2 semaphore(%run_scoped3A : memref<!tpu.dma_semaphore, #tpu.memory_space<semaphore_mem>>) src(%arg6 : memref<8xf32, #tpu.memory_space<vmem>>) dst(%dma_wait3A_8 : memref<8xf32, #tpu.memory_space<hbm>>)
      tpu.yield
    }) : () -> ()
    return
  }
}

module attributes {stable_mosaic.version = 14 : i64} {
  func.func @_first_layer_body(%arg0: i32, %arg1: memref<512x128xf32, #tpu.memory_space<vmem>>, %arg2: memref<2x512x128xf32, #tpu.memory_space<vmem>>, %arg3: memref<128x128xf32, #tpu.memory_space<vmem>>, %arg4: memref<512x128xf32, #tpu.memory_space<vmem>>) attributes {dimension_semantics = [#tpu.dimension_semantics<arbitrary>], iteration_bounds = array<i64: 20>, scalar_prefetch = 0 : i64, scratch_operands = 0 : i64, tpu.core_type = #tpu.core_type<tc>, window_params = [{transform_indices = @transform_0, window_bounds = array<i64: 512, 128>}, {transform_indices = @transform_1, window_bounds = array<i64: 2, 512, 128>}, {pipeline_mode = #tpu.pipeline_mode<synchronous>, transform_indices = @transform_2, window_bounds = array<i64: 128, 128>}, {transform_indices = @transform_3, window_bounds = array<i64: 512, 128>}]} {
    %get3A = arith.constant 0 : index
    %get3A_0 = arith.constant 0 : index
    %get3A_1 = arith.constant 0 : index
    %get3A_2 = vector.load %arg2[%get3A, %get3A_0, %get3A_1] : memref<2x512x128xf32, #tpu.memory_space<vmem>>, vector<1x512x128xf32>
    %get3A_3 = vector.shape_cast %get3A_2 : vector<1x512x128xf32> to vector<512x128xf32>
    %slice3A = vector.extract_strided_slice %get3A_3 {offsets = [0, 0], sizes = [512, 1], strides = [1, 1]} : vector<512x128xf32> to vector<512x1xf32>
    %get3A_4 = arith.constant 1 : index
    %get3A_5 = arith.constant 0 : index
    %get3A_6 = arith.constant 0 : index
    %get3A_7 = vector.load %arg2[%get3A_4, %get3A_5, %get3A_6] : memref<2x512x128xf32, #tpu.memory_space<vmem>>, vector<1x512x128xf32>
    %get3A_8 = vector.shape_cast %get3A_7 : vector<1x512x128xf32> to vector<512x128xf32>
    %slice3A_9 = vector.extract_strided_slice %get3A_8 {offsets = [0, 0], sizes = [512, 1], strides = [1, 1]} : vector<512x128xf32> to vector<512x1xf32>
    %add3A = arith.addf %slice3A, %slice3A_9 : vector<512x1xf32>
    %add3A_10 = arith.constant 1.000000e+00 : f32
    %add3A_11 = vector.broadcast %add3A_10 : f32 to vector<512x1xf32>
    %add3A_12 = arith.addf %add3A, %add3A_11 : vector<512x1xf32>
    %rsqrt3A = math.rsqrt %add3A_12 : vector<512x1xf32>
    %get3A_13 = arith.constant 0 : index
    %get3A_14 = arith.constant 0 : index
    %get3A_15 = vector.load %arg1[%get3A_13, %get3A_14] : memref<512x128xf32, #tpu.memory_space<vmem>>, vector<512x128xf32>
    %get3A_16 = arith.constant 0 : index
    %get3A_17 = arith.constant 0 : index
    %get3A_18 = vector.load %arg3[%get3A_16, %get3A_17] : memref<128x128xf32, #tpu.memory_space<vmem>>, vector<128x128xf32>
    %dot_general3A = arith.constant dense<0.000000e+00> : vector<512x128xf32>
    %dot_general3A_19 = tpu.matmul %get3A_15, %get3A_18, %dot_general3A {dimension_numbers = #tpu.dot_dimension_numbers<[1], [0], [0], [1], [0, 0, 1, 1], [], []>, transpose_lhs_hint = false} : vector<512x128xf32>, vector<128x128xf32>, vector<512x128xf32> -> vector<512x128xf32>
    %mul3A = vector.broadcast %rsqrt3A : vector<512x1xf32> to vector<512x128xf32>
    %mul3A_20 = arith.mulf %dot_general3A_19, %mul3A : vector<512x128xf32>
    %swap3A = arith.constant 0 : index
    %swap3A_21 = arith.constant 0 : index
    %swap3A_22 = vector.load %arg4[%swap3A, %swap3A_21] : memref<512x128xf32, #tpu.memory_space<vmem>>, vector<512x128xf32>
    tpu.vector_store %arg4[%swap3A, %swap3A_21], %mul3A_20 {strides = array<i32>} : memref<512x128xf32, #tpu.memory_space<vmem>>, vector<512x128xf32>,
    return
  }
  func.func @transform_0(%arg0: i32) -> (i32, i32) {
    %c0_i32 = arith.constant 0 : i32
    %c0_i32_0 = arith.constant 0 : i32
    return %arg0, %c0_i32 : i32, i32
  }
  func.func @transform_1(%arg0: i32) -> (i32, i32, i32) {
    %c0_i32 = arith.constant 0 : i32
    %c0_i32_0 = arith.constant 0 : i32
    %c0_i32_1 = arith.constant 0 : i32
    return %c0_i32, %arg0, %c0_i32_0 : i32, i32, i32
  }
  func.func @transform_2(%arg0: i32) -> (i32, i32) {
    %c0_i32 = arith.constant 0 : i32
    %c0_i32_0 = arith.constant 0 : i32
    %c0_i32_1 = arith.constant 0 : i32
    return %c0_i32, %c0_i32_0 : i32, i32
  }
  func.func @transform_3(%arg0: i32) -> (i32, i32) {
    %c0_i32 = arith.constant 0 : i32
    %c0_i32_0 = arith.constant 0 : i32
    return %arg0, %c0_i32 : i32, i32
  }
}

module attributes {stable_mosaic.version = 14 : i64} {
  func.func @_mid_layer_body(%arg0: i32, %arg1: memref<2x512x128xf32, #tpu.memory_space<vmem>>, %arg2: memref<2x512x128xf32, #tpu.memory_space<vmem>>, %arg3: memref<128x128xf32, #tpu.memory_space<vmem>>, %arg4: memref<1x128xf32, #tpu.memory_space<vmem>>, %arg5: memref<512x128xf32, #tpu.memory_space<vmem>>) attributes {dimension_semantics = [#tpu.dimension_semantics<arbitrary>], iteration_bounds = array<i64: 20>, scalar_prefetch = 0 : i64, scratch_operands = 0 : i64, tpu.core_type = #tpu.core_type<tc>, window_params = [{transform_indices = @transform_0, window_bounds = array<i64: 2, 512, 128>}, {transform_indices = @transform_1, window_bounds = array<i64: 2, 512, 128>}, {pipeline_mode = #tpu.pipeline_mode<synchronous>, transform_indices = @transform_2, window_bounds = array<i64: 128, 128>}, {pipeline_mode = #tpu.pipeline_mode<synchronous>, transform_indices = @transform_3, window_bounds = array<i64: 1, 128>}, {transform_indices = @transform_4, window_bounds = array<i64: 512, 128>}]} {
    %get3A = arith.constant 0 : index
    %get3A_0 = arith.constant 0 : index
    %get3A_1 = arith.constant 0 : index
    %get3A_2 = vector.load %arg2[%get3A, %get3A_0, %get3A_1] : memref<2x512x128xf32, #tpu.memory_space<vmem>>, vector<1x512x128xf32>
    %get3A_3 = vector.shape_cast %get3A_2 : vector<1x512x128xf32> to vector<512x128xf32>
    %slice3A = vector.extract_strided_slice %get3A_3 {offsets = [0, 0], sizes = [512, 1], strides = [1, 1]} : vector<512x128xf32> to vector<512x1xf32>
    %get3A_4 = arith.constant 1 : index
    %get3A_5 = arith.constant 0 : index
    %get3A_6 = arith.constant 0 : index
    %get3A_7 = vector.load %arg2[%get3A_4, %get3A_5, %get3A_6] : memref<2x512x128xf32, #tpu.memory_space<vmem>>, vector<1x512x128xf32>
    %get3A_8 = vector.shape_cast %get3A_7 : vector<1x512x128xf32> to vector<512x128xf32>
    %slice3A_9 = vector.extract_strided_slice %get3A_8 {offsets = [0, 0], sizes = [512, 1], strides = [1, 1]} : vector<512x128xf32> to vector<512x1xf32>
    %add3A = arith.addf %slice3A, %slice3A_9 : vector<512x1xf32>
    %add3A_10 = arith.constant 1.000000e+00 : f32
    %add3A_11 = vector.broadcast %add3A_10 : f32 to vector<512x1xf32>
    %add3A_12 = arith.addf %add3A, %add3A_11 : vector<512x1xf32>
    %rsqrt3A = math.rsqrt %add3A_12 : vector<512x1xf32>
    %get3A_13 = arith.constant 0 : index
    %get3A_14 = arith.constant 0 : index
    %get3A_15 = arith.constant 0 : index
    %get3A_16 = vector.load %arg1[%get3A_13, %get3A_14, %get3A_15] : memref<2x512x128xf32, #tpu.memory_space<vmem>>, vector<1x512x128xf32>
    %get3A_17 = vector.shape_cast %get3A_16 : vector<1x512x128xf32> to vector<512x128xf32>
    %get3A_18 = arith.constant 1 : index
    %get3A_19 = arith.constant 0 : index
    %get3A_20 = arith.constant 0 : index
    %get3A_21 = vector.load %arg1[%get3A_18, %get3A_19, %get3A_20] : memref<2x512x128xf32, #tpu.memory_space<vmem>>, vector<1x512x128xf32>
    %get3A_22 = vector.shape_cast %get3A_21 : vector<1x512x128xf32> to vector<512x128xf32>
    %add3A_23 = arith.addf %get3A_17, %get3A_22 : vector<512x128xf32>
    %mul3A = vector.broadcast %rsqrt3A : vector<512x1xf32> to vector<512x128xf32>
    %mul3A_24 = arith.mulf %add3A_23, %mul3A : vector<512x128xf32>
    %get3A_25 = arith.constant 0 : index
    %get3A_26 = arith.constant 0 : index
    %get3A_27 = vector.load %arg4[%get3A_25, %get3A_26] : memref<1x128xf32, #tpu.memory_space<vmem>>, vector<1x128xf32>
    %add3A_28 = vector.broadcast %get3A_27 : vector<1x128xf32> to vector<512x128xf32>
    %add3A_29 = arith.addf %mul3A_24, %add3A_28 : vector<512x128xf32>
    %max3A = arith.constant 0.000000e+00 : f32
    %max3A_30 = vector.broadcast %max3A : f32 to vector<512x128xf32>
    %max3A_31 = arith.maximumf %add3A_29, %max3A_30 : vector<512x128xf32>
    %get3A_32 = arith.constant 0 : index
    %get3A_33 = arith.constant 0 : index
    %get3A_34 = vector.load %arg3[%get3A_32, %get3A_33] : memref<128x128xf32, #tpu.memory_space<vmem>>, vector<128x128xf32>
    %dot_general3A = arith.constant dense<0.000000e+00> : vector<512x128xf32>
    %dot_general3A_35 = tpu.matmul %max3A_31, %get3A_34, %dot_general3A {dimension_numbers = #tpu.dot_dimension_numbers<[1], [0], [0], [1], [0, 0, 1, 1], [], []>, transpose_lhs_hint = false} : vector<512x128xf32>, vector<128x128xf32>, vector<512x128xf32> -> vector<512x128xf32>
    %mul3A_36 = vector.broadcast %rsqrt3A : vector<512x1xf32> to vector<512x128xf32>
    %mul3A_37 = arith.mulf %dot_general3A_35, %mul3A_36 : vector<512x128xf32>
    %swap3A = arith.constant 0 : index
    %swap3A_38 = arith.constant 0 : index
    %swap3A_39 = vector.load %arg5[%swap3A, %swap3A_38] : memref<512x128xf32, #tpu.memory_space<vmem>>, vector<512x128xf32>
    tpu.vector_store %arg5[%swap3A, %swap3A_38], %mul3A_37 {strides = array<i32>} : memref<512x128xf32, #tpu.memory_space<vmem>>, vector<512x128xf32>,
    return
  }
  func.func @transform_0(%arg0: i32) -> (i32, i32, i32) {
    %c0_i32 = arith.constant 0 : i32
    %c0_i32_0 = arith.constant 0 : i32
    %c0_i32_1 = arith.constant 0 : i32
    return %c0_i32, %arg0, %c0_i32_0 : i32, i32, i32
  }
  func.func @transform_1(%arg0: i32) -> (i32, i32, i32) {
    %c0_i32 = arith.constant 0 : i32
    %c0_i32_0 = arith.constant 0 : i32
    %c0_i32_1 = arith.constant 0 : i32
    return %c0_i32, %arg0, %c0_i32_0 : i32, i32, i32
  }
  func.func @transform_2(%arg0: i32) -> (i32, i32) {
    %c0_i32 = arith.constant 0 : i32
    %c0_i32_0 = arith.constant 0 : i32
    %c0_i32_1 = arith.constant 0 : i32
    return %c0_i32, %c0_i32_0 : i32, i32
  }
  func.func @transform_3(%arg0: i32) -> (i32, i32) {
    %c0_i32 = arith.constant 0 : i32
    %c0_i32_0 = arith.constant 0 : i32
    %c0_i32_1 = arith.constant 0 : i32
    return %c0_i32, %c0_i32_0 : i32, i32
  }
  func.func @transform_4(%arg0: i32) -> (i32, i32) {
    %c0_i32 = arith.constant 0 : i32
    %c0_i32_0 = arith.constant 0 : i32
    return %arg0, %c0_i32 : i32, i32
  }
}

module attributes {stable_mosaic.version = 14 : i64} {
  func.func @_rowsum_body(%arg0: i32, %arg1: memref<2x512x128xf32, #tpu.memory_space<vmem>>, %arg2: memref<2x512x128xf32, #tpu.memory_space<vmem>>, %arg3: memref<1x128xf32, #tpu.memory_space<vmem>>, %arg4: memref<512x1xf32, #tpu.memory_space<vmem>>) attributes {dimension_semantics = [#tpu.dimension_semantics<arbitrary>], iteration_bounds = array<i64: 20>, scalar_prefetch = 0 : i64, scratch_operands = 0 : i64, tpu.core_type = #tpu.core_type<tc>, window_params = [{transform_indices = @transform_0, window_bounds = array<i64: 2, 512, 128>}, {transform_indices = @transform_1, window_bounds = array<i64: 2, 512, 128>}, {pipeline_mode = #tpu.pipeline_mode<synchronous>, transform_indices = @transform_2, window_bounds = array<i64: 1, 128>}, {transform_indices = @transform_3, window_bounds = array<i64: 512, 1>}]} {
    %get3A = arith.constant 0 : index
    %get3A_0 = arith.constant 0 : index
    %get3A_1 = arith.constant 0 : index
    %get3A_2 = vector.load %arg2[%get3A, %get3A_0, %get3A_1] : memref<2x512x128xf32, #tpu.memory_space<vmem>>, vector<1x512x128xf32>
    %get3A_3 = vector.shape_cast %get3A_2 : vector<1x512x128xf32> to vector<512x128xf32>
    %slice3A = vector.extract_strided_slice %get3A_3 {offsets = [0, 0], sizes = [512, 1], strides = [1, 1]} : vector<512x128xf32> to vector<512x1xf32>
    %get3A_4 = arith.constant 1 : index
    %get3A_5 = arith.constant 0 : index
    %get3A_6 = arith.constant 0 : index
    %get3A_7 = vector.load %arg2[%get3A_4, %get3A_5, %get3A_6] : memref<2x512x128xf32, #tpu.memory_space<vmem>>, vector<1x512x128xf32>
    %get3A_8 = vector.shape_cast %get3A_7 : vector<1x512x128xf32> to vector<512x128xf32>
    %slice3A_9 = vector.extract_strided_slice %get3A_8 {offsets = [0, 0], sizes = [512, 1], strides = [1, 1]} : vector<512x128xf32> to vector<512x1xf32>
    %add3A = arith.addf %slice3A, %slice3A_9 : vector<512x1xf32>
    %add3A_10 = arith.constant 1.000000e+00 : f32
    %add3A_11 = vector.broadcast %add3A_10 : f32 to vector<512x1xf32>
    %add3A_12 = arith.addf %add3A, %add3A_11 : vector<512x1xf32>
    %rsqrt3A = math.rsqrt %add3A_12 : vector<512x1xf32>
    %get3A_13 = arith.constant 0 : index
    %get3A_14 = arith.constant 0 : index
    %get3A_15 = arith.constant 0 : index
    %get3A_16 = vector.load %arg1[%get3A_13, %get3A_14, %get3A_15] : memref<2x512x128xf32, #tpu.memory_space<vmem>>, vector<1x512x128xf32>
    %get3A_17 = vector.shape_cast %get3A_16 : vector<1x512x128xf32> to vector<512x128xf32>
    %get3A_18 = arith.constant 1 : index
    %get3A_19 = arith.constant 0 : index
    %get3A_20 = arith.constant 0 : index
    %get3A_21 = vector.load %arg1[%get3A_18, %get3A_19, %get3A_20] : memref<2x512x128xf32, #tpu.memory_space<vmem>>, vector<1x512x128xf32>
    %get3A_22 = vector.shape_cast %get3A_21 : vector<1x512x128xf32> to vector<512x128xf32>
    %add3A_23 = arith.addf %get3A_17, %get3A_22 : vector<512x128xf32>
    %mul3A = vector.broadcast %rsqrt3A : vector<512x1xf32> to vector<512x128xf32>
    %mul3A_24 = arith.mulf %add3A_23, %mul3A : vector<512x128xf32>
    %get3A_25 = arith.constant 0 : index
    %get3A_26 = arith.constant 0 : index
    %get3A_27 = vector.load %arg3[%get3A_25, %get3A_26] : memref<1x128xf32, #tpu.memory_space<vmem>>, vector<1x128xf32>
    %add3A_28 = vector.broadcast %get3A_27 : vector<1x128xf32> to vector<512x128xf32>
    %add3A_29 = arith.addf %mul3A_24, %add3A_28 : vector<512x128xf32>
    %reduce_sum3A = arith.constant dense<0.000000e+00> : vector<512xf32>
    %reduce_sum3A_30 = vector.multi_reduction <add>, %add3A_29, %reduce_sum3A [1] : vector<512x128xf32> to vector<512xf32>
    %broadcast_in_dim3A = vector.shape_cast %reduce_sum3A_30 : vector<512xf32> to vector<512x1xf32>
    %swap3A = arith.constant 0 : index
    %swap3A_31 = arith.constant 0 : index
    %swap3A_32 = vector.load %arg4[%swap3A, %swap3A_31] : memref<512x1xf32, #tpu.memory_space<vmem>>, vector<512x1xf32>
    tpu.vector_store %arg4[%swap3A, %swap3A_31], %broadcast_in_dim3A {strides = array<i32>} : memref<512x1xf32, #tpu.memory_space<vmem>>, vector<512x1xf32>,
    return
  }
  func.func @transform_0(%arg0: i32) -> (i32, i32, i32) {
    %c0_i32 = arith.constant 0 : i32
    %c0_i32_0 = arith.constant 0 : i32
    %c0_i32_1 = arith.constant 0 : i32
    return %c0_i32, %arg0, %c0_i32_0 : i32, i32, i32
  }
  func.func @transform_1(%arg0: i32) -> (i32, i32, i32) {
    %c0_i32 = arith.constant 0 : i32
    %c0_i32_0 = arith.constant 0 : i32
    %c0_i32_1 = arith.constant 0 : i32
    return %c0_i32, %arg0, %c0_i32_0 : i32, i32, i32
  }
  func.func @transform_2(%arg0: i32) -> (i32, i32) {
    %c0_i32 = arith.constant 0 : i32
    %c0_i32_0 = arith.constant 0 : i32
    %c0_i32_1 = arith.constant 0 : i32
    return %c0_i32, %c0_i32_0 : i32, i32
  }
  func.func @transform_3(%arg0: i32) -> (i32, i32) {
    %c0_i32 = arith.constant 0 : i32
    %c0_i32_0 = arith.constant 0 : i32
    return %arg0, %c0_i32 : i32, i32
  }
}

module attributes {stable_mosaic.version = 14 : i64} {
  func.func @_argmax_body(%arg0: memref<2x128xf32, #tpu.memory_space<vmem>>, %arg1: memref<1x1xf32, #tpu.memory_space<smem>>, %arg2: memref<1x1xi32, #tpu.memory_space<smem>>) attributes {dimension_semantics = [], scalar_prefetch = 0 : i64, scratch_operands = 0 : i64, tpu.core_type = #tpu.core_type<tc>} {
    %get3A = arith.constant 0 : index
    %get3A_0 = arith.constant 0 : index
    %get3A_1 = vector.load %arg0[%get3A, %get3A_0] : memref<2x128xf32, #tpu.memory_space<vmem>>, vector<2x128xf32>
    %reduce_max3A = vector.shape_cast %get3A_1 : vector<2x128xf32> to vector<1x2x128xf32>
    %reduce_max3A_2 = arith.constant dense<0xFF800000> : vector<1xf32>
    %reduce_max3A_3 = vector.multi_reduction <maximumf>, %reduce_max3A, %reduce_max3A_2 [1, 2] : vector<1x2x128xf32> to vector<1xf32>
    %reduce_max3A_4 = vector.shape_cast %reduce_max3A_3 : vector<1xf32> to vector<1x1x1xf32>
    %reduce_max3A_5 = vector.extract %reduce_max3A_4[0, 0, 0] : f32 from vector<1x1x1xf32>
    %iota3A = tpu.iota {dimensions = array<i32: 0>} : vector<2x128xi32>
    %mul3A = arith.constant 128 : i32
    %mul3A_6 = vector.broadcast %mul3A : i32 to vector<2x128xi32>
    %mul3A_7 = arith.muli %iota3A, %mul3A_6 : vector<2x128xi32>
    %iota3A_8 = tpu.iota {dimensions = array<i32: 1>} : vector<2x128xi32>
    %add3A = arith.addi %mul3A_7, %iota3A_8 : vector<2x128xi32>
    %eq3A = vector.broadcast %reduce_max3A_5 : f32 to vector<2x128xf32>
    %eq3A_9 = arith.cmpf oeq, %get3A_1, %eq3A : vector<2x128xf32>
    %jit3A = arith.constant 1073741824 : i32
    %broadcast_in_dim3A = vector.broadcast %jit3A : i32 to vector<2x128xi32>
    %select_n3A = arith.select %eq3A_9, %add3A, %broadcast_in_dim3A : vector<2x128xi1>, vector<2x128xi32>
    %reduce_min3A = vector.shape_cast %select_n3A : vector<2x128xi32> to vector<1x2x128xi32>
    %reduce_min3A_10 = arith.constant dense<2147483647> : vector<1xi32>
    %reduce_min3A_11 = vector.multi_reduction <minsi>, %reduce_min3A, %reduce_min3A_10 [1, 2] : vector<1x2x128xi32> to vector<1xi32>
    %reduce_min3A_12 = vector.shape_cast %reduce_min3A_11 : vector<1xi32> to vector<1x1x1xi32>
    %reduce_min3A_13 = vector.extract %reduce_min3A_12[0, 0, 0] : i32 from vector<1x1x1xi32>
    %swap3A = arith.constant 0 : index
    %swap3A_14 = arith.constant 0 : index
    %swap3A_15 = memref.load %arg1[%swap3A, %swap3A_14] : memref<1x1xf32, #tpu.memory_space<smem>>
    memref.store %reduce_max3A_5, %arg1[%swap3A, %swap3A_14] : memref<1x1xf32, #tpu.memory_space<smem>>
    %swap3A_16 = arith.constant 0 : index
    %swap3A_17 = arith.constant 0 : index
    %swap3A_18 = memref.load %arg2[%swap3A_16, %swap3A_17] : memref<1x1xi32, #tpu.memory_space<smem>>
    memref.store %reduce_min3A_13, %arg2[%swap3A_16, %swap3A_17] : memref<1x1xi32, #tpu.memory_space<smem>>
    return
  }
}

</mosaic_0001>

<sc_bundles>
// kernel: kernel.22.cloned.1.call-start
scs
__scs_entry_jumppad:
0x0: {  	(pc) =	sbr.rel $0x88, $3  }
0x1: {  	(tag) =	ssettag $0x0;
	lr =	simm.s32 $0x1  }
0x2: {  	[smem:$0x3F9C] =	sst lr;
	_ =	strace $0xD0000000  }
0x3: {  	_ = 	snop  }
0x4: {  	_ = 	snop  }
0x5: {  	_ = 	snop  }
0x6: {  	_ = 	snop  }
0x7: {  	_ = 	snop  }
__scs_overlays_trampoline_lowered:
0x8: {  	[smem:$0x3FAB] =	sst s0  }
0x9: {  	[smem:$0x3FAC] =	sst s1  }
0xa: {  	[smem:$0x3FAD] =	sst s2  }
0xb: {  	[smem:$0x3FAE] =	sst s3  }
0xc: {  	[smem:$0x3FAF] =	sst s4  }
0xd: {  	[smem:$0x3FB0] =	sst s5  }
0xe: {  	[smem:$0x3FB1] =	sst s6  }
0xf: {  	[smem:$0x3FB2] =	sst s7  }
0x10: {  	[smem:$0x3FB3] =	sst s8  }
0x11: {  	[smem:$0x3FB4] =	sst s9;
	s0 =	simm.s32 @!p0 $0x0  }
0x12: {  	s1 =	sld [smem:$0x3F9A];
	s0 =	simm.s32 @p0 $0x1  }
0x13: {  	[smem:$0x3FB5] =	sst s0;
	s0 =	simm.s32 @!p1 $0x0  }
0x14: {  	s2 =	sld [smem:$0x3F99];
	s0 =	simm.s32 @p1 $0x1  }
0x15: {  	[smem:$0x3FB6] =	sst s0;
	s0 =	simm.s32 @!p2 $0x0  }
0x16: {  	s3 =	sld [smem:$0x3FDB];
	s0 =	simm.s32 @p2 $0x1  }
0x17: {  	s4 =	simm.s32 $0x1BF5;
	[smem:$0x3FB8] =	sst s0  }
0x18: {  	s0 =	sld [smem:$0x3F9B];
	_ =	swait.ge [sflag:s4], $0x0  }
0x19: {  	s7 =	sld [smem:$0x3F9C]  }
0x1a: {  	s8 =	sadd.s32 $0xFFFFE003, lr  }
0x1b: {  	s9 =	sadd.s32 $0xFFFFFEF7, lr;
	s5 =	simm.s32 $0xFFFFFFFF;
	p2 =	slt.u32 s8, $0xFFFFF086  }
0x1c: {  	p1 =	slt.u32 s9, $0xF7A;
	s5 =	simm.s32 @!p2 $0x0  }
0x1d: {  	s5 =	simm.s32 @p1 $0x1;
	p0 =	seq.s32 s7, s2  }
0x1e: {  	s7 =	smul.u32 @!p0 $0xF7A, s2;
	p2 =	seq.s32 @!p0 s5, $0x0  }
0x1f: {  	s9 =	smul.u32 $0xF7A, s1;
	s8 =	simm.s32 @!p0 $0x1BF5;
	p2 =	por !p2, p0  }
0x20: {  	[sflag:s8] =	ssyncset.s32 @!p0 $0xFFFFF086;
	s6 =	sadd.s32 @!p0 s3, s7;
	s7 =	simm.s32 @!p0 $0x108  }
0x21: {  	s3 =	sadd.s32 s3, s9;
	s6 =	sadd.s32 @!p0 $0x88, s6;
	s7 =	simm.s32 @p2 $0x1082  }
0x22: {  	[simem:s7], [sflag:s8] =	dma.local @!p0 [hbm:s6], $0xF7A  }
0x23: {  	s9 =	sor.u32 $0xD0000000, s2;
	s6 =	simm.s32 $0x108;
	_ =	swait.ge @!p0 [sflag:s8], $0x0  }
0x24: {  	s3 =	sadd.s32 $0x88, s3;
	s6 =	simm.s32 @!p1 $0x1082;
	[sflag:s4] =	ssyncset.s32 $0xFFFFF086  }
0x25: {  	[simem:s6], [sflag:s4] =	dma.local [hbm:s3], $0xF7A  }
0x26: {  	[smem:$0x3F9C] =	sst s1;
	(tag) =	ssettag s2;
	_ =	strace s9  }
0x27: {  	s1 =	sld [smem:$0x3FAC]  }
0x28: {  	s2 =	sld [smem:$0x3FAD]  }
0x29: {  	s4 =	sld [smem:$0x3FAF]  }
0x2a: {  	p0 =	seq.s32 s5, $0x0;
	s5 =	sld [smem:$0x3FB0]  }
0x2b: {  	s6 =	sld [smem:$0x3FB1]  }
0x2c: {  	s7 =	sld [smem:$0x3FB2]  }
0x2d: {  	s3 =	simm.s32 $0x108;
	s8 =	sld [smem:$0x3FB3]  }
0x2e: {  	s3 =	simm.s32 @!p0 $0x1082;
	s9 =	sld [smem:$0x3FB4]  }
0x2f: {  	lr =	sadd.s32 s0, s3;
	s0 =	sld [smem:$0x3FAB]  }
0x30: {  	s3 =	sld [smem:$0x3FAE]  }
0x31: {  	[smem:$0x3FB7] =	sst s10  }
0x32: {  	s10 =	sld [smem:$0x3FB5];
	_ =	sdelay $0x3  }
0x33: {  	p0 =	seq.s32 s10, $0x1;
	s10 =	sld [smem:$0x3FB7];
	_ =	sdelay $0x3  }
0x34: {  	[smem:$0x3FB7] =	sst s10  }
0x35: {  	s10 =	sld [smem:$0x3FB6];
	_ =	sdelay $0x3  }
0x36: {  	p1 =	seq.s32 s10, $0x1;
	s10 =	sld [smem:$0x3FB7];
	_ =	sdelay $0x3  }
0x37: {  	[smem:$0x3FB7] =	sst s10  }
0x38: {  	s10 =	sld [smem:$0x3FB8]  }
0x39: {  	_ = 	snop;
	(pc) =	sbr.ind lr, $3  }
0x3a: {  	_ = 	snop  }
0x3b: {  	_ = 	snop  }
0x3c: {  	p2 =	seq.s32 s10, $0x1;
	s10 =	sld [smem:$0x3FB7]  }
0x3d: {  	_ =	shalt  }
0x3e: {  	_ =	shalt  }
0x3f: {  	_ =	shalt  }
0x40: {  	_ =	shalt  }
0x41: {  	_ =	shalt  }
0x42: {  	_ =	shalt  }
0x43: {  	_ =	shalt  }
0x44: {  	_ =	shalt  }
0x45: {  	_ =	shalt  }
0x46: {  	_ =	shalt  }
0x47: {  	_ =	shalt  }
0x48: {  	_ =	shalt  }
0x49: {  	_ =	shalt  }
0x4a: {  	_ =	shalt  }
0x4b: {  	_ =	shalt  }
0x4c: {  	_ =	shalt  }
0x4d: {  	_ =	shalt  }
0x4e: {  	_ =	shalt  }
0x4f: {  	_ =	shalt  }
0x50: {  	_ =	shalt  }
0x51: {  	_ =	shalt  }
0x52: {  	_ =	shalt  }
0x53: {  	_ =	shalt  }
0x54: {  	_ =	shalt  }
0x55: {  	_ =	shalt  }
0x56: {  	_ =	shalt  }
0x57: {  	_ =	shalt  }
0x58: {  	_ =	shalt  }
0x59: {  	_ =	shalt  }
0x5a: {  	_ =	shalt  }
0x5b: {  	_ =	shalt  }
0x5c: {  	_ =	shalt  }
0x5d: {  	_ =	shalt  }
0x5e: {  	_ =	shalt  }
0x5f: {  	_ =	shalt  }
0x60: {  	_ =	shalt  }
0x61: {  	_ =	shalt  }
0x62: {  	_ =	shalt  }
0x63: {  	_ =	shalt  }
0x64: {  	_ =	shalt  }
0x65: {  	_ =	shalt  }
0x66: {  	_ =	shalt  }
0x67: {  	_ =	shalt  }
0x68: {  	_ =	shalt  }
0x69: {  	_ =	shalt  }
0x6a: {  	_ =	shalt  }
0x6b: {  	_ =	shalt  }
0x6c: {  	_ =	shalt  }
0x6d: {  	_ =	shalt  }
0x6e: {  	_ =	shalt  }
0x6f: {  	_ =	shalt  }
0x70: {  	_ =	shalt  }
0x71: {  	_ =	shalt  }
0x72: {  	_ =	shalt  }
0x73: {  	_ =	shalt  }
0x74: {  	_ =	shalt  }
0x75: {  	_ =	shalt  }
0x76: {  	_ =	shalt  }
0x77: {  	_ =	shalt  }
0x78: {  	_ =	shalt  }
0x79: {  	_ =	shalt  }
0x7a: {  	_ =	shalt  }
0x7b: {  	_ =	shalt  }
0x7c: {  	_ =	shalt  }
0x7d: {  	_ =	shalt  }
0x7e: {  	_ =	shalt  }
0x7f: {  	_ =	shalt  }
0x80: {  	_ =	shalt  }
0x81: {  	_ =	shalt  }
0x82: {  	_ =	shalt  }
0x83: {  	_ =	shalt  }
0x84: {  	_ =	shalt  }
0x85: {  	_ =	shalt  }
0x86: {  	_ =	shalt  }
0x87: {  	_ =	shalt  }
.Lfunc_end0:
.L_simem_size_0:
called_computation_lowered:
.L_overlay_start_0:
0x88: {  	s2 =	sld [smem:$0x3FD9]  }
0x89: {  	s3 =	sld [smem:$0x3FFE];
	_ =	sdelay $0x1  }
0x8a: {  	s1 =	srdreg.scid  }
0x8b: {  	s0 =	sand.u32 $0x1, s1  }
0x8c: {  	s16 =	sshll.u32 s0, $0xA;
	s2 =	sadd.s32 s3, s2  }
0x8d: {  	s2 =	sadd.s32 s2, s16  }
0x8e: {  	[smem:$0x3FC3] =	sst s2  }
0x8f: {  	_ = 	snop  }
0x90: {  	(tm) =	ssettm $0x1  }
0x91: {  	s17 =	sld [smem:$0x3FFB];
	_ =	sdelay $0x3  }
0x92: {  	_ =	strace s17  }
0x93: {  	s2 =	sld [smem:$0x3FFC];
	_ =	sdelay $0x3  }
0x94: {  	_ =	strace s2  }
0x95: {  	s2 =	sld [smem:$0x3FFD];
	_ =	sdelay $0x3  }
0x96: {  	_ =	strace s2  }
0x97: {  	_ =	strace $0x8FFFFFFF  }
0x98: {  	s18 =	sld [smem:$0x3FDB];
	_ =	sdelay $0x1  }
0x99: {  	s19 =	simm.s32 $_scs_section_size  }
0x9a: {  	s4 =	simm.s32 $_size__tile_overlayer_lowered;
	s5 =	simm.s32 $_tile_overlayer_lowered  }
0x9b: {  	s22 =	simm.s32 $0x1BFF;
	s21 =	sshll.u32 s5, $0x1;
	s2 =	sadd.s32 s19, s18  }
0x9c: {  	s6 =	simm.s32 $0x0;
	s20 =	sshll.u32 s4, $0x1;
	s4 =	sadd.s32 s21, s2  }
0x9d: {  	[timem:s6], [sflag:s22] =	dma.local [hbm:s4], s20  }
0x9e: {  	_ =	swait.ge [sflag:s22], s20  }
0x9f: {  	s3 =	ssub.s32 $0x0, s20;
	[sflag:s22] =	ssyncset.done $0x0  }
0xa0: {  	[sflag:s22] =	ssyncadd.s32 s3;
	_ =	sdelay $0x1  }
0xa1: {  	s23 =	simm.s32 $0x1B8B  }
0xa2: {  	_ =	swait.ge [sflag:s23], $0x1  }
0xa3: {  	[sflag:s23] =	ssyncset.done $0x0  }
0xa4: {  	s25 =	simm.s32 $0x1B8E;
	s24 =	sld [smem:$0x3FFE];
	[sflag:s23] =	ssyncadd.s32 $0xFFFFFFFF  }
0xa5: {  	s26 =	simm.s32 $execute0_lowered;
	[smem:$0x3FD2] =	sst s25  }
0xa6: {  	s4 =	sshll.u32 s26, $0x1;
	_ =	strace $0x80000046;
	[dreg:$0x1] =	wrdreg $0xFFFFFFFF  }
0xa7: {  	s28 =	simm.s32 $_size_execute0_lowered;
	s2 =	sadd.s32 s2, s4;
	[dreg:$0x0] =	wrdreg $0x0  }
0xa8: {  	s4 =	sshll.u32 s28, $0x1;
	[dreg:$0x2] =	wrdreg s2  }
0xa9: {  	[dreg:$0x3] =	wrdreg s4  }
0xaa: {  	[dreg:$0x4] =	wrdreg $0xC0  }
0xab: {  	_ =	task [dreg:s6], $0x5FFFF  }
0xac: {  	[dreg:$0x1] =	wrdreg $0xFFFFFFFF  }
0xad: {  	[dreg:$0x0] =	wrdreg $0x60  }
0xae: {  	[dreg:$0x2] =	wrdreg s24  }
0xaf: {  	[dreg:$0x3] =	wrdreg $0x40800  }
0xb0: {  	[dreg:$0x4] =	wrdreg $0x9  }
0xb1: {  	_ =	task.clear_ibuf [dreg:s6], $0x5FFFF;
	_ =	strace $0x90000046  }
0xb2: {  	s29 =	simm.s32 $0x9;
	_ =	strace $0x80000048  }
0xb3: {  	_ =	swait.ge [sflag:s29], $0x1  }
0xb4: {  	[sflag:s29] =	ssyncadd.s32 $0xFFFFFFFF  }
0xb5: {  	_ =	strace $0x90000048  }
0xb6: {  	_ =	sfence  }
0xb7: {  	s30 =	sld [smem:$0x0];
	_ =	sdelay $0x2  }
0xb8: {  	s31 =	sshll.u32 s1, $0xD;
	s1 =	sshrl.u32 s1, $0x2  }
0xb9: {  	s3 =	sand.u32 $0x4000, s31;
	s1 =	sadd.s32 s1, s30  }
0xba: {  	s0 =	sor.u32 s3, s0;
	s1 =	sshll.u32 s1, $0x11  }
0xbb: {  	s0 =	sor.u32 s1, s0  }
0xbc: {  	s0 =	sadd.s32 $0x8F2B, s0  }
0xbd: {  	[sflag:s0] =	ssyncadd.remote.s32 $0x1  }
0xbe: {  	_ =	sfence.sel $0xFFFF  }
0xbf: {  	[dreg:$0x0] =	wrdreg $0xFFFFFFFF;
	(pc) =	sbr.abs _section_cstart, $3  }
0xc0: {  	[dreg:$0x1] =	wrdreg $0xFFFFFFFF  }
0xc1: {  	_ =	task.clear_ibuf [dreg:s6], $0x2FFFF;
	_ =	strace $0x9FFFFFFF  }
0xc2: {  	(tm) =	ssettm $0x7FFFFFFF  }
0xc3: {  	_ =	shalt  }
tec
execute0_lowered:
.L_overlay_start_1:
0x0: {  	(tag) =	ssettag $0x1  }
0x1: {  	s5 =	rddreg [dreg:$0x0]  }
0x2: {  	s2 =	rddreg [dreg:$0x1]  }
0x3: {  	s0 =	rddreg [dreg:$0x2];
	s1 =	stileid.u32  }
0x4: {  	s6 =	srdreg.scid;
	s3 =	simm.s32 $0x0;
	s4 =	smul.u32 $0x9E0, s1  }
0x5: {  	s13 =	simm.s32 $0x0;
	s7 =	smul.u32 $0x14000, s1;
	s6 =	sand.u32 $0x1, s6  }
0x6: {  	[smem:$0x7FF] =	sst s3;
	s11 =	smul.u32 $0x50000, s1;
	s30 =	sshll.u32 s1, $0x6  }
0x7: {  	s8 =	smul.u32 $0x140000, s6;
	_ =	strace $0x80000047;
	s25 =	ssub.s32 $0x2, s6  }
0x8: {  	s29 =	smul.u32 $0x4F0, s6;
	s6 =	sor.u32 $0x1C01, s30;
	s9 =	sshrl.u32 s7, $0x3  }
0x9: {  	s10 =	sadd.s32 s4, s5;
	s4 =	sadd.s32 $0x37800, s5;
	s26 =	sshrl.u32 s25, $0x1  }
0xa: {  	s28 =	sshrl.u32 s11, $0x2;
	s11 =	simm.s32 $0x1;
	s9 =	sadd.s32 s9, s5  }
0xb: {  	s24 =	sadd.s32 s7, s8;
	s8 =	ssub.s32 s25, s26;
	s12 =	sadd.s32 s28, s2  }
0xc: {  	s31 =	sadd.s32 s29, s10;
	s7 =	sshrl.u32 s24, $0x3;
	s8 =	smax.u32 s8, $0x1  }
0xd: {  	s10 =	sshrl.u32 s12, $0x3;
	s12 =	simm.s32 $0x80;
	s7 =	sadd.s32 s7, s5  }
0xe: {  	s5 =	sadd.s32 $0xF800, s9;
	s9 =	sadd.s32 $0x5A00, s31;
	s7 =	sadd.s32 $0x38000, s7  }
.LBB2_1:
0xf: {  	[spmem:s10], [sflag:s6] =	dma.local [hbm:s5], $0x2800  }
0x10: {  	_ =	swait.ge [sflag:s11], $0x2800  }
0x11: {  	[sflag:s11] =	ssyncset.done $0x0  }
0x12: {  	[sflag:s11] =	ssyncadd.s32 $0xFFFFD800  }
0x13: {  	[tilespmem:s12], [sflag:$0x1] =	stream.linear.gather [hbm4b:s4+s3], $0x4000, $0x38;
	[tilespmem:$0x18080] =	vst v63  }
0x14: {  	_ =	swait.ge [sflag:s11], $0x4000  }
0x15: {  	[sflag:s11] =	ssyncset.done $0x0  }
0x16: {  	[sflag:s11] =	ssyncadd.s32 $0xFFFFC000  }
0x17: {  	s14 =	sadd.s32 $0x0, s9;
	[bflag:$0x0] =	sbarrier.arrive $0xFFFF  }
0x18: {  	[tilespmem:s3], [sflag:$0x1] =	stream.linear.gather [hbm4b:s14+s3], $0x80, $0x38;
	[tilespmem:$0x18080] =	vst v63  }
0x19: {  	_ =	swait.ge [sflag:s11], $0x80  }
0x1a: {  	[sflag:s11] =	ssyncset.done $0x0  }
0x1b: {  	[sflag:s11] =	ssyncadd.s32 $0xFFFFFF80  }
0x1c: {  	[spmem:s2] =	stream.indirect.scatter.add.f32 [tilespmem:s12], [sflag:$0x1], $0x80, s3, s12, $0xb8;
	[tilespmem:$0x18080] =	vst v63  }
0x1d: {  	_ =	swait.ge [sflag:s11], $0x4000  }
0x1e: {  	s15 =	simm.s32 $0x20;
	s14 =	simm.s32 $0x10;
	[sflag:s11] =	ssyncset.done $0x0  }
.LBB2_2:
0x1f: {  	s16 =	sadd.s32 s14, s9  }
0x20: {  	[sflag:s11] =	ssyncadd.s32 $0xFFFFC000;
	s14 =	smov.u32 s15;
	s17 =	sadd.s32 $0x10, s15  }
0x21: {  	[tilespmem:s3], [sflag:$0x1] =	stream.linear.gather [hbm4b:s16+s3], $0x80, $0x38;
	[tilespmem:$0x18080] =	vst v63  }
0x22: {  	p0 =	sne.s32 s15, $0x4E0;
	_ =	swait.ge [sflag:s11], $0x80  }
.Ltmp0:
0x23: {  	[sflag:s11] =	ssyncset.done $0x0;
	(pc) =	sbr.rel @p0 .LBB2_2-.Ltmp0, $4  }
0x24: {  	[sflag:s11] =	ssyncadd.s32 $0xFFFFFF80  }
0x25: {  	[spmem:s2] =	stream.indirect.scatter.add.f32 [tilespmem:s12], [sflag:$0x1], $0x80, s3, s12, $0xb8;
	[tilespmem:$0x18080] =	vst v63  }
0x26: {  	_ =	swait.ge [sflag:s11], $0x4000  }
0x27: {  	s15 =	smov.u32 s17;
	[sflag:s11] =	ssyncset.done $0x0  }
0x28: {  	s14 =	sadd.s32 s14, s9;
	[sflag:s11] =	ssyncadd.s32 $0xFFFFC000  }
0x29: {  	[tilespmem:s3], [sflag:$0x1] =	stream.linear.gather [hbm4b:s14+s3], $0x80, $0x38;
	[tilespmem:$0x18080] =	vst v63  }
0x2a: {  	_ =	swait.ge [sflag:s11], $0x80  }
0x2b: {  	[sflag:s11] =	ssyncset.done $0x0  }
0x2c: {  	[sflag:s11] =	ssyncadd.s32 $0xFFFFFF80  }
0x2d: {  	[spmem:s2] =	stream.indirect.scatter.add.f32 [tilespmem:s12], [sflag:$0x1], $0x80, s3, s12, $0xb8;
	[tilespmem:$0x18080] =	vst v63  }
0x2e: {  	_ =	swait.ge [sflag:s11], $0x4000  }
0x2f: {  	s13 =	sadd.s32 $0x1, s13;
	[sflag:s11] =	ssyncset.done $0x0  }
0x30: {  	p0 =	sne.s32 s13, s8;
	[sflag:s11] =	ssyncadd.s32 $0xFFFFC000  }
.Ltmp1:
0x31: {  	[bflag:$0x0] =	sbarrier.arrive $0xFFFF;
	(pc) =	sbr.rel @p0 .LBB2_1-.Ltmp1, $4  }
0x32: {  	[hbm:s7], [sflag:s6] =	dma.local [spmem:s10], $0x2800  }
0x33: {  	_ =	swait.ge [sflag:s11], $0x2800  }
0x34: {  	[sflag:s11] =	ssyncset.done $0x0  }
0x35: {  	[sflag:s11] =	ssyncadd.s32 $0xFFFFD800  }
0x36: {  	_ =	sfence.sel $0x180000  }
0x37: {  	[bflag:$0x0] =	sbarrier.arrive $0xFFFF  }
0x38: {  	p0 =	sne.s32 s1, $0x0;
	_ =	strace $0x90000047  }
0x39: {  	s0 =	sadd.s32 @!p0 $0x100000, s0;
	[bflag:$0x2] =	sbarrier.arrive $0xFFFF  }
0x3a: {  	[sflag:s0] =	ssyncadd.tile.s32 @!p0 $0x1;
	_ =	shalt  }
.Lfunc_end2:
_tile_overlayer_lowered:
.L_overlay_start_2:
0x3b: {  	(tag) =	ssettag $0x2  }
0x3c: {  	s0 =	rddreg [dreg:$0x0];
	s2 =	stileid.u32  }
0x3d: {  	s1 =	rddreg [dreg:$0x1];
	p0 =	sne.s32 s2, $0x0  }
0x3e: {  	s3 =	rddreg [dreg:$0x2];
	[bflag:$0x3] =	sbarrier.arrive $0xFFFF;
	s2 =	simm.s32 @!p0 $0x1C01  }
0x3f: {  	[timem:s3], [sflag:s2] =	dma.local @!p0 [hbm:s0], s1  }
0x40: {  	s0 =	simm.s32 @!p0 $0x1  }
0x41: {  	_ =	swait.ge @!p0 [sflag:s0], s1  }
0x42: {  	s1 =	ssub.s32 @!p0 $0x0, s1;
	[sflag:s0] =	ssyncset.done @!p0 $0x0  }
0x43: {  	[sflag:s0] =	ssyncadd.s32 @!p0 s1  }
0x44: {  	[bflag:$0x3] =	sbarrier.arrive $0xFFFF  }
0x45: {  	_ =	shalt  }

// kernel: kernel.25.cloned.1.call-start
scs
__scs_entry_jumppad:
0x0: {  	(pc) =	sbr.rel $0x88, $3  }
0x1: {  	(tag) =	ssettag $0x0;
	lr =	simm.s32 $0x1  }
0x2: {  	[smem:$0x3F9C] =	sst lr;
	_ =	strace $0xD0000000  }
0x3: {  	_ = 	snop  }
0x4: {  	_ = 	snop  }
0x5: {  	_ = 	snop  }
0x6: {  	_ = 	snop  }
0x7: {  	_ = 	snop  }
__scs_overlays_trampoline_lowered:
0x8: {  	[smem:$0x3FAB] =	sst s0  }
0x9: {  	[smem:$0x3FAC] =	sst s1  }
0xa: {  	[smem:$0x3FAD] =	sst s2  }
0xb: {  	[smem:$0x3FAE] =	sst s3  }
0xc: {  	[smem:$0x3FAF] =	sst s4  }
0xd: {  	[smem:$0x3FB0] =	sst s5  }
0xe: {  	[smem:$0x3FB1] =	sst s6  }
0xf: {  	[smem:$0x3FB2] =	sst s7  }
0x10: {  	[smem:$0x3FB3] =	sst s8  }
0x11: {  	[smem:$0x3FB4] =	sst s9;
	s0 =	simm.s32 @!p0 $0x0  }
0x12: {  	s1 =	sld [smem:$0x3F9A];
	s0 =	simm.s32 @p0 $0x1  }
0x13: {  	[smem:$0x3FB5] =	sst s0;
	s0 =	simm.s32 @!p1 $0x0  }
0x14: {  	s2 =	sld [smem:$0x3F99];
	s0 =	simm.s32 @p1 $0x1  }
0x15: {  	[smem:$0x3FB6] =	sst s0;
	s0 =	simm.s32 @!p2 $0x0  }
0x16: {  	s3 =	sld [smem:$0x3FDB];
	s0 =	simm.s32 @p2 $0x1  }
0x17: {  	s4 =	simm.s32 $0x1BF5;
	[smem:$0x3FB8] =	sst s0  }
0x18: {  	s0 =	sld [smem:$0x3F9B];
	_ =	swait.ge [sflag:s4], $0x0  }
0x19: {  	s7 =	sld [smem:$0x3F9C]  }
0x1a: {  	s8 =	sadd.s32 $0xFFFFE003, lr  }
0x1b: {  	s9 =	sadd.s32 $0xFFFFFEF7, lr;
	s5 =	simm.s32 $0xFFFFFFFF;
	p2 =	slt.u32 s8, $0xFFFFF086  }
0x1c: {  	p1 =	slt.u32 s9, $0xF7A;
	s5 =	simm.s32 @!p2 $0x0  }
0x1d: {  	s5 =	simm.s32 @p1 $0x1;
	p0 =	seq.s32 s7, s2  }
0x1e: {  	s7 =	smul.u32 @!p0 $0xF7A, s2;
	p2 =	seq.s32 @!p0 s5, $0x0  }
0x1f: {  	s9 =	smul.u32 $0xF7A, s1;
	s8 =	simm.s32 @!p0 $0x1BF5;
	p2 =	por !p2, p0  }
0x20: {  	[sflag:s8] =	ssyncset.s32 @!p0 $0xFFFFF086;
	s6 =	sadd.s32 @!p0 s3, s7;
	s7 =	simm.s32 @!p0 $0x108  }
0x21: {  	s3 =	sadd.s32 s3, s9;
	s6 =	sadd.s32 @!p0 $0x88, s6;
	s7 =	simm.s32 @p2 $0x1082  }
0x22: {  	[simem:s7], [sflag:s8] =	dma.local @!p0 [hbm:s6], $0xF7A  }
0x23: {  	s9 =	sor.u32 $0xD0000000, s2;
	s6 =	simm.s32 $0x108;
	_ =	swait.ge @!p0 [sflag:s8], $0x0  }
0x24: {  	s3 =	sadd.s32 $0x88, s3;
	s6 =	simm.s32 @!p1 $0x1082;
	[sflag:s4] =	ssyncset.s32 $0xFFFFF086  }
0x25: {  	[simem:s6], [sflag:s4] =	dma.local [hbm:s3], $0xF7A  }
0x26: {  	[smem:$0x3F9C] =	sst s1;
	(tag) =	ssettag s2;
	_ =	strace s9  }
0x27: {  	s1 =	sld [smem:$0x3FAC]  }
0x28: {  	s2 =	sld [smem:$0x3FAD]  }
0x29: {  	s4 =	sld [smem:$0x3FAF]  }
0x2a: {  	p0 =	seq.s32 s5, $0x0;
	s5 =	sld [smem:$0x3FB0]  }
0x2b: {  	s6 =	sld [smem:$0x3FB1]  }
0x2c: {  	s7 =	sld [smem:$0x3FB2]  }
0x2d: {  	s3 =	simm.s32 $0x108;
	s8 =	sld [smem:$0x3FB3]  }
0x2e: {  	s3 =	simm.s32 @!p0 $0x1082;
	s9 =	sld [smem:$0x3FB4]  }
0x2f: {  	lr =	sadd.s32 s0, s3;
	s0 =	sld [smem:$0x3FAB]  }
0x30: {  	s3 =	sld [smem:$0x3FAE]  }
0x31: {  	[smem:$0x3FB7] =	sst s10  }
0x32: {  	s10 =	sld [smem:$0x3FB5];
	_ =	sdelay $0x3  }
0x33: {  	p0 =	seq.s32 s10, $0x1;
	s10 =	sld [smem:$0x3FB7];
	_ =	sdelay $0x3  }
0x34: {  	[smem:$0x3FB7] =	sst s10  }
0x35: {  	s10 =	sld [smem:$0x3FB6];
	_ =	sdelay $0x3  }
0x36: {  	p1 =	seq.s32 s10, $0x1;
	s10 =	sld [smem:$0x3FB7];
	_ =	sdelay $0x3  }
0x37: {  	[smem:$0x3FB7] =	sst s10  }
0x38: {  	s10 =	sld [smem:$0x3FB8]  }
0x39: {  	_ = 	snop;
	(pc) =	sbr.ind lr, $3  }
0x3a: {  	_ = 	snop  }
0x3b: {  	_ = 	snop  }
0x3c: {  	p2 =	seq.s32 s10, $0x1;
	s10 =	sld [smem:$0x3FB7]  }
0x3d: {  	_ =	shalt  }
0x3e: {  	_ =	shalt  }
0x3f: {  	_ =	shalt  }
0x40: {  	_ =	shalt  }
0x41: {  	_ =	shalt  }
0x42: {  	_ =	shalt  }
0x43: {  	_ =	shalt  }
0x44: {  	_ =	shalt  }
0x45: {  	_ =	shalt  }
0x46: {  	_ =	shalt  }
0x47: {  	_ =	shalt  }
0x48: {  	_ =	shalt  }
0x49: {  	_ =	shalt  }
0x4a: {  	_ =	shalt  }
0x4b: {  	_ =	shalt  }
0x4c: {  	_ =	shalt  }
0x4d: {  	_ =	shalt  }
0x4e: {  	_ =	shalt  }
0x4f: {  	_ =	shalt  }
0x50: {  	_ =	shalt  }
0x51: {  	_ =	shalt  }
0x52: {  	_ =	shalt  }
0x53: {  	_ =	shalt  }
0x54: {  	_ =	shalt  }
0x55: {  	_ =	shalt  }
0x56: {  	_ =	shalt  }
0x57: {  	_ =	shalt  }
0x58: {  	_ =	shalt  }
0x59: {  	_ =	shalt  }
0x5a: {  	_ =	shalt  }
0x5b: {  	_ =	shalt  }
0x5c: {  	_ =	shalt  }
0x5d: {  	_ =	shalt  }
0x5e: {  	_ =	shalt  }
0x5f: {  	_ =	shalt  }
0x60: {  	_ =	shalt  }
0x61: {  	_ =	shalt  }
0x62: {  	_ =	shalt  }
0x63: {  	_ =	shalt  }
0x64: {  	_ =	shalt  }
0x65: {  	_ =	shalt  }
0x66: {  	_ =	shalt  }
0x67: {  	_ =	shalt  }
0x68: {  	_ =	shalt  }
0x69: {  	_ =	shalt  }
0x6a: {  	_ =	shalt  }
0x6b: {  	_ =	shalt  }
0x6c: {  	_ =	shalt  }
0x6d: {  	_ =	shalt  }
0x6e: {  	_ =	shalt  }
0x6f: {  	_ =	shalt  }
0x70: {  	_ =	shalt  }
0x71: {  	_ =	shalt  }
0x72: {  	_ =	shalt  }
0x73: {  	_ =	shalt  }
0x74: {  	_ =	shalt  }
0x75: {  	_ =	shalt  }
0x76: {  	_ =	shalt  }
0x77: {  	_ =	shalt  }
0x78: {  	_ =	shalt  }
0x79: {  	_ =	shalt  }
0x7a: {  	_ =	shalt  }
0x7b: {  	_ =	shalt  }
0x7c: {  	_ =	shalt  }
0x7d: {  	_ =	shalt  }
0x7e: {  	_ =	shalt  }
0x7f: {  	_ =	shalt  }
0x80: {  	_ =	shalt  }
0x81: {  	_ =	shalt  }
0x82: {  	_ =	shalt  }
0x83: {  	_ =	shalt  }
0x84: {  	_ =	shalt  }
0x85: {  	_ =	shalt  }
0x86: {  	_ =	shalt  }
0x87: {  	_ =	shalt  }
.Lfunc_end0:
.L_simem_size_0:
called_computation.1_lowered:
.L_overlay_start_0:
0x88: {  	s2 =	sld [smem:$0x3FD9]  }
0x89: {  	s3 =	sld [smem:$0x3FFE];
	_ =	sdelay $0x1  }
0x8a: {  	s1 =	srdreg.scid  }
0x8b: {  	s0 =	sand.u32 $0x1, s1  }
0x8c: {  	s16 =	sshll.u32 s0, $0xA;
	s2 =	sadd.s32 s3, s2  }
0x8d: {  	s2 =	sadd.s32 s2, s16  }
0x8e: {  	[smem:$0x3FC3] =	sst s2  }
0x8f: {  	_ = 	snop  }
0x90: {  	(tm) =	ssettm $0x1  }
0x91: {  	s17 =	sld [smem:$0x3FFB];
	_ =	sdelay $0x3  }
0x92: {  	_ =	strace s17  }
0x93: {  	s2 =	sld [smem:$0x3FFC];
	_ =	sdelay $0x3  }
0x94: {  	_ =	strace s2  }
0x95: {  	s2 =	sld [smem:$0x3FFD];
	_ =	sdelay $0x3  }
0x96: {  	_ =	strace s2  }
0x97: {  	_ =	strace $0x8FFFFFFF  }
0x98: {  	s18 =	sld [smem:$0x3FDB];
	_ =	sdelay $0x1  }
0x99: {  	s19 =	simm.s32 $_scs_section_size  }
0x9a: {  	s4 =	simm.s32 $_size__tile_overlayer_lowered;
	s5 =	simm.s32 $_tile_overlayer_lowered  }
0x9b: {  	s22 =	simm.s32 $0x1BFF;
	s21 =	sshll.u32 s5, $0x1;
	s2 =	sadd.s32 s19, s18  }
0x9c: {  	s6 =	simm.s32 $0x0;
	s20 =	sshll.u32 s4, $0x1;
	s4 =	sadd.s32 s21, s2  }
0x9d: {  	[timem:s6], [sflag:s22] =	dma.local [hbm:s4], s20  }
0x9e: {  	_ =	swait.ge [sflag:s22], s20  }
0x9f: {  	s3 =	ssub.s32 $0x0, s20;
	[sflag:s22] =	ssyncset.done $0x0  }
0xa0: {  	[sflag:s22] =	ssyncadd.s32 s3;
	_ =	sdelay $0x1  }
0xa1: {  	s23 =	simm.s32 $0x1B8B  }
0xa2: {  	_ =	swait.ge [sflag:s23], $0x1  }
0xa3: {  	[sflag:s23] =	ssyncset.done $0x0  }
0xa4: {  	s25 =	simm.s32 $0x1B8E;
	s24 =	sld [smem:$0x3FFE];
	[sflag:s23] =	ssyncadd.s32 $0xFFFFFFFF  }
0xa5: {  	s26 =	simm.s32 $execute0_lowered;
	[smem:$0x3FD2] =	sst s25  }
0xa6: {  	s4 =	sshll.u32 s26, $0x1;
	_ =	strace $0x80000049;
	[dreg:$0x1] =	wrdreg $0xFFFFFFFF  }
0xa7: {  	s28 =	simm.s32 $_size_execute0_lowered;
	s2 =	sadd.s32 s2, s4;
	[dreg:$0x0] =	wrdreg $0x0  }
0xa8: {  	s4 =	sshll.u32 s28, $0x1;
	[dreg:$0x2] =	wrdreg s2  }
0xa9: {  	[dreg:$0x3] =	wrdreg s4  }
0xaa: {  	[dreg:$0x4] =	wrdreg $0xC0  }
0xab: {  	_ =	task [dreg:s6], $0x5FFFF  }
0xac: {  	[dreg:$0x1] =	wrdreg $0xFFFFFFFF  }
0xad: {  	[dreg:$0x0] =	wrdreg $0x60  }
0xae: {  	[dreg:$0x2] =	wrdreg s24  }
0xaf: {  	[dreg:$0x3] =	wrdreg $0x41000  }
0xb0: {  	[dreg:$0x4] =	wrdreg $0x9  }
0xb1: {  	_ =	task.clear_ibuf [dreg:s6], $0x5FFFF;
	_ =	strace $0x90000049  }
0xb2: {  	s29 =	simm.s32 $0x9;
	_ =	strace $0x8000004B  }
0xb3: {  	_ =	swait.ge [sflag:s29], $0x1  }
0xb4: {  	[sflag:s29] =	ssyncadd.s32 $0xFFFFFFFF  }
0xb5: {  	_ =	strace $0x9000004B  }
0xb6: {  	_ =	sfence  }
0xb7: {  	s30 =	sld [smem:$0x0];
	_ =	sdelay $0x2  }
0xb8: {  	s31 =	sshll.u32 s1, $0xD;
	s1 =	sshrl.u32 s1, $0x2  }
0xb9: {  	s3 =	sand.u32 $0x4000, s31;
	s1 =	sadd.s32 s1, s30  }
0xba: {  	s0 =	sor.u32 s3, s0;
	s1 =	sshll.u32 s1, $0x11  }
0xbb: {  	s0 =	sor.u32 s1, s0  }
0xbc: {  	s0 =	sadd.s32 $0x8F2B, s0  }
0xbd: {  	[sflag:s0] =	ssyncadd.remote.s32 $0x1  }
0xbe: {  	_ =	sfence.sel $0xFFFF  }
0xbf: {  	[dreg:$0x0] =	wrdreg $0xFFFFFFFF;
	(pc) =	sbr.abs _section_cstart, $3  }
0xc0: {  	[dreg:$0x1] =	wrdreg $0xFFFFFFFF  }
0xc1: {  	_ =	task.clear_ibuf [dreg:s6], $0x2FFFF;
	_ =	strace $0x9FFFFFFF  }
0xc2: {  	(tm) =	ssettm $0x7FFFFFFF  }
0xc3: {  	_ =	shalt  }
tec
execute0_lowered:
.L_overlay_start_1:
0x0: {  	(tag) =	ssettag $0x1  }
0x1: {  	s5 =	rddreg [dreg:$0x0]  }
0x2: {  	s0 =	stileid.u32;
	s1 =	srdreg.scid  }
0x3: {  	s2 =	rddreg [dreg:$0x1];
	s3 =	simm.s32 $0x0;
	s13 =	simm.s32 $0x80  }
0x4: {  	s14 =	simm.s32 $0x100;
	s15 =	simm.s32 $0x1;
	s6 =	smul.u32 $0x9E0, s0  }
0x5: {  	s7 =	sand.u32 $0x1, s1;
	s1 =	rddreg [dreg:$0x2];
	s9 =	smul.u32 $0x14000, s0  }
0x6: {  	s16 =	simm.s32 $0x0;
	[smem:$0x7FF] =	sst s3;
	s25 =	smul.u32 $0x50000, s0  }
0x7: {  	s4 =	sadd.s32 $0x92E00, s5;
	s11 =	sadd.s32 $0xF800, s5;
	s29 =	smul.u32 $0x2800, s0  }
0x8: {  	s31 =	sshll.u32 s0, $0x6;
	s8 =	smul.u32 $0x140000, s7;
	_ =	strace $0x8000004A  }
0x9: {  	s24 =	ssub.s32 $0x2, s7;
	p0 =	seq.s32 s7, $0x0;
	s30 =	smul.u32 $0x4F0, s7  }
0xa: {  	s10 =	sadd.s32 s6, s5;
	s26 =	sshrl.u32 s24, $0x1;
	s28 =	sshrl.u32 s25, $0x2  }
0xb: {  	s11 =	smov.u32 @p0 s4;
	s23 =	sadd.s32 s9, s8;
	s12 =	sadd.s32 s28, s2  }
0xc: {  	s7 =	sadd.s32 s11, s29;
	s10 =	sadd.s32 s30, s10;
	s8 =	sor.u32 $0x1C02, s31  }
0xd: {  	s6 =	sshrl.u32 s23, $0x3;
	s9 =	sadd.s32 $0x5A00, s10;
	s10 =	sadd.s32 $0x88000, s10  }
0xe: {  	s11 =	sshrl.u32 s12, $0x3;
	s5 =	sadd.s32 s6, s5;
	s6 =	ssub.s32 s24, s26  }
0xf: {  	s12 =	simm.s32 $0x2;
	s5 =	sadd.s32 $0xBAE00, s5;
	s6 =	smax.u32 s6, $0x1  }
.LBB2_1:
0x10: {  	[spmem:s11], [sflag:s8] =	dma.local [hbm:s7], $0x2800  }
0x11: {  	_ =	swait.ge [sflag:s12], $0x2800  }
0x12: {  	[sflag:s12] =	ssyncset.done $0x0  }
0x13: {  	[sflag:s12] =	ssyncadd.s32 $0xFFFFD800  }
0x14: {  	s17 =	sadd.s32 $0x0, s10;
	[bflag:$0x0] =	sbarrier.arrive $0xFFFF  }
0x15: {  	[tilespmem:s3], [sflag:$0x2] =	stream.linear.gather [hbm4b:s17+s3], $0x80, $0x38;
	[tilespmem:$0x18100] =	vst v63  }
0x16: {  	_ =	swait.ge [sflag:s12], $0x80  }
0x17: {  	[sflag:s12] =	ssyncset.done $0x0  }
0x18: {  	s31 =	sadd.s32 $0x0, s9;
	[sflag:s12] =	ssyncadd.s32 $0xFFFFFF80  }
0x19: {  	[tilespmem:s13], [sflag:$0x2] =	stream.linear.gather [hbm4b:s31+s3], $0x80, $0x38;
	[tilespmem:$0x18100] =	vst v63  }
0x1a: {  	_ =	swait.ge [sflag:s12], $0x80  }
0x1b: {  	[sflag:s12] =	ssyncset.done $0x0  }
0x1c: {  	[sflag:s12] =	ssyncadd.s32 $0xFFFFFF80  }
0x1d: {  	[tilespmem:s14], [sflag:$0x1] =	stream.indirect.gather [hbm4b:s4+s13], $0x80, s3, s13, $0xb8;
	[tilespmem:$0x18100] =	vst v63  }
0x1e: {  	_ =	swait.ge [sflag:s15], $0x4000  }
0x1f: {  	[sflag:s15] =	ssyncset.done $0x0  }
0x20: {  	[sflag:s15] =	ssyncadd.s32 $0xFFFFC000  }
0x21: {  	[spmem:s2] =	stream.indirect.scatter.add.f32 [tilespmem:s14], [sflag:$0x2], $0x80, s13, s13, $0xb8;
	[tilespmem:$0x18100] =	vst v63  }
0x22: {  	_ =	swait.ge [sflag:s12], $0x4000  }
0x23: {  	s18 =	simm.s32 $0x20;
	s17 =	simm.s32 $0x10;
	[sflag:s12] =	ssyncset.done $0x0  }
.LBB2_2:
0x24: {  	s19 =	sadd.s32 s17, s10  }
0x25: {  	[sflag:s12] =	ssyncadd.s32 $0xFFFFC000;
	s20 =	smov.u32 s18;
	s21 =	sadd.s32 $0x10, s18  }
0x26: {  	[tilespmem:s3], [sflag:$0x2] =	stream.linear.gather [hbm4b:s19+s3], $0x80, $0x38;
	[tilespmem:$0x18100] =	vst v63  }
0x27: {  	p0 =	sne.s32 s18, $0x4E0;
	_ =	swait.ge [sflag:s12], $0x80  }
0x28: {  	[sflag:s12] =	ssyncset.done $0x0  }
0x29: {  	s18 =	sadd.s32 s17, s9;
	s17 =	smov.u32 s20;
	[sflag:s12] =	ssyncadd.s32 $0xFFFFFF80  }
0x2a: {  	[tilespmem:s13], [sflag:$0x2] =	stream.linear.gather [hbm4b:s18+s3], $0x80, $0x38;
	[tilespmem:$0x18100] =	vst v63  }
0x2b: {  	_ =	swait.ge [sflag:s12], $0x80  }
0x2c: {  	[sflag:s12] =	ssyncset.done $0x0  }
0x2d: {  	[sflag:s12] =	ssyncadd.s32 $0xFFFFFF80  }
0x2e: {  	[tilespmem:s14], [sflag:$0x1] =	stream.indirect.gather [hbm4b:s4+s13], $0x80, s3, s13, $0xb8;
	[tilespmem:$0x18100] =	vst v63  }
0x2f: {  	_ =	swait.ge [sflag:s15], $0x4000  }
.Ltmp0:
0x30: {  	[sflag:s15] =	ssyncset.done $0x0;
	(pc) =	sbr.rel @p0 .LBB2_2-.Ltmp0, $4  }
0x31: {  	[sflag:s15] =	ssyncadd.s32 $0xFFFFC000  }
0x32: {  	[spmem:s2] =	stream.indirect.scatter.add.f32 [tilespmem:s14], [sflag:$0x2], $0x80, s13, s13, $0xb8;
	[tilespmem:$0x18100] =	vst v63  }
0x33: {  	_ =	swait.ge [sflag:s12], $0x4000  }
0x34: {  	s18 =	smov.u32 s21;
	[sflag:s12] =	ssyncset.done $0x0  }
0x35: {  	s18 =	sadd.s32 s17, s10;
	[sflag:s12] =	ssyncadd.s32 $0xFFFFC000  }
0x36: {  	[tilespmem:s3], [sflag:$0x2] =	stream.linear.gather [hbm4b:s18+s3], $0x80, $0x38;
	[tilespmem:$0x18100] =	vst v63  }
0x37: {  	_ =	swait.ge [sflag:s12], $0x80  }
0x38: {  	[sflag:s12] =	ssyncset.done $0x0  }
0x39: {  	s31 =	sadd.s32 s17, s9;
	[sflag:s12] =	ssyncadd.s32 $0xFFFFFF80  }
0x3a: {  	[tilespmem:s13], [sflag:$0x2] =	stream.linear.gather [hbm4b:s31+s3], $0x80, $0x38;
	[tilespmem:$0x18100] =	vst v63  }
0x3b: {  	_ =	swait.ge [sflag:s12], $0x80  }
0x3c: {  	[sflag:s12] =	ssyncset.done $0x0  }
0x3d: {  	[sflag:s12] =	ssyncadd.s32 $0xFFFFFF80  }
0x3e: {  	[tilespmem:s14], [sflag:$0x1] =	stream.indirect.gather [hbm4b:s4+s13], $0x80, s3, s13, $0xb8;
	[tilespmem:$0x18100] =	vst v63  }
0x3f: {  	_ =	swait.ge [sflag:s15], $0x4000  }
0x40: {  	[sflag:s15] =	ssyncset.done $0x0  }
0x41: {  	[sflag:s15] =	ssyncadd.s32 $0xFFFFC000  }
0x42: {  	[spmem:s2] =	stream.indirect.scatter.add.f32 [tilespmem:s14], [sflag:$0x2], $0x80, s13, s13, $0xb8;
	[tilespmem:$0x18100] =	vst v63  }
0x43: {  	_ =	swait.ge [sflag:s12], $0x4000  }
0x44: {  	s16 =	sadd.s32 $0x1, s16;
	[sflag:s12] =	ssyncset.done $0x0  }
0x45: {  	p0 =	sne.s32 s16, s6;
	[sflag:s12] =	ssyncadd.s32 $0xFFFFC000  }
.Ltmp1:
0x46: {  	[bflag:$0x0] =	sbarrier.arrive $0xFFFF;
	(pc) =	sbr.rel @p0 .LBB2_1-.Ltmp1, $4  }
0x47: {  	[hbm:s5], [sflag:s8] =	dma.local [spmem:s11], $0x2800  }
0x48: {  	_ =	swait.ge [sflag:s12], $0x2800  }
0x49: {  	[sflag:s12] =	ssyncset.done $0x0  }
0x4a: {  	[sflag:s12] =	ssyncadd.s32 $0xFFFFD800  }
0x4b: {  	_ =	sfence.sel $0x180000  }
0x4c: {  	[bflag:$0x0] =	sbarrier.arrive $0xFFFF  }
0x4d: {  	p0 =	sne.s32 s0, $0x0;
	_ =	strace $0x9000004A  }
0x4e: {  	s0 =	sadd.s32 @!p0 $0x100000, s1;
	[bflag:$0x2] =	sbarrier.arrive $0xFFFF  }
0x4f: {  	[sflag:s0] =	ssyncadd.tile.s32 @!p0 $0x1;
	_ =	shalt  }
.Lfunc_end2:
_tile_overlayer_lowered:
.L_overlay_start_2:
0x50: {  	(tag) =	ssettag $0x2  }
0x51: {  	s0 =	rddreg [dreg:$0x0];
	s2 =	stileid.u32  }
0x52: {  	s1 =	rddreg [dreg:$0x1];
	p0 =	sne.s32 s2, $0x0  }
0x53: {  	s3 =	rddreg [dreg:$0x2];
	[bflag:$0x3] =	sbarrier.arrive $0xFFFF;
	s2 =	simm.s32 @!p0 $0x1C02  }
0x54: {  	[timem:s3], [sflag:s2] =	dma.local @!p0 [hbm:s0], s1  }
0x55: {  	s0 =	simm.s32 @!p0 $0x2  }
0x56: {  	_ =	swait.ge @!p0 [sflag:s0], s1  }
0x57: {  	s1 =	ssub.s32 @!p0 $0x0, s1;
	[sflag:s0] =	ssyncset.done @!p0 $0x0  }
0x58: {  	[sflag:s0] =	ssyncadd.s32 @!p0 s1  }
0x59: {  	[bflag:$0x3] =	sbarrier.arrive $0xFFFF  }
0x5a: {  	_ =	shalt  }

// kernel: kernel.28.cloned.1.call-start
scs
__scs_entry_jumppad:
0x0: {  	(pc) =	sbr.rel $0x88, $3  }
0x1: {  	(tag) =	ssettag $0x0;
	lr =	simm.s32 $0x1  }
0x2: {  	[smem:$0x3F9C] =	sst lr;
	_ =	strace $0xD0000000  }
0x3: {  	_ = 	snop  }
0x4: {  	_ = 	snop  }
0x5: {  	_ = 	snop  }
0x6: {  	_ = 	snop  }
0x7: {  	_ = 	snop  }
__scs_overlays_trampoline_lowered:
0x8: {  	[smem:$0x3FAB] =	sst s0  }
0x9: {  	[smem:$0x3FAC] =	sst s1  }
0xa: {  	[smem:$0x3FAD] =	sst s2  }
0xb: {  	[smem:$0x3FAE] =	sst s3  }
0xc: {  	[smem:$0x3FAF] =	sst s4  }
0xd: {  	[smem:$0x3FB0] =	sst s5  }
0xe: {  	[smem:$0x3FB1] =	sst s6  }
0xf: {  	[smem:$0x3FB2] =	sst s7  }
0x10: {  	[smem:$0x3FB3] =	sst s8  }
0x11: {  	[smem:$0x3FB4] =	sst s9;
	s0 =	simm.s32 @!p0 $0x0  }
0x12: {  	s1 =	sld [smem:$0x3F9A];
	s0 =	simm.s32 @p0 $0x1  }
0x13: {  	[smem:$0x3FB5] =	sst s0;
	s0 =	simm.s32 @!p1 $0x0  }
0x14: {  	s2 =	sld [smem:$0x3F99];
	s0 =	simm.s32 @p1 $0x1  }
0x15: {  	[smem:$0x3FB6] =	sst s0;
	s0 =	simm.s32 @!p2 $0x0  }
0x16: {  	s3 =	sld [smem:$0x3FDB];
	s0 =	simm.s32 @p2 $0x1  }
0x17: {  	s4 =	simm.s32 $0x1BF5;
	[smem:$0x3FB8] =	sst s0  }
0x18: {  	s0 =	sld [smem:$0x3F9B];
	_ =	swait.ge [sflag:s4], $0x0  }
0x19: {  	s7 =	sld [smem:$0x3F9C]  }
0x1a: {  	s8 =	sadd.s32 $0xFFFFE003, lr  }
0x1b: {  	s9 =	sadd.s32 $0xFFFFFEF7, lr;
	s5 =	simm.s32 $0xFFFFFFFF;
	p2 =	slt.u32 s8, $0xFFFFF086  }
0x1c: {  	p1 =	slt.u32 s9, $0xF7A;
	s5 =	simm.s32 @!p2 $0x0  }
0x1d: {  	s5 =	simm.s32 @p1 $0x1;
	p0 =	seq.s32 s7, s2  }
0x1e: {  	s7 =	smul.u32 @!p0 $0xF7A, s2;
	p2 =	seq.s32 @!p0 s5, $0x0  }
0x1f: {  	s9 =	smul.u32 $0xF7A, s1;
	s8 =	simm.s32 @!p0 $0x1BF5;
	p2 =	por !p2, p0  }
0x20: {  	[sflag:s8] =	ssyncset.s32 @!p0 $0xFFFFF086;
	s6 =	sadd.s32 @!p0 s3, s7;
	s7 =	simm.s32 @!p0 $0x108  }
0x21: {  	s3 =	sadd.s32 s3, s9;
	s6 =	sadd.s32 @!p0 $0x88, s6;
	s7 =	simm.s32 @p2 $0x1082  }
0x22: {  	[simem:s7], [sflag:s8] =	dma.local @!p0 [hbm:s6], $0xF7A  }
0x23: {  	s9 =	sor.u32 $0xD0000000, s2;
	s6 =	simm.s32 $0x108;
	_ =	swait.ge @!p0 [sflag:s8], $0x0  }
0x24: {  	s3 =	sadd.s32 $0x88, s3;
	s6 =	simm.s32 @!p1 $0x1082;
	[sflag:s4] =	ssyncset.s32 $0xFFFFF086  }
0x25: {  	[simem:s6], [sflag:s4] =	dma.local [hbm:s3], $0xF7A  }
0x26: {  	[smem:$0x3F9C] =	sst s1;
	(tag) =	ssettag s2;
	_ =	strace s9  }
0x27: {  	s1 =	sld [smem:$0x3FAC]  }
0x28: {  	s2 =	sld [smem:$0x3FAD]  }
0x29: {  	s4 =	sld [smem:$0x3FAF]  }
0x2a: {  	p0 =	seq.s32 s5, $0x0;
	s5 =	sld [smem:$0x3FB0]  }
0x2b: {  	s6 =	sld [smem:$0x3FB1]  }
0x2c: {  	s7 =	sld [smem:$0x3FB2]  }
0x2d: {  	s3 =	simm.s32 $0x108;
	s8 =	sld [smem:$0x3FB3]  }
0x2e: {  	s3 =	simm.s32 @!p0 $0x1082;
	s9 =	sld [smem:$0x3FB4]  }
0x2f: {  	lr =	sadd.s32 s0, s3;
	s0 =	sld [smem:$0x3FAB]  }
0x30: {  	s3 =	sld [smem:$0x3FAE]  }
0x31: {  	[smem:$0x3FB7] =	sst s10  }
0x32: {  	s10 =	sld [smem:$0x3FB5];
	_ =	sdelay $0x3  }
0x33: {  	p0 =	seq.s32 s10, $0x1;
	s10 =	sld [smem:$0x3FB7];
	_ =	sdelay $0x3  }
0x34: {  	[smem:$0x3FB7] =	sst s10  }
0x35: {  	s10 =	sld [smem:$0x3FB6];
	_ =	sdelay $0x3  }
0x36: {  	p1 =	seq.s32 s10, $0x1;
	s10 =	sld [smem:$0x3FB7];
	_ =	sdelay $0x3  }
0x37: {  	[smem:$0x3FB7] =	sst s10  }
0x38: {  	s10 =	sld [smem:$0x3FB8]  }
0x39: {  	_ = 	snop;
	(pc) =	sbr.ind lr, $3  }
0x3a: {  	_ = 	snop  }
0x3b: {  	_ = 	snop  }
0x3c: {  	p2 =	seq.s32 s10, $0x1;
	s10 =	sld [smem:$0x3FB7]  }
0x3d: {  	_ =	shalt  }
0x3e: {  	_ =	shalt  }
0x3f: {  	_ =	shalt  }
0x40: {  	_ =	shalt  }
0x41: {  	_ =	shalt  }
0x42: {  	_ =	shalt  }
0x43: {  	_ =	shalt  }
0x44: {  	_ =	shalt  }
0x45: {  	_ =	shalt  }
0x46: {  	_ =	shalt  }
0x47: {  	_ =	shalt  }
0x48: {  	_ =	shalt  }
0x49: {  	_ =	shalt  }
0x4a: {  	_ =	shalt  }
0x4b: {  	_ =	shalt  }
0x4c: {  	_ =	shalt  }
0x4d: {  	_ =	shalt  }
0x4e: {  	_ =	shalt  }
0x4f: {  	_ =	shalt  }
0x50: {  	_ =	shalt  }
0x51: {  	_ =	shalt  }
0x52: {  	_ =	shalt  }
0x53: {  	_ =	shalt  }
0x54: {  	_ =	shalt  }
0x55: {  	_ =	shalt  }
0x56: {  	_ =	shalt  }
0x57: {  	_ =	shalt  }
0x58: {  	_ =	shalt  }
0x59: {  	_ =	shalt  }
0x5a: {  	_ =	shalt  }
0x5b: {  	_ =	shalt  }
0x5c: {  	_ =	shalt  }
0x5d: {  	_ =	shalt  }
0x5e: {  	_ =	shalt  }
0x5f: {  	_ =	shalt  }
0x60: {  	_ =	shalt  }
0x61: {  	_ =	shalt  }
0x62: {  	_ =	shalt  }
0x63: {  	_ =	shalt  }
0x64: {  	_ =	shalt  }
0x65: {  	_ =	shalt  }
0x66: {  	_ =	shalt  }
0x67: {  	_ =	shalt  }
0x68: {  	_ =	shalt  }
0x69: {  	_ =	shalt  }
0x6a: {  	_ =	shalt  }
0x6b: {  	_ =	shalt  }
0x6c: {  	_ =	shalt  }
0x6d: {  	_ =	shalt  }
0x6e: {  	_ =	shalt  }
0x6f: {  	_ =	shalt  }
0x70: {  	_ =	shalt  }
0x71: {  	_ =	shalt  }
0x72: {  	_ =	shalt  }
0x73: {  	_ =	shalt  }
0x74: {  	_ =	shalt  }
0x75: {  	_ =	shalt  }
0x76: {  	_ =	shalt  }
0x77: {  	_ =	shalt  }
0x78: {  	_ =	shalt  }
0x79: {  	_ =	shalt  }
0x7a: {  	_ =	shalt  }
0x7b: {  	_ =	shalt  }
0x7c: {  	_ =	shalt  }
0x7d: {  	_ =	shalt  }
0x7e: {  	_ =	shalt  }
0x7f: {  	_ =	shalt  }
0x80: {  	_ =	shalt  }
0x81: {  	_ =	shalt  }
0x82: {  	_ =	shalt  }
0x83: {  	_ =	shalt  }
0x84: {  	_ =	shalt  }
0x85: {  	_ =	shalt  }
0x86: {  	_ =	shalt  }
0x87: {  	_ =	shalt  }
.Lfunc_end0:
.L_simem_size_0:
called_computation.2_lowered:
.L_overlay_start_0:
0x88: {  	s2 =	sld [smem:$0x3FD9]  }
0x89: {  	s3 =	sld [smem:$0x3FFE];
	_ =	sdelay $0x1  }
0x8a: {  	s1 =	srdreg.scid  }
0x8b: {  	s0 =	sand.u32 $0x1, s1  }
0x8c: {  	s16 =	sshll.u32 s0, $0xA;
	s2 =	sadd.s32 s3, s2  }
0x8d: {  	s2 =	sadd.s32 s2, s16  }
0x8e: {  	[smem:$0x3FC3] =	sst s2  }
0x8f: {  	_ = 	snop  }
0x90: {  	(tm) =	ssettm $0x1  }
0x91: {  	s17 =	sld [smem:$0x3FFB];
	_ =	sdelay $0x3  }
0x92: {  	_ =	strace s17  }
0x93: {  	s2 =	sld [smem:$0x3FFC];
	_ =	sdelay $0x3  }
0x94: {  	_ =	strace s2  }
0x95: {  	s2 =	sld [smem:$0x3FFD];
	_ =	sdelay $0x3  }
0x96: {  	_ =	strace s2  }
0x97: {  	_ =	strace $0x8FFFFFFF  }
0x98: {  	s18 =	sld [smem:$0x3FDB];
	_ =	sdelay $0x1  }
0x99: {  	s19 =	simm.s32 $_scs_section_size  }
0x9a: {  	s4 =	simm.s32 $_size__tile_overlayer_lowered;
	s5 =	simm.s32 $_tile_overlayer_lowered  }
0x9b: {  	s22 =	simm.s32 $0x1BFF;
	s21 =	sshll.u32 s5, $0x1;
	s2 =	sadd.s32 s19, s18  }
0x9c: {  	s6 =	simm.s32 $0x0;
	s20 =	sshll.u32 s4, $0x1;
	s4 =	sadd.s32 s21, s2  }
0x9d: {  	[timem:s6], [sflag:s22] =	dma.local [hbm:s4], s20  }
0x9e: {  	_ =	swait.ge [sflag:s22], s20  }
0x9f: {  	s3 =	ssub.s32 $0x0, s20;
	[sflag:s22] =	ssyncset.done $0x0  }
0xa0: {  	[sflag:s22] =	ssyncadd.s32 s3;
	_ =	sdelay $0x1  }
0xa1: {  	s23 =	simm.s32 $0x1B8B  }
0xa2: {  	_ =	swait.ge [sflag:s23], $0x1  }
0xa3: {  	[sflag:s23] =	ssyncset.done $0x0  }
0xa4: {  	s25 =	simm.s32 $0x1B8E;
	s24 =	sld [smem:$0x3FFE];
	[sflag:s23] =	ssyncadd.s32 $0xFFFFFFFF  }
0xa5: {  	s26 =	simm.s32 $execute0_lowered;
	[smem:$0x3FD2] =	sst s25  }
0xa6: {  	s4 =	sshll.u32 s26, $0x1;
	_ =	strace $0x8000004C;
	[dreg:$0x1] =	wrdreg $0xFFFFFFFF  }
0xa7: {  	s28 =	simm.s32 $_size_execute0_lowered;
	s2 =	sadd.s32 s2, s4;
	[dreg:$0x0] =	wrdreg $0x0  }
0xa8: {  	s4 =	sshll.u32 s28, $0x1;
	[dreg:$0x2] =	wrdreg s2  }
0xa9: {  	[dreg:$0x3] =	wrdreg s4  }
0xaa: {  	[dreg:$0x4] =	wrdreg $0xC0  }
0xab: {  	_ =	task [dreg:s6], $0x5FFFF  }
0xac: {  	[dreg:$0x1] =	wrdreg $0xFFFFFFFF  }
0xad: {  	[dreg:$0x0] =	wrdreg $0x60  }
0xae: {  	[dreg:$0x2] =	wrdreg s24  }
0xaf: {  	[dreg:$0x3] =	wrdreg $0x41000  }
0xb0: {  	[dreg:$0x4] =	wrdreg $0x9  }
0xb1: {  	_ =	task.clear_ibuf [dreg:s6], $0x5FFFF;
	_ =	strace $0x9000004C  }
0xb2: {  	s29 =	simm.s32 $0x9;
	_ =	strace $0x8000004E  }
0xb3: {  	_ =	swait.ge [sflag:s29], $0x1  }
0xb4: {  	[sflag:s29] =	ssyncadd.s32 $0xFFFFFFFF  }
0xb5: {  	_ =	strace $0x9000004E  }
0xb6: {  	_ =	sfence  }
0xb7: {  	s30 =	sld [smem:$0x0];
	_ =	sdelay $0x2  }
0xb8: {  	s31 =	sshll.u32 s1, $0xD;
	s1 =	sshrl.u32 s1, $0x2  }
0xb9: {  	s3 =	sand.u32 $0x4000, s31;
	s1 =	sadd.s32 s1, s30  }
0xba: {  	s0 =	sor.u32 s3, s0;
	s1 =	sshll.u32 s1, $0x11  }
0xbb: {  	s0 =	sor.u32 s1, s0  }
0xbc: {  	s0 =	sadd.s32 $0x8F2B, s0  }
0xbd: {  	[sflag:s0] =	ssyncadd.remote.s32 $0x1  }
0xbe: {  	_ =	sfence.sel $0xFFFF  }
0xbf: {  	[dreg:$0x0] =	wrdreg $0xFFFFFFFF;
	(pc) =	sbr.abs _section_cstart, $3  }
0xc0: {  	[dreg:$0x1] =	wrdreg $0xFFFFFFFF  }
0xc1: {  	_ =	task.clear_ibuf [dreg:s6], $0x2FFFF;
	_ =	strace $0x9FFFFFFF  }
0xc2: {  	(tm) =	ssettm $0x7FFFFFFF  }
0xc3: {  	_ =	shalt  }
tec
execute0_lowered:
.L_overlay_start_1:
0x0: {  	(tag) =	ssettag $0x1  }
0x1: {  	s5 =	rddreg [dreg:$0x0]  }
0x2: {  	s0 =	stileid.u32;
	s1 =	srdreg.scid  }
0x3: {  	s2 =	rddreg [dreg:$0x1];
	s3 =	simm.s32 $0x0;
	s13 =	simm.s32 $0x80  }
0x4: {  	s14 =	simm.s32 $0x100;
	s15 =	simm.s32 $0x1;
	s6 =	smul.u32 $0x9E0, s0  }
0x5: {  	s7 =	sand.u32 $0x1, s1;
	s1 =	rddreg [dreg:$0x2];
	s9 =	smul.u32 $0x14000, s0  }
0x6: {  	s16 =	simm.s32 $0x0;
	[smem:$0x7FF] =	sst s3;
	s25 =	smul.u32 $0x50000, s0  }
0x7: {  	s4 =	sadd.s32 $0x92E00, s5;
	s11 =	sadd.s32 $0xF800, s5;
	s29 =	smul.u32 $0x2800, s0  }
0x8: {  	s31 =	sshll.u32 s0, $0x6;
	s8 =	smul.u32 $0x140000, s7;
	_ =	strace $0x8000004D  }
0x9: {  	s24 =	ssub.s32 $0x2, s7;
	p0 =	seq.s32 s7, $0x0;
	s30 =	smul.u32 $0x4F0, s7  }
0xa: {  	s10 =	sadd.s32 s6, s5;
	s26 =	sshrl.u32 s24, $0x1;
	s28 =	sshrl.u32 s25, $0x2  }
0xb: {  	s11 =	smov.u32 @p0 s4;
	s23 =	sadd.s32 s9, s8;
	s12 =	sadd.s32 s28, s2  }
0xc: {  	s7 =	sadd.s32 s11, s29;
	s10 =	sadd.s32 s30, s10;
	s8 =	sor.u32 $0x1C02, s31  }
0xd: {  	s6 =	sshrl.u32 s23, $0x3;
	s9 =	sadd.s32 $0x5A00, s10;
	s10 =	sadd.s32 $0x88000, s10  }
0xe: {  	s11 =	sshrl.u32 s12, $0x3;
	s5 =	sadd.s32 s6, s5;
	s6 =	ssub.s32 s24, s26  }
0xf: {  	s12 =	simm.s32 $0x2;
	s5 =	sadd.s32 $0xBAE00, s5;
	s6 =	smax.u32 s6, $0x1  }
.LBB2_1:
0x10: {  	[spmem:s11], [sflag:s8] =	dma.local [hbm:s7], $0x2800  }
0x11: {  	_ =	swait.ge [sflag:s12], $0x2800  }
0x12: {  	[sflag:s12] =	ssyncset.done $0x0  }
0x13: {  	[sflag:s12] =	ssyncadd.s32 $0xFFFFD800  }
0x14: {  	s17 =	sadd.s32 $0x0, s10;
	[bflag:$0x0] =	sbarrier.arrive $0xFFFF  }
0x15: {  	[tilespmem:s3], [sflag:$0x2] =	stream.linear.gather [hbm4b:s17+s3], $0x80, $0x38;
	[tilespmem:$0x18100] =	vst v63  }
0x16: {  	_ =	swait.ge [sflag:s12], $0x80  }
0x17: {  	[sflag:s12] =	ssyncset.done $0x0  }
0x18: {  	s31 =	sadd.s32 $0x0, s9;
	[sflag:s12] =	ssyncadd.s32 $0xFFFFFF80  }
0x19: {  	[tilespmem:s13], [sflag:$0x2] =	stream.linear.gather [hbm4b:s31+s3], $0x80, $0x38;
	[tilespmem:$0x18100] =	vst v63  }
0x1a: {  	_ =	swait.ge [sflag:s12], $0x80  }
0x1b: {  	[sflag:s12] =	ssyncset.done $0x0  }
0x1c: {  	[sflag:s12] =	ssyncadd.s32 $0xFFFFFF80  }
0x1d: {  	[tilespmem:s14], [sflag:$0x1] =	stream.indirect.gather [hbm4b:s4+s13], $0x80, s3, s13, $0xb8;
	[tilespmem:$0x18100] =	vst v63  }
0x1e: {  	_ =	swait.ge [sflag:s15], $0x4000  }
0x1f: {  	[sflag:s15] =	ssyncset.done $0x0  }
0x20: {  	[sflag:s15] =	ssyncadd.s32 $0xFFFFC000  }
0x21: {  	[spmem:s2] =	stream.indirect.scatter.add.f32 [tilespmem:s14], [sflag:$0x2], $0x80, s13, s13, $0xb8;
	[tilespmem:$0x18100] =	vst v63  }
0x22: {  	_ =	swait.ge [sflag:s12], $0x4000  }
0x23: {  	s18 =	simm.s32 $0x20;
	s17 =	simm.s32 $0x10;
	[sflag:s12] =	ssyncset.done $0x0  }
.LBB2_2:
0x24: {  	s19 =	sadd.s32 s17, s10  }
0x25: {  	[sflag:s12] =	ssyncadd.s32 $0xFFFFC000;
	s20 =	smov.u32 s18;
	s21 =	sadd.s32 $0x10, s18  }
0x26: {  	[tilespmem:s3], [sflag:$0x2] =	stream.linear.gather [hbm4b:s19+s3], $0x80, $0x38;
	[tilespmem:$0x18100] =	vst v63  }
0x27: {  	p0 =	sne.s32 s18, $0x4E0;
	_ =	swait.ge [sflag:s12], $0x80  }
0x28: {  	[sflag:s12] =	ssyncset.done $0x0  }
0x29: {  	s18 =	sadd.s32 s17, s9;
	s17 =	smov.u32 s20;
	[sflag:s12] =	ssyncadd.s32 $0xFFFFFF80  }
0x2a: {  	[tilespmem:s13], [sflag:$0x2] =	stream.linear.gather [hbm4b:s18+s3], $0x80, $0x38;
	[tilespmem:$0x18100] =	vst v63  }
0x2b: {  	_ =	swait.ge [sflag:s12], $0x80  }
0x2c: {  	[sflag:s12] =	ssyncset.done $0x0  }
0x2d: {  	[sflag:s12] =	ssyncadd.s32 $0xFFFFFF80  }
0x2e: {  	[tilespmem:s14], [sflag:$0x1] =	stream.indirect.gather [hbm4b:s4+s13], $0x80, s3, s13, $0xb8;
	[tilespmem:$0x18100] =	vst v63  }
0x2f: {  	_ =	swait.ge [sflag:s15], $0x4000  }
.Ltmp0:
0x30: {  	[sflag:s15] =	ssyncset.done $0x0;
	(pc) =	sbr.rel @p0 .LBB2_2-.Ltmp0, $4  }
0x31: {  	[sflag:s15] =	ssyncadd.s32 $0xFFFFC000  }
0x32: {  	[spmem:s2] =	stream.indirect.scatter.add.f32 [tilespmem:s14], [sflag:$0x2], $0x80, s13, s13, $0xb8;
	[tilespmem:$0x18100] =	vst v63  }
0x33: {  	_ =	swait.ge [sflag:s12], $0x4000  }
0x34: {  	s18 =	smov.u32 s21;
	[sflag:s12] =	ssyncset.done $0x0  }
0x35: {  	s18 =	sadd.s32 s17, s10;
	[sflag:s12] =	ssyncadd.s32 $0xFFFFC000  }
0x36: {  	[tilespmem:s3], [sflag:$0x2] =	stream.linear.gather [hbm4b:s18+s3], $0x80, $0x38;
	[tilespmem:$0x18100] =	vst v63  }
0x37: {  	_ =	swait.ge [sflag:s12], $0x80  }
0x38: {  	[sflag:s12] =	ssyncset.done $0x0  }
0x39: {  	s31 =	sadd.s32 s17, s9;
	[sflag:s12] =	ssyncadd.s32 $0xFFFFFF80  }
0x3a: {  	[tilespmem:s13], [sflag:$0x2] =	stream.linear.gather [hbm4b:s31+s3], $0x80, $0x38;
	[tilespmem:$0x18100] =	vst v63  }
0x3b: {  	_ =	swait.ge [sflag:s12], $0x80  }
0x3c: {  	[sflag:s12] =	ssyncset.done $0x0  }
0x3d: {  	[sflag:s12] =	ssyncadd.s32 $0xFFFFFF80  }
0x3e: {  	[tilespmem:s14], [sflag:$0x1] =	stream.indirect.gather [hbm4b:s4+s13], $0x80, s3, s13, $0xb8;
	[tilespmem:$0x18100] =	vst v63  }
0x3f: {  	_ =	swait.ge [sflag:s15], $0x4000  }
0x40: {  	[sflag:s15] =	ssyncset.done $0x0  }
0x41: {  	[sflag:s15] =	ssyncadd.s32 $0xFFFFC000  }
0x42: {  	[spmem:s2] =	stream.indirect.scatter.add.f32 [tilespmem:s14], [sflag:$0x2], $0x80, s13, s13, $0xb8;
	[tilespmem:$0x18100] =	vst v63  }
0x43: {  	_ =	swait.ge [sflag:s12], $0x4000  }
0x44: {  	s16 =	sadd.s32 $0x1, s16;
	[sflag:s12] =	ssyncset.done $0x0  }
0x45: {  	p0 =	sne.s32 s16, s6;
	[sflag:s12] =	ssyncadd.s32 $0xFFFFC000  }
.Ltmp1:
0x46: {  	[bflag:$0x0] =	sbarrier.arrive $0xFFFF;
	(pc) =	sbr.rel @p0 .LBB2_1-.Ltmp1, $4  }
0x47: {  	[hbm:s5], [sflag:s8] =	dma.local [spmem:s11], $0x2800  }
0x48: {  	_ =	swait.ge [sflag:s12], $0x2800  }
0x49: {  	[sflag:s12] =	ssyncset.done $0x0  }
0x4a: {  	[sflag:s12] =	ssyncadd.s32 $0xFFFFD800  }
0x4b: {  	_ =	sfence.sel $0x180000  }
0x4c: {  	[bflag:$0x0] =	sbarrier.arrive $0xFFFF  }
0x4d: {  	p0 =	sne.s32 s0, $0x0;
	_ =	strace $0x9000004D  }
0x4e: {  	s0 =	sadd.s32 @!p0 $0x100000, s1;
	[bflag:$0x2] =	sbarrier.arrive $0xFFFF  }
0x4f: {  	[sflag:s0] =	ssyncadd.tile.s32 @!p0 $0x1;
	_ =	shalt  }
.Lfunc_end2:
_tile_overlayer_lowered:
.L_overlay_start_2:
0x50: {  	(tag) =	ssettag $0x2  }
0x51: {  	s0 =	rddreg [dreg:$0x0];
	s2 =	stileid.u32  }
0x52: {  	s1 =	rddreg [dreg:$0x1];
	p0 =	sne.s32 s2, $0x0  }
0x53: {  	s3 =	rddreg [dreg:$0x2];
	[bflag:$0x3] =	sbarrier.arrive $0xFFFF;
	s2 =	simm.s32 @!p0 $0x1C02  }
0x54: {  	[timem:s3], [sflag:s2] =	dma.local @!p0 [hbm:s0], s1  }
0x55: {  	s0 =	simm.s32 @!p0 $0x2  }
0x56: {  	_ =	swait.ge @!p0 [sflag:s0], s1  }
0x57: {  	s1 =	ssub.s32 @!p0 $0x0, s1;
	[sflag:s0] =	ssyncset.done @!p0 $0x0  }
0x58: {  	[sflag:s0] =	ssyncadd.s32 @!p0 s1  }
0x59: {  	[bflag:$0x3] =	sbarrier.arrive $0xFFFF  }
0x5a: {  	_ =	shalt  }

// kernel: kernel.31.cloned.1.call-start
scs
__scs_entry_jumppad:
0x0: {  	(pc) =	sbr.rel $0x88, $3  }
0x1: {  	(tag) =	ssettag $0x0;
	lr =	simm.s32 $0x1  }
0x2: {  	[smem:$0x3F9C] =	sst lr;
	_ =	strace $0xD0000000  }
0x3: {  	_ = 	snop  }
0x4: {  	_ = 	snop  }
0x5: {  	_ = 	snop  }
0x6: {  	_ = 	snop  }
0x7: {  	_ = 	snop  }
__scs_overlays_trampoline_lowered:
0x8: {  	[smem:$0x3FAB] =	sst s0  }
0x9: {  	[smem:$0x3FAC] =	sst s1  }
0xa: {  	[smem:$0x3FAD] =	sst s2  }
0xb: {  	[smem:$0x3FAE] =	sst s3  }
0xc: {  	[smem:$0x3FAF] =	sst s4  }
0xd: {  	[smem:$0x3FB0] =	sst s5  }
0xe: {  	[smem:$0x3FB1] =	sst s6  }
0xf: {  	[smem:$0x3FB2] =	sst s7  }
0x10: {  	[smem:$0x3FB3] =	sst s8  }
0x11: {  	[smem:$0x3FB4] =	sst s9;
	s0 =	simm.s32 @!p0 $0x0  }
0x12: {  	s1 =	sld [smem:$0x3F9A];
	s0 =	simm.s32 @p0 $0x1  }
0x13: {  	[smem:$0x3FB5] =	sst s0;
	s0 =	simm.s32 @!p1 $0x0  }
0x14: {  	s2 =	sld [smem:$0x3F99];
	s0 =	simm.s32 @p1 $0x1  }
0x15: {  	[smem:$0x3FB6] =	sst s0;
	s0 =	simm.s32 @!p2 $0x0  }
0x16: {  	s3 =	sld [smem:$0x3FDB];
	s0 =	simm.s32 @p2 $0x1  }
0x17: {  	s4 =	simm.s32 $0x1BF5;
	[smem:$0x3FB8] =	sst s0  }
0x18: {  	s0 =	sld [smem:$0x3F9B];
	_ =	swait.ge [sflag:s4], $0x0  }
0x19: {  	s7 =	sld [smem:$0x3F9C]  }
0x1a: {  	s8 =	sadd.s32 $0xFFFFE003, lr  }
0x1b: {  	s9 =	sadd.s32 $0xFFFFFEF7, lr;
	s5 =	simm.s32 $0xFFFFFFFF;
	p2 =	slt.u32 s8, $0xFFFFF086  }
0x1c: {  	p1 =	slt.u32 s9, $0xF7A;
	s5 =	simm.s32 @!p2 $0x0  }
0x1d: {  	s5 =	simm.s32 @p1 $0x1;
	p0 =	seq.s32 s7, s2  }
0x1e: {  	s7 =	smul.u32 @!p0 $0xF7A, s2;
	p2 =	seq.s32 @!p0 s5, $0x0  }
0x1f: {  	s9 =	smul.u32 $0xF7A, s1;
	s8 =	simm.s32 @!p0 $0x1BF5;
	p2 =	por !p2, p0  }
0x20: {  	[sflag:s8] =	ssyncset.s32 @!p0 $0xFFFFF086;
	s6 =	sadd.s32 @!p0 s3, s7;
	s7 =	simm.s32 @!p0 $0x108  }
0x21: {  	s3 =	sadd.s32 s3, s9;
	s6 =	sadd.s32 @!p0 $0x88, s6;
	s7 =	simm.s32 @p2 $0x1082  }
0x22: {  	[simem:s7], [sflag:s8] =	dma.local @!p0 [hbm:s6], $0xF7A  }
0x23: {  	s9 =	sor.u32 $0xD0000000, s2;
	s6 =	simm.s32 $0x108;
	_ =	swait.ge @!p0 [sflag:s8], $0x0  }
0x24: {  	s3 =	sadd.s32 $0x88, s3;
	s6 =	simm.s32 @!p1 $0x1082;
	[sflag:s4] =	ssyncset.s32 $0xFFFFF086  }
0x25: {  	[simem:s6], [sflag:s4] =	dma.local [hbm:s3], $0xF7A  }
0x26: {  	[smem:$0x3F9C] =	sst s1;
	(tag) =	ssettag s2;
	_ =	strace s9  }
0x27: {  	s1 =	sld [smem:$0x3FAC]  }
0x28: {  	s2 =	sld [smem:$0x3FAD]  }
0x29: {  	s4 =	sld [smem:$0x3FAF]  }
0x2a: {  	p0 =	seq.s32 s5, $0x0;
	s5 =	sld [smem:$0x3FB0]  }
0x2b: {  	s6 =	sld [smem:$0x3FB1]  }
0x2c: {  	s7 =	sld [smem:$0x3FB2]  }
0x2d: {  	s3 =	simm.s32 $0x108;
	s8 =	sld [smem:$0x3FB3]  }
0x2e: {  	s3 =	simm.s32 @!p0 $0x1082;
	s9 =	sld [smem:$0x3FB4]  }
0x2f: {  	lr =	sadd.s32 s0, s3;
	s0 =	sld [smem:$0x3FAB]  }
0x30: {  	s3 =	sld [smem:$0x3FAE]  }
0x31: {  	[smem:$0x3FB7] =	sst s10  }
0x32: {  	s10 =	sld [smem:$0x3FB5];
	_ =	sdelay $0x3  }
0x33: {  	p0 =	seq.s32 s10, $0x1;
	s10 =	sld [smem:$0x3FB7];
	_ =	sdelay $0x3  }
0x34: {  	[smem:$0x3FB7] =	sst s10  }
0x35: {  	s10 =	sld [smem:$0x3FB6];
	_ =	sdelay $0x3  }
0x36: {  	p1 =	seq.s32 s10, $0x1;
	s10 =	sld [smem:$0x3FB7];
	_ =	sdelay $0x3  }
0x37: {  	[smem:$0x3FB7] =	sst s10  }
0x38: {  	s10 =	sld [smem:$0x3FB8]  }
0x39: {  	_ = 	snop;
	(pc) =	sbr.ind lr, $3  }
0x3a: {  	_ = 	snop  }
0x3b: {  	_ = 	snop  }
0x3c: {  	p2 =	seq.s32 s10, $0x1;
	s10 =	sld [smem:$0x3FB7]  }
0x3d: {  	_ =	shalt  }
0x3e: {  	_ =	shalt  }
0x3f: {  	_ =	shalt  }
0x40: {  	_ =	shalt  }
0x41: {  	_ =	shalt  }
0x42: {  	_ =	shalt  }
0x43: {  	_ =	shalt  }
0x44: {  	_ =	shalt  }
0x45: {  	_ =	shalt  }
0x46: {  	_ =	shalt  }
0x47: {  	_ =	shalt  }
0x48: {  	_ =	shalt  }
0x49: {  	_ =	shalt  }
0x4a: {  	_ =	shalt  }
0x4b: {  	_ =	shalt  }
0x4c: {  	_ =	shalt  }
0x4d: {  	_ =	shalt  }
0x4e: {  	_ =	shalt  }
0x4f: {  	_ =	shalt  }
0x50: {  	_ =	shalt  }
0x51: {  	_ =	shalt  }
0x52: {  	_ =	shalt  }
0x53: {  	_ =	shalt  }
0x54: {  	_ =	shalt  }
0x55: {  	_ =	shalt  }
0x56: {  	_ =	shalt  }
0x57: {  	_ =	shalt  }
0x58: {  	_ =	shalt  }
0x59: {  	_ =	shalt  }
0x5a: {  	_ =	shalt  }
0x5b: {  	_ =	shalt  }
0x5c: {  	_ =	shalt  }
0x5d: {  	_ =	shalt  }
0x5e: {  	_ =	shalt  }
0x5f: {  	_ =	shalt  }
0x60: {  	_ =	shalt  }
0x61: {  	_ =	shalt  }
0x62: {  	_ =	shalt  }
0x63: {  	_ =	shalt  }
0x64: {  	_ =	shalt  }
0x65: {  	_ =	shalt  }
0x66: {  	_ =	shalt  }
0x67: {  	_ =	shalt  }
0x68: {  	_ =	shalt  }
0x69: {  	_ =	shalt  }
0x6a: {  	_ =	shalt  }
0x6b: {  	_ =	shalt  }
0x6c: {  	_ =	shalt  }
0x6d: {  	_ =	shalt  }
0x6e: {  	_ =	shalt  }
0x6f: {  	_ =	shalt  }
0x70: {  	_ =	shalt  }
0x71: {  	_ =	shalt  }
0x72: {  	_ =	shalt  }
0x73: {  	_ =	shalt  }
0x74: {  	_ =	shalt  }
0x75: {  	_ =	shalt  }
0x76: {  	_ =	shalt  }
0x77: {  	_ =	shalt  }
0x78: {  	_ =	shalt  }
0x79: {  	_ =	shalt  }
0x7a: {  	_ =	shalt  }
0x7b: {  	_ =	shalt  }
0x7c: {  	_ =	shalt  }
0x7d: {  	_ =	shalt  }
0x7e: {  	_ =	shalt  }
0x7f: {  	_ =	shalt  }
0x80: {  	_ =	shalt  }
0x81: {  	_ =	shalt  }
0x82: {  	_ =	shalt  }
0x83: {  	_ =	shalt  }
0x84: {  	_ =	shalt  }
0x85: {  	_ =	shalt  }
0x86: {  	_ =	shalt  }
0x87: {  	_ =	shalt  }
.Lfunc_end0:
.L_simem_size_0:
called_computation.3_lowered:
.L_overlay_start_0:
0x88: {  	s2 =	sld [smem:$0x3FD9]  }
0x89: {  	s3 =	sld [smem:$0x3FFE];
	_ =	sdelay $0x1  }
0x8a: {  	s1 =	srdreg.scid  }
0x8b: {  	s0 =	sand.u32 $0x1, s1  }
0x8c: {  	s16 =	sshll.u32 s0, $0xA;
	s2 =	sadd.s32 s3, s2  }
0x8d: {  	s2 =	sadd.s32 s2, s16  }
0x8e: {  	[smem:$0x3FC3] =	sst s2  }
0x8f: {  	_ = 	snop  }
0x90: {  	(tm) =	ssettm $0x1  }
0x91: {  	s17 =	sld [smem:$0x3FFB];
	_ =	sdelay $0x3  }
0x92: {  	_ =	strace s17  }
0x93: {  	s2 =	sld [smem:$0x3FFC];
	_ =	sdelay $0x3  }
0x94: {  	_ =	strace s2  }
0x95: {  	s2 =	sld [smem:$0x3FFD];
	_ =	sdelay $0x3  }
0x96: {  	_ =	strace s2  }
0x97: {  	_ =	strace $0x8FFFFFFF  }
0x98: {  	s18 =	sld [smem:$0x3FDB];
	_ =	sdelay $0x1  }
0x99: {  	s19 =	simm.s32 $_scs_section_size  }
0x9a: {  	s4 =	simm.s32 $_size__tile_overlayer_lowered;
	s5 =	simm.s32 $_tile_overlayer_lowered  }
0x9b: {  	s22 =	simm.s32 $0x1BFF;
	s21 =	sshll.u32 s5, $0x1;
	s2 =	sadd.s32 s19, s18  }
0x9c: {  	s6 =	simm.s32 $0x0;
	s20 =	sshll.u32 s4, $0x1;
	s4 =	sadd.s32 s21, s2  }
0x9d: {  	[timem:s6], [sflag:s22] =	dma.local [hbm:s4], s20  }
0x9e: {  	_ =	swait.ge [sflag:s22], s20  }
0x9f: {  	s3 =	ssub.s32 $0x0, s20;
	[sflag:s22] =	ssyncset.done $0x0  }
0xa0: {  	[sflag:s22] =	ssyncadd.s32 s3;
	_ =	sdelay $0x1  }
0xa1: {  	s23 =	simm.s32 $0x1B8B  }
0xa2: {  	_ =	swait.ge [sflag:s23], $0x1  }
0xa3: {  	[sflag:s23] =	ssyncset.done $0x0  }
0xa4: {  	s25 =	simm.s32 $0x1B8E;
	s24 =	sld [smem:$0x3FFE];
	[sflag:s23] =	ssyncadd.s32 $0xFFFFFFFF  }
0xa5: {  	s26 =	simm.s32 $execute0_lowered;
	[smem:$0x3FD2] =	sst s25  }
0xa6: {  	s4 =	sshll.u32 s26, $0x1;
	_ =	strace $0x8000004F;
	[dreg:$0x1] =	wrdreg $0xFFFFFFFF  }
0xa7: {  	s28 =	simm.s32 $_size_execute0_lowered;
	s2 =	sadd.s32 s2, s4;
	[dreg:$0x0] =	wrdreg $0x0  }
0xa8: {  	s4 =	sshll.u32 s28, $0x1;
	[dreg:$0x2] =	wrdreg s2  }
0xa9: {  	[dreg:$0x3] =	wrdreg s4  }
0xaa: {  	[dreg:$0x4] =	wrdreg $0xC0  }
0xab: {  	_ =	task [dreg:s6], $0x5FFFF  }
0xac: {  	[dreg:$0x1] =	wrdreg $0xFFFFFFFF  }
0xad: {  	[dreg:$0x0] =	wrdreg $0x60  }
0xae: {  	[dreg:$0x2] =	wrdreg s24  }
0xaf: {  	[dreg:$0x3] =	wrdreg $0x41000  }
0xb0: {  	[dreg:$0x4] =	wrdreg $0x9  }
0xb1: {  	_ =	task.clear_ibuf [dreg:s6], $0x5FFFF;
	_ =	strace $0x9000004F  }
0xb2: {  	s29 =	simm.s32 $0x9;
	_ =	strace $0x80000051  }
0xb3: {  	_ =	swait.ge [sflag:s29], $0x1  }
0xb4: {  	[sflag:s29] =	ssyncadd.s32 $0xFFFFFFFF  }
0xb5: {  	_ =	strace $0x90000051  }
0xb6: {  	_ =	sfence  }
0xb7: {  	s30 =	sld [smem:$0x0];
	_ =	sdelay $0x2  }
0xb8: {  	s31 =	sshll.u32 s1, $0xD;
	s1 =	sshrl.u32 s1, $0x2  }
0xb9: {  	s3 =	sand.u32 $0x4000, s31;
	s1 =	sadd.s32 s1, s30  }
0xba: {  	s0 =	sor.u32 s3, s0;
	s1 =	sshll.u32 s1, $0x11  }
0xbb: {  	s0 =	sor.u32 s1, s0  }
0xbc: {  	s0 =	sadd.s32 $0x8F2B, s0  }
0xbd: {  	[sflag:s0] =	ssyncadd.remote.s32 $0x1  }
0xbe: {  	_ =	sfence.sel $0xFFFF  }
0xbf: {  	[dreg:$0x0] =	wrdreg $0xFFFFFFFF;
	(pc) =	sbr.abs _section_cstart, $3  }
0xc0: {  	[dreg:$0x1] =	wrdreg $0xFFFFFFFF  }
0xc1: {  	_ =	task.clear_ibuf [dreg:s6], $0x2FFFF;
	_ =	strace $0x9FFFFFFF  }
0xc2: {  	(tm) =	ssettm $0x7FFFFFFF  }
0xc3: {  	_ =	shalt  }
tec
execute0_lowered:
.L_overlay_start_1:
0x0: {  	(tag) =	ssettag $0x1  }
0x1: {  	s5 =	rddreg [dreg:$0x0]  }
0x2: {  	s0 =	stileid.u32;
	s1 =	srdreg.scid  }
0x3: {  	s2 =	rddreg [dreg:$0x1];
	s3 =	simm.s32 $0x0;
	s13 =	simm.s32 $0x80  }
0x4: {  	s14 =	simm.s32 $0x100;
	s15 =	simm.s32 $0x1;
	s6 =	smul.u32 $0x9E0, s0  }
0x5: {  	s7 =	sand.u32 $0x1, s1;
	s1 =	rddreg [dreg:$0x2];
	s9 =	smul.u32 $0x14000, s0  }
0x6: {  	s16 =	simm.s32 $0x0;
	[smem:$0x7FF] =	sst s3;
	s25 =	smul.u32 $0x50000, s0  }
0x7: {  	s4 =	sadd.s32 $0x92E00, s5;
	s11 =	sadd.s32 $0xF800, s5;
	s29 =	smul.u32 $0x2800, s0  }
0x8: {  	s31 =	sshll.u32 s0, $0x6;
	s8 =	smul.u32 $0x140000, s7;
	_ =	strace $0x80000050  }
0x9: {  	s24 =	ssub.s32 $0x2, s7;
	p0 =	seq.s32 s7, $0x0;
	s30 =	smul.u32 $0x4F0, s7  }
0xa: {  	s10 =	sadd.s32 s6, s5;
	s26 =	sshrl.u32 s24, $0x1;
	s28 =	sshrl.u32 s25, $0x2  }
0xb: {  	s11 =	smov.u32 @p0 s4;
	s23 =	sadd.s32 s9, s8;
	s12 =	sadd.s32 s28, s2  }
0xc: {  	s7 =	sadd.s32 s11, s29;
	s10 =	sadd.s32 s30, s10;
	s8 =	sor.u32 $0x1C02, s31  }
0xd: {  	s6 =	sshrl.u32 s23, $0x3;
	s9 =	sadd.s32 $0x5A00, s10;
	s10 =	sadd.s32 $0x88000, s10  }
0xe: {  	s11 =	sshrl.u32 s12, $0x3;
	s5 =	sadd.s32 s6, s5;
	s6 =	ssub.s32 s24, s26  }
0xf: {  	s12 =	simm.s32 $0x2;
	s5 =	sadd.s32 $0xBAE00, s5;
	s6 =	smax.u32 s6, $0x1  }
.LBB2_1:
0x10: {  	[spmem:s11], [sflag:s8] =	dma.local [hbm:s7], $0x2800  }
0x11: {  	_ =	swait.ge [sflag:s12], $0x2800  }
0x12: {  	[sflag:s12] =	ssyncset.done $0x0  }
0x13: {  	[sflag:s12] =	ssyncadd.s32 $0xFFFFD800  }
0x14: {  	s17 =	sadd.s32 $0x0, s10;
	[bflag:$0x0] =	sbarrier.arrive $0xFFFF  }
0x15: {  	[tilespmem:s3], [sflag:$0x2] =	stream.linear.gather [hbm4b:s17+s3], $0x80, $0x38;
	[tilespmem:$0x18100] =	vst v63  }
0x16: {  	_ =	swait.ge [sflag:s12], $0x80  }
0x17: {  	[sflag:s12] =	ssyncset.done $0x0  }
0x18: {  	s31 =	sadd.s32 $0x0, s9;
	[sflag:s12] =	ssyncadd.s32 $0xFFFFFF80  }
0x19: {  	[tilespmem:s13], [sflag:$0x2] =	stream.linear.gather [hbm4b:s31+s3], $0x80, $0x38;
	[tilespmem:$0x18100] =	vst v63  }
0x1a: {  	_ =	swait.ge [sflag:s12], $0x80  }
0x1b: {  	[sflag:s12] =	ssyncset.done $0x0  }
0x1c: {  	[sflag:s12] =	ssyncadd.s32 $0xFFFFFF80  }
0x1d: {  	[tilespmem:s14], [sflag:$0x1] =	stream.indirect.gather [hbm4b:s4+s13], $0x80, s3, s13, $0xb8;
	[tilespmem:$0x18100] =	vst v63  }
0x1e: {  	_ =	swait.ge [sflag:s15], $0x4000  }
0x1f: {  	[sflag:s15] =	ssyncset.done $0x0  }
0x20: {  	[sflag:s15] =	ssyncadd.s32 $0xFFFFC000  }
0x21: {  	[spmem:s2] =	stream.indirect.scatter.add.f32 [tilespmem:s14], [sflag:$0x2], $0x80, s13, s13, $0xb8;
	[tilespmem:$0x18100] =	vst v63  }
0x22: {  	_ =	swait.ge [sflag:s12], $0x4000  }
0x23: {  	s18 =	simm.s32 $0x20;
	s17 =	simm.s32 $0x10;
	[sflag:s12] =	ssyncset.done $0x0  }
.LBB2_2:
0x24: {  	s19 =	sadd.s32 s17, s10  }
0x25: {  	[sflag:s12] =	ssyncadd.s32 $0xFFFFC000;
	s20 =	smov.u32 s18;
	s21 =	sadd.s32 $0x10, s18  }
0x26: {  	[tilespmem:s3], [sflag:$0x2] =	stream.linear.gather [hbm4b:s19+s3], $0x80, $0x38;
	[tilespmem:$0x18100] =	vst v63  }
0x27: {  	p0 =	sne.s32 s18, $0x4E0;
	_ =	swait.ge [sflag:s12], $0x80  }
0x28: {  	[sflag:s12] =	ssyncset.done $0x0  }
0x29: {  	s18 =	sadd.s32 s17, s9;
	s17 =	smov.u32 s20;
	[sflag:s12] =	ssyncadd.s32 $0xFFFFFF80  }
0x2a: {  	[tilespmem:s13], [sflag:$0x2] =	stream.linear.gather [hbm4b:s18+s3], $0x80, $0x38;
	[tilespmem:$0x18100] =	vst v63  }
0x2b: {  	_ =	swait.ge [sflag:s12], $0x80  }
0x2c: {  	[sflag:s12] =	ssyncset.done $0x0  }
0x2d: {  	[sflag:s12] =	ssyncadd.s32 $0xFFFFFF80  }
0x2e: {  	[tilespmem:s14], [sflag:$0x1] =	stream.indirect.gather [hbm4b:s4+s13], $0x80, s3, s13, $0xb8;
	[tilespmem:$0x18100] =	vst v63  }
0x2f: {  	_ =	swait.ge [sflag:s15], $0x4000  }
.Ltmp0:
0x30: {  	[sflag:s15] =	ssyncset.done $0x0;
	(pc) =	sbr.rel @p0 .LBB2_2-.Ltmp0, $4  }
0x31: {  	[sflag:s15] =	ssyncadd.s32 $0xFFFFC000  }
0x32: {  	[spmem:s2] =	stream.indirect.scatter.add.f32 [tilespmem:s14], [sflag:$0x2], $0x80, s13, s13, $0xb8;
	[tilespmem:$0x18100] =	vst v63  }
0x33: {  	_ =	swait.ge [sflag:s12], $0x4000  }
0x34: {  	s18 =	smov.u32 s21;
	[sflag:s12] =	ssyncset.done $0x0  }
0x35: {  	s18 =	sadd.s32 s17, s10;
	[sflag:s12] =	ssyncadd.s32 $0xFFFFC000  }
0x36: {  	[tilespmem:s3], [sflag:$0x2] =	stream.linear.gather [hbm4b:s18+s3], $0x80, $0x38;
	[tilespmem:$0x18100] =	vst v63  }
0x37: {  	_ =	swait.ge [sflag:s12], $0x80  }
0x38: {  	[sflag:s12] =	ssyncset.done $0x0  }
0x39: {  	s31 =	sadd.s32 s17, s9;
	[sflag:s12] =	ssyncadd.s32 $0xFFFFFF80  }
0x3a: {  	[tilespmem:s13], [sflag:$0x2] =	stream.linear.gather [hbm4b:s31+s3], $0x80, $0x38;
	[tilespmem:$0x18100] =	vst v63  }
0x3b: {  	_ =	swait.ge [sflag:s12], $0x80  }
0x3c: {  	[sflag:s12] =	ssyncset.done $0x0  }
0x3d: {  	[sflag:s12] =	ssyncadd.s32 $0xFFFFFF80  }
0x3e: {  	[tilespmem:s14], [sflag:$0x1] =	stream.indirect.gather [hbm4b:s4+s13], $0x80, s3, s13, $0xb8;
	[tilespmem:$0x18100] =	vst v63  }
0x3f: {  	_ =	swait.ge [sflag:s15], $0x4000  }
0x40: {  	[sflag:s15] =	ssyncset.done $0x0  }
0x41: {  	[sflag:s15] =	ssyncadd.s32 $0xFFFFC000  }
0x42: {  	[spmem:s2] =	stream.indirect.scatter.add.f32 [tilespmem:s14], [sflag:$0x2], $0x80, s13, s13, $0xb8;
	[tilespmem:$0x18100] =	vst v63  }
0x43: {  	_ =	swait.ge [sflag:s12], $0x4000  }
0x44: {  	s16 =	sadd.s32 $0x1, s16;
	[sflag:s12] =	ssyncset.done $0x0  }
0x45: {  	p0 =	sne.s32 s16, s6;
	[sflag:s12] =	ssyncadd.s32 $0xFFFFC000  }
.Ltmp1:
0x46: {  	[bflag:$0x0] =	sbarrier.arrive $0xFFFF;
	(pc) =	sbr.rel @p0 .LBB2_1-.Ltmp1, $4  }
0x47: {  	[hbm:s5], [sflag:s8] =	dma.local [spmem:s11], $0x2800  }
0x48: {  	_ =	swait.ge [sflag:s12], $0x2800  }
0x49: {  	[sflag:s12] =	ssyncset.done $0x0  }
0x4a: {  	[sflag:s12] =	ssyncadd.s32 $0xFFFFD800  }
0x4b: {  	_ =	sfence.sel $0x180000  }
0x4c: {  	[bflag:$0x0] =	sbarrier.arrive $0xFFFF  }
0x4d: {  	p0 =	sne.s32 s0, $0x0;
	_ =	strace $0x90000050  }
0x4e: {  	s0 =	sadd.s32 @!p0 $0x100000, s1;
	[bflag:$0x2] =	sbarrier.arrive $0xFFFF  }
0x4f: {  	[sflag:s0] =	ssyncadd.tile.s32 @!p0 $0x1;
	_ =	shalt  }
.Lfunc_end2:
_tile_overlayer_lowered:
.L_overlay_start_2:
0x50: {  	(tag) =	ssettag $0x2  }
0x51: {  	s0 =	rddreg [dreg:$0x0];
	s2 =	stileid.u32  }
0x52: {  	s1 =	rddreg [dreg:$0x1];
	p0 =	sne.s32 s2, $0x0  }
0x53: {  	s3 =	rddreg [dreg:$0x2];
	[bflag:$0x3] =	sbarrier.arrive $0xFFFF;
	s2 =	simm.s32 @!p0 $0x1C02  }
0x54: {  	[timem:s3], [sflag:s2] =	dma.local @!p0 [hbm:s0], s1  }
0x55: {  	s0 =	simm.s32 @!p0 $0x2  }
0x56: {  	_ =	swait.ge @!p0 [sflag:s0], s1  }
0x57: {  	s1 =	ssub.s32 @!p0 $0x0, s1;
	[sflag:s0] =	ssyncset.done @!p0 $0x0  }
0x58: {  	[sflag:s0] =	ssyncadd.s32 @!p0 s1  }
0x59: {  	[bflag:$0x3] =	sbarrier.arrive $0xFFFF  }
0x5a: {  	_ =	shalt  }

// kernel: kernel.34.cloned.1.call-start
scs
__scs_entry_jumppad:
0x0: {  	(pc) =	sbr.rel $0x88, $3  }
0x1: {  	(tag) =	ssettag $0x0;
	lr =	simm.s32 $0x1  }
0x2: {  	[smem:$0x3F9C] =	sst lr;
	_ =	strace $0xD0000000  }
0x3: {  	_ = 	snop  }
0x4: {  	_ = 	snop  }
0x5: {  	_ = 	snop  }
0x6: {  	_ = 	snop  }
0x7: {  	_ = 	snop  }
__scs_overlays_trampoline_lowered:
0x8: {  	[smem:$0x3FAB] =	sst s0  }
0x9: {  	[smem:$0x3FAC] =	sst s1  }
0xa: {  	[smem:$0x3FAD] =	sst s2  }
0xb: {  	[smem:$0x3FAE] =	sst s3  }
0xc: {  	[smem:$0x3FAF] =	sst s4  }
0xd: {  	[smem:$0x3FB0] =	sst s5  }
0xe: {  	[smem:$0x3FB1] =	sst s6  }
0xf: {  	[smem:$0x3FB2] =	sst s7  }
0x10: {  	[smem:$0x3FB3] =	sst s8  }
0x11: {  	[smem:$0x3FB4] =	sst s9;
	s0 =	simm.s32 @!p0 $0x0  }
0x12: {  	s1 =	sld [smem:$0x3F9A];
	s0 =	simm.s32 @p0 $0x1  }
0x13: {  	[smem:$0x3FB5] =	sst s0;
	s0 =	simm.s32 @!p1 $0x0  }
0x14: {  	s2 =	sld [smem:$0x3F99];
	s0 =	simm.s32 @p1 $0x1  }
0x15: {  	[smem:$0x3FB6] =	sst s0;
	s0 =	simm.s32 @!p2 $0x0  }
0x16: {  	s3 =	sld [smem:$0x3FDB];
	s0 =	simm.s32 @p2 $0x1  }
0x17: {  	s4 =	simm.s32 $0x1BF5;
	[smem:$0x3FB8] =	sst s0  }
0x18: {  	s0 =	sld [smem:$0x3F9B];
	_ =	swait.ge [sflag:s4], $0x0  }
0x19: {  	s7 =	sld [smem:$0x3F9C]  }
0x1a: {  	s8 =	sadd.s32 $0xFFFFE003, lr  }
0x1b: {  	s9 =	sadd.s32 $0xFFFFFEF7, lr;
	s5 =	simm.s32 $0xFFFFFFFF;
	p2 =	slt.u32 s8, $0xFFFFF086  }
0x1c: {  	p1 =	slt.u32 s9, $0xF7A;
	s5 =	simm.s32 @!p2 $0x0  }
0x1d: {  	s5 =	simm.s32 @p1 $0x1;
	p0 =	seq.s32 s7, s2  }
0x1e: {  	s7 =	smul.u32 @!p0 $0xF7A, s2;
	p2 =	seq.s32 @!p0 s5, $0x0  }
0x1f: {  	s9 =	smul.u32 $0xF7A, s1;
	s8 =	simm.s32 @!p0 $0x1BF5;
	p2 =	por !p2, p0  }
0x20: {  	[sflag:s8] =	ssyncset.s32 @!p0 $0xFFFFF086;
	s6 =	sadd.s32 @!p0 s3, s7;
	s7 =	simm.s32 @!p0 $0x108  }
0x21: {  	s3 =	sadd.s32 s3, s9;
	s6 =	sadd.s32 @!p0 $0x88, s6;
	s7 =	simm.s32 @p2 $0x1082  }
0x22: {  	[simem:s7], [sflag:s8] =	dma.local @!p0 [hbm:s6], $0xF7A  }
0x23: {  	s9 =	sor.u32 $0xD0000000, s2;
	s6 =	simm.s32 $0x108;
	_ =	swait.ge @!p0 [sflag:s8], $0x0  }
0x24: {  	s3 =	sadd.s32 $0x88, s3;
	s6 =	simm.s32 @!p1 $0x1082;
	[sflag:s4] =	ssyncset.s32 $0xFFFFF086  }
0x25: {  	[simem:s6], [sflag:s4] =	dma.local [hbm:s3], $0xF7A  }
0x26: {  	[smem:$0x3F9C] =	sst s1;
	(tag) =	ssettag s2;
	_ =	strace s9  }
0x27: {  	s1 =	sld [smem:$0x3FAC]  }
0x28: {  	s2 =	sld [smem:$0x3FAD]  }
0x29: {  	s4 =	sld [smem:$0x3FAF]  }
0x2a: {  	p0 =	seq.s32 s5, $0x0;
	s5 =	sld [smem:$0x3FB0]  }
0x2b: {  	s6 =	sld [smem:$0x3FB1]  }
0x2c: {  	s7 =	sld [smem:$0x3FB2]  }
0x2d: {  	s3 =	simm.s32 $0x108;
	s8 =	sld [smem:$0x3FB3]  }
0x2e: {  	s3 =	simm.s32 @!p0 $0x1082;
	s9 =	sld [smem:$0x3FB4]  }
0x2f: {  	lr =	sadd.s32 s0, s3;
	s0 =	sld [smem:$0x3FAB]  }
0x30: {  	s3 =	sld [smem:$0x3FAE]  }
0x31: {  	[smem:$0x3FB7] =	sst s10  }
0x32: {  	s10 =	sld [smem:$0x3FB5];
	_ =	sdelay $0x3  }
0x33: {  	p0 =	seq.s32 s10, $0x1;
	s10 =	sld [smem:$0x3FB7];
	_ =	sdelay $0x3  }
0x34: {  	[smem:$0x3FB7] =	sst s10  }
0x35: {  	s10 =	sld [smem:$0x3FB6];
	_ =	sdelay $0x3  }
0x36: {  	p1 =	seq.s32 s10, $0x1;
	s10 =	sld [smem:$0x3FB7];
	_ =	sdelay $0x3  }
0x37: {  	[smem:$0x3FB7] =	sst s10  }
0x38: {  	s10 =	sld [smem:$0x3FB8]  }
0x39: {  	_ = 	snop;
	(pc) =	sbr.ind lr, $3  }
0x3a: {  	_ = 	snop  }
0x3b: {  	_ = 	snop  }
0x3c: {  	p2 =	seq.s32 s10, $0x1;
	s10 =	sld [smem:$0x3FB7]  }
0x3d: {  	_ =	shalt  }
0x3e: {  	_ =	shalt  }
0x3f: {  	_ =	shalt  }
0x40: {  	_ =	shalt  }
0x41: {  	_ =	shalt  }
0x42: {  	_ =	shalt  }
0x43: {  	_ =	shalt  }
0x44: {  	_ =	shalt  }
0x45: {  	_ =	shalt  }
0x46: {  	_ =	shalt  }
0x47: {  	_ =	shalt  }
0x48: {  	_ =	shalt  }
0x49: {  	_ =	shalt  }
0x4a: {  	_ =	shalt  }
0x4b: {  	_ =	shalt  }
0x4c: {  	_ =	shalt  }
0x4d: {  	_ =	shalt  }
0x4e: {  	_ =	shalt  }
0x4f: {  	_ =	shalt  }
0x50: {  	_ =	shalt  }
0x51: {  	_ =	shalt  }
0x52: {  	_ =	shalt  }
0x53: {  	_ =	shalt  }
0x54: {  	_ =	shalt  }
0x55: {  	_ =	shalt  }
0x56: {  	_ =	shalt  }
0x57: {  	_ =	shalt  }
0x58: {  	_ =	shalt  }
0x59: {  	_ =	shalt  }
0x5a: {  	_ =	shalt  }
0x5b: {  	_ =	shalt  }
0x5c: {  	_ =	shalt  }
0x5d: {  	_ =	shalt  }
0x5e: {  	_ =	shalt  }
0x5f: {  	_ =	shalt  }
0x60: {  	_ =	shalt  }
0x61: {  	_ =	shalt  }
0x62: {  	_ =	shalt  }
0x63: {  	_ =	shalt  }
0x64: {  	_ =	shalt  }
0x65: {  	_ =	shalt  }
0x66: {  	_ =	shalt  }
0x67: {  	_ =	shalt  }
0x68: {  	_ =	shalt  }
0x69: {  	_ =	shalt  }
0x6a: {  	_ =	shalt  }
0x6b: {  	_ =	shalt  }
0x6c: {  	_ =	shalt  }
0x6d: {  	_ =	shalt  }
0x6e: {  	_ =	shalt  }
0x6f: {  	_ =	shalt  }
0x70: {  	_ =	shalt  }
0x71: {  	_ =	shalt  }
0x72: {  	_ =	shalt  }
0x73: {  	_ =	shalt  }
0x74: {  	_ =	shalt  }
0x75: {  	_ =	shalt  }
0x76: {  	_ =	shalt  }
0x77: {  	_ =	shalt  }
0x78: {  	_ =	shalt  }
0x79: {  	_ =	shalt  }
0x7a: {  	_ =	shalt  }
0x7b: {  	_ =	shalt  }
0x7c: {  	_ =	shalt  }
0x7d: {  	_ =	shalt  }
0x7e: {  	_ =	shalt  }
0x7f: {  	_ =	shalt  }
0x80: {  	_ =	shalt  }
0x81: {  	_ =	shalt  }
0x82: {  	_ =	shalt  }
0x83: {  	_ =	shalt  }
0x84: {  	_ =	shalt  }
0x85: {  	_ =	shalt  }
0x86: {  	_ =	shalt  }
0x87: {  	_ =	shalt  }
.Lfunc_end0:
.L_simem_size_0:
called_computation.4_lowered:
.L_overlay_start_0:
0x88: {  	s2 =	sld [smem:$0x3FD9]  }
0x89: {  	s3 =	sld [smem:$0x3FFE];
	_ =	sdelay $0x1  }
0x8a: {  	s1 =	srdreg.scid  }
0x8b: {  	s0 =	sand.u32 $0x1, s1  }
0x8c: {  	s16 =	sshll.u32 s0, $0xA;
	s2 =	sadd.s32 s3, s2  }
0x8d: {  	s2 =	sadd.s32 s2, s16  }
0x8e: {  	[smem:$0x3FC3] =	sst s2  }
0x8f: {  	_ = 	snop  }
0x90: {  	(tm) =	ssettm $0x1  }
0x91: {  	s17 =	sld [smem:$0x3FFB];
	_ =	sdelay $0x3  }
0x92: {  	_ =	strace s17  }
0x93: {  	s2 =	sld [smem:$0x3FFC];
	_ =	sdelay $0x3  }
0x94: {  	_ =	strace s2  }
0x95: {  	s2 =	sld [smem:$0x3FFD];
	_ =	sdelay $0x3  }
0x96: {  	_ =	strace s2  }
0x97: {  	_ =	strace $0x8FFFFFFF  }
0x98: {  	s18 =	sld [smem:$0x3FDB];
	_ =	sdelay $0x1  }
0x99: {  	s19 =	simm.s32 $_scs_section_size  }
0x9a: {  	s4 =	simm.s32 $_size__tile_overlayer_lowered;
	s5 =	simm.s32 $_tile_overlayer_lowered  }
0x9b: {  	s22 =	simm.s32 $0x1BFF;
	s21 =	sshll.u32 s5, $0x1;
	s2 =	sadd.s32 s19, s18  }
0x9c: {  	s6 =	simm.s32 $0x0;
	s20 =	sshll.u32 s4, $0x1;
	s4 =	sadd.s32 s21, s2  }
0x9d: {  	[timem:s6], [sflag:s22] =	dma.local [hbm:s4], s20  }
0x9e: {  	_ =	swait.ge [sflag:s22], s20  }
0x9f: {  	s3 =	ssub.s32 $0x0, s20;
	[sflag:s22] =	ssyncset.done $0x0  }
0xa0: {  	[sflag:s22] =	ssyncadd.s32 s3;
	_ =	sdelay $0x1  }
0xa1: {  	s23 =	simm.s32 $0x1B8B  }
0xa2: {  	_ =	swait.ge [sflag:s23], $0x1  }
0xa3: {  	[sflag:s23] =	ssyncset.done $0x0  }
0xa4: {  	s25 =	simm.s32 $0x1B8E;
	s24 =	sld [smem:$0x3FFE];
	[sflag:s23] =	ssyncadd.s32 $0xFFFFFFFF  }
0xa5: {  	s26 =	simm.s32 $execute0_lowered;
	[smem:$0x3FD2] =	sst s25  }
0xa6: {  	s4 =	sshll.u32 s26, $0x1;
	_ =	strace $0x80000052;
	[dreg:$0x1] =	wrdreg $0xFFFFFFFF  }
0xa7: {  	s28 =	simm.s32 $_size_execute0_lowered;
	s2 =	sadd.s32 s2, s4;
	[dreg:$0x0] =	wrdreg $0x0  }
0xa8: {  	s4 =	sshll.u32 s28, $0x1;
	[dreg:$0x2] =	wrdreg s2  }
0xa9: {  	[dreg:$0x3] =	wrdreg s4  }
0xaa: {  	[dreg:$0x4] =	wrdreg $0xC0  }
0xab: {  	_ =	task [dreg:s6], $0x5FFFF  }
0xac: {  	[dreg:$0x1] =	wrdreg $0xFFFFFFFF  }
0xad: {  	[dreg:$0x0] =	wrdreg $0x60  }
0xae: {  	[dreg:$0x2] =	wrdreg s24  }
0xaf: {  	[dreg:$0x3] =	wrdreg $0x41000  }
0xb0: {  	[dreg:$0x4] =	wrdreg $0x9  }
0xb1: {  	_ =	task.clear_ibuf [dreg:s6], $0x5FFFF;
	_ =	strace $0x90000052  }
0xb2: {  	s29 =	simm.s32 $0x9;
	_ =	strace $0x80000054  }
0xb3: {  	_ =	swait.ge [sflag:s29], $0x1  }
0xb4: {  	[sflag:s29] =	ssyncadd.s32 $0xFFFFFFFF  }
0xb5: {  	_ =	strace $0x90000054  }
0xb6: {  	_ =	sfence  }
0xb7: {  	s30 =	sld [smem:$0x0];
	_ =	sdelay $0x2  }
0xb8: {  	s31 =	sshll.u32 s1, $0xD;
	s1 =	sshrl.u32 s1, $0x2  }
0xb9: {  	s3 =	sand.u32 $0x4000, s31;
	s1 =	sadd.s32 s1, s30  }
0xba: {  	s0 =	sor.u32 s3, s0;
	s1 =	sshll.u32 s1, $0x11  }
0xbb: {  	s0 =	sor.u32 s1, s0  }
0xbc: {  	s0 =	sadd.s32 $0x8F2B, s0  }
0xbd: {  	[sflag:s0] =	ssyncadd.remote.s32 $0x1  }
0xbe: {  	_ =	sfence.sel $0xFFFF  }
0xbf: {  	[dreg:$0x0] =	wrdreg $0xFFFFFFFF;
	(pc) =	sbr.abs _section_cstart, $3  }
0xc0: {  	[dreg:$0x1] =	wrdreg $0xFFFFFFFF  }
0xc1: {  	_ =	task.clear_ibuf [dreg:s6], $0x2FFFF;
	_ =	strace $0x9FFFFFFF  }
0xc2: {  	(tm) =	ssettm $0x7FFFFFFF  }
0xc3: {  	_ =	shalt  }
tec
execute0_lowered:
.L_overlay_start_1:
0x0: {  	(tag) =	ssettag $0x1  }
0x1: {  	s5 =	rddreg [dreg:$0x0]  }
0x2: {  	s0 =	stileid.u32;
	s1 =	srdreg.scid  }
0x3: {  	s2 =	rddreg [dreg:$0x1];
	s3 =	simm.s32 $0x0;
	s13 =	simm.s32 $0x80  }
0x4: {  	s14 =	simm.s32 $0x100;
	s15 =	simm.s32 $0x1;
	s6 =	smul.u32 $0x9E0, s0  }
0x5: {  	s7 =	sand.u32 $0x1, s1;
	s1 =	rddreg [dreg:$0x2];
	s9 =	smul.u32 $0x14000, s0  }
0x6: {  	s16 =	simm.s32 $0x0;
	[smem:$0x7FF] =	sst s3;
	s25 =	smul.u32 $0x50000, s0  }
0x7: {  	s4 =	sadd.s32 $0x92E00, s5;
	s11 =	sadd.s32 $0xF800, s5;
	s29 =	smul.u32 $0x2800, s0  }
0x8: {  	s31 =	sshll.u32 s0, $0x6;
	s8 =	smul.u32 $0x140000, s7;
	_ =	strace $0x80000053  }
0x9: {  	s24 =	ssub.s32 $0x2, s7;
	p0 =	seq.s32 s7, $0x0;
	s30 =	smul.u32 $0x4F0, s7  }
0xa: {  	s10 =	sadd.s32 s6, s5;
	s26 =	sshrl.u32 s24, $0x1;
	s28 =	sshrl.u32 s25, $0x2  }
0xb: {  	s11 =	smov.u32 @p0 s4;
	s23 =	sadd.s32 s9, s8;
	s12 =	sadd.s32 s28, s2  }
0xc: {  	s7 =	sadd.s32 s11, s29;
	s10 =	sadd.s32 s30, s10;
	s8 =	sor.u32 $0x1C02, s31  }
0xd: {  	s6 =	sshrl.u32 s23, $0x3;
	s9 =	sadd.s32 $0x5A00, s10;
	s10 =	sadd.s32 $0x88000, s10  }
0xe: {  	s11 =	sshrl.u32 s12, $0x3;
	s5 =	sadd.s32 s6, s5;
	s6 =	ssub.s32 s24, s26  }
0xf: {  	s12 =	simm.s32 $0x2;
	s5 =	sadd.s32 $0xBAE00, s5;
	s6 =	smax.u32 s6, $0x1  }
.LBB2_1:
0x10: {  	[spmem:s11], [sflag:s8] =	dma.local [hbm:s7], $0x2800  }
0x11: {  	_ =	swait.ge [sflag:s12], $0x2800  }
0x12: {  	[sflag:s12] =	ssyncset.done $0x0  }
0x13: {  	[sflag:s12] =	ssyncadd.s32 $0xFFFFD800  }
0x14: {  	s17 =	sadd.s32 $0x0, s10;
	[bflag:$0x0] =	sbarrier.arrive $0xFFFF  }
0x15: {  	[tilespmem:s3], [sflag:$0x2] =	stream.linear.gather [hbm4b:s17+s3], $0x80, $0x38;
	[tilespmem:$0x18100] =	vst v63  }
0x16: {  	_ =	swait.ge [sflag:s12], $0x80  }
0x17: {  	[sflag:s12] =	ssyncset.done $0x0  }
0x18: {  	s31 =	sadd.s32 $0x0, s9;
	[sflag:s12] =	ssyncadd.s32 $0xFFFFFF80  }
0x19: {  	[tilespmem:s13], [sflag:$0x2] =	stream.linear.gather [hbm4b:s31+s3], $0x80, $0x38;
	[tilespmem:$0x18100] =	vst v63  }
0x1a: {  	_ =	swait.ge [sflag:s12], $0x80  }
0x1b: {  	[sflag:s12] =	ssyncset.done $0x0  }
0x1c: {  	[sflag:s12] =	ssyncadd.s32 $0xFFFFFF80  }
0x1d: {  	[tilespmem:s14], [sflag:$0x1] =	stream.indirect.gather [hbm4b:s4+s13], $0x80, s3, s13, $0xb8;
	[tilespmem:$0x18100] =	vst v63  }
0x1e: {  	_ =	swait.ge [sflag:s15], $0x4000  }
0x1f: {  	[sflag:s15] =	ssyncset.done $0x0  }
0x20: {  	[sflag:s15] =	ssyncadd.s32 $0xFFFFC000  }
0x21: {  	[spmem:s2] =	stream.indirect.scatter.add.f32 [tilespmem:s14], [sflag:$0x2], $0x80, s13, s13, $0xb8;
	[tilespmem:$0x18100] =	vst v63  }
0x22: {  	_ =	swait.ge [sflag:s12], $0x4000  }
0x23: {  	s18 =	simm.s32 $0x20;
	s17 =	simm.s32 $0x10;
	[sflag:s12] =	ssyncset.done $0x0  }
.LBB2_2:
0x24: {  	s19 =	sadd.s32 s17, s10  }
0x25: {  	[sflag:s12] =	ssyncadd.s32 $0xFFFFC000;
	s20 =	smov.u32 s18;
	s21 =	sadd.s32 $0x10, s18  }
0x26: {  	[tilespmem:s3], [sflag:$0x2] =	stream.linear.gather [hbm4b:s19+s3], $0x80, $0x38;
	[tilespmem:$0x18100] =	vst v63  }
0x27: {  	p0 =	sne.s32 s18, $0x4E0;
	_ =	swait.ge [sflag:s12], $0x80  }
0x28: {  	[sflag:s12] =	ssyncset.done $0x0  }
0x29: {  	s18 =	sadd.s32 s17, s9;
	s17 =	smov.u32 s20;
	[sflag:s12] =	ssyncadd.s32 $0xFFFFFF80  }
0x2a: {  	[tilespmem:s13], [sflag:$0x2] =	stream.linear.gather [hbm4b:s18+s3], $0x80, $0x38;
	[tilespmem:$0x18100] =	vst v63  }
0x2b: {  	_ =	swait.ge [sflag:s12], $0x80  }
0x2c: {  	[sflag:s12] =	ssyncset.done $0x0  }
0x2d: {  	[sflag:s12] =	ssyncadd.s32 $0xFFFFFF80  }
0x2e: {  	[tilespmem:s14], [sflag:$0x1] =	stream.indirect.gather [hbm4b:s4+s13], $0x80, s3, s13, $0xb8;
	[tilespmem:$0x18100] =	vst v63  }
0x2f: {  	_ =	swait.ge [sflag:s15], $0x4000  }
.Ltmp0:
0x30: {  	[sflag:s15] =	ssyncset.done $0x0;
	(pc) =	sbr.rel @p0 .LBB2_2-.Ltmp0, $4  }
0x31: {  	[sflag:s15] =	ssyncadd.s32 $0xFFFFC000  }
0x32: {  	[spmem:s2] =	stream.indirect.scatter.add.f32 [tilespmem:s14], [sflag:$0x2], $0x80, s13, s13, $0xb8;
	[tilespmem:$0x18100] =	vst v63  }
0x33: {  	_ =	swait.ge [sflag:s12], $0x4000  }
0x34: {  	s18 =	smov.u32 s21;
	[sflag:s12] =	ssyncset.done $0x0  }
0x35: {  	s18 =	sadd.s32 s17, s10;
	[sflag:s12] =	ssyncadd.s32 $0xFFFFC000  }
0x36: {  	[tilespmem:s3], [sflag:$0x2] =	stream.linear.gather [hbm4b:s18+s3], $0x80, $0x38;
	[tilespmem:$0x18100] =	vst v63  }
0x37: {  	_ =	swait.ge [sflag:s12], $0x80  }
0x38: {  	[sflag:s12] =	ssyncset.done $0x0  }
0x39: {  	s31 =	sadd.s32 s17, s9;
	[sflag:s12] =	ssyncadd.s32 $0xFFFFFF80  }
0x3a: {  	[tilespmem:s13], [sflag:$0x2] =	stream.linear.gather [hbm4b:s31+s3], $0x80, $0x38;
	[tilespmem:$0x18100] =	vst v63  }
0x3b: {  	_ =	swait.ge [sflag:s12], $0x80  }
0x3c: {  	[sflag:s12] =	ssyncset.done $0x0  }
0x3d: {  	[sflag:s12] =	ssyncadd.s32 $0xFFFFFF80  }
0x3e: {  	[tilespmem:s14], [sflag:$0x1] =	stream.indirect.gather [hbm4b:s4+s13], $0x80, s3, s13, $0xb8;
	[tilespmem:$0x18100] =	vst v63  }
0x3f: {  	_ =	swait.ge [sflag:s15], $0x4000  }
0x40: {  	[sflag:s15] =	ssyncset.done $0x0  }
0x41: {  	[sflag:s15] =	ssyncadd.s32 $0xFFFFC000  }
0x42: {  	[spmem:s2] =	stream.indirect.scatter.add.f32 [tilespmem:s14], [sflag:$0x2], $0x80, s13, s13, $0xb8;
	[tilespmem:$0x18100] =	vst v63  }
0x43: {  	_ =	swait.ge [sflag:s12], $0x4000  }
0x44: {  	s16 =	sadd.s32 $0x1, s16;
	[sflag:s12] =	ssyncset.done $0x0  }
0x45: {  	p0 =	sne.s32 s16, s6;
	[sflag:s12] =	ssyncadd.s32 $0xFFFFC000  }
.Ltmp1:
0x46: {  	[bflag:$0x0] =	sbarrier.arrive $0xFFFF;
	(pc) =	sbr.rel @p0 .LBB2_1-.Ltmp1, $4  }
0x47: {  	[hbm:s5], [sflag:s8] =	dma.local [spmem:s11], $0x2800  }
0x48: {  	_ =	swait.ge [sflag:s12], $0x2800  }
0x49: {  	[sflag:s12] =	ssyncset.done $0x0  }
0x4a: {  	[sflag:s12] =	ssyncadd.s32 $0xFFFFD800  }
0x4b: {  	_ =	sfence.sel $0x180000  }
0x4c: {  	[bflag:$0x0] =	sbarrier.arrive $0xFFFF  }
0x4d: {  	p0 =	sne.s32 s0, $0x0;
	_ =	strace $0x90000053  }
0x4e: {  	s0 =	sadd.s32 @!p0 $0x100000, s1;
	[bflag:$0x2] =	sbarrier.arrive $0xFFFF  }
0x4f: {  	[sflag:s0] =	ssyncadd.tile.s32 @!p0 $0x1;
	_ =	shalt  }
.Lfunc_end2:
_tile_overlayer_lowered:
.L_overlay_start_2:
0x50: {  	(tag) =	ssettag $0x2  }
0x51: {  	s0 =	rddreg [dreg:$0x0];
	s2 =	stileid.u32  }
0x52: {  	s1 =	rddreg [dreg:$0x1];
	p0 =	sne.s32 s2, $0x0  }
0x53: {  	s3 =	rddreg [dreg:$0x2];
	[bflag:$0x3] =	sbarrier.arrive $0xFFFF;
	s2 =	simm.s32 @!p0 $0x1C02  }
0x54: {  	[timem:s3], [sflag:s2] =	dma.local @!p0 [hbm:s0], s1  }
0x55: {  	s0 =	simm.s32 @!p0 $0x2  }
0x56: {  	_ =	swait.ge @!p0 [sflag:s0], s1  }
0x57: {  	s1 =	ssub.s32 @!p0 $0x0, s1;
	[sflag:s0] =	ssyncset.done @!p0 $0x0  }
0x58: {  	[sflag:s0] =	ssyncadd.s32 @!p0 s1  }
0x59: {  	[bflag:$0x3] =	sbarrier.arrive $0xFFFF  }
0x5a: {  	_ =	shalt  }

// kernel: kernel.37.cloned.1.call-start
scs
__scs_entry_jumppad:
0x0: {  	(pc) =	sbr.rel $0x88, $3  }
0x1: {  	(tag) =	ssettag $0x0;
	lr =	simm.s32 $0x1  }
0x2: {  	[smem:$0x3F9C] =	sst lr;
	_ =	strace $0xD0000000  }
0x3: {  	_ = 	snop  }
0x4: {  	_ = 	snop  }
0x5: {  	_ = 	snop  }
0x6: {  	_ = 	snop  }
0x7: {  	_ = 	snop  }
__scs_overlays_trampoline_lowered:
0x8: {  	[smem:$0x3FAB] =	sst s0  }
0x9: {  	[smem:$0x3FAC] =	sst s1  }
0xa: {  	[smem:$0x3FAD] =	sst s2  }
0xb: {  	[smem:$0x3FAE] =	sst s3  }
0xc: {  	[smem:$0x3FAF] =	sst s4  }
0xd: {  	[smem:$0x3FB0] =	sst s5  }
0xe: {  	[smem:$0x3FB1] =	sst s6  }
0xf: {  	[smem:$0x3FB2] =	sst s7  }
0x10: {  	[smem:$0x3FB3] =	sst s8  }
0x11: {  	[smem:$0x3FB4] =	sst s9;
	s0 =	simm.s32 @!p0 $0x0  }
0x12: {  	s1 =	sld [smem:$0x3F9A];
	s0 =	simm.s32 @p0 $0x1  }
0x13: {  	[smem:$0x3FB5] =	sst s0;
	s0 =	simm.s32 @!p1 $0x0  }
0x14: {  	s2 =	sld [smem:$0x3F99];
	s0 =	simm.s32 @p1 $0x1  }
0x15: {  	[smem:$0x3FB6] =	sst s0;
	s0 =	simm.s32 @!p2 $0x0  }
0x16: {  	s3 =	sld [smem:$0x3FDB];
	s0 =	simm.s32 @p2 $0x1  }
0x17: {  	s4 =	simm.s32 $0x1BF5;
	[smem:$0x3FB8] =	sst s0  }
0x18: {  	s0 =	sld [smem:$0x3F9B];
	_ =	swait.ge [sflag:s4], $0x0  }
0x19: {  	s7 =	sld [smem:$0x3F9C]  }
0x1a: {  	s8 =	sadd.s32 $0xFFFFE003, lr  }
0x1b: {  	s9 =	sadd.s32 $0xFFFFFEF7, lr;
	s5 =	simm.s32 $0xFFFFFFFF;
	p2 =	slt.u32 s8, $0xFFFFF086  }
0x1c: {  	p1 =	slt.u32 s9, $0xF7A;
	s5 =	simm.s32 @!p2 $0x0  }
0x1d: {  	s5 =	simm.s32 @p1 $0x1;
	p0 =	seq.s32 s7, s2  }
0x1e: {  	s7 =	smul.u32 @!p0 $0xF7A, s2;
	p2 =	seq.s32 @!p0 s5, $0x0  }
0x1f: {  	s9 =	smul.u32 $0xF7A, s1;
	s8 =	simm.s32 @!p0 $0x1BF5;
	p2 =	por !p2, p0  }
0x20: {  	[sflag:s8] =	ssyncset.s32 @!p0 $0xFFFFF086;
	s6 =	sadd.s32 @!p0 s3, s7;
	s7 =	simm.s32 @!p0 $0x108  }
0x21: {  	s3 =	sadd.s32 s3, s9;
	s6 =	sadd.s32 @!p0 $0x88, s6;
	s7 =	simm.s32 @p2 $0x1082  }
0x22: {  	[simem:s7], [sflag:s8] =	dma.local @!p0 [hbm:s6], $0xF7A  }
0x23: {  	s9 =	sor.u32 $0xD0000000, s2;
	s6 =	simm.s32 $0x108;
	_ =	swait.ge @!p0 [sflag:s8], $0x0  }
0x24: {  	s3 =	sadd.s32 $0x88, s3;
	s6 =	simm.s32 @!p1 $0x1082;
	[sflag:s4] =	ssyncset.s32 $0xFFFFF086  }
0x25: {  	[simem:s6], [sflag:s4] =	dma.local [hbm:s3], $0xF7A  }
0x26: {  	[smem:$0x3F9C] =	sst s1;
	(tag) =	ssettag s2;
	_ =	strace s9  }
0x27: {  	s1 =	sld [smem:$0x3FAC]  }
0x28: {  	s2 =	sld [smem:$0x3FAD]  }
0x29: {  	s4 =	sld [smem:$0x3FAF]  }
0x2a: {  	p0 =	seq.s32 s5, $0x0;
	s5 =	sld [smem:$0x3FB0]  }
0x2b: {  	s6 =	sld [smem:$0x3FB1]  }
0x2c: {  	s7 =	sld [smem:$0x3FB2]  }
0x2d: {  	s3 =	simm.s32 $0x108;
	s8 =	sld [smem:$0x3FB3]  }
0x2e: {  	s3 =	simm.s32 @!p0 $0x1082;
	s9 =	sld [smem:$0x3FB4]  }
0x2f: {  	lr =	sadd.s32 s0, s3;
	s0 =	sld [smem:$0x3FAB]  }
0x30: {  	s3 =	sld [smem:$0x3FAE]  }
0x31: {  	[smem:$0x3FB7] =	sst s10  }
0x32: {  	s10 =	sld [smem:$0x3FB5];
	_ =	sdelay $0x3  }
0x33: {  	p0 =	seq.s32 s10, $0x1;
	s10 =	sld [smem:$0x3FB7];
	_ =	sdelay $0x3  }
0x34: {  	[smem:$0x3FB7] =	sst s10  }
0x35: {  	s10 =	sld [smem:$0x3FB6];
	_ =	sdelay $0x3  }
0x36: {  	p1 =	seq.s32 s10, $0x1;
	s10 =	sld [smem:$0x3FB7];
	_ =	sdelay $0x3  }
0x37: {  	[smem:$0x3FB7] =	sst s10  }
0x38: {  	s10 =	sld [smem:$0x3FB8]  }
0x39: {  	_ = 	snop;
	(pc) =	sbr.ind lr, $3  }
0x3a: {  	_ = 	snop  }
0x3b: {  	_ = 	snop  }
0x3c: {  	p2 =	seq.s32 s10, $0x1;
	s10 =	sld [smem:$0x3FB7]  }
0x3d: {  	_ =	shalt  }
0x3e: {  	_ =	shalt  }
0x3f: {  	_ =	shalt  }
0x40: {  	_ =	shalt  }
0x41: {  	_ =	shalt  }
0x42: {  	_ =	shalt  }
0x43: {  	_ =	shalt  }
0x44: {  	_ =	shalt  }
0x45: {  	_ =	shalt  }
0x46: {  	_ =	shalt  }
0x47: {  	_ =	shalt  }
0x48: {  	_ =	shalt  }
0x49: {  	_ =	shalt  }
0x4a: {  	_ =	shalt  }
0x4b: {  	_ =	shalt  }
0x4c: {  	_ =	shalt  }
0x4d: {  	_ =	shalt  }
0x4e: {  	_ =	shalt  }
0x4f: {  	_ =	shalt  }
0x50: {  	_ =	shalt  }
0x51: {  	_ =	shalt  }
0x52: {  	_ =	shalt  }
0x53: {  	_ =	shalt  }
0x54: {  	_ =	shalt  }
0x55: {  	_ =	shalt  }
0x56: {  	_ =	shalt  }
0x57: {  	_ =	shalt  }
0x58: {  	_ =	shalt  }
0x59: {  	_ =	shalt  }
0x5a: {  	_ =	shalt  }
0x5b: {  	_ =	shalt  }
0x5c: {  	_ =	shalt  }
0x5d: {  	_ =	shalt  }
0x5e: {  	_ =	shalt  }
0x5f: {  	_ =	shalt  }
0x60: {  	_ =	shalt  }
0x61: {  	_ =	shalt  }
0x62: {  	_ =	shalt  }
0x63: {  	_ =	shalt  }
0x64: {  	_ =	shalt  }
0x65: {  	_ =	shalt  }
0x66: {  	_ =	shalt  }
0x67: {  	_ =	shalt  }
0x68: {  	_ =	shalt  }
0x69: {  	_ =	shalt  }
0x6a: {  	_ =	shalt  }
0x6b: {  	_ =	shalt  }
0x6c: {  	_ =	shalt  }
0x6d: {  	_ =	shalt  }
0x6e: {  	_ =	shalt  }
0x6f: {  	_ =	shalt  }
0x70: {  	_ =	shalt  }
0x71: {  	_ =	shalt  }
0x72: {  	_ =	shalt  }
0x73: {  	_ =	shalt  }
0x74: {  	_ =	shalt  }
0x75: {  	_ =	shalt  }
0x76: {  	_ =	shalt  }
0x77: {  	_ =	shalt  }
0x78: {  	_ =	shalt  }
0x79: {  	_ =	shalt  }
0x7a: {  	_ =	shalt  }
0x7b: {  	_ =	shalt  }
0x7c: {  	_ =	shalt  }
0x7d: {  	_ =	shalt  }
0x7e: {  	_ =	shalt  }
0x7f: {  	_ =	shalt  }
0x80: {  	_ =	shalt  }
0x81: {  	_ =	shalt  }
0x82: {  	_ =	shalt  }
0x83: {  	_ =	shalt  }
0x84: {  	_ =	shalt  }
0x85: {  	_ =	shalt  }
0x86: {  	_ =	shalt  }
0x87: {  	_ =	shalt  }
.Lfunc_end0:
.L_simem_size_0:
called_computation.5_lowered:
.L_overlay_start_0:
0x88: {  	s2 =	sld [smem:$0x3FD9]  }
0x89: {  	s3 =	sld [smem:$0x3FFE];
	_ =	sdelay $0x1  }
0x8a: {  	s1 =	srdreg.scid  }
0x8b: {  	s0 =	sand.u32 $0x1, s1  }
0x8c: {  	s16 =	sshll.u32 s0, $0xA;
	s2 =	sadd.s32 s3, s2  }
0x8d: {  	s2 =	sadd.s32 s2, s16  }
0x8e: {  	[smem:$0x3FC3] =	sst s2  }
0x8f: {  	_ = 	snop  }
0x90: {  	(tm) =	ssettm $0x1  }
0x91: {  	s17 =	sld [smem:$0x3FFB];
	_ =	sdelay $0x3  }
0x92: {  	_ =	strace s17  }
0x93: {  	s2 =	sld [smem:$0x3FFC];
	_ =	sdelay $0x3  }
0x94: {  	_ =	strace s2  }
0x95: {  	s2 =	sld [smem:$0x3FFD];
	_ =	sdelay $0x3  }
0x96: {  	_ =	strace s2  }
0x97: {  	_ =	strace $0x8FFFFFFF  }
0x98: {  	s18 =	sld [smem:$0x3FDB];
	_ =	sdelay $0x1  }
0x99: {  	s19 =	simm.s32 $_scs_section_size  }
0x9a: {  	s4 =	simm.s32 $_size__tile_overlayer_lowered;
	s5 =	simm.s32 $_tile_overlayer_lowered  }
0x9b: {  	s22 =	simm.s32 $0x1BFF;
	s21 =	sshll.u32 s5, $0x1;
	s2 =	sadd.s32 s19, s18  }
0x9c: {  	s6 =	simm.s32 $0x0;
	s20 =	sshll.u32 s4, $0x1;
	s4 =	sadd.s32 s21, s2  }
0x9d: {  	[timem:s6], [sflag:s22] =	dma.local [hbm:s4], s20  }
0x9e: {  	_ =	swait.ge [sflag:s22], s20  }
0x9f: {  	s3 =	ssub.s32 $0x0, s20;
	[sflag:s22] =	ssyncset.done $0x0  }
0xa0: {  	[sflag:s22] =	ssyncadd.s32 s3;
	_ =	sdelay $0x1  }
0xa1: {  	s23 =	simm.s32 $0x1B8B  }
0xa2: {  	_ =	swait.ge [sflag:s23], $0x1  }
0xa3: {  	[sflag:s23] =	ssyncset.done $0x0  }
0xa4: {  	s25 =	simm.s32 $0x1B8E;
	s24 =	sld [smem:$0x3FFE];
	[sflag:s23] =	ssyncadd.s32 $0xFFFFFFFF  }
0xa5: {  	s26 =	simm.s32 $execute0_lowered;
	[smem:$0x3FD2] =	sst s25  }
0xa6: {  	s4 =	sshll.u32 s26, $0x1;
	_ =	strace $0x80000055;
	[dreg:$0x1] =	wrdreg $0xFFFFFFFF  }
0xa7: {  	s28 =	simm.s32 $_size_execute0_lowered;
	s2 =	sadd.s32 s2, s4;
	[dreg:$0x0] =	wrdreg $0x0  }
0xa8: {  	s4 =	sshll.u32 s28, $0x1;
	[dreg:$0x2] =	wrdreg s2  }
0xa9: {  	[dreg:$0x3] =	wrdreg s4  }
0xaa: {  	[dreg:$0x4] =	wrdreg $0xC0  }
0xab: {  	_ =	task [dreg:s6], $0x5FFFF  }
0xac: {  	[dreg:$0x1] =	wrdreg $0xFFFFFFFF  }
0xad: {  	[dreg:$0x0] =	wrdreg $0x60  }
0xae: {  	[dreg:$0x2] =	wrdreg s24  }
0xaf: {  	[dreg:$0x3] =	wrdreg $0x41000  }
0xb0: {  	[dreg:$0x4] =	wrdreg $0x9  }
0xb1: {  	_ =	task.clear_ibuf [dreg:s6], $0x5FFFF;
	_ =	strace $0x90000055  }
0xb2: {  	s29 =	simm.s32 $0x9;
	_ =	strace $0x80000057  }
0xb3: {  	_ =	swait.ge [sflag:s29], $0x1  }
0xb4: {  	[sflag:s29] =	ssyncadd.s32 $0xFFFFFFFF  }
0xb5: {  	_ =	strace $0x90000057  }
0xb6: {  	_ =	sfence  }
0xb7: {  	s30 =	sld [smem:$0x0];
	_ =	sdelay $0x2  }
0xb8: {  	s31 =	sshll.u32 s1, $0xD;
	s1 =	sshrl.u32 s1, $0x2  }
0xb9: {  	s3 =	sand.u32 $0x4000, s31;
	s1 =	sadd.s32 s1, s30  }
0xba: {  	s0 =	sor.u32 s3, s0;
	s1 =	sshll.u32 s1, $0x11  }
0xbb: {  	s0 =	sor.u32 s1, s0  }
0xbc: {  	s0 =	sadd.s32 $0x8F2B, s0  }
0xbd: {  	[sflag:s0] =	ssyncadd.remote.s32 $0x1  }
0xbe: {  	_ =	sfence.sel $0xFFFF  }
0xbf: {  	[dreg:$0x0] =	wrdreg $0xFFFFFFFF;
	(pc) =	sbr.abs _section_cstart, $3  }
0xc0: {  	[dreg:$0x1] =	wrdreg $0xFFFFFFFF  }
0xc1: {  	_ =	task.clear_ibuf [dreg:s6], $0x2FFFF;
	_ =	strace $0x9FFFFFFF  }
0xc2: {  	(tm) =	ssettm $0x7FFFFFFF  }
0xc3: {  	_ =	shalt  }
tec
execute0_lowered:
.L_overlay_start_1:
0x0: {  	(tag) =	ssettag $0x1  }
0x1: {  	s5 =	rddreg [dreg:$0x0]  }
0x2: {  	s0 =	stileid.u32;
	s1 =	srdreg.scid  }
0x3: {  	s2 =	rddreg [dreg:$0x1];
	s3 =	simm.s32 $0x0;
	s13 =	simm.s32 $0x80  }
0x4: {  	s14 =	simm.s32 $0x100;
	s15 =	simm.s32 $0x1;
	s6 =	smul.u32 $0x9E0, s0  }
0x5: {  	s7 =	sand.u32 $0x1, s1;
	s1 =	rddreg [dreg:$0x2];
	s9 =	smul.u32 $0x14000, s0  }
0x6: {  	s16 =	simm.s32 $0x0;
	[smem:$0x7FF] =	sst s3;
	s25 =	smul.u32 $0x50000, s0  }
0x7: {  	s4 =	sadd.s32 $0x92E00, s5;
	s11 =	sadd.s32 $0xF800, s5;
	s29 =	smul.u32 $0x2800, s0  }
0x8: {  	s31 =	sshll.u32 s0, $0x6;
	s8 =	smul.u32 $0x140000, s7;
	_ =	strace $0x80000056  }
0x9: {  	s24 =	ssub.s32 $0x2, s7;
	p0 =	seq.s32 s7, $0x0;
	s30 =	smul.u32 $0x4F0, s7  }
0xa: {  	s10 =	sadd.s32 s6, s5;
	s26 =	sshrl.u32 s24, $0x1;
	s28 =	sshrl.u32 s25, $0x2  }
0xb: {  	s11 =	smov.u32 @p0 s4;
	s23 =	sadd.s32 s9, s8;
	s12 =	sadd.s32 s28, s2  }
0xc: {  	s7 =	sadd.s32 s11, s29;
	s10 =	sadd.s32 s30, s10;
	s8 =	sor.u32 $0x1C02, s31  }
0xd: {  	s6 =	sshrl.u32 s23, $0x3;
	s9 =	sadd.s32 $0x5A00, s10;
	s10 =	sadd.s32 $0x88000, s10  }
0xe: {  	s11 =	sshrl.u32 s12, $0x3;
	s5 =	sadd.s32 s6, s5;
	s6 =	ssub.s32 s24, s26  }
0xf: {  	s12 =	simm.s32 $0x2;
	s5 =	sadd.s32 $0xBAE00, s5;
	s6 =	smax.u32 s6, $0x1  }
.LBB2_1:
0x10: {  	[spmem:s11], [sflag:s8] =	dma.local [hbm:s7], $0x2800  }
0x11: {  	_ =	swait.ge [sflag:s12], $0x2800  }
0x12: {  	[sflag:s12] =	ssyncset.done $0x0  }
0x13: {  	[sflag:s12] =	ssyncadd.s32 $0xFFFFD800  }
0x14: {  	s17 =	sadd.s32 $0x0, s10;
	[bflag:$0x0] =	sbarrier.arrive $0xFFFF  }
0x15: {  	[tilespmem:s3], [sflag:$0x2] =	stream.linear.gather [hbm4b:s17+s3], $0x80, $0x38;
	[tilespmem:$0x18100] =	vst v63  }
0x16: {  	_ =	swait.ge [sflag:s12], $0x80  }
0x17: {  	[sflag:s12] =	ssyncset.done $0x0  }
0x18: {  	s31 =	sadd.s32 $0x0, s9;
	[sflag:s12] =	ssyncadd.s32 $0xFFFFFF80  }
0x19: {  	[tilespmem:s13], [sflag:$0x2] =	stream.linear.gather [hbm4b:s31+s3], $0x80, $0x38;
	[tilespmem:$0x18100] =	vst v63  }
0x1a: {  	_ =	swait.ge [sflag:s12], $0x80  }
0x1b: {  	[sflag:s12] =	ssyncset.done $0x0  }
0x1c: {  	[sflag:s12] =	ssyncadd.s32 $0xFFFFFF80  }
0x1d: {  	[tilespmem:s14], [sflag:$0x1] =	stream.indirect.gather [hbm4b:s4+s13], $0x80, s3, s13, $0xb8;
	[tilespmem:$0x18100] =	vst v63  }
0x1e: {  	_ =	swait.ge [sflag:s15], $0x4000  }
0x1f: {  	[sflag:s15] =	ssyncset.done $0x0  }
0x20: {  	[sflag:s15] =	ssyncadd.s32 $0xFFFFC000  }
0x21: {  	[spmem:s2] =	stream.indirect.scatter.add.f32 [tilespmem:s14], [sflag:$0x2], $0x80, s13, s13, $0xb8;
	[tilespmem:$0x18100] =	vst v63  }
0x22: {  	_ =	swait.ge [sflag:s12], $0x4000  }
0x23: {  	s18 =	simm.s32 $0x20;
	s17 =	simm.s32 $0x10;
	[sflag:s12] =	ssyncset.done $0x0  }
.LBB2_2:
0x24: {  	s19 =	sadd.s32 s17, s10  }
0x25: {  	[sflag:s12] =	ssyncadd.s32 $0xFFFFC000;
	s20 =	smov.u32 s18;
	s21 =	sadd.s32 $0x10, s18  }
0x26: {  	[tilespmem:s3], [sflag:$0x2] =	stream.linear.gather [hbm4b:s19+s3], $0x80, $0x38;
	[tilespmem:$0x18100] =	vst v63  }
0x27: {  	p0 =	sne.s32 s18, $0x4E0;
	_ =	swait.ge [sflag:s12], $0x80  }
0x28: {  	[sflag:s12] =	ssyncset.done $0x0  }
0x29: {  	s18 =	sadd.s32 s17, s9;
	s17 =	smov.u32 s20;
	[sflag:s12] =	ssyncadd.s32 $0xFFFFFF80  }
0x2a: {  	[tilespmem:s13], [sflag:$0x2] =	stream.linear.gather [hbm4b:s18+s3], $0x80, $0x38;
	[tilespmem:$0x18100] =	vst v63  }
0x2b: {  	_ =	swait.ge [sflag:s12], $0x80  }
0x2c: {  	[sflag:s12] =	ssyncset.done $0x0  }
0x2d: {  	[sflag:s12] =	ssyncadd.s32 $0xFFFFFF80  }
0x2e: {  	[tilespmem:s14], [sflag:$0x1] =	stream.indirect.gather [hbm4b:s4+s13], $0x80, s3, s13, $0xb8;
	[tilespmem:$0x18100] =	vst v63  }
0x2f: {  	_ =	swait.ge [sflag:s15], $0x4000  }
.Ltmp0:
0x30: {  	[sflag:s15] =	ssyncset.done $0x0;
	(pc) =	sbr.rel @p0 .LBB2_2-.Ltmp0, $4  }
0x31: {  	[sflag:s15] =	ssyncadd.s32 $0xFFFFC000  }
0x32: {  	[spmem:s2] =	stream.indirect.scatter.add.f32 [tilespmem:s14], [sflag:$0x2], $0x80, s13, s13, $0xb8;
	[tilespmem:$0x18100] =	vst v63  }
0x33: {  	_ =	swait.ge [sflag:s12], $0x4000  }
0x34: {  	s18 =	smov.u32 s21;
	[sflag:s12] =	ssyncset.done $0x0  }
0x35: {  	s18 =	sadd.s32 s17, s10;
	[sflag:s12] =	ssyncadd.s32 $0xFFFFC000  }
0x36: {  	[tilespmem:s3], [sflag:$0x2] =	stream.linear.gather [hbm4b:s18+s3], $0x80, $0x38;
	[tilespmem:$0x18100] =	vst v63  }
0x37: {  	_ =	swait.ge [sflag:s12], $0x80  }
0x38: {  	[sflag:s12] =	ssyncset.done $0x0  }
0x39: {  	s31 =	sadd.s32 s17, s9;
	[sflag:s12] =	ssyncadd.s32 $0xFFFFFF80  }
0x3a: {  	[tilespmem:s13], [sflag:$0x2] =	stream.linear.gather [hbm4b:s31+s3], $0x80, $0x38;
	[tilespmem:$0x18100] =	vst v63  }
0x3b: {  	_ =	swait.ge [sflag:s12], $0x80  }
0x3c: {  	[sflag:s12] =	ssyncset.done $0x0  }
0x3d: {  	[sflag:s12] =	ssyncadd.s32 $0xFFFFFF80  }
0x3e: {  	[tilespmem:s14], [sflag:$0x1] =	stream.indirect.gather [hbm4b:s4+s13], $0x80, s3, s13, $0xb8;
	[tilespmem:$0x18100] =	vst v63  }
0x3f: {  	_ =	swait.ge [sflag:s15], $0x4000  }
0x40: {  	[sflag:s15] =	ssyncset.done $0x0  }
0x41: {  	[sflag:s15] =	ssyncadd.s32 $0xFFFFC000  }
0x42: {  	[spmem:s2] =	stream.indirect.scatter.add.f32 [tilespmem:s14], [sflag:$0x2], $0x80, s13, s13, $0xb8;
	[tilespmem:$0x18100] =	vst v63  }
0x43: {  	_ =	swait.ge [sflag:s12], $0x4000  }
0x44: {  	s16 =	sadd.s32 $0x1, s16;
	[sflag:s12] =	ssyncset.done $0x0  }
0x45: {  	p0 =	sne.s32 s16, s6;
	[sflag:s12] =	ssyncadd.s32 $0xFFFFC000  }
.Ltmp1:
0x46: {  	[bflag:$0x0] =	sbarrier.arrive $0xFFFF;
	(pc) =	sbr.rel @p0 .LBB2_1-.Ltmp1, $4  }
0x47: {  	[hbm:s5], [sflag:s8] =	dma.local [spmem:s11], $0x2800  }
0x48: {  	_ =	swait.ge [sflag:s12], $0x2800  }
0x49: {  	[sflag:s12] =	ssyncset.done $0x0  }
0x4a: {  	[sflag:s12] =	ssyncadd.s32 $0xFFFFD800  }
0x4b: {  	_ =	sfence.sel $0x180000  }
0x4c: {  	[bflag:$0x0] =	sbarrier.arrive $0xFFFF  }
0x4d: {  	p0 =	sne.s32 s0, $0x0;
	_ =	strace $0x90000056  }
0x4e: {  	s0 =	sadd.s32 @!p0 $0x100000, s1;
	[bflag:$0x2] =	sbarrier.arrive $0xFFFF  }
0x4f: {  	[sflag:s0] =	ssyncadd.tile.s32 @!p0 $0x1;
	_ =	shalt  }
.Lfunc_end2:
_tile_overlayer_lowered:
.L_overlay_start_2:
0x50: {  	(tag) =	ssettag $0x2  }
0x51: {  	s0 =	rddreg [dreg:$0x0];
	s2 =	stileid.u32  }
0x52: {  	s1 =	rddreg [dreg:$0x1];
	p0 =	sne.s32 s2, $0x0  }
0x53: {  	s3 =	rddreg [dreg:$0x2];
	[bflag:$0x3] =	sbarrier.arrive $0xFFFF;
	s2 =	simm.s32 @!p0 $0x1C02  }
0x54: {  	[timem:s3], [sflag:s2] =	dma.local @!p0 [hbm:s0], s1  }
0x55: {  	s0 =	simm.s32 @!p0 $0x2  }
0x56: {  	_ =	swait.ge @!p0 [sflag:s0], s1  }
0x57: {  	s1 =	ssub.s32 @!p0 $0x0, s1;
	[sflag:s0] =	ssyncset.done @!p0 $0x0  }
0x58: {  	[sflag:s0] =	ssyncadd.s32 @!p0 s1  }
0x59: {  	[bflag:$0x3] =	sbarrier.arrive $0xFFFF  }
0x5a: {  	_ =	shalt  }

// kernel: kernel.40.cloned.1.call-start
scs
__scs_entry_jumppad:
0x0: {  	(pc) =	sbr.rel $0x88, $3  }
0x1: {  	(tag) =	ssettag $0x0;
	lr =	simm.s32 $0x1  }
0x2: {  	[smem:$0x3F9C] =	sst lr;
	_ =	strace $0xD0000000  }
0x3: {  	_ = 	snop  }
0x4: {  	_ = 	snop  }
0x5: {  	_ = 	snop  }
0x6: {  	_ = 	snop  }
0x7: {  	_ = 	snop  }
__scs_overlays_trampoline_lowered:
0x8: {  	[smem:$0x3FAB] =	sst s0  }
0x9: {  	[smem:$0x3FAC] =	sst s1  }
0xa: {  	[smem:$0x3FAD] =	sst s2  }
0xb: {  	[smem:$0x3FAE] =	sst s3  }
0xc: {  	[smem:$0x3FAF] =	sst s4  }
0xd: {  	[smem:$0x3FB0] =	sst s5  }
0xe: {  	[smem:$0x3FB1] =	sst s6  }
0xf: {  	[smem:$0x3FB2] =	sst s7  }
0x10: {  	[smem:$0x3FB3] =	sst s8  }
0x11: {  	[smem:$0x3FB4] =	sst s9;
	s0 =	simm.s32 @!p0 $0x0  }
0x12: {  	s1 =	sld [smem:$0x3F9A];
	s0 =	simm.s32 @p0 $0x1  }
0x13: {  	[smem:$0x3FB5] =	sst s0;
	s0 =	simm.s32 @!p1 $0x0  }
0x14: {  	s2 =	sld [smem:$0x3F99];
	s0 =	simm.s32 @p1 $0x1  }
0x15: {  	[smem:$0x3FB6] =	sst s0;
	s0 =	simm.s32 @!p2 $0x0  }
0x16: {  	s3 =	sld [smem:$0x3FDB];
	s0 =	simm.s32 @p2 $0x1  }
0x17: {  	s4 =	simm.s32 $0x1BF5;
	[smem:$0x3FB8] =	sst s0  }
0x18: {  	s0 =	sld [smem:$0x3F9B];
	_ =	swait.ge [sflag:s4], $0x0  }
0x19: {  	s7 =	sld [smem:$0x3F9C]  }
0x1a: {  	s8 =	sadd.s32 $0xFFFFE003, lr  }
0x1b: {  	s9 =	sadd.s32 $0xFFFFFEF7, lr;
	s5 =	simm.s32 $0xFFFFFFFF;
	p2 =	slt.u32 s8, $0xFFFFF086  }
0x1c: {  	p1 =	slt.u32 s9, $0xF7A;
	s5 =	simm.s32 @!p2 $0x0  }
0x1d: {  	s5 =	simm.s32 @p1 $0x1;
	p0 =	seq.s32 s7, s2  }
0x1e: {  	s7 =	smul.u32 @!p0 $0xF7A, s2;
	p2 =	seq.s32 @!p0 s5, $0x0  }
0x1f: {  	s9 =	smul.u32 $0xF7A, s1;
	s8 =	simm.s32 @!p0 $0x1BF5;
	p2 =	por !p2, p0  }
0x20: {  	[sflag:s8] =	ssyncset.s32 @!p0 $0xFFFFF086;
	s6 =	sadd.s32 @!p0 s3, s7;
	s7 =	simm.s32 @!p0 $0x108  }
0x21: {  	s3 =	sadd.s32 s3, s9;
	s6 =	sadd.s32 @!p0 $0x88, s6;
	s7 =	simm.s32 @p2 $0x1082  }
0x22: {  	[simem:s7], [sflag:s8] =	dma.local @!p0 [hbm:s6], $0xF7A  }
0x23: {  	s9 =	sor.u32 $0xD0000000, s2;
	s6 =	simm.s32 $0x108;
	_ =	swait.ge @!p0 [sflag:s8], $0x0  }
0x24: {  	s3 =	sadd.s32 $0x88, s3;
	s6 =	simm.s32 @!p1 $0x1082;
	[sflag:s4] =	ssyncset.s32 $0xFFFFF086  }
0x25: {  	[simem:s6], [sflag:s4] =	dma.local [hbm:s3], $0xF7A  }
0x26: {  	[smem:$0x3F9C] =	sst s1;
	(tag) =	ssettag s2;
	_ =	strace s9  }
0x27: {  	s1 =	sld [smem:$0x3FAC]  }
0x28: {  	s2 =	sld [smem:$0x3FAD]  }
0x29: {  	s4 =	sld [smem:$0x3FAF]  }
0x2a: {  	p0 =	seq.s32 s5, $0x0;
	s5 =	sld [smem:$0x3FB0]  }
0x2b: {  	s6 =	sld [smem:$0x3FB1]  }
0x2c: {  	s7 =	sld [smem:$0x3FB2]  }
0x2d: {  	s3 =	simm.s32 $0x108;
	s8 =	sld [smem:$0x3FB3]  }
0x2e: {  	s3 =	simm.s32 @!p0 $0x1082;
	s9 =	sld [smem:$0x3FB4]  }
0x2f: {  	lr =	sadd.s32 s0, s3;
	s0 =	sld [smem:$0x3FAB]  }
0x30: {  	s3 =	sld [smem:$0x3FAE]  }
0x31: {  	[smem:$0x3FB7] =	sst s10  }
0x32: {  	s10 =	sld [smem:$0x3FB5];
	_ =	sdelay $0x3  }
0x33: {  	p0 =	seq.s32 s10, $0x1;
	s10 =	sld [smem:$0x3FB7];
	_ =	sdelay $0x3  }
0x34: {  	[smem:$0x3FB7] =	sst s10  }
0x35: {  	s10 =	sld [smem:$0x3FB6];
	_ =	sdelay $0x3  }
0x36: {  	p1 =	seq.s32 s10, $0x1;
	s10 =	sld [smem:$0x3FB7];
	_ =	sdelay $0x3  }
0x37: {  	[smem:$0x3FB7] =	sst s10  }
0x38: {  	s10 =	sld [smem:$0x3FB8]  }
0x39: {  	_ = 	snop;
	(pc) =	sbr.ind lr, $3  }
0x3a: {  	_ = 	snop  }
0x3b: {  	_ = 	snop  }
0x3c: {  	p2 =	seq.s32 s10, $0x1;
	s10 =	sld [smem:$0x3FB7]  }
0x3d: {  	_ =	shalt  }
0x3e: {  	_ =	shalt  }
0x3f: {  	_ =	shalt  }
0x40: {  	_ =	shalt  }
0x41: {  	_ =	shalt  }
0x42: {  	_ =	shalt  }
0x43: {  	_ =	shalt  }
0x44: {  	_ =	shalt  }
0x45: {  	_ =	shalt  }
0x46: {  	_ =	shalt  }
0x47: {  	_ =	shalt  }
0x48: {  	_ =	shalt  }
0x49: {  	_ =	shalt  }
0x4a: {  	_ =	shalt  }
0x4b: {  	_ =	shalt  }
0x4c: {  	_ =	shalt  }
0x4d: {  	_ =	shalt  }
0x4e: {  	_ =	shalt  }
0x4f: {  	_ =	shalt  }
0x50: {  	_ =	shalt  }
0x51: {  	_ =	shalt  }
0x52: {  	_ =	shalt  }
0x53: {  	_ =	shalt  }
0x54: {  	_ =	shalt  }
0x55: {  	_ =	shalt  }
0x56: {  	_ =	shalt  }
0x57: {  	_ =	shalt  }
0x58: {  	_ =	shalt  }
0x59: {  	_ =	shalt  }
0x5a: {  	_ =	shalt  }
0x5b: {  	_ =	shalt  }
0x5c: {  	_ =	shalt  }
0x5d: {  	_ =	shalt  }
0x5e: {  	_ =	shalt  }
0x5f: {  	_ =	shalt  }
0x60: {  	_ =	shalt  }
0x61: {  	_ =	shalt  }
0x62: {  	_ =	shalt  }
0x63: {  	_ =	shalt  }
0x64: {  	_ =	shalt  }
0x65: {  	_ =	shalt  }
0x66: {  	_ =	shalt  }
0x67: {  	_ =	shalt  }
0x68: {  	_ =	shalt  }
0x69: {  	_ =	shalt  }
0x6a: {  	_ =	shalt  }
0x6b: {  	_ =	shalt  }
0x6c: {  	_ =	shalt  }
0x6d: {  	_ =	shalt  }
0x6e: {  	_ =	shalt  }
0x6f: {  	_ =	shalt  }
0x70: {  	_ =	shalt  }
0x71: {  	_ =	shalt  }
0x72: {  	_ =	shalt  }
0x73: {  	_ =	shalt  }
0x74: {  	_ =	shalt  }
0x75: {  	_ =	shalt  }
0x76: {  	_ =	shalt  }
0x77: {  	_ =	shalt  }
0x78: {  	_ =	shalt  }
0x79: {  	_ =	shalt  }
0x7a: {  	_ =	shalt  }
0x7b: {  	_ =	shalt  }
0x7c: {  	_ =	shalt  }
0x7d: {  	_ =	shalt  }
0x7e: {  	_ =	shalt  }
0x7f: {  	_ =	shalt  }
0x80: {  	_ =	shalt  }
0x81: {  	_ =	shalt  }
0x82: {  	_ =	shalt  }
0x83: {  	_ =	shalt  }
0x84: {  	_ =	shalt  }
0x85: {  	_ =	shalt  }
0x86: {  	_ =	shalt  }
0x87: {  	_ =	shalt  }
.Lfunc_end0:
.L_simem_size_0:
called_computation.6_lowered:
.L_overlay_start_0:
0x88: {  	s2 =	sld [smem:$0x3FD9]  }
0x89: {  	s3 =	sld [smem:$0x3FFE];
	_ =	sdelay $0x1  }
0x8a: {  	s1 =	srdreg.scid  }
0x8b: {  	s0 =	sand.u32 $0x1, s1  }
0x8c: {  	s16 =	sshll.u32 s0, $0xA;
	s2 =	sadd.s32 s3, s2  }
0x8d: {  	s2 =	sadd.s32 s2, s16  }
0x8e: {  	[smem:$0x3FC3] =	sst s2  }
0x8f: {  	_ = 	snop  }
0x90: {  	(tm) =	ssettm $0x1  }
0x91: {  	s17 =	sld [smem:$0x3FFB];
	_ =	sdelay $0x3  }
0x92: {  	_ =	strace s17  }
0x93: {  	s2 =	sld [smem:$0x3FFC];
	_ =	sdelay $0x3  }
0x94: {  	_ =	strace s2  }
0x95: {  	s2 =	sld [smem:$0x3FFD];
	_ =	sdelay $0x3  }
0x96: {  	_ =	strace s2  }
0x97: {  	_ =	strace $0x8FFFFFFF  }
0x98: {  	s18 =	sld [smem:$0x3FDB];
	_ =	sdelay $0x1  }
0x99: {  	s19 =	simm.s32 $_scs_section_size  }
0x9a: {  	s4 =	simm.s32 $_size__tile_overlayer_lowered;
	s5 =	simm.s32 $_tile_overlayer_lowered  }
0x9b: {  	s22 =	simm.s32 $0x1BFF;
	s21 =	sshll.u32 s5, $0x1;
	s2 =	sadd.s32 s19, s18  }
0x9c: {  	s6 =	simm.s32 $0x0;
	s20 =	sshll.u32 s4, $0x1;
	s4 =	sadd.s32 s21, s2  }
0x9d: {  	[timem:s6], [sflag:s22] =	dma.local [hbm:s4], s20  }
0x9e: {  	_ =	swait.ge [sflag:s22], s20  }
0x9f: {  	s3 =	ssub.s32 $0x0, s20;
	[sflag:s22] =	ssyncset.done $0x0  }
0xa0: {  	[sflag:s22] =	ssyncadd.s32 s3;
	_ =	sdelay $0x1  }
0xa1: {  	s23 =	simm.s32 $0x1B8B  }
0xa2: {  	_ =	swait.ge [sflag:s23], $0x1  }
0xa3: {  	[sflag:s23] =	ssyncset.done $0x0  }
0xa4: {  	s25 =	simm.s32 $0x1B8E;
	s24 =	sld [smem:$0x3FFE];
	[sflag:s23] =	ssyncadd.s32 $0xFFFFFFFF  }
0xa5: {  	s26 =	simm.s32 $execute0_lowered;
	[smem:$0x3FD2] =	sst s25  }
0xa6: {  	s4 =	sshll.u32 s26, $0x1;
	_ =	strace $0x80000058;
	[dreg:$0x1] =	wrdreg $0xFFFFFFFF  }
0xa7: {  	s28 =	simm.s32 $_size_execute0_lowered;
	s2 =	sadd.s32 s2, s4;
	[dreg:$0x0] =	wrdreg $0x0  }
0xa8: {  	s4 =	sshll.u32 s28, $0x1;
	[dreg:$0x2] =	wrdreg s2  }
0xa9: {  	[dreg:$0x3] =	wrdreg s4  }
0xaa: {  	[dreg:$0x4] =	wrdreg $0xC0  }
0xab: {  	_ =	task [dreg:s6], $0x5FFFF  }
0xac: {  	[dreg:$0x1] =	wrdreg $0xFFFFFFFF  }
0xad: {  	[dreg:$0x0] =	wrdreg $0x60  }
0xae: {  	[dreg:$0x2] =	wrdreg s24  }
0xaf: {  	[dreg:$0x3] =	wrdreg $0x41000  }
0xb0: {  	[dreg:$0x4] =	wrdreg $0x9  }
0xb1: {  	_ =	task.clear_ibuf [dreg:s6], $0x5FFFF;
	_ =	strace $0x90000058  }
0xb2: {  	s29 =	simm.s32 $0x9;
	_ =	strace $0x8000005A  }
0xb3: {  	_ =	swait.ge [sflag:s29], $0x1  }
0xb4: {  	[sflag:s29] =	ssyncadd.s32 $0xFFFFFFFF  }
0xb5: {  	_ =	strace $0x9000005A  }
0xb6: {  	_ =	sfence  }
0xb7: {  	s30 =	sld [smem:$0x0];
	_ =	sdelay $0x2  }
0xb8: {  	s31 =	sshll.u32 s1, $0xD;
	s1 =	sshrl.u32 s1, $0x2  }
0xb9: {  	s3 =	sand.u32 $0x4000, s31;
	s1 =	sadd.s32 s1, s30  }
0xba: {  	s0 =	sor.u32 s3, s0;
	s1 =	sshll.u32 s1, $0x11  }
0xbb: {  	s0 =	sor.u32 s1, s0  }
0xbc: {  	s0 =	sadd.s32 $0x8F2B, s0  }
0xbd: {  	[sflag:s0] =	ssyncadd.remote.s32 $0x1  }
0xbe: {  	_ =	sfence.sel $0xFFFF  }
0xbf: {  	[dreg:$0x0] =	wrdreg $0xFFFFFFFF;
	(pc) =	sbr.abs _section_cstart, $3  }
0xc0: {  	[dreg:$0x1] =	wrdreg $0xFFFFFFFF  }
0xc1: {  	_ =	task.clear_ibuf [dreg:s6], $0x2FFFF;
	_ =	strace $0x9FFFFFFF  }
0xc2: {  	(tm) =	ssettm $0x7FFFFFFF  }
0xc3: {  	_ =	shalt  }
tec
execute0_lowered:
.L_overlay_start_1:
0x0: {  	(tag) =	ssettag $0x1  }
0x1: {  	s5 =	rddreg [dreg:$0x0]  }
0x2: {  	s0 =	stileid.u32;
	s1 =	srdreg.scid  }
0x3: {  	s2 =	rddreg [dreg:$0x1];
	s3 =	simm.s32 $0x0;
	s13 =	simm.s32 $0x80  }
0x4: {  	s14 =	simm.s32 $0x100;
	s15 =	simm.s32 $0x1;
	s6 =	smul.u32 $0x9E0, s0  }
0x5: {  	s7 =	sand.u32 $0x1, s1;
	s1 =	rddreg [dreg:$0x2];
	s9 =	smul.u32 $0x14000, s0  }
0x6: {  	s16 =	simm.s32 $0x0;
	[smem:$0x7FF] =	sst s3;
	s25 =	smul.u32 $0x50000, s0  }
0x7: {  	s4 =	sadd.s32 $0x92E00, s5;
	s11 =	sadd.s32 $0xF800, s5;
	s29 =	smul.u32 $0x2800, s0  }
0x8: {  	s31 =	sshll.u32 s0, $0x6;
	s8 =	smul.u32 $0x140000, s7;
	_ =	strace $0x80000059  }
0x9: {  	s24 =	ssub.s32 $0x2, s7;
	p0 =	seq.s32 s7, $0x0;
	s30 =	smul.u32 $0x4F0, s7  }
0xa: {  	s10 =	sadd.s32 s6, s5;
	s26 =	sshrl.u32 s24, $0x1;
	s28 =	sshrl.u32 s25, $0x2  }
0xb: {  	s11 =	smov.u32 @p0 s4;
	s23 =	sadd.s32 s9, s8;
	s12 =	sadd.s32 s28, s2  }
0xc: {  	s7 =	sadd.s32 s11, s29;
	s10 =	sadd.s32 s30, s10;
	s8 =	sor.u32 $0x1C02, s31  }
0xd: {  	s6 =	sshrl.u32 s23, $0x3;
	s9 =	sadd.s32 $0x5A00, s10;
	s10 =	sadd.s32 $0x88000, s10  }
0xe: {  	s11 =	sshrl.u32 s12, $0x3;
	s5 =	sadd.s32 s6, s5;
	s6 =	ssub.s32 s24, s26  }
0xf: {  	s12 =	simm.s32 $0x2;
	s5 =	sadd.s32 $0xBAE00, s5;
	s6 =	smax.u32 s6, $0x1  }
.LBB2_1:
0x10: {  	[spmem:s11], [sflag:s8] =	dma.local [hbm:s7], $0x2800  }
0x11: {  	_ =	swait.ge [sflag:s12], $0x2800  }
0x12: {  	[sflag:s12] =	ssyncset.done $0x0  }
0x13: {  	[sflag:s12] =	ssyncadd.s32 $0xFFFFD800  }
0x14: {  	s17 =	sadd.s32 $0x0, s10;
	[bflag:$0x0] =	sbarrier.arrive $0xFFFF  }
0x15: {  	[tilespmem:s3], [sflag:$0x2] =	stream.linear.gather [hbm4b:s17+s3], $0x80, $0x38;
	[tilespmem:$0x18100] =	vst v63  }
0x16: {  	_ =	swait.ge [sflag:s12], $0x80  }
0x17: {  	[sflag:s12] =	ssyncset.done $0x0  }
0x18: {  	s31 =	sadd.s32 $0x0, s9;
	[sflag:s12] =	ssyncadd.s32 $0xFFFFFF80  }
0x19: {  	[tilespmem:s13], [sflag:$0x2] =	stream.linear.gather [hbm4b:s31+s3], $0x80, $0x38;
	[tilespmem:$0x18100] =	vst v63  }
0x1a: {  	_ =	swait.ge [sflag:s12], $0x80  }
0x1b: {  	[sflag:s12] =	ssyncset.done $0x0  }
0x1c: {  	[sflag:s12] =	ssyncadd.s32 $0xFFFFFF80  }
0x1d: {  	[tilespmem:s14], [sflag:$0x1] =	stream.indirect.gather [hbm4b:s4+s13], $0x80, s3, s13, $0xb8;
	[tilespmem:$0x18100] =	vst v63  }
0x1e: {  	_ =	swait.ge [sflag:s15], $0x4000  }
0x1f: {  	[sflag:s15] =	ssyncset.done $0x0  }
0x20: {  	[sflag:s15] =	ssyncadd.s32 $0xFFFFC000  }
0x21: {  	[spmem:s2] =	stream.indirect.scatter.add.f32 [tilespmem:s14], [sflag:$0x2], $0x80, s13, s13, $0xb8;
	[tilespmem:$0x18100] =	vst v63  }
0x22: {  	_ =	swait.ge [sflag:s12], $0x4000  }
0x23: {  	s18 =	simm.s32 $0x20;
	s17 =	simm.s32 $0x10;
	[sflag:s12] =	ssyncset.done $0x0  }
.LBB2_2:
0x24: {  	s19 =	sadd.s32 s17, s10  }
0x25: {  	[sflag:s12] =	ssyncadd.s32 $0xFFFFC000;
	s20 =	smov.u32 s18;
	s21 =	sadd.s32 $0x10, s18  }
0x26: {  	[tilespmem:s3], [sflag:$0x2] =	stream.linear.gather [hbm4b:s19+s3], $0x80, $0x38;
	[tilespmem:$0x18100] =	vst v63  }
0x27: {  	p0 =	sne.s32 s18, $0x4E0;
	_ =	swait.ge [sflag:s12], $0x80  }
0x28: {  	[sflag:s12] =	ssyncset.done $0x0  }
0x29: {  	s18 =	sadd.s32 s17, s9;
	s17 =	smov.u32 s20;
	[sflag:s12] =	ssyncadd.s32 $0xFFFFFF80  }
0x2a: {  	[tilespmem:s13], [sflag:$0x2] =	stream.linear.gather [hbm4b:s18+s3], $0x80, $0x38;
	[tilespmem:$0x18100] =	vst v63  }
0x2b: {  	_ =	swait.ge [sflag:s12], $0x80  }
0x2c: {  	[sflag:s12] =	ssyncset.done $0x0  }
0x2d: {  	[sflag:s12] =	ssyncadd.s32 $0xFFFFFF80  }
0x2e: {  	[tilespmem:s14], [sflag:$0x1] =	stream.indirect.gather [hbm4b:s4+s13], $0x80, s3, s13, $0xb8;
	[tilespmem:$0x18100] =	vst v63  }
0x2f: {  	_ =	swait.ge [sflag:s15], $0x4000  }
.Ltmp0:
0x30: {  	[sflag:s15] =	ssyncset.done $0x0;
	(pc) =	sbr.rel @p0 .LBB2_2-.Ltmp0, $4  }
0x31: {  	[sflag:s15] =	ssyncadd.s32 $0xFFFFC000  }
0x32: {  	[spmem:s2] =	stream.indirect.scatter.add.f32 [tilespmem:s14], [sflag:$0x2], $0x80, s13, s13, $0xb8;
	[tilespmem:$0x18100] =	vst v63  }
0x33: {  	_ =	swait.ge [sflag:s12], $0x4000  }
0x34: {  	s18 =	smov.u32 s21;
	[sflag:s12] =	ssyncset.done $0x0  }
0x35: {  	s18 =	sadd.s32 s17, s10;
	[sflag:s12] =	ssyncadd.s32 $0xFFFFC000  }
0x36: {  	[tilespmem:s3], [sflag:$0x2] =	stream.linear.gather [hbm4b:s18+s3], $0x80, $0x38;
	[tilespmem:$0x18100] =	vst v63  }
0x37: {  	_ =	swait.ge [sflag:s12], $0x80  }
0x38: {  	[sflag:s12] =	ssyncset.done $0x0  }
0x39: {  	s31 =	sadd.s32 s17, s9;
	[sflag:s12] =	ssyncadd.s32 $0xFFFFFF80  }
0x3a: {  	[tilespmem:s13], [sflag:$0x2] =	stream.linear.gather [hbm4b:s31+s3], $0x80, $0x38;
	[tilespmem:$0x18100] =	vst v63  }
0x3b: {  	_ =	swait.ge [sflag:s12], $0x80  }
0x3c: {  	[sflag:s12] =	ssyncset.done $0x0  }
0x3d: {  	[sflag:s12] =	ssyncadd.s32 $0xFFFFFF80  }
0x3e: {  	[tilespmem:s14], [sflag:$0x1] =	stream.indirect.gather [hbm4b:s4+s13], $0x80, s3, s13, $0xb8;
	[tilespmem:$0x18100] =	vst v63  }
0x3f: {  	_ =	swait.ge [sflag:s15], $0x4000  }
0x40: {  	[sflag:s15] =	ssyncset.done $0x0  }
0x41: {  	[sflag:s15] =	ssyncadd.s32 $0xFFFFC000  }
0x42: {  	[spmem:s2] =	stream.indirect.scatter.add.f32 [tilespmem:s14], [sflag:$0x2], $0x80, s13, s13, $0xb8;
	[tilespmem:$0x18100] =	vst v63  }
0x43: {  	_ =	swait.ge [sflag:s12], $0x4000  }
0x44: {  	s16 =	sadd.s32 $0x1, s16;
	[sflag:s12] =	ssyncset.done $0x0  }
0x45: {  	p0 =	sne.s32 s16, s6;
	[sflag:s12] =	ssyncadd.s32 $0xFFFFC000  }
.Ltmp1:
0x46: {  	[bflag:$0x0] =	sbarrier.arrive $0xFFFF;
	(pc) =	sbr.rel @p0 .LBB2_1-.Ltmp1, $4  }
0x47: {  	[hbm:s5], [sflag:s8] =	dma.local [spmem:s11], $0x2800  }
0x48: {  	_ =	swait.ge [sflag:s12], $0x2800  }
0x49: {  	[sflag:s12] =	ssyncset.done $0x0  }
0x4a: {  	[sflag:s12] =	ssyncadd.s32 $0xFFFFD800  }
0x4b: {  	_ =	sfence.sel $0x180000  }
0x4c: {  	[bflag:$0x0] =	sbarrier.arrive $0xFFFF  }
0x4d: {  	p0 =	sne.s32 s0, $0x0;
	_ =	strace $0x90000059  }
0x4e: {  	s0 =	sadd.s32 @!p0 $0x100000, s1;
	[bflag:$0x2] =	sbarrier.arrive $0xFFFF  }
0x4f: {  	[sflag:s0] =	ssyncadd.tile.s32 @!p0 $0x1;
	_ =	shalt  }
.Lfunc_end2:
_tile_overlayer_lowered:
.L_overlay_start_2:
0x50: {  	(tag) =	ssettag $0x2  }
0x51: {  	s0 =	rddreg [dreg:$0x0];
	s2 =	stileid.u32  }
0x52: {  	s1 =	rddreg [dreg:$0x1];
	p0 =	sne.s32 s2, $0x0  }
0x53: {  	s3 =	rddreg [dreg:$0x2];
	[bflag:$0x3] =	sbarrier.arrive $0xFFFF;
	s2 =	simm.s32 @!p0 $0x1C02  }
0x54: {  	[timem:s3], [sflag:s2] =	dma.local @!p0 [hbm:s0], s1  }
0x55: {  	s0 =	simm.s32 @!p0 $0x2  }
0x56: {  	_ =	swait.ge @!p0 [sflag:s0], s1  }
0x57: {  	s1 =	ssub.s32 @!p0 $0x0, s1;
	[sflag:s0] =	ssyncset.done @!p0 $0x0  }
0x58: {  	[sflag:s0] =	ssyncadd.s32 @!p0 s1  }
0x59: {  	[bflag:$0x3] =	sbarrier.arrive $0xFFFF  }
0x5a: {  	_ =	shalt  }

// kernel: kernel.43.cloned.1.call-start
scs
__scs_entry_jumppad:
0x0: {  	(pc) =	sbr.rel $0x88, $3  }
0x1: {  	(tag) =	ssettag $0x0;
	lr =	simm.s32 $0x1  }
0x2: {  	[smem:$0x3F9C] =	sst lr;
	_ =	strace $0xD0000000  }
0x3: {  	_ = 	snop  }
0x4: {  	_ = 	snop  }
0x5: {  	_ = 	snop  }
0x6: {  	_ = 	snop  }
0x7: {  	_ = 	snop  }
__scs_overlays_trampoline_lowered:
0x8: {  	[smem:$0x3FAB] =	sst s0  }
0x9: {  	[smem:$0x3FAC] =	sst s1  }
0xa: {  	[smem:$0x3FAD] =	sst s2  }
0xb: {  	[smem:$0x3FAE] =	sst s3  }
0xc: {  	[smem:$0x3FAF] =	sst s4  }
0xd: {  	[smem:$0x3FB0] =	sst s5  }
0xe: {  	[smem:$0x3FB1] =	sst s6  }
0xf: {  	[smem:$0x3FB2] =	sst s7  }
0x10: {  	[smem:$0x3FB3] =	sst s8  }
0x11: {  	[smem:$0x3FB4] =	sst s9;
	s0 =	simm.s32 @!p0 $0x0  }
0x12: {  	s1 =	sld [smem:$0x3F9A];
	s0 =	simm.s32 @p0 $0x1  }
0x13: {  	[smem:$0x3FB5] =	sst s0;
	s0 =	simm.s32 @!p1 $0x0  }
0x14: {  	s2 =	sld [smem:$0x3F99];
	s0 =	simm.s32 @p1 $0x1  }
0x15: {  	[smem:$0x3FB6] =	sst s0;
	s0 =	simm.s32 @!p2 $0x0  }
0x16: {  	s3 =	sld [smem:$0x3FDB];
	s0 =	simm.s32 @p2 $0x1  }
0x17: {  	s4 =	simm.s32 $0x1BF5;
	[smem:$0x3FB8] =	sst s0  }
0x18: {  	s0 =	sld [smem:$0x3F9B];
	_ =	swait.ge [sflag:s4], $0x0  }
0x19: {  	s7 =	sld [smem:$0x3F9C]  }
0x1a: {  	s8 =	sadd.s32 $0xFFFFE003, lr  }
0x1b: {  	s9 =	sadd.s32 $0xFFFFFEF7, lr;
	s5 =	simm.s32 $0xFFFFFFFF;
	p2 =	slt.u32 s8, $0xFFFFF086  }
0x1c: {  	p1 =	slt.u32 s9, $0xF7A;
	s5 =	simm.s32 @!p2 $0x0  }
0x1d: {  	s5 =	simm.s32 @p1 $0x1;
	p0 =	seq.s32 s7, s2  }
0x1e: {  	s7 =	smul.u32 @!p0 $0xF7A, s2;
	p2 =	seq.s32 @!p0 s5, $0x0  }
0x1f: {  	s9 =	smul.u32 $0xF7A, s1;
	s8 =	simm.s32 @!p0 $0x1BF5;
	p2 =	por !p2, p0  }
0x20: {  	[sflag:s8] =	ssyncset.s32 @!p0 $0xFFFFF086;
	s6 =	sadd.s32 @!p0 s3, s7;
	s7 =	simm.s32 @!p0 $0x108  }
0x21: {  	s3 =	sadd.s32 s3, s9;
	s6 =	sadd.s32 @!p0 $0x88, s6;
	s7 =	simm.s32 @p2 $0x1082  }
0x22: {  	[simem:s7], [sflag:s8] =	dma.local @!p0 [hbm:s6], $0xF7A  }
0x23: {  	s9 =	sor.u32 $0xD0000000, s2;
	s6 =	simm.s32 $0x108;
	_ =	swait.ge @!p0 [sflag:s8], $0x0  }
0x24: {  	s3 =	sadd.s32 $0x88, s3;
	s6 =	simm.s32 @!p1 $0x1082;
	[sflag:s4] =	ssyncset.s32 $0xFFFFF086  }
0x25: {  	[simem:s6], [sflag:s4] =	dma.local [hbm:s3], $0xF7A  }
0x26: {  	[smem:$0x3F9C] =	sst s1;
	(tag) =	ssettag s2;
	_ =	strace s9  }
0x27: {  	s1 =	sld [smem:$0x3FAC]  }
0x28: {  	s2 =	sld [smem:$0x3FAD]  }
0x29: {  	s4 =	sld [smem:$0x3FAF]  }
0x2a: {  	p0 =	seq.s32 s5, $0x0;
	s5 =	sld [smem:$0x3FB0]  }
0x2b: {  	s6 =	sld [smem:$0x3FB1]  }
0x2c: {  	s7 =	sld [smem:$0x3FB2]  }
0x2d: {  	s3 =	simm.s32 $0x108;
	s8 =	sld [smem:$0x3FB3]  }
0x2e: {  	s3 =	simm.s32 @!p0 $0x1082;
	s9 =	sld [smem:$0x3FB4]  }
0x2f: {  	lr =	sadd.s32 s0, s3;
	s0 =	sld [smem:$0x3FAB]  }
0x30: {  	s3 =	sld [smem:$0x3FAE]  }
0x31: {  	[smem:$0x3FB7] =	sst s10  }
0x32: {  	s10 =	sld [smem:$0x3FB5];
	_ =	sdelay $0x3  }
0x33: {  	p0 =	seq.s32 s10, $0x1;
	s10 =	sld [smem:$0x3FB7];
	_ =	sdelay $0x3  }
0x34: {  	[smem:$0x3FB7] =	sst s10  }
0x35: {  	s10 =	sld [smem:$0x3FB6];
	_ =	sdelay $0x3  }
0x36: {  	p1 =	seq.s32 s10, $0x1;
	s10 =	sld [smem:$0x3FB7];
	_ =	sdelay $0x3  }
0x37: {  	[smem:$0x3FB7] =	sst s10  }
0x38: {  	s10 =	sld [smem:$0x3FB8]  }
0x39: {  	_ = 	snop;
	(pc) =	sbr.ind lr, $3  }
0x3a: {  	_ = 	snop  }
0x3b: {  	_ = 	snop  }
0x3c: {  	p2 =	seq.s32 s10, $0x1;
	s10 =	sld [smem:$0x3FB7]  }
0x3d: {  	_ =	shalt  }
0x3e: {  	_ =	shalt  }
0x3f: {  	_ =	shalt  }
0x40: {  	_ =	shalt  }
0x41: {  	_ =	shalt  }
0x42: {  	_ =	shalt  }
0x43: {  	_ =	shalt  }
0x44: {  	_ =	shalt  }
0x45: {  	_ =	shalt  }
0x46: {  	_ =	shalt  }
0x47: {  	_ =	shalt  }
0x48: {  	_ =	shalt  }
0x49: {  	_ =	shalt  }
0x4a: {  	_ =	shalt  }
0x4b: {  	_ =	shalt  }
0x4c: {  	_ =	shalt  }
0x4d: {  	_ =	shalt  }
0x4e: {  	_ =	shalt  }
0x4f: {  	_ =	shalt  }
0x50: {  	_ =	shalt  }
0x51: {  	_ =	shalt  }
0x52: {  	_ =	shalt  }
0x53: {  	_ =	shalt  }
0x54: {  	_ =	shalt  }
0x55: {  	_ =	shalt  }
0x56: {  	_ =	shalt  }
0x57: {  	_ =	shalt  }
0x58: {  	_ =	shalt  }
0x59: {  	_ =	shalt  }
0x5a: {  	_ =	shalt  }
0x5b: {  	_ =	shalt  }
0x5c: {  	_ =	shalt  }
0x5d: {  	_ =	shalt  }
0x5e: {  	_ =	shalt  }
0x5f: {  	_ =	shalt  }
0x60: {  	_ =	shalt  }
0x61: {  	_ =	shalt  }
0x62: {  	_ =	shalt  }
0x63: {  	_ =	shalt  }
0x64: {  	_ =	shalt  }
0x65: {  	_ =	shalt  }
0x66: {  	_ =	shalt  }
0x67: {  	_ =	shalt  }
0x68: {  	_ =	shalt  }
0x69: {  	_ =	shalt  }
0x6a: {  	_ =	shalt  }
0x6b: {  	_ =	shalt  }
0x6c: {  	_ =	shalt  }
0x6d: {  	_ =	shalt  }
0x6e: {  	_ =	shalt  }
0x6f: {  	_ =	shalt  }
0x70: {  	_ =	shalt  }
0x71: {  	_ =	shalt  }
0x72: {  	_ =	shalt  }
0x73: {  	_ =	shalt  }
0x74: {  	_ =	shalt  }
0x75: {  	_ =	shalt  }
0x76: {  	_ =	shalt  }
0x77: {  	_ =	shalt  }
0x78: {  	_ =	shalt  }
0x79: {  	_ =	shalt  }
0x7a: {  	_ =	shalt  }
0x7b: {  	_ =	shalt  }
0x7c: {  	_ =	shalt  }
0x7d: {  	_ =	shalt  }
0x7e: {  	_ =	shalt  }
0x7f: {  	_ =	shalt  }
0x80: {  	_ =	shalt  }
0x81: {  	_ =	shalt  }
0x82: {  	_ =	shalt  }
0x83: {  	_ =	shalt  }
0x84: {  	_ =	shalt  }
0x85: {  	_ =	shalt  }
0x86: {  	_ =	shalt  }
0x87: {  	_ =	shalt  }
.Lfunc_end0:
.L_simem_size_0:
called_computation.7_lowered:
.L_overlay_start_0:
0x88: {  	s2 =	sld [smem:$0x3FD9]  }
0x89: {  	s3 =	sld [smem:$0x3FFE];
	_ =	sdelay $0x1  }
0x8a: {  	s1 =	srdreg.scid  }
0x8b: {  	s0 =	sand.u32 $0x1, s1  }
0x8c: {  	s16 =	sshll.u32 s0, $0xA;
	s2 =	sadd.s32 s3, s2  }
0x8d: {  	s2 =	sadd.s32 s2, s16  }
0x8e: {  	[smem:$0x3FC3] =	sst s2  }
0x8f: {  	_ = 	snop  }
0x90: {  	(tm) =	ssettm $0x1  }
0x91: {  	s17 =	sld [smem:$0x3FFB];
	_ =	sdelay $0x3  }
0x92: {  	_ =	strace s17  }
0x93: {  	s2 =	sld [smem:$0x3FFC];
	_ =	sdelay $0x3  }
0x94: {  	_ =	strace s2  }
0x95: {  	s2 =	sld [smem:$0x3FFD];
	_ =	sdelay $0x3  }
0x96: {  	_ =	strace s2  }
0x97: {  	_ =	strace $0x8FFFFFFF  }
0x98: {  	s18 =	sld [smem:$0x3FDB];
	_ =	sdelay $0x1  }
0x99: {  	s19 =	simm.s32 $_scs_section_size  }
0x9a: {  	s4 =	simm.s32 $_size__tile_overlayer_lowered;
	s5 =	simm.s32 $_tile_overlayer_lowered  }
0x9b: {  	s22 =	simm.s32 $0x1BFF;
	s21 =	sshll.u32 s5, $0x1;
	s2 =	sadd.s32 s19, s18  }
0x9c: {  	s6 =	simm.s32 $0x0;
	s20 =	sshll.u32 s4, $0x1;
	s4 =	sadd.s32 s21, s2  }
0x9d: {  	[timem:s6], [sflag:s22] =	dma.local [hbm:s4], s20  }
0x9e: {  	_ =	swait.ge [sflag:s22], s20  }
0x9f: {  	s3 =	ssub.s32 $0x0, s20;
	[sflag:s22] =	ssyncset.done $0x0  }
0xa0: {  	[sflag:s22] =	ssyncadd.s32 s3;
	_ =	sdelay $0x1  }
0xa1: {  	s23 =	simm.s32 $0x1B8B  }
0xa2: {  	_ =	swait.ge [sflag:s23], $0x1  }
0xa3: {  	[sflag:s23] =	ssyncset.done $0x0  }
0xa4: {  	s25 =	simm.s32 $0x1B8E;
	s24 =	sld [smem:$0x3FFE];
	[sflag:s23] =	ssyncadd.s32 $0xFFFFFFFF  }
0xa5: {  	s26 =	simm.s32 $execute0_lowered;
	[smem:$0x3FD2] =	sst s25  }
0xa6: {  	s4 =	sshll.u32 s26, $0x1;
	_ =	strace $0x8000005B;
	[dreg:$0x1] =	wrdreg $0xFFFFFFFF  }
0xa7: {  	s28 =	simm.s32 $_size_execute0_lowered;
	s2 =	sadd.s32 s2, s4;
	[dreg:$0x0] =	wrdreg $0x0  }
0xa8: {  	s4 =	sshll.u32 s28, $0x1;
	[dreg:$0x2] =	wrdreg s2  }
0xa9: {  	[dreg:$0x3] =	wrdreg s4  }
0xaa: {  	[dreg:$0x4] =	wrdreg $0xC0  }
0xab: {  	_ =	task [dreg:s6], $0x5FFFF  }
0xac: {  	[dreg:$0x1] =	wrdreg $0xFFFFFFFF  }
0xad: {  	[dreg:$0x0] =	wrdreg $0x60  }
0xae: {  	[dreg:$0x2] =	wrdreg s24  }
0xaf: {  	[dreg:$0x3] =	wrdreg $0x41000  }
0xb0: {  	[dreg:$0x4] =	wrdreg $0x9  }
0xb1: {  	_ =	task.clear_ibuf [dreg:s6], $0x5FFFF;
	_ =	strace $0x9000005B  }
0xb2: {  	s29 =	simm.s32 $0x9;
	_ =	strace $0x8000005D  }
0xb3: {  	_ =	swait.ge [sflag:s29], $0x1  }
0xb4: {  	[sflag:s29] =	ssyncadd.s32 $0xFFFFFFFF  }
0xb5: {  	_ =	strace $0x9000005D  }
0xb6: {  	_ =	sfence  }
0xb7: {  	s30 =	sld [smem:$0x0];
	_ =	sdelay $0x2  }
0xb8: {  	s31 =	sshll.u32 s1, $0xD;
	s1 =	sshrl.u32 s1, $0x2  }
0xb9: {  	s3 =	sand.u32 $0x4000, s31;
	s1 =	sadd.s32 s1, s30  }
0xba: {  	s0 =	sor.u32 s3, s0;
	s1 =	sshll.u32 s1, $0x11  }
0xbb: {  	s0 =	sor.u32 s1, s0  }
0xbc: {  	s0 =	sadd.s32 $0x8F2B, s0  }
0xbd: {  	[sflag:s0] =	ssyncadd.remote.s32 $0x1  }
0xbe: {  	_ =	sfence.sel $0xFFFF  }
0xbf: {  	[dreg:$0x0] =	wrdreg $0xFFFFFFFF;
	(pc) =	sbr.abs _section_cstart, $3  }
0xc0: {  	[dreg:$0x1] =	wrdreg $0xFFFFFFFF  }
0xc1: {  	_ =	task.clear_ibuf [dreg:s6], $0x2FFFF;
	_ =	strace $0x9FFFFFFF  }
0xc2: {  	(tm) =	ssettm $0x7FFFFFFF  }
0xc3: {  	_ =	shalt  }
tec
execute0_lowered:
.L_overlay_start_1:
0x0: {  	(tag) =	ssettag $0x1  }
0x1: {  	s5 =	rddreg [dreg:$0x0]  }
0x2: {  	s0 =	stileid.u32;
	s1 =	srdreg.scid  }
0x3: {  	s2 =	rddreg [dreg:$0x1];
	s3 =	simm.s32 $0x0;
	s13 =	simm.s32 $0x80  }
0x4: {  	s14 =	simm.s32 $0x100;
	s15 =	simm.s32 $0x1;
	s6 =	smul.u32 $0x9E0, s0  }
0x5: {  	s7 =	sand.u32 $0x1, s1;
	s1 =	rddreg [dreg:$0x2];
	s9 =	smul.u32 $0x14000, s0  }
0x6: {  	s16 =	simm.s32 $0x0;
	[smem:$0x7FF] =	sst s3;
	s25 =	smul.u32 $0x50000, s0  }
0x7: {  	s4 =	sadd.s32 $0x92E00, s5;
	s11 =	sadd.s32 $0xF800, s5;
	s29 =	smul.u32 $0x2800, s0  }
0x8: {  	s31 =	sshll.u32 s0, $0x6;
	s8 =	smul.u32 $0x140000, s7;
	_ =	strace $0x8000005C  }
0x9: {  	s24 =	ssub.s32 $0x2, s7;
	p0 =	seq.s32 s7, $0x0;
	s30 =	smul.u32 $0x4F0, s7  }
0xa: {  	s10 =	sadd.s32 s6, s5;
	s26 =	sshrl.u32 s24, $0x1;
	s28 =	sshrl.u32 s25, $0x2  }
0xb: {  	s11 =	smov.u32 @p0 s4;
	s23 =	sadd.s32 s9, s8;
	s12 =	sadd.s32 s28, s2  }
0xc: {  	s7 =	sadd.s32 s11, s29;
	s10 =	sadd.s32 s30, s10;
	s8 =	sor.u32 $0x1C02, s31  }
0xd: {  	s6 =	sshrl.u32 s23, $0x3;
	s9 =	sadd.s32 $0x5A00, s10;
	s10 =	sadd.s32 $0x88000, s10  }
0xe: {  	s11 =	sshrl.u32 s12, $0x3;
	s5 =	sadd.s32 s6, s5;
	s6 =	ssub.s32 s24, s26  }
0xf: {  	s12 =	simm.s32 $0x2;
	s5 =	sadd.s32 $0xBAE00, s5;
	s6 =	smax.u32 s6, $0x1  }
.LBB2_1:
0x10: {  	[spmem:s11], [sflag:s8] =	dma.local [hbm:s7], $0x2800  }
0x11: {  	_ =	swait.ge [sflag:s12], $0x2800  }
0x12: {  	[sflag:s12] =	ssyncset.done $0x0  }
0x13: {  	[sflag:s12] =	ssyncadd.s32 $0xFFFFD800  }
0x14: {  	s17 =	sadd.s32 $0x0, s10;
	[bflag:$0x0] =	sbarrier.arrive $0xFFFF  }
0x15: {  	[tilespmem:s3], [sflag:$0x2] =	stream.linear.gather [hbm4b:s17+s3], $0x80, $0x38;
	[tilespmem:$0x18100] =	vst v63  }
0x16: {  	_ =	swait.ge [sflag:s12], $0x80  }
0x17: {  	[sflag:s12] =	ssyncset.done $0x0  }
0x18: {  	s31 =	sadd.s32 $0x0, s9;
	[sflag:s12] =	ssyncadd.s32 $0xFFFFFF80  }
0x19: {  	[tilespmem:s13], [sflag:$0x2] =	stream.linear.gather [hbm4b:s31+s3], $0x80, $0x38;
	[tilespmem:$0x18100] =	vst v63  }
0x1a: {  	_ =	swait.ge [sflag:s12], $0x80  }
0x1b: {  	[sflag:s12] =	ssyncset.done $0x0  }
0x1c: {  	[sflag:s12] =	ssyncadd.s32 $0xFFFFFF80  }
0x1d: {  	[tilespmem:s14], [sflag:$0x1] =	stream.indirect.gather [hbm4b:s4+s13], $0x80, s3, s13, $0xb8;
	[tilespmem:$0x18100] =	vst v63  }
0x1e: {  	_ =	swait.ge [sflag:s15], $0x4000  }
0x1f: {  	[sflag:s15] =	ssyncset.done $0x0  }
0x20: {  	[sflag:s15] =	ssyncadd.s32 $0xFFFFC000  }
0x21: {  	[spmem:s2] =	stream.indirect.scatter.add.f32 [tilespmem:s14], [sflag:$0x2], $0x80, s13, s13, $0xb8;
	[tilespmem:$0x18100] =	vst v63  }
0x22: {  	_ =	swait.ge [sflag:s12], $0x4000  }
0x23: {  	s18 =	simm.s32 $0x20;
	s17 =	simm.s32 $0x10;
	[sflag:s12] =	ssyncset.done $0x0  }
.LBB2_2:
0x24: {  	s19 =	sadd.s32 s17, s10  }
0x25: {  	[sflag:s12] =	ssyncadd.s32 $0xFFFFC000;
	s20 =	smov.u32 s18;
	s21 =	sadd.s32 $0x10, s18  }
0x26: {  	[tilespmem:s3], [sflag:$0x2] =	stream.linear.gather [hbm4b:s19+s3], $0x80, $0x38;
	[tilespmem:$0x18100] =	vst v63  }
0x27: {  	p0 =	sne.s32 s18, $0x4E0;
	_ =	swait.ge [sflag:s12], $0x80  }
0x28: {  	[sflag:s12] =	ssyncset.done $0x0  }
0x29: {  	s18 =	sadd.s32 s17, s9;
	s17 =	smov.u32 s20;
	[sflag:s12] =	ssyncadd.s32 $0xFFFFFF80  }
0x2a: {  	[tilespmem:s13], [sflag:$0x2] =	stream.linear.gather [hbm4b:s18+s3], $0x80, $0x38;
	[tilespmem:$0x18100] =	vst v63  }
0x2b: {  	_ =	swait.ge [sflag:s12], $0x80  }
0x2c: {  	[sflag:s12] =	ssyncset.done $0x0  }
0x2d: {  	[sflag:s12] =	ssyncadd.s32 $0xFFFFFF80  }
0x2e: {  	[tilespmem:s14], [sflag:$0x1] =	stream.indirect.gather [hbm4b:s4+s13], $0x80, s3, s13, $0xb8;
	[tilespmem:$0x18100] =	vst v63  }
0x2f: {  	_ =	swait.ge [sflag:s15], $0x4000  }
.Ltmp0:
0x30: {  	[sflag:s15] =	ssyncset.done $0x0;
	(pc) =	sbr.rel @p0 .LBB2_2-.Ltmp0, $4  }
0x31: {  	[sflag:s15] =	ssyncadd.s32 $0xFFFFC000  }
0x32: {  	[spmem:s2] =	stream.indirect.scatter.add.f32 [tilespmem:s14], [sflag:$0x2], $0x80, s13, s13, $0xb8;
	[tilespmem:$0x18100] =	vst v63  }
0x33: {  	_ =	swait.ge [sflag:s12], $0x4000  }
0x34: {  	s18 =	smov.u32 s21;
	[sflag:s12] =	ssyncset.done $0x0  }
0x35: {  	s18 =	sadd.s32 s17, s10;
	[sflag:s12] =	ssyncadd.s32 $0xFFFFC000  }
0x36: {  	[tilespmem:s3], [sflag:$0x2] =	stream.linear.gather [hbm4b:s18+s3], $0x80, $0x38;
	[tilespmem:$0x18100] =	vst v63  }
0x37: {  	_ =	swait.ge [sflag:s12], $0x80  }
0x38: {  	[sflag:s12] =	ssyncset.done $0x0  }
0x39: {  	s31 =	sadd.s32 s17, s9;
	[sflag:s12] =	ssyncadd.s32 $0xFFFFFF80  }
0x3a: {  	[tilespmem:s13], [sflag:$0x2] =	stream.linear.gather [hbm4b:s31+s3], $0x80, $0x38;
	[tilespmem:$0x18100] =	vst v63  }
0x3b: {  	_ =	swait.ge [sflag:s12], $0x80  }
0x3c: {  	[sflag:s12] =	ssyncset.done $0x0  }
0x3d: {  	[sflag:s12] =	ssyncadd.s32 $0xFFFFFF80  }
0x3e: {  	[tilespmem:s14], [sflag:$0x1] =	stream.indirect.gather [hbm4b:s4+s13], $0x80, s3, s13, $0xb8;
	[tilespmem:$0x18100] =	vst v63  }
0x3f: {  	_ =	swait.ge [sflag:s15], $0x4000  }
0x40: {  	[sflag:s15] =	ssyncset.done $0x0  }
0x41: {  	[sflag:s15] =	ssyncadd.s32 $0xFFFFC000  }
0x42: {  	[spmem:s2] =	stream.indirect.scatter.add.f32 [tilespmem:s14], [sflag:$0x2], $0x80, s13, s13, $0xb8;
	[tilespmem:$0x18100] =	vst v63  }
0x43: {  	_ =	swait.ge [sflag:s12], $0x4000  }
0x44: {  	s16 =	sadd.s32 $0x1, s16;
	[sflag:s12] =	ssyncset.done $0x0  }
0x45: {  	p0 =	sne.s32 s16, s6;
	[sflag:s12] =	ssyncadd.s32 $0xFFFFC000  }
.Ltmp1:
0x46: {  	[bflag:$0x0] =	sbarrier.arrive $0xFFFF;
	(pc) =	sbr.rel @p0 .LBB2_1-.Ltmp1, $4  }
0x47: {  	[hbm:s5], [sflag:s8] =	dma.local [spmem:s11], $0x2800  }
0x48: {  	_ =	swait.ge [sflag:s12], $0x2800  }
0x49: {  	[sflag:s12] =	ssyncset.done $0x0  }
0x4a: {  	[sflag:s12] =	ssyncadd.s32 $0xFFFFD800  }
0x4b: {  	_ =	sfence.sel $0x180000  }
0x4c: {  	[bflag:$0x0] =	sbarrier.arrive $0xFFFF  }
0x4d: {  	p0 =	sne.s32 s0, $0x0;
	_ =	strace $0x9000005C  }
0x4e: {  	s0 =	sadd.s32 @!p0 $0x100000, s1;
	[bflag:$0x2] =	sbarrier.arrive $0xFFFF  }
0x4f: {  	[sflag:s0] =	ssyncadd.tile.s32 @!p0 $0x1;
	_ =	shalt  }
.Lfunc_end2:
_tile_overlayer_lowered:
.L_overlay_start_2:
0x50: {  	(tag) =	ssettag $0x2  }
0x51: {  	s0 =	rddreg [dreg:$0x0];
	s2 =	stileid.u32  }
0x52: {  	s1 =	rddreg [dreg:$0x1];
	p0 =	sne.s32 s2, $0x0  }
0x53: {  	s3 =	rddreg [dreg:$0x2];
	[bflag:$0x3] =	sbarrier.arrive $0xFFFF;
	s2 =	simm.s32 @!p0 $0x1C02  }
0x54: {  	[timem:s3], [sflag:s2] =	dma.local @!p0 [hbm:s0], s1  }
0x55: {  	s0 =	simm.s32 @!p0 $0x2  }
0x56: {  	_ =	swait.ge @!p0 [sflag:s0], s1  }
0x57: {  	s1 =	ssub.s32 @!p0 $0x0, s1;
	[sflag:s0] =	ssyncset.done @!p0 $0x0  }
0x58: {  	[sflag:s0] =	ssyncadd.s32 @!p0 s1  }
0x59: {  	[bflag:$0x3] =	sbarrier.arrive $0xFFFF  }
0x5a: {  	_ =	shalt  }

// kernel: kernel.46.cloned.1.call-start
scs
__scs_entry_jumppad:
0x0: {  	(pc) =	sbr.rel $0x88, $3  }
0x1: {  	(tag) =	ssettag $0x0;
	lr =	simm.s32 $0x1  }
0x2: {  	[smem:$0x3F9C] =	sst lr;
	_ =	strace $0xD0000000  }
0x3: {  	_ = 	snop  }
0x4: {  	_ = 	snop  }
0x5: {  	_ = 	snop  }
0x6: {  	_ = 	snop  }
0x7: {  	_ = 	snop  }
__scs_overlays_trampoline_lowered:
0x8: {  	[smem:$0x3FAB] =	sst s0  }
0x9: {  	[smem:$0x3FAC] =	sst s1  }
0xa: {  	[smem:$0x3FAD] =	sst s2  }
0xb: {  	[smem:$0x3FAE] =	sst s3  }
0xc: {  	[smem:$0x3FAF] =	sst s4  }
0xd: {  	[smem:$0x3FB0] =	sst s5  }
0xe: {  	[smem:$0x3FB1] =	sst s6  }
0xf: {  	[smem:$0x3FB2] =	sst s7  }
0x10: {  	[smem:$0x3FB3] =	sst s8  }
0x11: {  	[smem:$0x3FB4] =	sst s9;
	s0 =	simm.s32 @!p0 $0x0  }
0x12: {  	s1 =	sld [smem:$0x3F9A];
	s0 =	simm.s32 @p0 $0x1  }
0x13: {  	[smem:$0x3FB5] =	sst s0;
	s0 =	simm.s32 @!p1 $0x0  }
0x14: {  	s2 =	sld [smem:$0x3F99];
	s0 =	simm.s32 @p1 $0x1  }
0x15: {  	[smem:$0x3FB6] =	sst s0;
	s0 =	simm.s32 @!p2 $0x0  }
0x16: {  	s3 =	sld [smem:$0x3FDB];
	s0 =	simm.s32 @p2 $0x1  }
0x17: {  	s4 =	simm.s32 $0x1BF5;
	[smem:$0x3FB8] =	sst s0  }
0x18: {  	s0 =	sld [smem:$0x3F9B];
	_ =	swait.ge [sflag:s4], $0x0  }
0x19: {  	s7 =	sld [smem:$0x3F9C]  }
0x1a: {  	s8 =	sadd.s32 $0xFFFFE003, lr  }
0x1b: {  	s9 =	sadd.s32 $0xFFFFFEF7, lr;
	s5 =	simm.s32 $0xFFFFFFFF;
	p2 =	slt.u32 s8, $0xFFFFF086  }
0x1c: {  	p1 =	slt.u32 s9, $0xF7A;
	s5 =	simm.s32 @!p2 $0x0  }
0x1d: {  	s5 =	simm.s32 @p1 $0x1;
	p0 =	seq.s32 s7, s2  }
0x1e: {  	s7 =	smul.u32 @!p0 $0xF7A, s2;
	p2 =	seq.s32 @!p0 s5, $0x0  }
0x1f: {  	s9 =	smul.u32 $0xF7A, s1;
	s8 =	simm.s32 @!p0 $0x1BF5;
	p2 =	por !p2, p0  }
0x20: {  	[sflag:s8] =	ssyncset.s32 @!p0 $0xFFFFF086;
	s6 =	sadd.s32 @!p0 s3, s7;
	s7 =	simm.s32 @!p0 $0x108  }
0x21: {  	s3 =	sadd.s32 s3, s9;
	s6 =	sadd.s32 @!p0 $0x88, s6;
	s7 =	simm.s32 @p2 $0x1082  }
0x22: {  	[simem:s7], [sflag:s8] =	dma.local @!p0 [hbm:s6], $0xF7A  }
0x23: {  	s9 =	sor.u32 $0xD0000000, s2;
	s6 =	simm.s32 $0x108;
	_ =	swait.ge @!p0 [sflag:s8], $0x0  }
0x24: {  	s3 =	sadd.s32 $0x88, s3;
	s6 =	simm.s32 @!p1 $0x1082;
	[sflag:s4] =	ssyncset.s32 $0xFFFFF086  }
0x25: {  	[simem:s6], [sflag:s4] =	dma.local [hbm:s3], $0xF7A  }
0x26: {  	[smem:$0x3F9C] =	sst s1;
	(tag) =	ssettag s2;
	_ =	strace s9  }
0x27: {  	s1 =	sld [smem:$0x3FAC]  }
0x28: {  	s2 =	sld [smem:$0x3FAD]  }
0x29: {  	s4 =	sld [smem:$0x3FAF]  }
0x2a: {  	p0 =	seq.s32 s5, $0x0;
	s5 =	sld [smem:$0x3FB0]  }
0x2b: {  	s6 =	sld [smem:$0x3FB1]  }
0x2c: {  	s7 =	sld [smem:$0x3FB2]  }
0x2d: {  	s3 =	simm.s32 $0x108;
	s8 =	sld [smem:$0x3FB3]  }
0x2e: {  	s3 =	simm.s32 @!p0 $0x1082;
	s9 =	sld [smem:$0x3FB4]  }
0x2f: {  	lr =	sadd.s32 s0, s3;
	s0 =	sld [smem:$0x3FAB]  }
0x30: {  	s3 =	sld [smem:$0x3FAE]  }
0x31: {  	[smem:$0x3FB7] =	sst s10  }
0x32: {  	s10 =	sld [smem:$0x3FB5];
	_ =	sdelay $0x3  }
0x33: {  	p0 =	seq.s32 s10, $0x1;
	s10 =	sld [smem:$0x3FB7];
	_ =	sdelay $0x3  }
0x34: {  	[smem:$0x3FB7] =	sst s10  }
0x35: {  	s10 =	sld [smem:$0x3FB6];
	_ =	sdelay $0x3  }
0x36: {  	p1 =	seq.s32 s10, $0x1;
	s10 =	sld [smem:$0x3FB7];
	_ =	sdelay $0x3  }
0x37: {  	[smem:$0x3FB7] =	sst s10  }
0x38: {  	s10 =	sld [smem:$0x3FB8]  }
0x39: {  	_ = 	snop;
	(pc) =	sbr.ind lr, $3  }
0x3a: {  	_ = 	snop  }
0x3b: {  	_ = 	snop  }
0x3c: {  	p2 =	seq.s32 s10, $0x1;
	s10 =	sld [smem:$0x3FB7]  }
0x3d: {  	_ =	shalt  }
0x3e: {  	_ =	shalt  }
0x3f: {  	_ =	shalt  }
0x40: {  	_ =	shalt  }
0x41: {  	_ =	shalt  }
0x42: {  	_ =	shalt  }
0x43: {  	_ =	shalt  }
0x44: {  	_ =	shalt  }
0x45: {  	_ =	shalt  }
0x46: {  	_ =	shalt  }
0x47: {  	_ =	shalt  }
0x48: {  	_ =	shalt  }
0x49: {  	_ =	shalt  }
0x4a: {  	_ =	shalt  }
0x4b: {  	_ =	shalt  }
0x4c: {  	_ =	shalt  }
0x4d: {  	_ =	shalt  }
0x4e: {  	_ =	shalt  }
0x4f: {  	_ =	shalt  }
0x50: {  	_ =	shalt  }
0x51: {  	_ =	shalt  }
0x52: {  	_ =	shalt  }
0x53: {  	_ =	shalt  }
0x54: {  	_ =	shalt  }
0x55: {  	_ =	shalt  }
0x56: {  	_ =	shalt  }
0x57: {  	_ =	shalt  }
0x58: {  	_ =	shalt  }
0x59: {  	_ =	shalt  }
0x5a: {  	_ =	shalt  }
0x5b: {  	_ =	shalt  }
0x5c: {  	_ =	shalt  }
0x5d: {  	_ =	shalt  }
0x5e: {  	_ =	shalt  }
0x5f: {  	_ =	shalt  }
0x60: {  	_ =	shalt  }
0x61: {  	_ =	shalt  }
0x62: {  	_ =	shalt  }
0x63: {  	_ =	shalt  }
0x64: {  	_ =	shalt  }
0x65: {  	_ =	shalt  }
0x66: {  	_ =	shalt  }
0x67: {  	_ =	shalt  }
0x68: {  	_ =	shalt  }
0x69: {  	_ =	shalt  }
0x6a: {  	_ =	shalt  }
0x6b: {  	_ =	shalt  }
0x6c: {  	_ =	shalt  }
0x6d: {  	_ =	shalt  }
0x6e: {  	_ =	shalt  }
0x6f: {  	_ =	shalt  }
0x70: {  	_ =	shalt  }
0x71: {  	_ =	shalt  }
0x72: {  	_ =	shalt  }
0x73: {  	_ =	shalt  }
0x74: {  	_ =	shalt  }
0x75: {  	_ =	shalt  }
0x76: {  	_ =	shalt  }
0x77: {  	_ =	shalt  }
0x78: {  	_ =	shalt  }
0x79: {  	_ =	shalt  }
0x7a: {  	_ =	shalt  }
0x7b: {  	_ =	shalt  }
0x7c: {  	_ =	shalt  }
0x7d: {  	_ =	shalt  }
0x7e: {  	_ =	shalt  }
0x7f: {  	_ =	shalt  }
0x80: {  	_ =	shalt  }
0x81: {  	_ =	shalt  }
0x82: {  	_ =	shalt  }
0x83: {  	_ =	shalt  }
0x84: {  	_ =	shalt  }
0x85: {  	_ =	shalt  }
0x86: {  	_ =	shalt  }
0x87: {  	_ =	shalt  }
.Lfunc_end0:
.L_simem_size_0:
called_computation.8_lowered:
.L_overlay_start_0:
0x88: {  	s2 =	sld [smem:$0x3FD9]  }
0x89: {  	s3 =	sld [smem:$0x3FFE];
	_ =	sdelay $0x1  }
0x8a: {  	s1 =	srdreg.scid  }
0x8b: {  	s0 =	sand.u32 $0x1, s1  }
0x8c: {  	s16 =	sshll.u32 s0, $0xA;
	s2 =	sadd.s32 s3, s2  }
0x8d: {  	s2 =	sadd.s32 s2, s16  }
0x8e: {  	[smem:$0x3FC3] =	sst s2  }
0x8f: {  	_ = 	snop  }
0x90: {  	(tm) =	ssettm $0x1  }
0x91: {  	s17 =	sld [smem:$0x3FFB];
	_ =	sdelay $0x3  }
0x92: {  	_ =	strace s17  }
0x93: {  	s2 =	sld [smem:$0x3FFC];
	_ =	sdelay $0x3  }
0x94: {  	_ =	strace s2  }
0x95: {  	s2 =	sld [smem:$0x3FFD];
	_ =	sdelay $0x3  }
0x96: {  	_ =	strace s2  }
0x97: {  	_ =	strace $0x8FFFFFFF  }
0x98: {  	s18 =	sld [smem:$0x3FDB];
	_ =	sdelay $0x1  }
0x99: {  	s19 =	simm.s32 $_scs_section_size  }
0x9a: {  	s4 =	simm.s32 $_size__tile_overlayer_lowered;
	s5 =	simm.s32 $_tile_overlayer_lowered  }
0x9b: {  	s22 =	simm.s32 $0x1BFF;
	s21 =	sshll.u32 s5, $0x1;
	s2 =	sadd.s32 s19, s18  }
0x9c: {  	s6 =	simm.s32 $0x0;
	s20 =	sshll.u32 s4, $0x1;
	s4 =	sadd.s32 s21, s2  }
0x9d: {  	[timem:s6], [sflag:s22] =	dma.local [hbm:s4], s20  }
0x9e: {  	_ =	swait.ge [sflag:s22], s20  }
0x9f: {  	s3 =	ssub.s32 $0x0, s20;
	[sflag:s22] =	ssyncset.done $0x0  }
0xa0: {  	[sflag:s22] =	ssyncadd.s32 s3;
	_ =	sdelay $0x1  }
0xa1: {  	s23 =	simm.s32 $0x1B8B  }
0xa2: {  	_ =	swait.ge [sflag:s23], $0x1  }
0xa3: {  	[sflag:s23] =	ssyncset.done $0x0  }
0xa4: {  	s25 =	simm.s32 $0x1B8E;
	s24 =	sld [smem:$0x3FFE];
	[sflag:s23] =	ssyncadd.s32 $0xFFFFFFFF  }
0xa5: {  	s26 =	simm.s32 $execute0_lowered;
	[smem:$0x3FD2] =	sst s25  }
0xa6: {  	s4 =	sshll.u32 s26, $0x1;
	_ =	strace $0x8000005E;
	[dreg:$0x1] =	wrdreg $0xFFFFFFFF  }
0xa7: {  	s28 =	simm.s32 $_size_execute0_lowered;
	s2 =	sadd.s32 s2, s4;
	[dreg:$0x0] =	wrdreg $0x0  }
0xa8: {  	s4 =	sshll.u32 s28, $0x1;
	[dreg:$0x2] =	wrdreg s2  }
0xa9: {  	[dreg:$0x3] =	wrdreg s4  }
0xaa: {  	[dreg:$0x4] =	wrdreg $0xC0  }
0xab: {  	_ =	task [dreg:s6], $0x5FFFF  }
0xac: {  	[dreg:$0x1] =	wrdreg $0xFFFFFFFF  }
0xad: {  	[dreg:$0x0] =	wrdreg $0x60  }
0xae: {  	[dreg:$0x2] =	wrdreg s24  }
0xaf: {  	[dreg:$0x3] =	wrdreg $0x41000  }
0xb0: {  	[dreg:$0x4] =	wrdreg $0x9  }
0xb1: {  	_ =	task.clear_ibuf [dreg:s6], $0x5FFFF;
	_ =	strace $0x9000005E  }
0xb2: {  	s29 =	simm.s32 $0x9;
	_ =	strace $0x80000060  }
0xb3: {  	_ =	swait.ge [sflag:s29], $0x1  }
0xb4: {  	[sflag:s29] =	ssyncadd.s32 $0xFFFFFFFF  }
0xb5: {  	_ =	strace $0x90000060  }
0xb6: {  	_ =	sfence  }
0xb7: {  	s30 =	sld [smem:$0x0];
	_ =	sdelay $0x2  }
0xb8: {  	s31 =	sshll.u32 s1, $0xD;
	s1 =	sshrl.u32 s1, $0x2  }
0xb9: {  	s3 =	sand.u32 $0x4000, s31;
	s1 =	sadd.s32 s1, s30  }
0xba: {  	s0 =	sor.u32 s3, s0;
	s1 =	sshll.u32 s1, $0x11  }
0xbb: {  	s0 =	sor.u32 s1, s0  }
0xbc: {  	s0 =	sadd.s32 $0x8F2B, s0  }
0xbd: {  	[sflag:s0] =	ssyncadd.remote.s32 $0x1  }
0xbe: {  	_ =	sfence.sel $0xFFFF  }
0xbf: {  	[dreg:$0x0] =	wrdreg $0xFFFFFFFF;
	(pc) =	sbr.abs _section_cstart, $3  }
0xc0: {  	[dreg:$0x1] =	wrdreg $0xFFFFFFFF  }
0xc1: {  	_ =	task.clear_ibuf [dreg:s6], $0x2FFFF;
	_ =	strace $0x9FFFFFFF  }
0xc2: {  	(tm) =	ssettm $0x7FFFFFFF  }
0xc3: {  	_ =	shalt  }
tec
execute0_lowered:
.L_overlay_start_1:
0x0: {  	(tag) =	ssettag $0x1  }
0x1: {  	s5 =	rddreg [dreg:$0x0]  }
0x2: {  	s0 =	stileid.u32;
	s1 =	srdreg.scid  }
0x3: {  	s2 =	rddreg [dreg:$0x1];
	s3 =	simm.s32 $0x0;
	s13 =	simm.s32 $0x80  }
0x4: {  	s14 =	simm.s32 $0x100;
	s15 =	simm.s32 $0x1;
	s6 =	smul.u32 $0x9E0, s0  }
0x5: {  	s7 =	sand.u32 $0x1, s1;
	s1 =	rddreg [dreg:$0x2];
	s9 =	smul.u32 $0x14000, s0  }
0x6: {  	s16 =	simm.s32 $0x0;
	[smem:$0x7FF] =	sst s3;
	s25 =	smul.u32 $0x50000, s0  }
0x7: {  	s4 =	sadd.s32 $0x91E00, s5;
	s11 =	sadd.s32 $0xF800, s5;
	s29 =	smul.u32 $0x2800, s0  }
0x8: {  	s31 =	sshll.u32 s0, $0x6;
	s8 =	smul.u32 $0x140000, s7;
	_ =	strace $0x8000005F  }
0x9: {  	s24 =	ssub.s32 $0x2, s7;
	p0 =	seq.s32 s7, $0x0;
	s30 =	smul.u32 $0x4F0, s7  }
0xa: {  	s10 =	sadd.s32 s6, s5;
	s26 =	sshrl.u32 s24, $0x1;
	s28 =	sshrl.u32 s25, $0x2  }
0xb: {  	s11 =	smov.u32 @p0 s4;
	s23 =	sadd.s32 s9, s8;
	s12 =	sadd.s32 s28, s2  }
0xc: {  	s7 =	sadd.s32 s11, s29;
	s10 =	sadd.s32 s30, s10;
	s8 =	sor.u32 $0x1C02, s31  }
0xd: {  	s6 =	sshrl.u32 s23, $0x3;
	s9 =	sadd.s32 $0x5A00, s10;
	s10 =	sadd.s32 $0x88000, s10  }
0xe: {  	s11 =	sshrl.u32 s12, $0x3;
	s5 =	sadd.s32 s6, s5;
	s6 =	ssub.s32 s24, s26  }
0xf: {  	s12 =	simm.s32 $0x2;
	s5 =	sadd.s32 $0xB9E00, s5;
	s6 =	smax.u32 s6, $0x1  }
.LBB2_1:
0x10: {  	[spmem:s11], [sflag:s8] =	dma.local [hbm:s7], $0x2800  }
0x11: {  	_ =	swait.ge [sflag:s12], $0x2800  }
0x12: {  	[sflag:s12] =	ssyncset.done $0x0  }
0x13: {  	[sflag:s12] =	ssyncadd.s32 $0xFFFFD800  }
0x14: {  	s17 =	sadd.s32 $0x0, s10;
	[bflag:$0x0] =	sbarrier.arrive $0xFFFF  }
0x15: {  	[tilespmem:s3], [sflag:$0x2] =	stream.linear.gather [hbm4b:s17+s3], $0x80, $0x38;
	[tilespmem:$0x18100] =	vst v63  }
0x16: {  	_ =	swait.ge [sflag:s12], $0x80  }
0x17: {  	[sflag:s12] =	ssyncset.done $0x0  }
0x18: {  	s31 =	sadd.s32 $0x0, s9;
	[sflag:s12] =	ssyncadd.s32 $0xFFFFFF80  }
0x19: {  	[tilespmem:s13], [sflag:$0x2] =	stream.linear.gather [hbm4b:s31+s3], $0x80, $0x38;
	[tilespmem:$0x18100] =	vst v63  }
0x1a: {  	_ =	swait.ge [sflag:s12], $0x80  }
0x1b: {  	[sflag:s12] =	ssyncset.done $0x0  }
0x1c: {  	[sflag:s12] =	ssyncadd.s32 $0xFFFFFF80  }
0x1d: {  	[tilespmem:s14], [sflag:$0x1] =	stream.indirect.gather [hbm4b:s4+s13], $0x80, s3, s13, $0xb8;
	[tilespmem:$0x18100] =	vst v63  }
0x1e: {  	_ =	swait.ge [sflag:s15], $0x4000  }
0x1f: {  	[sflag:s15] =	ssyncset.done $0x0  }
0x20: {  	[sflag:s15] =	ssyncadd.s32 $0xFFFFC000  }
0x21: {  	[spmem:s2] =	stream.indirect.scatter.add.f32 [tilespmem:s14], [sflag:$0x2], $0x80, s13, s13, $0xb8;
	[tilespmem:$0x18100] =	vst v63  }
0x22: {  	_ =	swait.ge [sflag:s12], $0x4000  }
0x23: {  	s18 =	simm.s32 $0x20;
	s17 =	simm.s32 $0x10;
	[sflag:s12] =	ssyncset.done $0x0  }
.LBB2_2:
0x24: {  	s19 =	sadd.s32 s17, s10  }
0x25: {  	[sflag:s12] =	ssyncadd.s32 $0xFFFFC000;
	s20 =	smov.u32 s18;
	s21 =	sadd.s32 $0x10, s18  }
0x26: {  	[tilespmem:s3], [sflag:$0x2] =	stream.linear.gather [hbm4b:s19+s3], $0x80, $0x38;
	[tilespmem:$0x18100] =	vst v63  }
0x27: {  	p0 =	sne.s32 s18, $0x4E0;
	_ =	swait.ge [sflag:s12], $0x80  }
0x28: {  	[sflag:s12] =	ssyncset.done $0x0  }
0x29: {  	s18 =	sadd.s32 s17, s9;
	s17 =	smov.u32 s20;
	[sflag:s12] =	ssyncadd.s32 $0xFFFFFF80  }
0x2a: {  	[tilespmem:s13], [sflag:$0x2] =	stream.linear.gather [hbm4b:s18+s3], $0x80, $0x38;
	[tilespmem:$0x18100] =	vst v63  }
0x2b: {  	_ =	swait.ge [sflag:s12], $0x80  }
0x2c: {  	[sflag:s12] =	ssyncset.done $0x0  }
0x2d: {  	[sflag:s12] =	ssyncadd.s32 $0xFFFFFF80  }
0x2e: {  	[tilespmem:s14], [sflag:$0x1] =	stream.indirect.gather [hbm4b:s4+s13], $0x80, s3, s13, $0xb8;
	[tilespmem:$0x18100] =	vst v63  }
0x2f: {  	_ =	swait.ge [sflag:s15], $0x4000  }
.Ltmp0:
0x30: {  	[sflag:s15] =	ssyncset.done $0x0;
	(pc) =	sbr.rel @p0 .LBB2_2-.Ltmp0, $4  }
0x31: {  	[sflag:s15] =	ssyncadd.s32 $0xFFFFC000  }
0x32: {  	[spmem:s2] =	stream.indirect.scatter.add.f32 [tilespmem:s14], [sflag:$0x2], $0x80, s13, s13, $0xb8;
	[tilespmem:$0x18100] =	vst v63  }
0x33: {  	_ =	swait.ge [sflag:s12], $0x4000  }
0x34: {  	s18 =	smov.u32 s21;
	[sflag:s12] =	ssyncset.done $0x0  }
0x35: {  	s18 =	sadd.s32 s17, s10;
	[sflag:s12] =	ssyncadd.s32 $0xFFFFC000  }
0x36: {  	[tilespmem:s3], [sflag:$0x2] =	stream.linear.gather [hbm4b:s18+s3], $0x80, $0x38;
	[tilespmem:$0x18100] =	vst v63  }
0x37: {  	_ =	swait.ge [sflag:s12], $0x80  }
0x38: {  	[sflag:s12] =	ssyncset.done $0x0  }
0x39: {  	s31 =	sadd.s32 s17, s9;
	[sflag:s12] =	ssyncadd.s32 $0xFFFFFF80  }
0x3a: {  	[tilespmem:s13], [sflag:$0x2] =	stream.linear.gather [hbm4b:s31+s3], $0x80, $0x38;
	[tilespmem:$0x18100] =	vst v63  }
0x3b: {  	_ =	swait.ge [sflag:s12], $0x80  }
0x3c: {  	[sflag:s12] =	ssyncset.done $0x0  }
0x3d: {  	[sflag:s12] =	ssyncadd.s32 $0xFFFFFF80  }
0x3e: {  	[tilespmem:s14], [sflag:$0x1] =	stream.indirect.gather [hbm4b:s4+s13], $0x80, s3, s13, $0xb8;
	[tilespmem:$0x18100] =	vst v63  }
0x3f: {  	_ =	swait.ge [sflag:s15], $0x4000  }
0x40: {  	[sflag:s15] =	ssyncset.done $0x0  }
0x41: {  	[sflag:s15] =	ssyncadd.s32 $0xFFFFC000  }
0x42: {  	[spmem:s2] =	stream.indirect.scatter.add.f32 [tilespmem:s14], [sflag:$0x2], $0x80, s13, s13, $0xb8;
	[tilespmem:$0x18100] =	vst v63  }
0x43: {  	_ =	swait.ge [sflag:s12], $0x4000  }
0x44: {  	s16 =	sadd.s32 $0x1, s16;
	[sflag:s12] =	ssyncset.done $0x0  }
0x45: {  	p0 =	sne.s32 s16, s6;
	[sflag:s12] =	ssyncadd.s32 $0xFFFFC000  }
.Ltmp1:
0x46: {  	[bflag:$0x0] =	sbarrier.arrive $0xFFFF;
	(pc) =	sbr.rel @p0 .LBB2_1-.Ltmp1, $4  }
0x47: {  	[hbm:s5], [sflag:s8] =	dma.local [spmem:s11], $0x2800  }
0x48: {  	_ =	swait.ge [sflag:s12], $0x2800  }
0x49: {  	[sflag:s12] =	ssyncset.done $0x0  }
0x4a: {  	[sflag:s12] =	ssyncadd.s32 $0xFFFFD800  }
0x4b: {  	_ =	sfence.sel $0x180000  }
0x4c: {  	[bflag:$0x0] =	sbarrier.arrive $0xFFFF  }
0x4d: {  	p0 =	sne.s32 s0, $0x0;
	_ =	strace $0x9000005F  }
0x4e: {  	s0 =	sadd.s32 @!p0 $0x100000, s1;
	[bflag:$0x2] =	sbarrier.arrive $0xFFFF  }
0x4f: {  	[sflag:s0] =	ssyncadd.tile.s32 @!p0 $0x1;
	_ =	shalt  }
.Lfunc_end2:
_tile_overlayer_lowered:
.L_overlay_start_2:
0x50: {  	(tag) =	ssettag $0x2  }
0x51: {  	s0 =	rddreg [dreg:$0x0];
	s2 =	stileid.u32  }
0x52: {  	s1 =	rddreg [dreg:$0x1];
	p0 =	sne.s32 s2, $0x0  }
0x53: {  	s3 =	rddreg [dreg:$0x2];
	[bflag:$0x3] =	sbarrier.arrive $0xFFFF;
	s2 =	simm.s32 @!p0 $0x1C02  }
0x54: {  	[timem:s3], [sflag:s2] =	dma.local @!p0 [hbm:s0], s1  }
0x55: {  	s0 =	simm.s32 @!p0 $0x2  }
0x56: {  	_ =	swait.ge @!p0 [sflag:s0], s1  }
0x57: {  	s1 =	ssub.s32 @!p0 $0x0, s1;
	[sflag:s0] =	ssyncset.done @!p0 $0x0  }
0x58: {  	[sflag:s0] =	ssyncadd.s32 @!p0 s1  }
0x59: {  	[bflag:$0x3] =	sbarrier.arrive $0xFFFF  }
0x5a: {  	_ =	shalt  }

// kernel: kernel.49.cloned.1.call-start
scs
__scs_entry_jumppad:
0x0: {  	(pc) =	sbr.rel $0x88, $3  }
0x1: {  	(tag) =	ssettag $0x0;
	lr =	simm.s32 $0x1  }
0x2: {  	[smem:$0x3F9C] =	sst lr;
	_ =	strace $0xD0000000  }
0x3: {  	_ = 	snop  }
0x4: {  	_ = 	snop  }
0x5: {  	_ = 	snop  }
0x6: {  	_ = 	snop  }
0x7: {  	_ = 	snop  }
__scs_overlays_trampoline_lowered:
0x8: {  	[smem:$0x3FAB] =	sst s0  }
0x9: {  	[smem:$0x3FAC] =	sst s1  }
0xa: {  	[smem:$0x3FAD] =	sst s2  }
0xb: {  	[smem:$0x3FAE] =	sst s3  }
0xc: {  	[smem:$0x3FAF] =	sst s4  }
0xd: {  	[smem:$0x3FB0] =	sst s5  }
0xe: {  	[smem:$0x3FB1] =	sst s6  }
0xf: {  	[smem:$0x3FB2] =	sst s7  }
0x10: {  	[smem:$0x3FB3] =	sst s8  }
0x11: {  	[smem:$0x3FB4] =	sst s9;
	s0 =	simm.s32 @!p0 $0x0  }
0x12: {  	s1 =	sld [smem:$0x3F9A];
	s0 =	simm.s32 @p0 $0x1  }
0x13: {  	[smem:$0x3FB5] =	sst s0;
	s0 =	simm.s32 @!p1 $0x0  }
0x14: {  	s2 =	sld [smem:$0x3F99];
	s0 =	simm.s32 @p1 $0x1  }
0x15: {  	[smem:$0x3FB6] =	sst s0;
	s0 =	simm.s32 @!p2 $0x0  }
0x16: {  	s3 =	sld [smem:$0x3FDB];
	s0 =	simm.s32 @p2 $0x1  }
0x17: {  	s4 =	simm.s32 $0x1BF5;
	[smem:$0x3FB8] =	sst s0  }
0x18: {  	s0 =	sld [smem:$0x3F9B];
	_ =	swait.ge [sflag:s4], $0x0  }
0x19: {  	s7 =	sld [smem:$0x3F9C]  }
0x1a: {  	s8 =	sadd.s32 $0xFFFFE003, lr  }
0x1b: {  	s9 =	sadd.s32 $0xFFFFFEF7, lr;
	s5 =	simm.s32 $0xFFFFFFFF;
	p2 =	slt.u32 s8, $0xFFFFF086  }
0x1c: {  	p1 =	slt.u32 s9, $0xF7A;
	s5 =	simm.s32 @!p2 $0x0  }
0x1d: {  	s5 =	simm.s32 @p1 $0x1;
	p0 =	seq.s32 s7, s2  }
0x1e: {  	s7 =	smul.u32 @!p0 $0xF7A, s2;
	p2 =	seq.s32 @!p0 s5, $0x0  }
0x1f: {  	s9 =	smul.u32 $0xF7A, s1;
	s8 =	simm.s32 @!p0 $0x1BF5;
	p2 =	por !p2, p0  }
0x20: {  	[sflag:s8] =	ssyncset.s32 @!p0 $0xFFFFF086;
	s6 =	sadd.s32 @!p0 s3, s7;
	s7 =	simm.s32 @!p0 $0x108  }
0x21: {  	s3 =	sadd.s32 s3, s9;
	s6 =	sadd.s32 @!p0 $0x88, s6;
	s7 =	simm.s32 @p2 $0x1082  }
0x22: {  	[simem:s7], [sflag:s8] =	dma.local @!p0 [hbm:s6], $0xF7A  }
0x23: {  	s9 =	sor.u32 $0xD0000000, s2;
	s6 =	simm.s32 $0x108;
	_ =	swait.ge @!p0 [sflag:s8], $0x0  }
0x24: {  	s3 =	sadd.s32 $0x88, s3;
	s6 =	simm.s32 @!p1 $0x1082;
	[sflag:s4] =	ssyncset.s32 $0xFFFFF086  }
0x25: {  	[simem:s6], [sflag:s4] =	dma.local [hbm:s3], $0xF7A  }
0x26: {  	[smem:$0x3F9C] =	sst s1;
	(tag) =	ssettag s2;
	_ =	strace s9  }
0x27: {  	s1 =	sld [smem:$0x3FAC]  }
0x28: {  	s2 =	sld [smem:$0x3FAD]  }
0x29: {  	s4 =	sld [smem:$0x3FAF]  }
0x2a: {  	p0 =	seq.s32 s5, $0x0;
	s5 =	sld [smem:$0x3FB0]  }
0x2b: {  	s6 =	sld [smem:$0x3FB1]  }
0x2c: {  	s7 =	sld [smem:$0x3FB2]  }
0x2d: {  	s3 =	simm.s32 $0x108;
	s8 =	sld [smem:$0x3FB3]  }
0x2e: {  	s3 =	simm.s32 @!p0 $0x1082;
	s9 =	sld [smem:$0x3FB4]  }
0x2f: {  	lr =	sadd.s32 s0, s3;
	s0 =	sld [smem:$0x3FAB]  }
0x30: {  	s3 =	sld [smem:$0x3FAE]  }
0x31: {  	[smem:$0x3FB7] =	sst s10  }
0x32: {  	s10 =	sld [smem:$0x3FB5];
	_ =	sdelay $0x3  }
0x33: {  	p0 =	seq.s32 s10, $0x1;
	s10 =	sld [smem:$0x3FB7];
	_ =	sdelay $0x3  }
0x34: {  	[smem:$0x3FB7] =	sst s10  }
0x35: {  	s10 =	sld [smem:$0x3FB6];
	_ =	sdelay $0x3  }
0x36: {  	p1 =	seq.s32 s10, $0x1;
	s10 =	sld [smem:$0x3FB7];
	_ =	sdelay $0x3  }
0x37: {  	[smem:$0x3FB7] =	sst s10  }
0x38: {  	s10 =	sld [smem:$0x3FB8]  }
0x39: {  	_ = 	snop;
	(pc) =	sbr.ind lr, $3  }
0x3a: {  	_ = 	snop  }
0x3b: {  	_ = 	snop  }
0x3c: {  	p2 =	seq.s32 s10, $0x1;
	s10 =	sld [smem:$0x3FB7]  }
0x3d: {  	_ =	shalt  }
0x3e: {  	_ =	shalt  }
0x3f: {  	_ =	shalt  }
0x40: {  	_ =	shalt  }
0x41: {  	_ =	shalt  }
0x42: {  	_ =	shalt  }
0x43: {  	_ =	shalt  }
0x44: {  	_ =	shalt  }
0x45: {  	_ =	shalt  }
0x46: {  	_ =	shalt  }
0x47: {  	_ =	shalt  }
0x48: {  	_ =	shalt  }
0x49: {  	_ =	shalt  }
0x4a: {  	_ =	shalt  }
0x4b: {  	_ =	shalt  }
0x4c: {  	_ =	shalt  }
0x4d: {  	_ =	shalt  }
0x4e: {  	_ =	shalt  }
0x4f: {  	_ =	shalt  }
0x50: {  	_ =	shalt  }
0x51: {  	_ =	shalt  }
0x52: {  	_ =	shalt  }
0x53: {  	_ =	shalt  }
0x54: {  	_ =	shalt  }
0x55: {  	_ =	shalt  }
0x56: {  	_ =	shalt  }
0x57: {  	_ =	shalt  }
0x58: {  	_ =	shalt  }
0x59: {  	_ =	shalt  }
0x5a: {  	_ =	shalt  }
0x5b: {  	_ =	shalt  }
0x5c: {  	_ =	shalt  }
0x5d: {  	_ =	shalt  }
0x5e: {  	_ =	shalt  }
0x5f: {  	_ =	shalt  }
0x60: {  	_ =	shalt  }
0x61: {  	_ =	shalt  }
0x62: {  	_ =	shalt  }
0x63: {  	_ =	shalt  }
0x64: {  	_ =	shalt  }
0x65: {  	_ =	shalt  }
0x66: {  	_ =	shalt  }
0x67: {  	_ =	shalt  }
0x68: {  	_ =	shalt  }
0x69: {  	_ =	shalt  }
0x6a: {  	_ =	shalt  }
0x6b: {  	_ =	shalt  }
0x6c: {  	_ =	shalt  }
0x6d: {  	_ =	shalt  }
0x6e: {  	_ =	shalt  }
0x6f: {  	_ =	shalt  }
0x70: {  	_ =	shalt  }
0x71: {  	_ =	shalt  }
0x72: {  	_ =	shalt  }
0x73: {  	_ =	shalt  }
0x74: {  	_ =	shalt  }
0x75: {  	_ =	shalt  }
0x76: {  	_ =	shalt  }
0x77: {  	_ =	shalt  }
0x78: {  	_ =	shalt  }
0x79: {  	_ =	shalt  }
0x7a: {  	_ =	shalt  }
0x7b: {  	_ =	shalt  }
0x7c: {  	_ =	shalt  }
0x7d: {  	_ =	shalt  }
0x7e: {  	_ =	shalt  }
0x7f: {  	_ =	shalt  }
0x80: {  	_ =	shalt  }
0x81: {  	_ =	shalt  }
0x82: {  	_ =	shalt  }
0x83: {  	_ =	shalt  }
0x84: {  	_ =	shalt  }
0x85: {  	_ =	shalt  }
0x86: {  	_ =	shalt  }
0x87: {  	_ =	shalt  }
.Lfunc_end0:
.L_simem_size_0:
called_computation.9_lowered:
.L_overlay_start_0:
0x88: {  	s2 =	sld [smem:$0x3FD9]  }
0x89: {  	s3 =	sld [smem:$0x3FFE];
	_ =	sdelay $0x1  }
0x8a: {  	s1 =	srdreg.scid  }
0x8b: {  	s0 =	sand.u32 $0x1, s1  }
0x8c: {  	s17 =	sshll.u32 s0, $0xA;
	s2 =	sadd.s32 s3, s2  }
0x8d: {  	s2 =	sadd.s32 s2, s17  }
0x8e: {  	[smem:$0x3FC3] =	sst s2  }
0x8f: {  	_ = 	snop  }
0x90: {  	s2 =	sld [smem:$0x3FC7];
	(tm) =	ssettm $0x1  }
0x91: {  	s18 =	sld [smem:$0x3FFB];
	_ =	sdelay $0x3  }
0x92: {  	_ =	strace s18  }
0x93: {  	s3 =	sld [smem:$0x3FFC];
	_ =	sdelay $0x3  }
0x94: {  	_ =	strace s3  }
0x95: {  	s3 =	sld [smem:$0x3FFD];
	_ =	sdelay $0x3  }
0x96: {  	_ =	strace s3  }
0x97: {  	_ =	strace $0x8FFFFFFF  }
0x98: {  	s19 =	sld [smem:$0x3FDB];
	_ =	sdelay $0x1  }
0x99: {  	s4 =	simm.s32 $_scs_section_size  }
0x9a: {  	s5 =	simm.s32 $_size__tile_overlayer_lowered;
	s6 =	simm.s32 $_tile_overlayer_lowered  }
0x9b: {  	s22 =	simm.s32 $0x1BFF;
	s21 =	sshll.u32 s6, $0x1;
	s3 =	sadd.s32 s4, s19  }
0x9c: {  	s7 =	simm.s32 $0x0;
	s20 =	sshll.u32 s5, $0x1;
	s5 =	sadd.s32 s21, s3  }
0x9d: {  	[timem:s7], [sflag:s22] =	dma.local [hbm:s5], s20  }
0x9e: {  	_ =	swait.ge [sflag:s22], s20  }
0x9f: {  	s4 =	ssub.s32 $0x0, s20;
	[sflag:s22] =	ssyncset.done $0x0  }
0xa0: {  	[sflag:s22] =	ssyncadd.s32 s4;
	_ =	sdelay $0x1  }
0xa1: {  	s23 =	simm.s32 $0x1B8B  }
0xa2: {  	_ =	swait.ge [sflag:s23], $0x1  }
0xa3: {  	[sflag:s23] =	ssyncset.done $0x0  }
0xa4: {  	s25 =	simm.s32 $0x1B8E;
	s24 =	sld [smem:$0x3FFE];
	[sflag:s23] =	ssyncadd.s32 $0xFFFFFFFF  }
0xa5: {  	s26 =	simm.s32 $execute0_lowered;
	[smem:$0x3FD2] =	sst s25  }
0xa6: {  	s5 =	sshll.u32 s26, $0x1;
	_ =	strace $0x80000061;
	[dreg:$0x1] =	wrdreg $0xFFFFFFFF  }
0xa7: {  	s28 =	simm.s32 $_size_execute0_lowered;
	s3 =	sadd.s32 s3, s5;
	[dreg:$0x0] =	wrdreg $0x0  }
0xa8: {  	s5 =	sshll.u32 s28, $0x1;
	[dreg:$0x2] =	wrdreg s3  }
0xa9: {  	[dreg:$0x3] =	wrdreg s5  }
0xaa: {  	[dreg:$0x4] =	wrdreg $0xC0  }
0xab: {  	_ =	task [dreg:s7], $0x5FFFF  }
0xac: {  	[dreg:$0x1] =	wrdreg $0xFFFFFFFF  }
0xad: {  	[dreg:$0x0] =	wrdreg $0x60  }
0xae: {  	[dreg:$0x2] =	wrdreg s24  }
0xaf: {  	[dreg:$0x3] =	wrdreg s2  }
0xb0: {  	[dreg:$0x4] =	wrdreg $0x9  }
0xb1: {  	_ =	task.clear_ibuf [dreg:s7], $0x5FFFF;
	_ =	strace $0x90000061  }
0xb2: {  	s29 =	simm.s32 $0x9;
	_ =	strace $0x80000063  }
0xb3: {  	_ =	swait.ge [sflag:s29], $0x1  }
0xb4: {  	[sflag:s29] =	ssyncadd.s32 $0xFFFFFFFF  }
0xb5: {  	_ =	strace $0x90000063  }
0xb6: {  	_ =	sfence  }
0xb7: {  	s30 =	sld [smem:$0x0];
	_ =	sdelay $0x2  }
0xb8: {  	s31 =	sshll.u32 s1, $0xD;
	s1 =	sshrl.u32 s1, $0x2  }
0xb9: {  	s3 =	sand.u32 $0x4000, s31;
	s1 =	sadd.s32 s1, s30  }
0xba: {  	s0 =	sor.u32 s3, s0;
	s1 =	sshll.u32 s1, $0x11  }
0xbb: {  	s0 =	sor.u32 s1, s0  }
0xbc: {  	s0 =	sadd.s32 $0x8F2B, s0  }
0xbd: {  	[sflag:s0] =	ssyncadd.remote.s32 $0x1  }
0xbe: {  	_ =	sfence.sel $0xFFFF  }
0xbf: {  	[dreg:$0x0] =	wrdreg $0xFFFFFFFF;
	(pc) =	sbr.abs _section_cstart, $3  }
0xc0: {  	[dreg:$0x1] =	wrdreg $0xFFFFFFFF  }
0xc1: {  	_ =	task.clear_ibuf [dreg:s7], $0x2FFFF;
	_ =	strace $0x9FFFFFFF  }
0xc2: {  	(tm) =	ssettm $0x7FFFFFFF  }
0xc3: {  	_ =	shalt  }
tec
execute0_lowered:
.L_overlay_start_1:
0x0: {  	(tag) =	ssettag $0x1  }
0x1: {  	s9 =	rddreg [dreg:$0x0]  }
0x2: {  	s3 =	rddreg [dreg:$0x1]  }
0x3: {  	s0 =	rddreg [dreg:$0x2];
	s4 =	srdreg.scid  }
0x4: {  	s1 =	stileid.u32;
	s2 =	simm.s32 $0x0;
	s7 =	simm.s32 $0x80  }
0x5: {  	s6 =	sand.u32 $0x1, s4;
	s30 =	sshll.u32 s1, $0x1;
	[smem:$0x7FF] =	sst s2  }
0x6: {  	s8 =	simm.s32 $0x1;
	s10 =	sor.u32 s6, s30;
	_ =	strace $0x80000062  }
0x7: {  	s11 =	ssub.s32 $0x2, s6;
	s4 =	sadd.s32 s3, s10;
	s3 =	simm.s32 $0x2  }
0x8: {  	[tilespmem:s2], [sflag:$0x2] =	stream.linear.gather [hbm4b:s4+s2], $0x8, $0x38;
	[tilespmem:$0x100] =	vst v63  }
0x9: {  	s5 =	sadd.s32 $0x5A00, s9;
	s12 =	sshrl.u32 s11, $0x1;
	_ =	swait.ge [sflag:s3], $0x8  }
0xa: {  	s6 =	simm.s32 $0x8;
	s31 =	ssub.s32 s11, s12;
	[sflag:s3] =	ssyncset.done $0x0  }
0xb: {  	s9 =	sadd.s32 s10, s9;
	s10 =	smax.u32 s31, $0x1;
	[sflag:s3] =	ssyncadd.s32 $0xFFFFFFF8  }
0xc: {  	[tilespmem:s7], [sflag:$0x1] =	stream.indirect.gather [hbm4b:s5+s6], $0x1, s2, s6, $0xb8;
	[tilespmem:$0x100] =	vst v63  }
0xd: {  	p0 =	sne.s32 s10, $0x1;
	_ =	swait.ge [sflag:s8], $0x8  }
.Ltmp0:
0xe: {  	[sflag:s8] =	ssyncset.done $0x0;
	(pc) =	sbr.rel @!p0 .LBB2_2-.Ltmp0, $4  }
0xf: {  	s9 =	sadd.s32 $0x6000, s9;
	[sflag:s8] =	ssyncadd.s32 $0xFFFFFFF8  }
0x10: {  	[hbm4b:s9+s2] =	stream.linear.scatter [tilespmem:s7], [sflag:$0x2], $0x8, $0x38;
	[tilespmem:$0x100] =	vst v63  }
0x11: {  	_ =	swait.ge [sflag:s3], $0x8  }
0x12: {  	s10 =	sadd.s32 $0xFFFFFFFF, s10;
	[sflag:s3] =	ssyncset.done $0x0  }
.LBB2_1:
0x13: {  	p0 =	sne.s32 s10, $0x1;
	s10 =	sadd.s32 $0xFFFFFFFF, s10;
	[sflag:s3] =	ssyncadd.s32 $0xFFFFFFF8  }
0x14: {  	[tilespmem:s2], [sflag:$0x2] =	stream.linear.gather [hbm4b:s4+s2], $0x8, $0x38;
	[tilespmem:$0x100] =	vst v63  }
0x15: {  	_ =	swait.ge [sflag:s3], $0x8  }
0x16: {  	[sflag:s3] =	ssyncset.done $0x0  }
0x17: {  	[sflag:s3] =	ssyncadd.s32 $0xFFFFFFF8  }
0x18: {  	[tilespmem:s7], [sflag:$0x1] =	stream.indirect.gather [hbm4b:s5+s6], $0x1, s2, s6, $0xb8;
	[tilespmem:$0x100] =	vst v63  }
0x19: {  	_ =	swait.ge [sflag:s8], $0x8  }
.Ltmp1:
0x1a: {  	[sflag:s8] =	ssyncset.done $0x0;
	(pc) =	sbr.rel @p0 .LBB2_1-.Ltmp1, $4  }
0x1b: {  	[sflag:s8] =	ssyncadd.s32 $0xFFFFFFF8  }
0x1c: {  	[hbm4b:s9+s2] =	stream.linear.scatter [tilespmem:s7], [sflag:$0x2], $0x8, $0x38;
	[tilespmem:$0x100] =	vst v63  }
0x1d: {  	_ =	swait.ge [sflag:s3], $0x8  }
0x1e: {  	[sflag:s3] =	ssyncset.done $0x0  }
.LBB2_2:
0x1f: {  	[sflag:s3] =	ssyncadd.s32 $0xFFFFFFF8  }
0x20: {  	_ =	sfence.sel $0x180000  }
0x21: {  	[bflag:$0x0] =	sbarrier.arrive $0xFFFF  }
0x22: {  	p0 =	sne.s32 s1, $0x0;
	_ =	strace $0x90000062  }
0x23: {  	s0 =	sadd.s32 @!p0 $0x100000, s0;
	[bflag:$0x2] =	sbarrier.arrive $0xFFFF  }
0x24: {  	[sflag:s0] =	ssyncadd.tile.s32 @!p0 $0x1;
	_ =	shalt  }
.Lfunc_end2:
_tile_overlayer_lowered:
.L_overlay_start_2:
0x25: {  	(tag) =	ssettag $0x2  }
0x26: {  	s0 =	rddreg [dreg:$0x0];
	s2 =	stileid.u32  }
0x27: {  	s1 =	rddreg [dreg:$0x1];
	p0 =	sne.s32 s2, $0x0  }
0x28: {  	s3 =	rddreg [dreg:$0x2];
	[bflag:$0x3] =	sbarrier.arrive $0xFFFF;
	s2 =	simm.s32 @!p0 $0x1C02  }
0x29: {  	[timem:s3], [sflag:s2] =	dma.local @!p0 [hbm:s0], s1  }
0x2a: {  	s0 =	simm.s32 @!p0 $0x2  }
0x2b: {  	_ =	swait.ge @!p0 [sflag:s0], s1  }
0x2c: {  	s1 =	ssub.s32 @!p0 $0x0, s1;
	[sflag:s0] =	ssyncset.done @!p0 $0x0  }
0x2d: {  	[sflag:s0] =	ssyncadd.s32 @!p0 s1  }
0x2e: {  	[bflag:$0x3] =	sbarrier.arrive $0xFFFF  }
0x2f: {  	_ =	shalt  }

</sc_bundles>
